<compile_context>
chip_gen: v7x
topology: tpu7x:2x2x1
jax: 0.10.2.dev20260603
libtpu: 0.0.44.dev20260713+nightly
codegen_flags: <defaults>
</compile_context>

<pallas_src>
import jax
import jax.numpy as jnp
import numpy as np
from jax import lax
from jax.experimental import pallas as pl
from jax.experimental.pallas import tpu as pltpu
from jax.experimental.pallas import tpu_sc as plsc

N = 10000
E = 320000
DIN = 128
D = 64
NCLS = 10

NC = 2
NS = 16
NW = NC * NS
EPT = E // NW
B = 80
NBLK = EPT // B

KB = 4
KG = 3
DP = D + 16

R = 2000
NG = N // R


_TAU = np.empty(D, np.int32)
for _c in range(2):
    for _k in range(16):
        _TAU[_c * 32 + _k] = _c * 32 + 2 * _k
        _TAU[_c * 32 + 16 + _k] = _c * 32 + 2 * _k + 1
_INV_TAU = np.argsort(_TAU)

_mesh = plsc.VectorSubcoreMesh(
    core_axis_name="c", subcore_axis_name="s", num_cores=NC, num_subcores=NS)
_sc_params = pltpu.CompilerParams(use_tc_tiling_on_sc=False,
                                  needs_layout_passes=False)



def _zero_vec(buf, nv):
    def zb(t, carry):
        buf[pl.ds(t * 16, 16)] = jnp.zeros((16,), jnp.float32)
        return carry
    lax.fori_loop(0, nv, zb, 0)


def _deg_body(dst3_hbm, out_hbm, dst_idx, ones_v, buf1, deg_sh, sem):
    c = lax.axis_index("c")
    s = lax.axis_index("s")
    chunk = c * NS + s
    pltpu.sync_copy(dst3_hbm.at[chunk], dst_idx)
    for k in range(B // 16):
        ones_v[pl.ds(k * 16, 16)] = jnp.ones((16,), jnp.float32)
    _zero_vec(buf1, 63)

    @pl.when(s < 10)
    def _():
        pltpu.sync_copy(buf1.at[pl.ds(0, 1000)],
                        deg_sh.at[pl.ds(s * 1000, 1000)])

    plsc.subcore_barrier()

    def blk(j, carry):
        pltpu.sync_copy(ones_v, deg_sh.at[dst_idx.at[j]], add=True)
        return carry

    lax.fori_loop(0, NBLK, blk, 0)
    plsc.subcore_barrier()

    @pl.when(s < 10)
    def _():
        pltpu.sync_copy(deg_sh.at[pl.ds(s * 1000, 1000)],
                        buf1.at[pl.ds(0, 1000)])
        pltpu.sync_copy(buf1.at[pl.ds(0, 1000)],
                        out_hbm.at[pl.ds(c * N + s * 1000, 1000)])


def _sc_deg(dst3):
    return pl.kernel(
        _deg_body,
        out_type=jax.ShapeDtypeStruct((NC * N,), jnp.float32),
        mesh=_mesh,
        compiler_params=_sc_params,
        scratch_types=[
            pltpu.VMEM((NBLK, B), jnp.int32),
            pltpu.VMEM((B,), jnp.float32),
            pltpu.VMEM((1008,), jnp.float32),
            pltpu.VMEM_SHARED((N,), jnp.float32),
            pltpu.SemaphoreType.DMA,
        ],
    )(dst3)


def _zero_rows(buf, nrows, width):
    def zb(r, carry):
        for t in range(width // 16):
            buf[r, pl.ds(t * 16, 16)] = jnp.zeros((16,), jnp.float32)
        return carry
    lax.fori_loop(0, nrows, zb, 0)


def _acc_init(acc_sh, bounce, s, width):
    _zero_rows(bounce, 125, width)

    def zc(ch, carry):
        pltpu.sync_copy(bounce, acc_sh.at[pl.ds(s * 625 + ch * 125, 125)])
        return carry

    lax.fori_loop(0, 5, zc, 0)


def _acc_out(acc_sh, bounce, out_hbm, c, s):
    def oc(ch, carry):
        r0 = s * 625 + ch * 125
        pltpu.sync_copy(acc_sh.at[pl.ds(r0, 125)], bounce)
        pltpu.sync_copy(bounce, out_hbm.at[c, pl.ds(r0, 125)])
        return carry

    lax.fori_loop(0, 5, oc, 0)


def _acc_out_pad128(acc_sh, bounce, bounce_w, out_hbm, c, s):
    def oc(ch, carry):
        r0 = s * 625 + ch * 125
        pltpu.sync_copy(acc_sh.at[pl.ds(r0, 125)], bounce)

        def widen(r, carry2):
            for t in range(D // 16):
                bounce_w[r, pl.ds(t * 16, 16)] = bounce[r, pl.ds(t * 16, 16)]
            return carry2

        lax.fori_loop(0, 125, widen, 0)
        pltpu.sync_copy(bounce_w, out_hbm.at[c, pl.ds(r0, 125)])
        return carry

    lax.fori_loop(0, 5, oc, 0)


def _unpack_row(rows_bf, rowsf, b, i, bw=None):
    for c2 in range(2):
        v = plsc.bitcast(rows_bf[b, i, pl.ds(c2 * 32, 32)], jnp.int32)
        lo = plsc.bitcast(jnp.left_shift(v, 16), jnp.float32)
        hi = plsc.bitcast(jnp.bitwise_and(v, jnp.int32(-65536)), jnp.float32)
        if bw is not None:
            lo = lo * bw
            hi = hi * bw
        rowsf[b, i, pl.ds(c2 * 32, 16)] = lo
        rowsf[b, i, pl.ds(c2 * 32 + 16, 16)] = hi


def _gcn_body(g_hbm, src3_hbm, dst3_hbm, out_hbm,
              src_idx, dst_idx, rows_bf, rowsf, big_buf, bounce_w, acc_sh,
              gsems, ssems):
    c = lax.axis_index("c")
    s = lax.axis_index("s")
    chunk = c * NS + s
    pltpu.sync_copy(src3_hbm.at[chunk], src_idx)
    pltpu.sync_copy(dst3_hbm.at[chunk], dst_idx)
    _acc_init(acc_sh, big_buf, s, D)
    plsc.subcore_barrier()
    pltpu.async_copy(g_hbm.at[src_idx.at[0]], rows_bf.at[0], gsems.at[0])
    pltpu.async_copy(g_hbm.at[src_idx.at[1]], rows_bf.at[1], gsems.at[1])

    def blk(j, carry):
        b = lax.rem(j, KB)
        pltpu.make_async_copy(g_hbm.at[src_idx.at[j]], rows_bf.at[b],
                              gsems.at[b]).wait()

        @plsc.parallel_loop(0, B, unroll=4)
        def _(i):
            _unpack_row(rows_bf, rowsf, b, i)

        pltpu.async_copy(rowsf.at[b], acc_sh.at[dst_idx.at[j]], ssems.at[b],
                         add=True)

        @pl.when(j + 2 < NBLK)
        def _():
            b2 = lax.rem(j + 2, KB)

            @pl.when(j >= 2)
            def _():
                pltpu.make_async_copy(rowsf.at[b2],
                                      acc_sh.at[dst_idx.at[j - 2]],
                                      ssems.at[b2]).wait()

            pltpu.async_copy(g_hbm.at[src_idx.at[j + 2]], rows_bf.at[b2],
                             gsems.at[b2])

        return carry

    lax.fori_loop(0, NBLK, blk, 0)

    def drain(t, carry):
        jj = NBLK - KB + t
        bb = lax.rem(jj, KB)
        pltpu.make_async_copy(rowsf.at[bb], acc_sh.at[dst_idx.at[jj]],
                              ssems.at[bb]).wait()
        return carry

    lax.fori_loop(0, KB, drain, 0)
    plsc.subcore_barrier()
    _acc_out_pad128(acc_sh, big_buf, bounce_w, out_hbm, c, s)


def _sc_gcn(g, src3, dst3):
    return pl.kernel(
        _gcn_body,
        out_type=jax.ShapeDtypeStruct((NC, N, 128), jnp.float32),
        mesh=_mesh,
        compiler_params=_sc_params,
        scratch_types=[
            pltpu.VMEM((NBLK, B), jnp.int32),
            pltpu.VMEM((NBLK, B), jnp.int32),
            pltpu.VMEM((KB, B, D), jnp.bfloat16),
            pltpu.VMEM((KB, B, D), jnp.float32),
            pltpu.VMEM((125, D), jnp.float32),
            pltpu.VMEM((125, 128), jnp.float32),
            pltpu.VMEM_SHARED((N, D), jnp.float32),
            pltpu.SemaphoreType.DMA((KB,)),
            pltpu.SemaphoreType.DMA((KB,)),
        ],
    )(g, src3, dst3)


def _gat_body(hh_hbm, p_hbm, q_hbm, pmax_hbm, src3_hbm, dst3_hbm,
              acc_out,
              src_idx, dst_idx, rows_bf, rowsf, w_buf, p_v, q_v, pm_v,
              big_buf, acc_sh, gsems, ssems):
    c = lax.axis_index("c")
    s = lax.axis_index("s")
    chunk = c * NS + s
    pltpu.sync_copy(src3_hbm.at[chunk], src_idx)
    pltpu.sync_copy(dst3_hbm.at[chunk], dst_idx)
    pltpu.sync_copy(p_hbm, p_v)
    pltpu.sync_copy(q_hbm, q_v)
    pltpu.sync_copy(pmax_hbm, pm_v)
    _acc_init(acc_sh, big_buf, s, DP)
    plsc.subcore_barrier()
    pmv = pm_v[...]
    e0 = jnp.where(lax.iota(jnp.int32, 16) == 0, 1.0, 0.0)
    pltpu.async_copy(hh_hbm.at[src_idx.at[0]], rows_bf.at[0], gsems.at[0])
    pltpu.async_copy(hh_hbm.at[src_idx.at[1]], rows_bf.at[1], gsems.at[1])

    def blk(j, carry):
        b = lax.rem(j, KG)
        for k in range(B // 16):
            si = src_idx[j, pl.ds(k * 16, 16)]
            di = dst_idx[j, pl.ds(k * 16, 16)]
            pv = plsc.load_gather(p_v, [si])
            qv = plsc.load_gather(q_v, [di])
            z = pv + qv
            e = jnp.maximum(z, 0.2 * z)
            zu = pmv + qv
            u = jnp.maximum(zu, 0.2 * zu)
            w_buf[pl.ds(k * 16, 16)] = jnp.exp(e - u)

        pltpu.make_async_copy(hh_hbm.at[src_idx.at[j]], rows_bf.at[b],
                              gsems.at[b]).wait()

        @plsc.parallel_loop(0, B, unroll=4)
        def _(i):
            bw = plsc.load_gather(w_buf, [jnp.full((16,), i, jnp.int32)])
            _unpack_row(rows_bf, rowsf, b, i, bw)
            rowsf[b, i, pl.ds(D, 16)] = bw * e0

        pltpu.async_copy(rowsf.at[b], acc_sh.at[dst_idx.at[j]], ssems.at[b],
                         add=True)

        @pl.when(j + 2 < NBLK)
        def _():
            b2 = lax.rem(j + 2, KG)

            @pl.when(j >= 1)
            def _():
                pltpu.make_async_copy(rowsf.at[b2],
                                      acc_sh.at[dst_idx.at[j - 1]],
                                      ssems.at[b2]).wait()

            pltpu.async_copy(hh_hbm.at[src_idx.at[j + 2]], rows_bf.at[b2],
                             gsems.at[b2])

        return carry

    lax.fori_loop(0, NBLK, blk, 0)

    def drain(t, carry):
        jj = NBLK - 3 + t
        bb = lax.rem(jj, KG)
        pltpu.make_async_copy(rowsf.at[bb], acc_sh.at[dst_idx.at[jj]],
                              ssems.at[bb]).wait()
        return carry

    lax.fori_loop(0, 3, drain, 0)
    plsc.subcore_barrier()
    _acc_out(acc_sh, big_buf, acc_out, c, s)


def _sc_gat(hh, p, q, pmax, src3, dst3):
    return pl.kernel(
        _gat_body,
        out_type=jax.ShapeDtypeStruct((NC, N, DP), jnp.float32),
        mesh=_mesh,
        compiler_params=_sc_params,
        scratch_types=[
            pltpu.VMEM((NBLK, B), jnp.int32),
            pltpu.VMEM((NBLK, B), jnp.int32),
            pltpu.VMEM((KG, B, D), jnp.bfloat16),
            pltpu.VMEM((KG, B, DP), jnp.float32),
            pltpu.VMEM((B,), jnp.float32),
            pltpu.VMEM((N,), jnp.float32),
            pltpu.VMEM((N,), jnp.float32),
            pltpu.VMEM((16,), jnp.float32),
            pltpu.VMEM((125, DP), jnp.float32),
            pltpu.VMEM_SHARED((N, DP), jnp.float32),
            pltpu.SemaphoreType.DMA((KG,)),
            pltpu.SemaphoreType.DMA((KG,)),
        ],
    )(hh, p, q, pmax, src3, dst3)



def _tc1a_body(x_ref, w1_ref, w1w_ref, xw_ref, xww_ref):
    xb = x_ref[...]
    xw_ref[...] = jnp.dot(xb, w1_ref[...],
                          preferred_element_type=jnp.float32)
    xww_ref[...] = jnp.dot(xb, w1w_ref[...],
                           preferred_element_type=jnp.float32)


def _tc1a(x, W1, W1w):
    return pl.pallas_call(
        _tc1a_body,
        grid=(NG,),
        in_specs=[
            pl.BlockSpec((R, DIN), lambda i: (i, 0)),
            pl.BlockSpec((DIN, D), lambda i: (0, 0)),
            pl.BlockSpec((DIN, D), lambda i: (0, 0)),
        ],
        out_specs=[
            pl.BlockSpec((R, D), lambda i: (i, 0)),
            pl.BlockSpec((R, D), lambda i: (i, 0)),
        ],
        out_shape=[
            jax.ShapeDtypeStruct((N, D), jnp.float32),
            jax.ShapeDtypeStruct((N, D), jnp.float32),
        ],
    )(x, W1, W1w)


def _tc1b_body(xww_ref, da_ref, db_ref, g1w_ref, dinv_ref):
    deg = da_ref[...] + db_ref[...] + 1.0
    dv = lax.rsqrt(deg)
    g1w_ref[...] = (xww_ref[...] * dv).astype(jnp.bfloat16)
    dinv_ref[...] = dv


def _tc1b(xww, dA, dB):
    return pl.pallas_call(
        _tc1b_body,
        grid=(NG,),
        in_specs=[
            pl.BlockSpec((R, D), lambda i: (i, 0)),
            pl.BlockSpec((R, 1), lambda i: (i, 0)),
            pl.BlockSpec((R, 1), lambda i: (i, 0)),
        ],
        out_specs=[
            pl.BlockSpec((R, D), lambda i: (i, 0)),
            pl.BlockSpec((R, 1), lambda i: (i, 0)),
        ],
        out_shape=[
            jax.ShapeDtypeStruct((N, D), jnp.bfloat16),
            jax.ShapeDtypeStruct((N, 1), jnp.float32),
        ],
    )(xww, dA, dB)


def _tc2_body(accp_ref, xw_ref, dinv_ref, b1_ref, w2_ref, w2w_ref,
              as_ref, ad_ref,
              hh_ref, hhw_ref, p_ref, q_ref, pmax_ref):
    i = pl.program_id(0)
    dv = dinv_ref[...]
    acc = accp_ref[0][:, :D] + accp_ref[1][:, :D] + xw_ref[...] * dv
    h1 = jnp.maximum(dv * acc + b1_ref[...], 0.0)
    hh = jnp.dot(h1, w2_ref[...], preferred_element_type=jnp.float32)
    hh_ref[...] = hh
    hhw_ref[...] = jnp.dot(h1, w2w_ref[...],
                           preferred_element_type=jnp.float32
                           ).astype(jnp.bfloat16)
    p = jnp.dot(hh, as_ref[...], preferred_element_type=jnp.float32)
    q = jnp.dot(hh, ad_ref[...], preferred_element_type=jnp.float32)
    p_ref[...] = p
    q_ref[...] = q
    pb = jnp.max(p, axis=(0, 1), keepdims=True)

    @pl.when(i == 0)
    def _():
        pmax_ref[...] = pb

    @pl.when(i > 0)
    def _():
        pmax_ref[...] = jnp.maximum(pmax_ref[...], pb)


def _tc2(accP, xw, dinv, b1, W2, W2w, aS, aD):
    return pl.pallas_call(
        _tc2_body,
        grid=(NG,),
        in_specs=[
            pl.BlockSpec((NC, R, 128), lambda i: (0, i, 0)),
            pl.BlockSpec((R, D), lambda i: (i, 0)),
            pl.BlockSpec((R, 1), lambda i: (i, 0)),
            pl.BlockSpec((1, D), lambda i: (0, 0)),
            pl.BlockSpec((D, D), lambda i: (0, 0)),
            pl.BlockSpec((D, D), lambda i: (0, 0)),
            pl.BlockSpec((D, 1), lambda i: (0, 0)),
            pl.BlockSpec((D, 1), lambda i: (0, 0)),
        ],
        out_specs=[
            pl.BlockSpec((R, D), lambda i: (i, 0)),
            pl.BlockSpec((R, D), lambda i: (i, 0)),
            pl.BlockSpec((R, 1), lambda i: (i, 0)),
            pl.BlockSpec((R, 1), lambda i: (i, 0)),
            pl.BlockSpec((1, 1), lambda i: (0, 0)),
        ],
        out_shape=[
            jax.ShapeDtypeStruct((N, D), jnp.float32),
            jax.ShapeDtypeStruct((N, D), jnp.bfloat16),
            jax.ShapeDtypeStruct((N, 1), jnp.float32),
            jax.ShapeDtypeStruct((N, 1), jnp.float32),
            jax.ShapeDtypeStruct((1, 1), jnp.float32),
        ],
    )(accP, xw, dinv, b1, W2, W2w, aS, aD)


def _tc3_body(accp_ref, hh_ref, p_ref, q_ref, pmax_ref, dinv_ref,
              b2_ref, w3_ref, w3w_ref, g3_ref, g3w_ref):
    p = p_ref[...]
    q = q_ref[...]
    z = p + q
    e_self = jnp.maximum(z, 0.2 * z)
    zu = pmax_ref[0, 0] + q
    u = jnp.maximum(zu, 0.2 * zu)
    w_self = jnp.exp(e_self - u)
    a0 = accp_ref[0]
    a1 = accp_ref[1]
    den = a0[:, D:D + 1] + a1[:, D:D + 1] + w_self + 1e-16
    num = a0[:, :D] + a1[:, :D] + w_self * hh_ref[...]
    h2 = jnp.maximum(num / den + b2_ref[...], 0.0)
    dv = dinv_ref[...]
    g3_ref[...] = jnp.dot(h2, w3_ref[...],
                          preferred_element_type=jnp.float32) * dv
    g3w_ref[...] = (jnp.dot(h2, w3w_ref[...],
                            preferred_element_type=jnp.float32)
                    * dv).astype(jnp.bfloat16)


def _tc3(accP, hh, p, q, pmax, dinv, b2, W3, W3w):
    return pl.pallas_call(
        _tc3_body,
        grid=(NG,),
        in_specs=[
            pl.BlockSpec((NC, R, DP), lambda i: (0, i, 0)),
            pl.BlockSpec((R, D), lambda i: (i, 0)),
            pl.BlockSpec((R, 1), lambda i: (i, 0)),
            pl.BlockSpec((R, 1), lambda i: (i, 0)),
            pl.BlockSpec((1, 1), lambda i: (0, 0)),
            pl.BlockSpec((R, 1), lambda i: (i, 0)),
            pl.BlockSpec((1, D), lambda i: (0, 0)),
            pl.BlockSpec((D, D), lambda i: (0, 0)),
            pl.BlockSpec((D, D), lambda i: (0, 0)),
        ],
        out_specs=[
            pl.BlockSpec((R, D), lambda i: (i, 0)),
            pl.BlockSpec((R, D), lambda i: (i, 0)),
        ],
        out_shape=[
            jax.ShapeDtypeStruct((N, D), jnp.float32),
            jax.ShapeDtypeStruct((N, D), jnp.bfloat16),
        ],
    )(accP, hh, p, q, pmax, dinv, b2, W3, W3w)


def _tc4_body(accp_ref, g3_ref, dinv_ref, b3_ref, wo_ref, bo_ref,
              wb1_ref, bb1_ref, wb2_ref, bb2_ref,
              opt_ref, bt_ref, ge_ref):
    i = pl.program_id(0)
    acc = accp_ref[0][:, :D] + accp_ref[1][:, :D] + g3_ref[...]
    h3 = jnp.maximum(dinv_ref[...] * acc + b3_ref[...], 0.0)
    opt_ref[...] = jnp.dot(h3, wo_ref[...],
                           preferred_element_type=jnp.float32) + bo_ref[...]
    t = jnp.maximum(jnp.dot(h3, wb1_ref[...],
                            preferred_element_type=jnp.float32) + bb1_ref[...],
                    0.0)
    bt_ref[...] = jax.nn.sigmoid(
        jnp.dot(t, wb2_ref[...], preferred_element_type=jnp.float32)
        + bb2_ref[...])
    tot = jnp.sum(h3, axis=0, keepdims=True)

    @pl.when(i == 0)
    def _():
        ge_ref[...] = tot

    @pl.when(i > 0)
    def _():
        ge_ref[...] = ge_ref[...] + tot

    @pl.when(i == NG - 1)
    def _():
        ge_ref[...] = ge_ref[...] * (1.0 / N)


def _tc4(accP, g3, dinv, b3, Wo, bo, Wb1, bb1, Wb2, bb2):
    return pl.pallas_call(
        _tc4_body,
        grid=(NG,),
        in_specs=[
            pl.BlockSpec((NC, R, 128), lambda i: (0, i, 0)),
            pl.BlockSpec((R, D), lambda i: (i, 0)),
            pl.BlockSpec((R, 1), lambda i: (i, 0)),
            pl.BlockSpec((1, D), lambda i: (0, 0)),
            pl.BlockSpec((D, NCLS), lambda i: (0, 0)),
            pl.BlockSpec((1, NCLS), lambda i: (0, 0)),
            pl.BlockSpec((D, 32), lambda i: (0, 0)),
            pl.BlockSpec((1, 32), lambda i: (0, 0)),
            pl.BlockSpec((32, 1), lambda i: (0, 0)),
            pl.BlockSpec((1, 1), lambda i: (0, 0)),
        ],
        out_specs=[
            pl.BlockSpec((R, NCLS), lambda i: (i, 0)),
            pl.BlockSpec((R, 1), lambda i: (i, 0)),
            pl.BlockSpec((1, D), lambda i: (0, 0)),
        ],
        out_shape=[
            jax.ShapeDtypeStruct((N, NCLS), jnp.float32),
            jax.ShapeDtypeStruct((N, 1), jnp.float32),
            jax.ShapeDtypeStruct((1, D), jnp.float32),
        ],
    )(accP, g3, dinv, b3, Wo, bo, Wb1, bb1, Wb2, bb2)



def kernel(x, edge_index, W1, b1, W2, a_src, a_dst, b2, W3, b3, Wo, bo,
           Wb1, bb1, Wb2, bb2):
    src3 = edge_index[0].reshape(NW, NBLK, B)
    dst3 = edge_index[1].reshape(NW, NBLK, B)

    degP = _sc_deg(dst3).reshape(NC, N)
    dA = degP[0].reshape(N, 1)
    dB = degP[1].reshape(N, 1)

    inv_tau = jnp.asarray(_INV_TAU)
    xw, xww = _tc1a(x, W1, W1[:, inv_tau])
    g1w, dinv = _tc1b(xww, dA, dB)
    acc1 = _sc_gcn(g1w, src3, dst3)
    hh, hhw, p, q, pmax = _tc2(acc1, xw, dinv, b1.reshape(1, D),
                               W2, W2[:, inv_tau],
                               a_src.reshape(D, 1), a_dst.reshape(D, 1))

    pmax16 = jnp.broadcast_to(pmax.reshape(1), (16,))
    acc2 = _sc_gat(hhw, p.reshape(N), q.reshape(N), pmax16, src3, dst3)
    g3, g3w = _tc3(acc2, hh, p, q, pmax, dinv,
                   b2.reshape(1, D), W3, W3[:, inv_tau])

    acc3 = _sc_gcn(g3w, src3, dst3)
    opt, bt, ge = _tc4(acc3, g3, dinv, b3.reshape(1, D), Wo,
                       bo.reshape(1, NCLS), Wb1, bb1.reshape(1, 32),
                       Wb2, bb2.reshape(1, 1))
    return opt, bt, ge.reshape(D)

# --- scband reference (transcript-rebuilt; emitter-appended) ---
"""Pipeline reference for scband-workflow-gnn-65420941852800 (READ-ONLY COPY).

The authoritative reference and input builder live on the scoring server;
editing this copy changes nothing except your own understanding.
"""

import jax, jax.numpy as jnp
import numpy as np

N_NODES = 10000
N_EDGES = 320000
D_IN = 128
D_H = 64
N_CLS = 10


def _gcn(x, W, b, src, dst, n):
    h = x @ W
    ones = jnp.ones(src.shape[0], dtype=h.dtype)
    deg = jax.ops.segment_sum(ones, dst, num_segments=n)
    dinv = jnp.where(deg > 0, deg ** -0.5, 0.0)
    norm = dinv[src] * dinv[dst]
    out = jax.ops.segment_sum(h[src] * norm[:, None], dst, num_segments=n)
    return out + b


def _gat(x, W, a_src, a_dst, b, src, dst, n):
    h = x @ W
    e = jax.nn.leaky_relu(h[src] @ a_src + h[dst] @ a_dst, negative_slope=0.2)
    m = jax.ops.segment_max(e, dst, num_segments=n)
    e = jnp.exp(e - m[dst])
    s = jax.ops.segment_sum(e, dst, num_segments=n)
    alpha = e / (s[dst] + 1e-16)
    out = jax.ops.segment_sum(alpha[:, None] * h[src], dst, num_segments=n)
    return out + b


def setup_inputs(seed: int = 0) -> dict:
    key = jax.random.key(seed)
    ks = jax.random.split(key, 16)
    x = jax.random.normal(ks[0], (N_NODES, D_IN), dtype=jnp.float32)
    edge_index = jax.random.randint(ks[1], (2, N_EDGES), 0, N_NODES, dtype=jnp.int32)
    W1 = jax.random.normal(ks[2], (D_IN, D_H), dtype=jnp.float32) * 0.05
    b1 = jnp.zeros((D_H,), dtype=jnp.float32)
    W2 = jax.random.normal(ks[3], (D_H, D_H), dtype=jnp.float32) * 0.1
    a_src = jax.random.normal(ks[4], (D_H,), dtype=jnp.float32) * 0.1
    a_dst = jax.random.normal(ks[5], (D_H,), dtype=jnp.float32) * 0.1
    b2 = jnp.zeros((D_H,), dtype=jnp.float32)
    W3 = jax.random.normal(ks[6], (D_H, D_H), dtype=jnp.float32) * 0.1
    b3 = jnp.zeros((D_H,), dtype=jnp.float32)
    Wo = jax.random.normal(ks[7], (D_H, N_CLS), dtype=jnp.float32) * 0.1
    bo = jnp.zeros((N_CLS,), dtype=jnp.float32)
    Wb1 = jax.random.normal(ks[8], (D_H, 32), dtype=jnp.float32) * 0.1
    bb1 = jnp.zeros((32,), dtype=jnp.float32)
    Wb2 = jax.random.normal(ks[9], (32, 1), dtype=jnp.float32) * 0.1
    bb2 = jnp.zeros((1,), dtype=jnp.float32)
    return {"x": x, "edge_index": edge_index, "W1": W1, "b1": b1, "W2": W2,
            "a_src": a_src, "a_dst": a_dst, "b2": b2, "W3": W3, "b3": b3,
            "Wo": Wo, "bo": bo, "Wb1": Wb1, "bb1": bb1, "Wb2": Wb2, "bb2": bb2}


def reference(x, edge_index, W1, b1, W2, a_src, a_dst, b2, W3, b3, Wo, bo, Wb1, bb1, Wb2, bb2):
    n = x.shape[0]
    loop = jnp.arange(n, dtype=edge_index.dtype)
    src = jnp.concatenate([edge_index[0], loop])
    dst = jnp.concatenate([edge_index[1], loop])
    h = jax.nn.relu(_gcn(x, W1, b1, src, dst, n))
    h = jax.nn.relu(_gat(h, W2, a_src, a_dst, b2, src, dst, n))
    h = jax.nn.relu(_gcn(h, W3, b3, src, dst, n))
    optimizations = h @ Wo + bo
    bottlenecks = jax.nn.sigmoid(jax.nn.relu(h @ Wb1 + bb1) @ Wb2 + bb2)
    graph_embedding = h.mean(axis=0)
    return optimizations, bottlenecks, graph_embedding

if __name__ == "__main__":
    import jax
    _d = setup_inputs()
    print(jax.jit(kernel)(*tuple(_d.values())))

</pallas_src>

<mosaic_0001>
#map = affine_map<(d0, d1) -> (0, 0, 0)>
#map1 = affine_map<(d0, d1) -> (0)>
module attributes {stable_mosaic.version = 14 : i64} {
  func.func @_deg_body(%arg0: i32, %arg1: i32, %arg2: memref<32x125x80xi32, #tpu.memory_space<hbm>>, %arg3: memref<20000xf32, #tpu.memory_space<hbm>>, %arg4: memref<125x80xi32, #tpu.memory_space<vmem>>, %arg5: memref<80xf32, #tpu.memory_space<vmem>>, %arg6: memref<1008xf32, #tpu.memory_space<vmem>>, %arg7: memref<10000xf32, #tpu.memory_space<vmem_shared>>, %arg8: memref<!tpu.dma_semaphore, #tpu.memory_space<semaphore_mem>>) attributes {dimension_semantics = [#tpu.dimension_semantics<core_parallel>, #tpu.dimension_semantics<subcore_parallel>], iteration_bounds = array<i64: 2, 16>, scalar_prefetch = 0 : i64, scratch_operands = 5 : i64, tpu.core_type = #tpu.core_type<sc_vector_subcore>, window_params = [{transform_indices = #map}, {transform_indices = #map1}]} {
    %mul3A = arith.constant 16 : i32
    %mul3A_0 = arith.muli %arg0, %mul3A : i32
    %add3A = arith.addi %mul3A_0, %arg1 : i32
    "tpu.region"() ({
      %run_scoped3A = tpu.sem_alloc : memref<!tpu.dma_semaphore, #tpu.memory_space<semaphore_mem>>
      %dma_start3A = arith.constant 0 : i32
      %dma_start3A_38 = arith.constant 0 : i32
      %dma_start3A_39 = tpu.memref_slice %arg2[%add3A, %dma_start3A, %dma_start3A_38] : memref<32x125x80xi32, #tpu.memory_space<hbm>> -> memref<1x125x80xi32, #tpu.memory_space<hbm>>
      %dma_start3A_40 = tpu.memref_squeeze %dma_start3A_39 : memref<1x125x80xi32, #tpu.memory_space<hbm>> -> memref<125x80xi32, #tpu.memory_space<hbm>>
      %dma_start3A_41 = arith.constant 0 : i32
      %dma_start3A_42 = arith.constant 0 : i32
      %dma_start3A_43 = tpu.memref_slice %arg2[%add3A, %dma_start3A_41, %dma_start3A_42] : memref<32x125x80xi32, #tpu.memory_space<hbm>> -> memref<1x125x80xi32, #tpu.memory_space<hbm>>
      %dma_start3A_44 = tpu.memref_squeeze %dma_start3A_43 : memref<1x125x80xi32, #tpu.memory_space<hbm>> -> memref<125x80xi32, #tpu.memory_space<hbm>>
      tpu.enqueue_dma source(%dma_start3A_44 : memref<125x80xi32, #tpu.memory_space<hbm>>) target(%arg4 : memref<125x80xi32, #tpu.memory_space<vmem>>) target_semaphore(%run_scoped3A : memref<!tpu.dma_semaphore, #tpu.memory_space<semaphore_mem>>)
      %dma_wait3A = arith.constant 0 : i32
      %dma_wait3A_45 = arith.constant 0 : i32
      %dma_wait3A_46 = tpu.memref_slice %arg2[%add3A, %dma_wait3A, %dma_wait3A_45] : memref<32x125x80xi32, #tpu.memory_space<hbm>> -> memref<1x125x80xi32, #tpu.memory_space<hbm>>
      %dma_wait3A_47 = tpu.memref_squeeze %dma_wait3A_46 : memref<1x125x80xi32, #tpu.memory_space<hbm>> -> memref<125x80xi32, #tpu.memory_space<hbm>>
      %dma_wait3A_48 = arith.constant 0 : i32
      %dma_wait3A_49 = arith.constant 0 : i32
      %dma_wait3A_50 = tpu.memref_slice %arg2[%add3A, %dma_wait3A_48, %dma_wait3A_49] : memref<32x125x80xi32, #tpu.memory_space<hbm>> -> memref<1x125x80xi32, #tpu.memory_space<hbm>>
      %dma_wait3A_51 = tpu.memref_squeeze %dma_wait3A_50 : memref<1x125x80xi32, #tpu.memory_space<hbm>> -> memref<125x80xi32, #tpu.memory_space<hbm>>
      tpu.wait_dma2 semaphore(%run_scoped3A : memref<!tpu.dma_semaphore, #tpu.memory_space<semaphore_mem>>) src(%dma_wait3A_51 : memref<125x80xi32, #tpu.memory_space<hbm>>) dst(%arg4 : memref<125x80xi32, #tpu.memory_space<vmem>>)
      tpu.yield
    }) : () -> ()
    %broadcast_in_dim3A = arith.constant 1.000000e+00 : f32
    %broadcast_in_dim3A_1 = vector.broadcast %broadcast_in_dim3A : f32 to vector<16xf32>
    %swap3A = arith.constant 0 : index
    %swap3A_2 = tpu.vector_load %arg5[%swap3A] {strides = array<i32>} : memref<80xf32, #tpu.memory_space<vmem>>, vector<16xf32>,
    tpu.vector_store %arg5[%swap3A], %broadcast_in_dim3A_1 {strides = array<i32>} : memref<80xf32, #tpu.memory_space<vmem>>, vector<16xf32>,
    %broadcast_in_dim3A_3 = arith.constant 1.000000e+00 : f32
    %broadcast_in_dim3A_4 = vector.broadcast %broadcast_in_dim3A_3 : f32 to vector<16xf32>
    %swap3A_5 = arith.constant 16 : index
    %swap3A_6 = tpu.vector_load %arg5[%swap3A_5] {strides = array<i32>} : memref<80xf32, #tpu.memory_space<vmem>>, vector<16xf32>,
    tpu.vector_store %arg5[%swap3A_5], %broadcast_in_dim3A_4 {strides = array<i32>} : memref<80xf32, #tpu.memory_space<vmem>>, vector<16xf32>,
    %broadcast_in_dim3A_7 = arith.constant 1.000000e+00 : f32
    %broadcast_in_dim3A_8 = vector.broadcast %broadcast_in_dim3A_7 : f32 to vector<16xf32>
    %swap3A_9 = arith.constant 32 : index
    %swap3A_10 = tpu.vector_load %arg5[%swap3A_9] {strides = array<i32>} : memref<80xf32, #tpu.memory_space<vmem>>, vector<16xf32>,
    tpu.vector_store %arg5[%swap3A_9], %broadcast_in_dim3A_8 {strides = array<i32>} : memref<80xf32, #tpu.memory_space<vmem>>, vector<16xf32>,
    %broadcast_in_dim3A_11 = arith.constant 1.000000e+00 : f32
    %broadcast_in_dim3A_12 = vector.broadcast %broadcast_in_dim3A_11 : f32 to vector<16xf32>
    %swap3A_13 = arith.constant 48 : index
    %swap3A_14 = tpu.vector_load %arg5[%swap3A_13] {strides = array<i32>} : memref<80xf32, #tpu.memory_space<vmem>>, vector<16xf32>,
    tpu.vector_store %arg5[%swap3A_13], %broadcast_in_dim3A_12 {strides = array<i32>} : memref<80xf32, #tpu.memory_space<vmem>>, vector<16xf32>,
    %broadcast_in_dim3A_15 = arith.constant 1.000000e+00 : f32
    %broadcast_in_dim3A_16 = vector.broadcast %broadcast_in_dim3A_15 : f32 to vector<16xf32>
    %swap3A_17 = arith.constant 64 : index
    %swap3A_18 = tpu.vector_load %arg5[%swap3A_17] {strides = array<i32>} : memref<80xf32, #tpu.memory_space<vmem>>, vector<16xf32>,
    tpu.vector_store %arg5[%swap3A_17], %broadcast_in_dim3A_16 {strides = array<i32>} : memref<80xf32, #tpu.memory_space<vmem>>, vector<16xf32>,
    %scan3A = arith.constant 0 : i32
    %scan3A_19 = arith.constant 0 : i32
    %scan3A_20 = arith.constant 63 : i32
    %scan3A_21 = arith.addi %scan3A_19, %scan3A_20 : i32
    %scan3A_22 = arith.constant 1 : i32
    scf.for %scan3A_38 = %scan3A_19 to %scan3A_21 step %scan3A_22  : i32 {
      %broadcast_in_dim3A_39 = arith.constant 0.000000e+00 : f32
      %broadcast_in_dim3A_40 = vector.broadcast %broadcast_in_dim3A_39 : f32 to vector<16xf32>
      %mul3A_41 = arith.constant 16 : i32
      %mul3A_42 = arith.muli %scan3A_38, %mul3A_41 : i32
      %swap3A_43 = arith.index_cast %mul3A_42 : i32 to index
      %swap3A_44 = tpu.vector_load %arg6[%swap3A_43] {strides = array<i32>} : memref<1008xf32, #tpu.memory_space<vmem>>, vector<16xf32>,
      tpu.vector_store %arg6[%swap3A_43], %broadcast_in_dim3A_40 {strides = array<i32>} : memref<1008xf32, #tpu.memory_space<vmem>>, vector<16xf32>,
    }
    %scan3A_23 = arith.constant 63 : i32
    %lt3A = arith.constant 10 : i32
    %lt3A_24 = arith.cmpi slt, %arg1, %lt3A : i32
    %convert_element_type3A = arith.extui %lt3A_24 : i1 to i32
    %cond3A = arith.constant 0 : i32
    %cond3A_25 = arith.cmpi ne, %convert_element_type3A, %cond3A : i32
    scf.if %cond3A_25 {
      %mul3A_38 = arith.constant 1000 : i32
      %mul3A_39 = arith.muli %arg1, %mul3A_38 : i32
      "tpu.region"() ({
        %run_scoped3A = tpu.sem_alloc : memref<!tpu.dma_semaphore, #tpu.memory_space<semaphore_mem>>
        %dma_start3A = arith.constant 0 : i32
        %dma_start3A_40 = tpu.memref_slice %arg6[%dma_start3A] : memref<1008xf32, #tpu.memory_space<vmem>> -> memref<1000xf32, #tpu.memory_space<vmem>>
        %dma_start3A_41 = tpu.memref_slice %arg7[%mul3A_39] : memref<10000xf32, #tpu.memory_space<vmem_shared>> -> memref<1000xf32, #tpu.memory_space<vmem_shared>>
        %dma_start3A_42 = tpu.memref_slice %arg7[%mul3A_39] : memref<10000xf32, #tpu.memory_space<vmem_shared>> -> memref<1000xf32, #tpu.memory_space<vmem_shared>>
        %dma_start3A_43 = arith.constant 0 : i32
        %dma_start3A_44 = tpu.memref_slice %arg6[%dma_start3A_43] : memref<1008xf32, #tpu.memory_space<vmem>> -> memref<1000xf32, #tpu.memory_space<vmem>>
        tpu.enqueue_dma source(%dma_start3A_44 : memref<1000xf32, #tpu.memory_space<vmem>>) target(%dma_start3A_42 : memref<1000xf32, #tpu.memory_space<vmem_shared>>) target_semaphore(%run_scoped3A : memref<!tpu.dma_semaphore, #tpu.memory_space<semaphore_mem>>)
        %dma_wait3A = arith.constant 0 : i32
        %dma_wait3A_45 = tpu.memref_slice %arg6[%dma_wait3A] : memref<1008xf32, #tpu.memory_space<vmem>> -> memref<1000xf32, #tpu.memory_space<vmem>>
        %dma_wait3A_46 = tpu.memref_slice %arg7[%mul3A_39] : memref<10000xf32, #tpu.memory_space<vmem_shared>> -> memref<1000xf32, #tpu.memory_space<vmem_shared>>
        %dma_wait3A_47 = tpu.memref_slice %arg7[%mul3A_39] : memref<10000xf32, #tpu.memory_space<vmem_shared>> -> memref<1000xf32, #tpu.memory_space<vmem_shared>>
        %dma_wait3A_48 = arith.constant 0 : i32
        %dma_wait3A_49 = tpu.memref_slice %arg6[%dma_wait3A_48] : memref<1008xf32, #tpu.memory_space<vmem>> -> memref<1000xf32, #tpu.memory_space<vmem>>
        tpu.wait_dma2 semaphore(%run_scoped3A : memref<!tpu.dma_semaphore, #tpu.memory_space<semaphore_mem>>) src(%dma_wait3A_49 : memref<1000xf32, #tpu.memory_space<vmem>>) dst(%dma_wait3A_47 : memref<1000xf32, #tpu.memory_space<vmem_shared>>)
        tpu.yield
      }) : () -> ()
    } else {
    }
    %barrier3A = arith.constant 0 : index
    tpu.barrier barrier_id(%barrier3A)
    %scan3A_26 = arith.constant 0 : i32
    %scan3A_27 = arith.constant 0 : i32
    %scan3A_28 = arith.constant 125 : i32
    %scan3A_29 = arith.addi %scan3A_27, %scan3A_28 : i32
    %scan3A_30 = arith.constant 1 : i32
    scf.for %scan3A_38 = %scan3A_27 to %scan3A_29 step %scan3A_30  : i32 {
      "tpu.region"() ({
        %run_scoped3A = tpu.sem_alloc : memref<!tpu.dma_semaphore, #tpu.memory_space<semaphore_mem>>
        %dma_start3A = arith.constant 0 : i32
        %dma_start3A_39 = tpu.memref_slice %arg4[%scan3A_38, %dma_start3A] : memref<125x80xi32, #tpu.memory_space<vmem>> -> memref<1x80xi32, #tpu.memory_space<vmem>>
        %dma_start3A_40 = tpu.memref_squeeze %dma_start3A_39 : memref<1x80xi32, #tpu.memory_space<vmem>> -> memref<80xi32, #tpu.memory_space<vmem>>
        %dma_start3A_41 = arith.constant 0 : i32
        %dma_start3A_42 = tpu.memref_slice %arg7[%dma_start3A_41] : memref<10000xf32, #tpu.memory_space<vmem_shared>> -> memref<10000xf32, #tpu.memory_space<vmem_shared>>
        tpu.enqueue_indirect_dma source(%arg5 : memref<80xf32, #tpu.memory_space<vmem>>) target(%dma_start3A_42 : memref<10000xf32, #tpu.memory_space<vmem_shared>>) offsets(%dma_start3A_40 : memref<80xi32, #tpu.memory_space<vmem>>) semaphore(%run_scoped3A : memref<!tpu.dma_semaphore, #tpu.memory_space<semaphore_mem>>) {add = true}
        %dma_wait3A = arith.constant 0 : i32
        %dma_wait3A_43 = tpu.memref_slice %arg4[%scan3A_38, %dma_wait3A] : memref<125x80xi32, #tpu.memory_space<vmem>> -> memref<1x80xi32, #tpu.memory_space<vmem>>
        %dma_wait3A_44 = tpu.memref_squeeze %dma_wait3A_43 : memref<1x80xi32, #tpu.memory_space<vmem>> -> memref<80xi32, #tpu.memory_space<vmem>>
        %dma_wait3A_45 = arith.constant 0 : i32
        %dma_wait3A_46 = tpu.memref_slice %arg7[%dma_wait3A_45] : memref<10000xf32, #tpu.memory_space<vmem_shared>> -> memref<10000xf32, #tpu.memory_space<vmem_shared>>
        tpu.wait_indirect_dma semaphore(%run_scoped3A : memref<!tpu.dma_semaphore, #tpu.memory_space<semaphore_mem>>) src(%arg5 : memref<80xf32, #tpu.memory_space<vmem>>) dst(%dma_wait3A_46 : memref<10000xf32, #tpu.memory_space<vmem_shared>>)
        tpu.yield
      }) : () -> ()
    }
    %scan3A_31 = arith.constant 125 : i32
    %barrier3A_32 = arith.constant 0 : index
    tpu.barrier barrier_id(%barrier3A_32)
    %lt3A_33 = arith.constant 10 : i32
    %lt3A_34 = arith.cmpi slt, %arg1, %lt3A_33 : i32
    %convert_element_type3A_35 = arith.extui %lt3A_34 : i1 to i32
    %cond3A_36 = arith.constant 0 : i32
    %cond3A_37 = arith.cmpi ne, %convert_element_type3A_35, %cond3A_36 : i32
    scf.if %cond3A_37 {
      %mul3A_38 = arith.constant 1000 : i32
      %mul3A_39 = arith.muli %arg1, %mul3A_38 : i32
      "tpu.region"() ({
        %run_scoped3A = tpu.sem_alloc : memref<!tpu.dma_semaphore, #tpu.memory_space<semaphore_mem>>
        %dma_start3A = arith.constant 0 : i32
        %dma_start3A_45 = tpu.memref_slice %arg6[%dma_start3A] : memref<1008xf32, #tpu.memory_space<vmem>> -> memref<1000xf32, #tpu.memory_space<vmem>>
        %dma_start3A_46 = tpu.memref_slice %arg7[%mul3A_39] : memref<10000xf32, #tpu.memory_space<vmem_shared>> -> memref<1000xf32, #tpu.memory_space<vmem_shared>>
        %dma_start3A_47 = arith.constant 0 : i32
        %dma_start3A_48 = tpu.memref_slice %arg6[%dma_start3A_47] : memref<1008xf32, #tpu.memory_space<vmem>> -> memref<1000xf32, #tpu.memory_space<vmem>>
        %dma_start3A_49 = tpu.memref_slice %arg7[%mul3A_39] : memref<10000xf32, #tpu.memory_space<vmem_shared>> -> memref<1000xf32, #tpu.memory_space<vmem_shared>>
        tpu.enqueue_dma source(%dma_start3A_49 : memref<1000xf32, #tpu.memory_space<vmem_shared>>) target(%dma_start3A_48 : memref<1000xf32, #tpu.memory_space<vmem>>) target_semaphore(%run_scoped3A : memref<!tpu.dma_semaphore, #tpu.memory_space<semaphore_mem>>)
        %dma_wait3A = arith.constant 0 : i32
        %dma_wait3A_50 = tpu.memref_slice %arg6[%dma_wait3A] : memref<1008xf32, #tpu.memory_space<vmem>> -> memref<1000xf32, #tpu.memory_space<vmem>>
        %dma_wait3A_51 = tpu.memref_slice %arg7[%mul3A_39] : memref<10000xf32, #tpu.memory_space<vmem_shared>> -> memref<1000xf32, #tpu.memory_space<vmem_shared>>
        %dma_wait3A_52 = arith.constant 0 : i32
        %dma_wait3A_53 = tpu.memref_slice %arg6[%dma_wait3A_52] : memref<1008xf32, #tpu.memory_space<vmem>> -> memref<1000xf32, #tpu.memory_space<vmem>>
        %dma_wait3A_54 = tpu.memref_slice %arg7[%mul3A_39] : memref<10000xf32, #tpu.memory_space<vmem_shared>> -> memref<1000xf32, #tpu.memory_space<vmem_shared>>
        tpu.wait_dma2 semaphore(%run_scoped3A : memref<!tpu.dma_semaphore, #tpu.memory_space<semaphore_mem>>) src(%dma_wait3A_54 : memref<1000xf32, #tpu.memory_space<vmem_shared>>) dst(%dma_wait3A_53 : memref<1000xf32, #tpu.memory_space<vmem>>)
        tpu.yield
      }) : () -> ()
      %mul3A_40 = arith.constant 10000 : i32
      %mul3A_41 = arith.muli %arg0, %mul3A_40 : i32
      %mul3A_42 = arith.constant 1000 : i32
      %mul3A_43 = arith.muli %arg1, %mul3A_42 : i32
      %add3A_44 = arith.addi %mul3A_41, %mul3A_43 : i32
      "tpu.region"() ({
        %run_scoped3A = tpu.sem_alloc : memref<!tpu.dma_semaphore, #tpu.memory_space<semaphore_mem>>
        %dma_start3A = arith.constant 0 : i32
        %dma_start3A_45 = tpu.memref_slice %arg6[%dma_start3A] : memref<1008xf32, #tpu.memory_space<vmem>> -> memref<1000xf32, #tpu.memory_space<vmem>>
        %dma_start3A_46 = tpu.memref_slice %arg3[%add3A_44] : memref<20000xf32, #tpu.memory_space<hbm>> -> memref<1000xf32, #tpu.memory_space<hbm>>
        %dma_start3A_47 = tpu.memref_slice %arg3[%add3A_44] : memref<20000xf32, #tpu.memory_space<hbm>> -> memref<1000xf32, #tpu.memory_space<hbm>>
        %dma_start3A_48 = arith.constant 0 : i32
        %dma_start3A_49 = tpu.memref_slice %arg6[%dma_start3A_48] : memref<1008xf32, #tpu.memory_space<vmem>> -> memref<1000xf32, #tpu.memory_space<vmem>>
        tpu.enqueue_dma source(%dma_start3A_49 : memref<1000xf32, #tpu.memory_space<vmem>>) target(%dma_start3A_47 : memref<1000xf32, #tpu.memory_space<hbm>>) target_semaphore(%run_scoped3A : memref<!tpu.dma_semaphore, #tpu.memory_space<semaphore_mem>>)
        %dma_wait3A = arith.constant 0 : i32
        %dma_wait3A_50 = tpu.memref_slice %arg6[%dma_wait3A] : memref<1008xf32, #tpu.memory_space<vmem>> -> memref<1000xf32, #tpu.memory_space<vmem>>
        %dma_wait3A_51 = tpu.memref_slice %arg3[%add3A_44] : memref<20000xf32, #tpu.memory_space<hbm>> -> memref<1000xf32, #tpu.memory_space<hbm>>
        %dma_wait3A_52 = tpu.memref_slice %arg3[%add3A_44] : memref<20000xf32, #tpu.memory_space<hbm>> -> memref<1000xf32, #tpu.memory_space<hbm>>
        %dma_wait3A_53 = arith.constant 0 : i32
        %dma_wait3A_54 = tpu.memref_slice %arg6[%dma_wait3A_53] : memref<1008xf32, #tpu.memory_space<vmem>> -> memref<1000xf32, #tpu.memory_space<vmem>>
        tpu.wait_dma2 semaphore(%run_scoped3A : memref<!tpu.dma_semaphore, #tpu.memory_space<semaphore_mem>>) src(%dma_wait3A_54 : memref<1000xf32, #tpu.memory_space<vmem>>) dst(%dma_wait3A_52 : memref<1000xf32, #tpu.memory_space<hbm>>)
        tpu.yield
      }) : () -> ()
    } else {
    }
    return
  }
}

#map = affine_map<(d0, d1) -> (0, 0)>
#map1 = affine_map<(d0, d1) -> (0, 0, 0)>
module attributes {stable_mosaic.version = 14 : i64} {
  func.func @_gcn_body(%arg0: i32, %arg1: i32, %arg2: memref<10000x64xbf16, #tpu.memory_space<hbm>>, %arg3: memref<32x125x80xi32, #tpu.memory_space<hbm>>, %arg4: memref<32x125x80xi32, #tpu.memory_space<hbm>>, %arg5: memref<2x10000x128xf32, #tpu.memory_space<hbm>>, %arg6: memref<125x80xi32, #tpu.memory_space<vmem>>, %arg7: memref<125x80xi32, #tpu.memory_space<vmem>>, %arg8: memref<4x80x64xbf16, #tpu.memory_space<vmem>>, %arg9: memref<4x80x64xf32, #tpu.memory_space<vmem>>, %arg10: memref<125x64xf32, #tpu.memory_space<vmem>>, %arg11: memref<125x128xf32, #tpu.memory_space<vmem>>, %arg12: memref<10000x64xf32, #tpu.memory_space<vmem_shared>>, %arg13: memref<4x!tpu.dma_semaphore, #tpu.memory_space<semaphore_mem>>, %arg14: memref<4x!tpu.dma_semaphore, #tpu.memory_space<semaphore_mem>>) attributes {dimension_semantics = [#tpu.dimension_semantics<core_parallel>, #tpu.dimension_semantics<subcore_parallel>], iteration_bounds = array<i64: 2, 16>, scalar_prefetch = 0 : i64, scratch_operands = 9 : i64, tpu.core_type = #tpu.core_type<sc_vector_subcore>, window_params = [{transform_indices = #map}, {transform_indices = #map1}, {transform_indices = #map1}, {transform_indices = #map1}]} {
    %mul3A = arith.constant 16 : i32
    %mul3A_0 = arith.muli %arg0, %mul3A : i32
    %add3A = arith.addi %mul3A_0, %arg1 : i32
    "tpu.region"() ({
      %run_scoped3A = tpu.sem_alloc : memref<!tpu.dma_semaphore, #tpu.memory_space<semaphore_mem>>
      %dma_start3A_60 = arith.constant 0 : i32
      %dma_start3A_61 = arith.constant 0 : i32
      %dma_start3A_62 = tpu.memref_slice %arg3[%add3A, %dma_start3A_60, %dma_start3A_61] : memref<32x125x80xi32, #tpu.memory_space<hbm>> -> memref<1x125x80xi32, #tpu.memory_space<hbm>>
      %dma_start3A_63 = tpu.memref_squeeze %dma_start3A_62 : memref<1x125x80xi32, #tpu.memory_space<hbm>> -> memref<125x80xi32, #tpu.memory_space<hbm>>
      %dma_start3A_64 = arith.constant 0 : i32
      %dma_start3A_65 = arith.constant 0 : i32
      %dma_start3A_66 = tpu.memref_slice %arg3[%add3A, %dma_start3A_64, %dma_start3A_65] : memref<32x125x80xi32, #tpu.memory_space<hbm>> -> memref<1x125x80xi32, #tpu.memory_space<hbm>>
      %dma_start3A_67 = tpu.memref_squeeze %dma_start3A_66 : memref<1x125x80xi32, #tpu.memory_space<hbm>> -> memref<125x80xi32, #tpu.memory_space<hbm>>
      tpu.enqueue_dma source(%dma_start3A_67 : memref<125x80xi32, #tpu.memory_space<hbm>>) target(%arg6 : memref<125x80xi32, #tpu.memory_space<vmem>>) target_semaphore(%run_scoped3A : memref<!tpu.dma_semaphore, #tpu.memory_space<semaphore_mem>>)
      %dma_wait3A = arith.constant 0 : i32
      %dma_wait3A_68 = arith.constant 0 : i32
      %dma_wait3A_69 = tpu.memref_slice %arg3[%add3A, %dma_wait3A, %dma_wait3A_68] : memref<32x125x80xi32, #tpu.memory_space<hbm>> -> memref<1x125x80xi32, #tpu.memory_space<hbm>>
      %dma_wait3A_70 = tpu.memref_squeeze %dma_wait3A_69 : memref<1x125x80xi32, #tpu.memory_space<hbm>> -> memref<125x80xi32, #tpu.memory_space<hbm>>
      %dma_wait3A_71 = arith.constant 0 : i32
      %dma_wait3A_72 = arith.constant 0 : i32
      %dma_wait3A_73 = tpu.memref_slice %arg3[%add3A, %dma_wait3A_71, %dma_wait3A_72] : memref<32x125x80xi32, #tpu.memory_space<hbm>> -> memref<1x125x80xi32, #tpu.memory_space<hbm>>
      %dma_wait3A_74 = tpu.memref_squeeze %dma_wait3A_73 : memref<1x125x80xi32, #tpu.memory_space<hbm>> -> memref<125x80xi32, #tpu.memory_space<hbm>>
      tpu.wait_dma2 semaphore(%run_scoped3A : memref<!tpu.dma_semaphore, #tpu.memory_space<semaphore_mem>>) src(%dma_wait3A_74 : memref<125x80xi32, #tpu.memory_space<hbm>>) dst(%arg6 : memref<125x80xi32, #tpu.memory_space<vmem>>)
      tpu.yield
    }) : () -> ()
    "tpu.region"() ({
      %run_scoped3A = tpu.sem_alloc : memref<!tpu.dma_semaphore, #tpu.memory_space<semaphore_mem>>
      %dma_start3A_60 = arith.constant 0 : i32
      %dma_start3A_61 = arith.constant 0 : i32
      %dma_start3A_62 = tpu.memref_slice %arg4[%add3A, %dma_start3A_60, %dma_start3A_61] : memref<32x125x80xi32, #tpu.memory_space<hbm>> -> memref<1x125x80xi32, #tpu.memory_space<hbm>>
      %dma_start3A_63 = tpu.memref_squeeze %dma_start3A_62 : memref<1x125x80xi32, #tpu.memory_space<hbm>> -> memref<125x80xi32, #tpu.memory_space<hbm>>
      %dma_start3A_64 = arith.constant 0 : i32
      %dma_start3A_65 = arith.constant 0 : i32
      %dma_start3A_66 = tpu.memref_slice %arg4[%add3A, %dma_start3A_64, %dma_start3A_65] : memref<32x125x80xi32, #tpu.memory_space<hbm>> -> memref<1x125x80xi32, #tpu.memory_space<hbm>>
      %dma_start3A_67 = tpu.memref_squeeze %dma_start3A_66 : memref<1x125x80xi32, #tpu.memory_space<hbm>> -> memref<125x80xi32, #tpu.memory_space<hbm>>
      tpu.enqueue_dma source(%dma_start3A_67 : memref<125x80xi32, #tpu.memory_space<hbm>>) target(%arg7 : memref<125x80xi32, #tpu.memory_space<vmem>>) target_semaphore(%run_scoped3A : memref<!tpu.dma_semaphore, #tpu.memory_space<semaphore_mem>>)
      %dma_wait3A = arith.constant 0 : i32
      %dma_wait3A_68 = arith.constant 0 : i32
      %dma_wait3A_69 = tpu.memref_slice %arg4[%add3A, %dma_wait3A, %dma_wait3A_68] : memref<32x125x80xi32, #tpu.memory_space<hbm>> -> memref<1x125x80xi32, #tpu.memory_space<hbm>>
      %dma_wait3A_70 = tpu.memref_squeeze %dma_wait3A_69 : memref<1x125x80xi32, #tpu.memory_space<hbm>> -> memref<125x80xi32, #tpu.memory_space<hbm>>
      %dma_wait3A_71 = arith.constant 0 : i32
      %dma_wait3A_72 = arith.constant 0 : i32
      %dma_wait3A_73 = tpu.memref_slice %arg4[%add3A, %dma_wait3A_71, %dma_wait3A_72] : memref<32x125x80xi32, #tpu.memory_space<hbm>> -> memref<1x125x80xi32, #tpu.memory_space<hbm>>
      %dma_wait3A_74 = tpu.memref_squeeze %dma_wait3A_73 : memref<1x125x80xi32, #tpu.memory_space<hbm>> -> memref<125x80xi32, #tpu.memory_space<hbm>>
      tpu.wait_dma2 semaphore(%run_scoped3A : memref<!tpu.dma_semaphore, #tpu.memory_space<semaphore_mem>>) src(%dma_wait3A_74 : memref<125x80xi32, #tpu.memory_space<hbm>>) dst(%arg7 : memref<125x80xi32, #tpu.memory_space<vmem>>)
      tpu.yield
    }) : () -> ()
    %scan3A = arith.constant 0 : i32
    %scan3A_1 = arith.constant 0 : i32
    %scan3A_2 = arith.constant 125 : i32
    %scan3A_3 = arith.addi %scan3A_1, %scan3A_2 : i32
    %scan3A_4 = arith.constant 1 : i32
    scf.for %scan3A_60 = %scan3A_1 to %scan3A_3 step %scan3A_4  : i32 {
      %broadcast_in_dim3A = arith.constant 0.000000e+00 : f32
      %broadcast_in_dim3A_61 = vector.broadcast %broadcast_in_dim3A : f32 to vector<16xf32>
      %swap3A = arith.index_cast %scan3A_60 : i32 to index
      %swap3A_62 = arith.constant 0 : index
      %swap3A_63 = tpu.vector_load %arg10[%swap3A, %swap3A_62] {strides = array<i32>} : memref<125x64xf32, #tpu.memory_space<vmem>>, vector<16xf32>,
      tpu.vector_store %arg10[%swap3A, %swap3A_62], %broadcast_in_dim3A_61 {strides = array<i32>} : memref<125x64xf32, #tpu.memory_space<vmem>>, vector<16xf32>,
      %broadcast_in_dim3A_64 = arith.constant 0.000000e+00 : f32
      %broadcast_in_dim3A_65 = vector.broadcast %broadcast_in_dim3A_64 : f32 to vector<16xf32>
      %swap3A_66 = arith.index_cast %scan3A_60 : i32 to index
      %swap3A_67 = arith.constant 16 : index
      %swap3A_68 = tpu.vector_load %arg10[%swap3A_66, %swap3A_67] {strides = array<i32>} : memref<125x64xf32, #tpu.memory_space<vmem>>, vector<16xf32>,
      tpu.vector_store %arg10[%swap3A_66, %swap3A_67], %broadcast_in_dim3A_65 {strides = array<i32>} : memref<125x64xf32, #tpu.memory_space<vmem>>, vector<16xf32>,
      %broadcast_in_dim3A_69 = arith.constant 0.000000e+00 : f32
      %broadcast_in_dim3A_70 = vector.broadcast %broadcast_in_dim3A_69 : f32 to vector<16xf32>
      %swap3A_71 = arith.index_cast %scan3A_60 : i32 to index
      %swap3A_72 = arith.constant 32 : index
      %swap3A_73 = tpu.vector_load %arg10[%swap3A_71, %swap3A_72] {strides = array<i32>} : memref<125x64xf32, #tpu.memory_space<vmem>>, vector<16xf32>,
      tpu.vector_store %arg10[%swap3A_71, %swap3A_72], %broadcast_in_dim3A_70 {strides = array<i32>} : memref<125x64xf32, #tpu.memory_space<vmem>>, vector<16xf32>,
      %broadcast_in_dim3A_74 = arith.constant 0.000000e+00 : f32
      %broadcast_in_dim3A_75 = vector.broadcast %broadcast_in_dim3A_74 : f32 to vector<16xf32>
      %swap3A_76 = arith.index_cast %scan3A_60 : i32 to index
      %swap3A_77 = arith.constant 48 : index
      %swap3A_78 = tpu.vector_load %arg10[%swap3A_76, %swap3A_77] {strides = array<i32>} : memref<125x64xf32, #tpu.memory_space<vmem>>, vector<16xf32>,
      tpu.vector_store %arg10[%swap3A_76, %swap3A_77], %broadcast_in_dim3A_75 {strides = array<i32>} : memref<125x64xf32, #tpu.memory_space<vmem>>, vector<16xf32>,
    }
    %scan3A_5 = arith.constant 125 : i32
    %scan3A_6 = arith.constant 0 : i32
    %scan3A_7 = arith.constant 0 : i32
    %scan3A_8 = arith.constant 5 : i32
    %scan3A_9 = arith.addi %scan3A_7, %scan3A_8 : i32
    %scan3A_10 = arith.constant 1 : i32
    scf.for %scan3A_60 = %scan3A_7 to %scan3A_9 step %scan3A_10  : i32 {
      %mul3A_61 = arith.constant 625 : i32
      %mul3A_62 = arith.muli %arg1, %mul3A_61 : i32
      %mul3A_63 = arith.constant 125 : i32
      %mul3A_64 = arith.muli %scan3A_60, %mul3A_63 : i32
      %add3A_65 = arith.addi %mul3A_62, %mul3A_64 : i32
      "tpu.region"() ({
        %run_scoped3A = tpu.sem_alloc : memref<!tpu.dma_semaphore, #tpu.memory_space<semaphore_mem>>
        %dma_start3A_66 = arith.constant 0 : i32
        %dma_start3A_67 = tpu.memref_slice %arg12[%add3A_65, %dma_start3A_66] : memref<10000x64xf32, #tpu.memory_space<vmem_shared>> -> memref<125x64xf32, #tpu.memory_space<vmem_shared>>
        %dma_start3A_68 = arith.constant 0 : i32
        %dma_start3A_69 = tpu.memref_slice %arg12[%add3A_65, %dma_start3A_68] : memref<10000x64xf32, #tpu.memory_space<vmem_shared>> -> memref<125x64xf32, #tpu.memory_space<vmem_shared>>
        tpu.enqueue_dma source(%arg10 : memref<125x64xf32, #tpu.memory_space<vmem>>) target(%dma_start3A_69 : memref<125x64xf32, #tpu.memory_space<vmem_shared>>) target_semaphore(%run_scoped3A : memref<!tpu.dma_semaphore, #tpu.memory_space<semaphore_mem>>)
        %dma_wait3A = arith.constant 0 : i32
        %dma_wait3A_70 = tpu.memref_slice %arg12[%add3A_65, %dma_wait3A] : memref<10000x64xf32, #tpu.memory_space<vmem_shared>> -> memref<125x64xf32, #tpu.memory_space<vmem_shared>>
        %dma_wait3A_71 = arith.constant 0 : i32
        %dma_wait3A_72 = tpu.memref_slice %arg12[%add3A_65, %dma_wait3A_71] : memref<10000x64xf32, #tpu.memory_space<vmem_shared>> -> memref<125x64xf32, #tpu.memory_space<vmem_shared>>
        tpu.wait_dma2 semaphore(%run_scoped3A : memref<!tpu.dma_semaphore, #tpu.memory_space<semaphore_mem>>) src(%arg10 : memref<125x64xf32, #tpu.memory_space<vmem>>) dst(%dma_wait3A_72 : memref<125x64xf32, #tpu.memory_space<vmem_shared>>)
        tpu.yield
      }) : () -> ()
    }
    %scan3A_11 = arith.constant 5 : i32
    %barrier3A = arith.constant 0 : index
    tpu.barrier barrier_id(%barrier3A)
    %dma_start3A = arith.constant 0 : i32
    %dma_start3A_12 = arith.constant 0 : i32
    %dma_start3A_13 = arith.constant 0 : i32
    %dma_start3A_14 = arith.constant 0 : i32
    %dma_start3A_15 = arith.constant 0 : i32
    %dma_start3A_16 = tpu.memref_slice %arg8[%dma_start3A_12, %dma_start3A_14, %dma_start3A_15] : memref<4x80x64xbf16, #tpu.memory_space<vmem>> -> memref<1x80x64xbf16, #tpu.memory_space<vmem>>
    %dma_start3A_17 = tpu.memref_squeeze %dma_start3A_16 : memref<1x80x64xbf16, #tpu.memory_space<vmem>> -> memref<80x64xbf16, #tpu.memory_space<vmem>>
    %dma_start3A_18 = arith.constant 0 : i32
    %dma_start3A_19 = tpu.memref_slice %arg6[%dma_start3A, %dma_start3A_18] : memref<125x80xi32, #tpu.memory_space<vmem>> -> memref<1x80xi32, #tpu.memory_space<vmem>>
    %dma_start3A_20 = tpu.memref_squeeze %dma_start3A_19 : memref<1x80xi32, #tpu.memory_space<vmem>> -> memref<80xi32, #tpu.memory_space<vmem>>
    %dma_start3A_21 = arith.constant 0 : i32
    %dma_start3A_22 = arith.constant 0 : i32
    %dma_start3A_23 = tpu.memref_slice %arg2[%dma_start3A_21, %dma_start3A_22] : memref<10000x64xbf16, #tpu.memory_space<hbm>> -> memref<10000x64xbf16, #tpu.memory_space<hbm>>
    %dma_start3A_24 = tpu.memref_slice %arg13[%dma_start3A_13] : memref<4x!tpu.dma_semaphore, #tpu.memory_space<semaphore_mem>> -> memref<1x!tpu.dma_semaphore, #tpu.memory_space<semaphore_mem>>
    %dma_start3A_25 = tpu.memref_squeeze %dma_start3A_24 : memref<1x!tpu.dma_semaphore, #tpu.memory_space<semaphore_mem>> -> memref<!tpu.dma_semaphore, #tpu.memory_space<semaphore_mem>>
    tpu.enqueue_indirect_dma source(%dma_start3A_23 : memref<10000x64xbf16, #tpu.memory_space<hbm>>) target(%dma_start3A_17 : memref<80x64xbf16, #tpu.memory_space<vmem>>) offsets(%dma_start3A_20 : memref<80xi32, #tpu.memory_space<vmem>>) semaphore(%dma_start3A_25 : memref<!tpu.dma_semaphore, #tpu.memory_space<semaphore_mem>>)
    %dma_start3A_26 = arith.constant 1 : i32
    %dma_start3A_27 = arith.constant 1 : i32
    %dma_start3A_28 = arith.constant 1 : i32
    %dma_start3A_29 = arith.constant 0 : i32
    %dma_start3A_30 = arith.constant 0 : i32
    %dma_start3A_31 = tpu.memref_slice %arg8[%dma_start3A_27, %dma_start3A_29, %dma_start3A_30] : memref<4x80x64xbf16, #tpu.memory_space<vmem>> -> memref<1x80x64xbf16, #tpu.memory_space<vmem>>
    %dma_start3A_32 = tpu.memref_squeeze %dma_start3A_31 : memref<1x80x64xbf16, #tpu.memory_space<vmem>> -> memref<80x64xbf16, #tpu.memory_space<vmem>>
    %dma_start3A_33 = arith.constant 0 : i32
    %dma_start3A_34 = tpu.memref_slice %arg6[%dma_start3A_26, %dma_start3A_33] : memref<125x80xi32, #tpu.memory_space<vmem>> -> memref<1x80xi32, #tpu.memory_space<vmem>>
    %dma_start3A_35 = tpu.memref_squeeze %dma_start3A_34 : memref<1x80xi32, #tpu.memory_space<vmem>> -> memref<80xi32, #tpu.memory_space<vmem>>
    %dma_start3A_36 = arith.constant 0 : i32
    %dma_start3A_37 = arith.constant 0 : i32
    %dma_start3A_38 = tpu.memref_slice %arg2[%dma_start3A_36, %dma_start3A_37] : memref<10000x64xbf16, #tpu.memory_space<hbm>> -> memref<10000x64xbf16, #tpu.memory_space<hbm>>
    %dma_start3A_39 = tpu.memref_slice %arg13[%dma_start3A_28] : memref<4x!tpu.dma_semaphore, #tpu.memory_space<semaphore_mem>> -> memref<1x!tpu.dma_semaphore, #tpu.memory_space<semaphore_mem>>
    %dma_start3A_40 = tpu.memref_squeeze %dma_start3A_39 : memref<1x!tpu.dma_semaphore, #tpu.memory_space<semaphore_mem>> -> memref<!tpu.dma_semaphore, #tpu.memory_space<semaphore_mem>>
    tpu.enqueue_indirect_dma source(%dma_start3A_38 : memref<10000x64xbf16, #tpu.memory_space<hbm>>) target(%dma_start3A_32 : memref<80x64xbf16, #tpu.memory_space<vmem>>) offsets(%dma_start3A_35 : memref<80xi32, #tpu.memory_space<vmem>>) semaphore(%dma_start3A_40 : memref<!tpu.dma_semaphore, #tpu.memory_space<semaphore_mem>>)
    %scan3A_41 = arith.constant 0 : i32
    %scan3A_42 = arith.constant 0 : i32
    %scan3A_43 = arith.constant 125 : i32
    %scan3A_44 = arith.addi %scan3A_42, %scan3A_43 : i32
    %scan3A_45 = arith.constant 1 : i32
    scf.for %scan3A_60 = %scan3A_42 to %scan3A_44 step %scan3A_45  : i32 {
      %rem3A = arith.constant 4 : i32
      %rem3A_61 = arith.remsi %scan3A_60, %rem3A : i32
      %dma_wait3A = arith.constant 0 : i32
      %dma_wait3A_62 = arith.constant 0 : i32
      %dma_wait3A_63 = tpu.memref_slice %arg8[%rem3A_61, %dma_wait3A, %dma_wait3A_62] : memref<4x80x64xbf16, #tpu.memory_space<vmem>> -> memref<1x80x64xbf16, #tpu.memory_space<vmem>>
      %dma_wait3A_64 = tpu.memref_squeeze %dma_wait3A_63 : memref<1x80x64xbf16, #tpu.memory_space<vmem>> -> memref<80x64xbf16, #tpu.memory_space<vmem>>
      %dma_wait3A_65 = arith.constant 0 : i32
      %dma_wait3A_66 = tpu.memref_slice %arg6[%scan3A_60, %dma_wait3A_65] : memref<125x80xi32, #tpu.memory_space<vmem>> -> memref<1x80xi32, #tpu.memory_space<vmem>>
      %dma_wait3A_67 = tpu.memref_squeeze %dma_wait3A_66 : memref<1x80xi32, #tpu.memory_space<vmem>> -> memref<80xi32, #tpu.memory_space<vmem>>
      %dma_wait3A_68 = arith.constant 0 : i32
      %dma_wait3A_69 = arith.constant 0 : i32
      %dma_wait3A_70 = tpu.memref_slice %arg2[%dma_wait3A_68, %dma_wait3A_69] : memref<10000x64xbf16, #tpu.memory_space<hbm>> -> memref<10000x64xbf16, #tpu.memory_space<hbm>>
      %dma_wait3A_71 = tpu.memref_slice %arg13[%rem3A_61] : memref<4x!tpu.dma_semaphore, #tpu.memory_space<semaphore_mem>> -> memref<1x!tpu.dma_semaphore, #tpu.memory_space<semaphore_mem>>
      %dma_wait3A_72 = tpu.memref_squeeze %dma_wait3A_71 : memref<1x!tpu.dma_semaphore, #tpu.memory_space<semaphore_mem>> -> memref<!tpu.dma_semaphore, #tpu.memory_space<semaphore_mem>>
      tpu.wait_indirect_dma semaphore(%dma_wait3A_72 : memref<!tpu.dma_semaphore, #tpu.memory_space<semaphore_mem>>) src(%dma_wait3A_70 : memref<10000x64xbf16, #tpu.memory_space<hbm>>) dst(%dma_wait3A_64 : memref<80x64xbf16, #tpu.memory_space<vmem>>)
      %parallel_loop3A = arith.constant 0 : i32
      %parallel_loop3A_73 = arith.constant 80 : i32
      %parallel_loop3A_74 = arith.constant 1 : i32
      scf.for %parallel_loop3A_91 = %parallel_loop3A to %parallel_loop3A_73 step %parallel_loop3A_74  : i32 {
        %parallel_loop3A_92 = arith.index_cast %rem3A_61 : i32 to index
        %parallel_loop3A_93 = arith.index_cast %parallel_loop3A_91 : i32 to index
        %parallel_loop3A_94 = arith.constant 0 : index
        %parallel_loop3A_95 = tpu.vector_load %arg8[%parallel_loop3A_92, %parallel_loop3A_93, %parallel_loop3A_94] {strides = array<i32>} : memref<4x80x64xbf16, #tpu.memory_space<vmem>>, vector<32xbf16>,
        %parallel_loop3A_96 = vector.bitcast %parallel_loop3A_95 : vector<32xbf16> to vector<16xi32>
        %parallel_loop3A_97 = arith.constant 16 : i32
        %parallel_loop3A_98 = vector.broadcast %parallel_loop3A_97 : i32 to vector<16xi32>
        %parallel_loop3A_99 = arith.shli %parallel_loop3A_96, %parallel_loop3A_98 : vector<16xi32>
        %parallel_loop3A_100 = vector.bitcast %parallel_loop3A_99 : vector<16xi32> to vector<16xf32>
        %parallel_loop3A_101 = arith.constant -65536 : i32
        %parallel_loop3A_102 = vector.broadcast %parallel_loop3A_101 : i32 to vector<16xi32>
        %parallel_loop3A_103 = arith.andi %parallel_loop3A_96, %parallel_loop3A_102 : vector<16xi32>
        %parallel_loop3A_104 = vector.bitcast %parallel_loop3A_103 : vector<16xi32> to vector<16xf32>
        %parallel_loop3A_105 = arith.index_cast %rem3A_61 : i32 to index
        %parallel_loop3A_106 = arith.index_cast %parallel_loop3A_91 : i32 to index
        %parallel_loop3A_107 = arith.constant 0 : index
        %parallel_loop3A_108 = tpu.vector_load %arg9[%parallel_loop3A_105, %parallel_loop3A_106, %parallel_loop3A_107] {strides = array<i32>} : memref<4x80x64xf32, #tpu.memory_space<vmem>>, vector<16xf32>,
        tpu.vector_store %arg9[%parallel_loop3A_105, %parallel_loop3A_106, %parallel_loop3A_107], %parallel_loop3A_100 {strides = array<i32>} : memref<4x80x64xf32, #tpu.memory_space<vmem>>, vector<16xf32>,
        %parallel_loop3A_109 = arith.index_cast %rem3A_61 : i32 to index
        %parallel_loop3A_110 = arith.index_cast %parallel_loop3A_91 : i32 to index
        %parallel_loop3A_111 = arith.constant 16 : index
        %parallel_loop3A_112 = tpu.vector_load %arg9[%parallel_loop3A_109, %parallel_loop3A_110, %parallel_loop3A_111] {strides = array<i32>} : memref<4x80x64xf32, #tpu.memory_space<vmem>>, vector<16xf32>,
        tpu.vector_store %arg9[%parallel_loop3A_109, %parallel_loop3A_110, %parallel_loop3A_111], %parallel_loop3A_104 {strides = array<i32>} : memref<4x80x64xf32, #tpu.memory_space<vmem>>, vector<16xf32>,
        %parallel_loop3A_113 = arith.index_cast %rem3A_61 : i32 to index
        %parallel_loop3A_114 = arith.index_cast %parallel_loop3A_91 : i32 to index
        %parallel_loop3A_115 = arith.constant 32 : index
        %parallel_loop3A_116 = tpu.vector_load %arg8[%parallel_loop3A_113, %parallel_loop3A_114, %parallel_loop3A_115] {strides = array<i32>} : memref<4x80x64xbf16, #tpu.memory_space<vmem>>, vector<32xbf16>,
        %parallel_loop3A_117 = vector.bitcast %parallel_loop3A_116 : vector<32xbf16> to vector<16xi32>
        %parallel_loop3A_118 = arith.constant 16 : i32
        %parallel_loop3A_119 = vector.broadcast %parallel_loop3A_118 : i32 to vector<16xi32>
        %parallel_loop3A_120 = arith.shli %parallel_loop3A_117, %parallel_loop3A_119 : vector<16xi32>
        %parallel_loop3A_121 = vector.bitcast %parallel_loop3A_120 : vector<16xi32> to vector<16xf32>
        %parallel_loop3A_122 = arith.constant -65536 : i32
        %parallel_loop3A_123 = vector.broadcast %parallel_loop3A_122 : i32 to vector<16xi32>
        %parallel_loop3A_124 = arith.andi %parallel_loop3A_117, %parallel_loop3A_123 : vector<16xi32>
        %parallel_loop3A_125 = vector.bitcast %parallel_loop3A_124 : vector<16xi32> to vector<16xf32>
        %parallel_loop3A_126 = arith.index_cast %rem3A_61 : i32 to index
        %parallel_loop3A_127 = arith.index_cast %parallel_loop3A_91 : i32 to index
        %parallel_loop3A_128 = arith.constant 32 : index
        %parallel_loop3A_129 = tpu.vector_load %arg9[%parallel_loop3A_126, %parallel_loop3A_127, %parallel_loop3A_128] {strides = array<i32>} : memref<4x80x64xf32, #tpu.memory_space<vmem>>, vector<16xf32>,
        tpu.vector_store %arg9[%parallel_loop3A_126, %parallel_loop3A_127, %parallel_loop3A_128], %parallel_loop3A_121 {strides = array<i32>} : memref<4x80x64xf32, #tpu.memory_space<vmem>>, vector<16xf32>,
        %parallel_loop3A_130 = arith.index_cast %rem3A_61 : i32 to index
        %parallel_loop3A_131 = arith.index_cast %parallel_loop3A_91 : i32 to index
        %parallel_loop3A_132 = arith.constant 48 : index
        %parallel_loop3A_133 = tpu.vector_load %arg9[%parallel_loop3A_130, %parallel_loop3A_131, %parallel_loop3A_132] {strides = array<i32>} : memref<4x80x64xf32, #tpu.memory_space<vmem>>, vector<16xf32>,
        tpu.vector_store %arg9[%parallel_loop3A_130, %parallel_loop3A_131, %parallel_loop3A_132], %parallel_loop3A_125 {strides = array<i32>} : memref<4x80x64xf32, #tpu.memory_space<vmem>>, vector<16xf32>,
      } {sc.loop_unroll_factor = 4 : i64, sc.parallel_access}
      %dma_start3A_75 = arith.constant 0 : i32
      %dma_start3A_76 = arith.constant 0 : i32
      %dma_start3A_77 = tpu.memref_slice %arg9[%rem3A_61, %dma_start3A_75, %dma_start3A_76] : memref<4x80x64xf32, #tpu.memory_space<vmem>> -> memref<1x80x64xf32, #tpu.memory_space<vmem>>
      %dma_start3A_78 = tpu.memref_squeeze %dma_start3A_77 : memref<1x80x64xf32, #tpu.memory_space<vmem>> -> memref<80x64xf32, #tpu.memory_space<vmem>>
      %dma_start3A_79 = arith.constant 0 : i32
      %dma_start3A_80 = tpu.memref_slice %arg7[%scan3A_60, %dma_start3A_79] : memref<125x80xi32, #tpu.memory_space<vmem>> -> memref<1x80xi32, #tpu.memory_space<vmem>>
      %dma_start3A_81 = tpu.memref_squeeze %dma_start3A_80 : memref<1x80xi32, #tpu.memory_space<vmem>> -> memref<80xi32, #tpu.memory_space<vmem>>
      %dma_start3A_82 = arith.constant 0 : i32
      %dma_start3A_83 = arith.constant 0 : i32
      %dma_start3A_84 = tpu.memref_slice %arg12[%dma_start3A_82, %dma_start3A_83] : memref<10000x64xf32, #tpu.memory_space<vmem_shared>> -> memref<10000x64xf32, #tpu.memory_space<vmem_shared>>
      %dma_start3A_85 = tpu.memref_slice %arg14[%rem3A_61] : memref<4x!tpu.dma_semaphore, #tpu.memory_space<semaphore_mem>> -> memref<1x!tpu.dma_semaphore, #tpu.memory_space<semaphore_mem>>
      %dma_start3A_86 = tpu.memref_squeeze %dma_start3A_85 : memref<1x!tpu.dma_semaphore, #tpu.memory_space<semaphore_mem>> -> memref<!tpu.dma_semaphore, #tpu.memory_space<semaphore_mem>>
      tpu.enqueue_indirect_dma source(%dma_start3A_78 : memref<80x64xf32, #tpu.memory_space<vmem>>) target(%dma_start3A_84 : memref<10000x64xf32, #tpu.memory_space<vmem_shared>>) offsets(%dma_start3A_81 : memref<80xi32, #tpu.memory_space<vmem>>) semaphore(%dma_start3A_86 : memref<!tpu.dma_semaphore, #tpu.memory_space<semaphore_mem>>) {add = true}
      %add3A_87 = arith.constant 2 : i32
      %add3A_88 = arith.addi %scan3A_60, %add3A_87 : i32
      %lt3A = arith.constant 125 : i32
      %lt3A_89 = arith.cmpi slt, %add3A_88, %lt3A : i32
      %convert_element_type3A = arith.extui %lt3A_89 : i1 to i32
      %cond3A = arith.constant 0 : i32
      %cond3A_90 = arith.cmpi ne, %convert_element_type3A, %cond3A : i32
      scf.if %cond3A_90 {
        %add3A_91 = arith.constant 2 : i32
        %add3A_92 = arith.addi %scan3A_60, %add3A_91 : i32
        %rem3A_93 = arith.constant 4 : i32
        %rem3A_94 = arith.remsi %add3A_92, %rem3A_93 : i32
        %ge3A = arith.constant 2 : i32
        %ge3A_95 = arith.cmpi sge, %scan3A_60, %ge3A : i32
        %convert_element_type3A_96 = arith.extui %ge3A_95 : i1 to i32
        %cond3A_97 = arith.constant 0 : i32
        %cond3A_98 = arith.cmpi ne, %convert_element_type3A_96, %cond3A_97 : i32
        scf.if %cond3A_98 {
          %sub3A = arith.constant 2 : i32
          %sub3A_113 = arith.subi %scan3A_60, %sub3A : i32
          %dma_wait3A_114 = arith.constant 0 : i32
          %dma_wait3A_115 = arith.constant 0 : i32
          %dma_wait3A_116 = tpu.memref_slice %arg9[%rem3A_94, %dma_wait3A_114, %dma_wait3A_115] : memref<4x80x64xf32, #tpu.memory_space<vmem>> -> memref<1x80x64xf32, #tpu.memory_space<vmem>>
          %dma_wait3A_117 = tpu.memref_squeeze %dma_wait3A_116 : memref<1x80x64xf32, #tpu.memory_space<vmem>> -> memref<80x64xf32, #tpu.memory_space<vmem>>
          %dma_wait3A_118 = arith.constant 0 : i32
          %dma_wait3A_119 = tpu.memref_slice %arg7[%sub3A_113, %dma_wait3A_118] : memref<125x80xi32, #tpu.memory_space<vmem>> -> memref<1x80xi32, #tpu.memory_space<vmem>>
          %dma_wait3A_120 = tpu.memref_squeeze %dma_wait3A_119 : memref<1x80xi32, #tpu.memory_space<vmem>> -> memref<80xi32, #tpu.memory_space<vmem>>
          %dma_wait3A_121 = arith.constant 0 : i32
          %dma_wait3A_122 = arith.constant 0 : i32
          %dma_wait3A_123 = tpu.memref_slice %arg12[%dma_wait3A_121, %dma_wait3A_122] : memref<10000x64xf32, #tpu.memory_space<vmem_shared>> -> memref<10000x64xf32, #tpu.memory_space<vmem_shared>>
          %dma_wait3A_124 = tpu.memref_slice %arg14[%rem3A_94] : memref<4x!tpu.dma_semaphore, #tpu.memory_space<semaphore_mem>> -> memref<1x!tpu.dma_semaphore, #tpu.memory_space<semaphore_mem>>
          %dma_wait3A_125 = tpu.memref_squeeze %dma_wait3A_124 : memref<1x!tpu.dma_semaphore, #tpu.memory_space<semaphore_mem>> -> memref<!tpu.dma_semaphore, #tpu.memory_space<semaphore_mem>>
          tpu.wait_indirect_dma semaphore(%dma_wait3A_125 : memref<!tpu.dma_semaphore, #tpu.memory_space<semaphore_mem>>) src(%dma_wait3A_117 : memref<80x64xf32, #tpu.memory_space<vmem>>) dst(%dma_wait3A_123 : memref<10000x64xf32, #tpu.memory_space<vmem_shared>>)
        } else {
        }
        %add3A_99 = arith.constant 2 : i32
        %add3A_100 = arith.addi %scan3A_60, %add3A_99 : i32
        %dma_start3A_101 = arith.constant 0 : i32
        %dma_start3A_102 = arith.constant 0 : i32
        %dma_start3A_103 = tpu.memref_slice %arg8[%rem3A_94, %dma_start3A_101, %dma_start3A_102] : memref<4x80x64xbf16, #tpu.memory_space<vmem>> -> memref<1x80x64xbf16, #tpu.memory_space<vmem>>
        %dma_start3A_104 = tpu.memref_squeeze %dma_start3A_103 : memref<1x80x64xbf16, #tpu.memory_space<vmem>> -> memref<80x64xbf16, #tpu.memory_space<vmem>>
        %dma_start3A_105 = arith.constant 0 : i32
        %dma_start3A_106 = tpu.memref_slice %arg6[%add3A_100, %dma_start3A_105] : memref<125x80xi32, #tpu.memory_space<vmem>> -> memref<1x80xi32, #tpu.memory_space<vmem>>
        %dma_start3A_107 = tpu.memref_squeeze %dma_start3A_106 : memref<1x80xi32, #tpu.memory_space<vmem>> -> memref<80xi32, #tpu.memory_space<vmem>>
        %dma_start3A_108 = arith.constant 0 : i32
        %dma_start3A_109 = arith.constant 0 : i32
        %dma_start3A_110 = tpu.memref_slice %arg2[%dma_start3A_108, %dma_start3A_109] : memref<10000x64xbf16, #tpu.memory_space<hbm>> -> memref<10000x64xbf16, #tpu.memory_space<hbm>>
        %dma_start3A_111 = tpu.memref_slice %arg13[%rem3A_94] : memref<4x!tpu.dma_semaphore, #tpu.memory_space<semaphore_mem>> -> memref<1x!tpu.dma_semaphore, #tpu.memory_space<semaphore_mem>>
        %dma_start3A_112 = tpu.memref_squeeze %dma_start3A_111 : memref<1x!tpu.dma_semaphore, #tpu.memory_space<semaphore_mem>> -> memref<!tpu.dma_semaphore, #tpu.memory_space<semaphore_mem>>
        tpu.enqueue_indirect_dma source(%dma_start3A_110 : memref<10000x64xbf16, #tpu.memory_space<hbm>>) target(%dma_start3A_104 : memref<80x64xbf16, #tpu.memory_space<vmem>>) offsets(%dma_start3A_107 : memref<80xi32, #tpu.memory_space<vmem>>) semaphore(%dma_start3A_112 : memref<!tpu.dma_semaphore, #tpu.memory_space<semaphore_mem>>)
      } else {
      }
    }
    %scan3A_46 = arith.constant 125 : i32
    %scan3A_47 = arith.constant 0 : i32
    %scan3A_48 = arith.constant 0 : i32
    %scan3A_49 = arith.constant 4 : i32
    %scan3A_50 = arith.addi %scan3A_48, %scan3A_49 : i32
    %scan3A_51 = arith.constant 1 : i32
    scf.for %scan3A_60 = %scan3A_48 to %scan3A_50 step %scan3A_51  : i32 {
      %add3A_61 = arith.constant 121 : i32
      %add3A_62 = arith.addi %add3A_61, %scan3A_60 : i32
      %rem3A = arith.constant 4 : i32
      %rem3A_63 = arith.remsi %add3A_62, %rem3A : i32
      %dma_wait3A = arith.constant 0 : i32
      %dma_wait3A_64 = arith.constant 0 : i32
      %dma_wait3A_65 = tpu.memref_slice %arg9[%rem3A_63, %dma_wait3A, %dma_wait3A_64] : memref<4x80x64xf32, #tpu.memory_space<vmem>> -> memref<1x80x64xf32, #tpu.memory_space<vmem>>
      %dma_wait3A_66 = tpu.memref_squeeze %dma_wait3A_65 : memref<1x80x64xf32, #tpu.memory_space<vmem>> -> memref<80x64xf32, #tpu.memory_space<vmem>>
      %dma_wait3A_67 = arith.constant 0 : i32
      %dma_wait3A_68 = tpu.memref_slice %arg7[%add3A_62, %dma_wait3A_67] : memref<125x80xi32, #tpu.memory_space<vmem>> -> memref<1x80xi32, #tpu.memory_space<vmem>>
      %dma_wait3A_69 = tpu.memref_squeeze %dma_wait3A_68 : memref<1x80xi32, #tpu.memory_space<vmem>> -> memref<80xi32, #tpu.memory_space<vmem>>
      %dma_wait3A_70 = arith.constant 0 : i32
      %dma_wait3A_71 = arith.constant 0 : i32
      %dma_wait3A_72 = tpu.memref_slice %arg12[%dma_wait3A_70, %dma_wait3A_71] : memref<10000x64xf32, #tpu.memory_space<vmem_shared>> -> memref<10000x64xf32, #tpu.memory_space<vmem_shared>>
      %dma_wait3A_73 = tpu.memref_slice %arg14[%rem3A_63] : memref<4x!tpu.dma_semaphore, #tpu.memory_space<semaphore_mem>> -> memref<1x!tpu.dma_semaphore, #tpu.memory_space<semaphore_mem>>
      %dma_wait3A_74 = tpu.memref_squeeze %dma_wait3A_73 : memref<1x!tpu.dma_semaphore, #tpu.memory_space<semaphore_mem>> -> memref<!tpu.dma_semaphore, #tpu.memory_space<semaphore_mem>>
      tpu.wait_indirect_dma semaphore(%dma_wait3A_74 : memref<!tpu.dma_semaphore, #tpu.memory_space<semaphore_mem>>) src(%dma_wait3A_66 : memref<80x64xf32, #tpu.memory_space<vmem>>) dst(%dma_wait3A_72 : memref<10000x64xf32, #tpu.memory_space<vmem_shared>>)
    }
    %scan3A_52 = arith.constant 4 : i32
    %barrier3A_53 = arith.constant 0 : index
    tpu.barrier barrier_id(%barrier3A_53)
    %scan3A_54 = arith.constant 0 : i32
    %scan3A_55 = arith.constant 0 : i32
    %scan3A_56 = arith.constant 5 : i32
    %scan3A_57 = arith.addi %scan3A_55, %scan3A_56 : i32
    %scan3A_58 = arith.constant 1 : i32
    scf.for %scan3A_60 = %scan3A_55 to %scan3A_57 step %scan3A_58  : i32 {
      %mul3A_61 = arith.constant 625 : i32
      %mul3A_62 = arith.muli %arg1, %mul3A_61 : i32
      %mul3A_63 = arith.constant 125 : i32
      %mul3A_64 = arith.muli %scan3A_60, %mul3A_63 : i32
      %add3A_65 = arith.addi %mul3A_62, %mul3A_64 : i32
      "tpu.region"() ({
        %run_scoped3A = tpu.sem_alloc : memref<!tpu.dma_semaphore, #tpu.memory_space<semaphore_mem>>
        %dma_start3A_72 = arith.constant 0 : i32
        %dma_start3A_73 = tpu.memref_slice %arg12[%add3A_65, %dma_start3A_72] : memref<10000x64xf32, #tpu.memory_space<vmem_shared>> -> memref<125x64xf32, #tpu.memory_space<vmem_shared>>
        %dma_start3A_74 = arith.constant 0 : i32
        %dma_start3A_75 = tpu.memref_slice %arg12[%add3A_65, %dma_start3A_74] : memref<10000x64xf32, #tpu.memory_space<vmem_shared>> -> memref<125x64xf32, #tpu.memory_space<vmem_shared>>
        tpu.enqueue_dma source(%dma_start3A_75 : memref<125x64xf32, #tpu.memory_space<vmem_shared>>) target(%arg10 : memref<125x64xf32, #tpu.memory_space<vmem>>) target_semaphore(%run_scoped3A : memref<!tpu.dma_semaphore, #tpu.memory_space<semaphore_mem>>)
        %dma_wait3A = arith.constant 0 : i32
        %dma_wait3A_76 = tpu.memref_slice %arg12[%add3A_65, %dma_wait3A] : memref<10000x64xf32, #tpu.memory_space<vmem_shared>> -> memref<125x64xf32, #tpu.memory_space<vmem_shared>>
        %dma_wait3A_77 = arith.constant 0 : i32
        %dma_wait3A_78 = tpu.memref_slice %arg12[%add3A_65, %dma_wait3A_77] : memref<10000x64xf32, #tpu.memory_space<vmem_shared>> -> memref<125x64xf32, #tpu.memory_space<vmem_shared>>
        tpu.wait_dma2 semaphore(%run_scoped3A : memref<!tpu.dma_semaphore, #tpu.memory_space<semaphore_mem>>) src(%dma_wait3A_78 : memref<125x64xf32, #tpu.memory_space<vmem_shared>>) dst(%arg10 : memref<125x64xf32, #tpu.memory_space<vmem>>)
        tpu.yield
      }) : () -> ()
      %scan3A_66 = arith.constant 0 : i32
      %scan3A_67 = arith.constant 0 : i32
      %scan3A_68 = arith.constant 125 : i32
      %scan3A_69 = arith.addi %scan3A_67, %scan3A_68 : i32
      %scan3A_70 = arith.constant 1 : i32
      scf.for %scan3A_72 = %scan3A_67 to %scan3A_69 step %scan3A_70  : i32 {
        %get3A = arith.index_cast %scan3A_72 : i32 to index
        %get3A_73 = arith.constant 0 : index
        %get3A_74 = tpu.vector_load %arg10[%get3A, %get3A_73] {strides = array<i32>} : memref<125x64xf32, #tpu.memory_space<vmem>>, vector<16xf32>,
        %swap3A = arith.index_cast %scan3A_72 : i32 to index
        %swap3A_75 = arith.constant 0 : index
        %swap3A_76 = tpu.vector_load %arg11[%swap3A, %swap3A_75] {strides = array<i32>} : memref<125x128xf32, #tpu.memory_space<vmem>>, vector<16xf32>,
        tpu.vector_store %arg11[%swap3A, %swap3A_75], %get3A_74 {strides = array<i32>} : memref<125x128xf32, #tpu.memory_space<vmem>>, vector<16xf32>,
        %get3A_77 = arith.index_cast %scan3A_72 : i32 to index
        %get3A_78 = arith.constant 16 : index
        %get3A_79 = tpu.vector_load %arg10[%get3A_77, %get3A_78] {strides = array<i32>} : memref<125x64xf32, #tpu.memory_space<vmem>>, vector<16xf32>,
        %swap3A_80 = arith.index_cast %scan3A_72 : i32 to index
        %swap3A_81 = arith.constant 16 : index
        %swap3A_82 = tpu.vector_load %arg11[%swap3A_80, %swap3A_81] {strides = array<i32>} : memref<125x128xf32, #tpu.memory_space<vmem>>, vector<16xf32>,
        tpu.vector_store %arg11[%swap3A_80, %swap3A_81], %get3A_79 {strides = array<i32>} : memref<125x128xf32, #tpu.memory_space<vmem>>, vector<16xf32>,
        %get3A_83 = arith.index_cast %scan3A_72 : i32 to index
        %get3A_84 = arith.constant 32 : index
        %get3A_85 = tpu.vector_load %arg10[%get3A_83, %get3A_84] {strides = array<i32>} : memref<125x64xf32, #tpu.memory_space<vmem>>, vector<16xf32>,
        %swap3A_86 = arith.index_cast %scan3A_72 : i32 to index
        %swap3A_87 = arith.constant 32 : index
        %swap3A_88 = tpu.vector_load %arg11[%swap3A_86, %swap3A_87] {strides = array<i32>} : memref<125x128xf32, #tpu.memory_space<vmem>>, vector<16xf32>,
        tpu.vector_store %arg11[%swap3A_86, %swap3A_87], %get3A_85 {strides = array<i32>} : memref<125x128xf32, #tpu.memory_space<vmem>>, vector<16xf32>,
        %get3A_89 = arith.index_cast %scan3A_72 : i32 to index
        %get3A_90 = arith.constant 48 : index
        %get3A_91 = tpu.vector_load %arg10[%get3A_89, %get3A_90] {strides = array<i32>} : memref<125x64xf32, #tpu.memory_space<vmem>>, vector<16xf32>,
        %swap3A_92 = arith.index_cast %scan3A_72 : i32 to index
        %swap3A_93 = arith.constant 48 : index
        %swap3A_94 = tpu.vector_load %arg11[%swap3A_92, %swap3A_93] {strides = array<i32>} : memref<125x128xf32, #tpu.memory_space<vmem>>, vector<16xf32>,
        tpu.vector_store %arg11[%swap3A_92, %swap3A_93], %get3A_91 {strides = array<i32>} : memref<125x128xf32, #tpu.memory_space<vmem>>, vector<16xf32>,
      }
      %scan3A_71 = arith.constant 125 : i32
      "tpu.region"() ({
        %run_scoped3A = tpu.sem_alloc : memref<!tpu.dma_semaphore, #tpu.memory_space<semaphore_mem>>
        %dma_start3A_72 = arith.constant 0 : i32
        %dma_start3A_73 = tpu.memref_slice %arg5[%arg0, %add3A_65, %dma_start3A_72] : memref<2x10000x128xf32, #tpu.memory_space<hbm>> -> memref<1x125x128xf32, #tpu.memory_space<hbm>>
        %dma_start3A_74 = tpu.memref_squeeze %dma_start3A_73 : memref<1x125x128xf32, #tpu.memory_space<hbm>> -> memref<125x128xf32, #tpu.memory_space<hbm>>
        %dma_start3A_75 = arith.constant 0 : i32
        %dma_start3A_76 = tpu.memref_slice %arg5[%arg0, %add3A_65, %dma_start3A_75] : memref<2x10000x128xf32, #tpu.memory_space<hbm>> -> memref<1x125x128xf32, #tpu.memory_space<hbm>>
        %dma_start3A_77 = tpu.memref_squeeze %dma_start3A_76 : memref<1x125x128xf32, #tpu.memory_space<hbm>> -> memref<125x128xf32, #tpu.memory_space<hbm>>
        tpu.enqueue_dma source(%arg11 : memref<125x128xf32, #tpu.memory_space<vmem>>) target(%dma_start3A_77 : memref<125x128xf32, #tpu.memory_space<hbm>>) target_semaphore(%run_scoped3A : memref<!tpu.dma_semaphore, #tpu.memory_space<semaphore_mem>>)
        %dma_wait3A = arith.constant 0 : i32
        %dma_wait3A_78 = tpu.memref_slice %arg5[%arg0, %add3A_65, %dma_wait3A] : memref<2x10000x128xf32, #tpu.memory_space<hbm>> -> memref<1x125x128xf32, #tpu.memory_space<hbm>>
        %dma_wait3A_79 = tpu.memref_squeeze %dma_wait3A_78 : memref<1x125x128xf32, #tpu.memory_space<hbm>> -> memref<125x128xf32, #tpu.memory_space<hbm>>
        %dma_wait3A_80 = arith.constant 0 : i32
        %dma_wait3A_81 = tpu.memref_slice %arg5[%arg0, %add3A_65, %dma_wait3A_80] : memref<2x10000x128xf32, #tpu.memory_space<hbm>> -> memref<1x125x128xf32, #tpu.memory_space<hbm>>
        %dma_wait3A_82 = tpu.memref_squeeze %dma_wait3A_81 : memref<1x125x128xf32, #tpu.memory_space<hbm>> -> memref<125x128xf32, #tpu.memory_space<hbm>>
        tpu.wait_dma2 semaphore(%run_scoped3A : memref<!tpu.dma_semaphore, #tpu.memory_space<semaphore_mem>>) src(%arg11 : memref<125x128xf32, #tpu.memory_space<vmem>>) dst(%dma_wait3A_82 : memref<125x128xf32, #tpu.memory_space<hbm>>)
        tpu.yield
      }) : () -> ()
    }
    %scan3A_59 = arith.constant 5 : i32
    return
  }
}

#map = affine_map<(d0, d1) -> (0, 0)>
#map1 = affine_map<(d0, d1) -> (0, 0, 0)>
module attributes {stable_mosaic.version = 14 : i64} {
  func.func @_gcn_body(%arg0: i32, %arg1: i32, %arg2: memref<10000x64xbf16, #tpu.memory_space<hbm>>, %arg3: memref<32x125x80xi32, #tpu.memory_space<hbm>>, %arg4: memref<32x125x80xi32, #tpu.memory_space<hbm>>, %arg5: memref<2x10000x128xf32, #tpu.memory_space<hbm>>, %arg6: memref<125x80xi32, #tpu.memory_space<vmem>>, %arg7: memref<125x80xi32, #tpu.memory_space<vmem>>, %arg8: memref<4x80x64xbf16, #tpu.memory_space<vmem>>, %arg9: memref<4x80x64xf32, #tpu.memory_space<vmem>>, %arg10: memref<125x64xf32, #tpu.memory_space<vmem>>, %arg11: memref<125x128xf32, #tpu.memory_space<vmem>>, %arg12: memref<10000x64xf32, #tpu.memory_space<vmem_shared>>, %arg13: memref<4x!tpu.dma_semaphore, #tpu.memory_space<semaphore_mem>>, %arg14: memref<4x!tpu.dma_semaphore, #tpu.memory_space<semaphore_mem>>) attributes {dimension_semantics = [#tpu.dimension_semantics<core_parallel>, #tpu.dimension_semantics<subcore_parallel>], iteration_bounds = array<i64: 2, 16>, scalar_prefetch = 0 : i64, scratch_operands = 9 : i64, tpu.core_type = #tpu.core_type<sc_vector_subcore>, window_params = [{transform_indices = #map}, {transform_indices = #map1}, {transform_indices = #map1}, {transform_indices = #map1}]} {
    %mul3A = arith.constant 16 : i32
    %mul3A_0 = arith.muli %arg0, %mul3A : i32
    %add3A = arith.addi %mul3A_0, %arg1 : i32
    "tpu.region"() ({
      %run_scoped3A = tpu.sem_alloc : memref<!tpu.dma_semaphore, #tpu.memory_space<semaphore_mem>>
      %dma_start3A_60 = arith.constant 0 : i32
      %dma_start3A_61 = arith.constant 0 : i32
      %dma_start3A_62 = tpu.memref_slice %arg3[%add3A, %dma_start3A_60, %dma_start3A_61] : memref<32x125x80xi32, #tpu.memory_space<hbm>> -> memref<1x125x80xi32, #tpu.memory_space<hbm>>
      %dma_start3A_63 = tpu.memref_squeeze %dma_start3A_62 : memref<1x125x80xi32, #tpu.memory_space<hbm>> -> memref<125x80xi32, #tpu.memory_space<hbm>>
      %dma_start3A_64 = arith.constant 0 : i32
      %dma_start3A_65 = arith.constant 0 : i32
      %dma_start3A_66 = tpu.memref_slice %arg3[%add3A, %dma_start3A_64, %dma_start3A_65] : memref<32x125x80xi32, #tpu.memory_space<hbm>> -> memref<1x125x80xi32, #tpu.memory_space<hbm>>
      %dma_start3A_67 = tpu.memref_squeeze %dma_start3A_66 : memref<1x125x80xi32, #tpu.memory_space<hbm>> -> memref<125x80xi32, #tpu.memory_space<hbm>>
      tpu.enqueue_dma source(%dma_start3A_67 : memref<125x80xi32, #tpu.memory_space<hbm>>) target(%arg6 : memref<125x80xi32, #tpu.memory_space<vmem>>) target_semaphore(%run_scoped3A : memref<!tpu.dma_semaphore, #tpu.memory_space<semaphore_mem>>)
      %dma_wait3A = arith.constant 0 : i32
      %dma_wait3A_68 = arith.constant 0 : i32
      %dma_wait3A_69 = tpu.memref_slice %arg3[%add3A, %dma_wait3A, %dma_wait3A_68] : memref<32x125x80xi32, #tpu.memory_space<hbm>> -> memref<1x125x80xi32, #tpu.memory_space<hbm>>
      %dma_wait3A_70 = tpu.memref_squeeze %dma_wait3A_69 : memref<1x125x80xi32, #tpu.memory_space<hbm>> -> memref<125x80xi32, #tpu.memory_space<hbm>>
      %dma_wait3A_71 = arith.constant 0 : i32
      %dma_wait3A_72 = arith.constant 0 : i32
      %dma_wait3A_73 = tpu.memref_slice %arg3[%add3A, %dma_wait3A_71, %dma_wait3A_72] : memref<32x125x80xi32, #tpu.memory_space<hbm>> -> memref<1x125x80xi32, #tpu.memory_space<hbm>>
      %dma_wait3A_74 = tpu.memref_squeeze %dma_wait3A_73 : memref<1x125x80xi32, #tpu.memory_space<hbm>> -> memref<125x80xi32, #tpu.memory_space<hbm>>
      tpu.wait_dma2 semaphore(%run_scoped3A : memref<!tpu.dma_semaphore, #tpu.memory_space<semaphore_mem>>) src(%dma_wait3A_74 : memref<125x80xi32, #tpu.memory_space<hbm>>) dst(%arg6 : memref<125x80xi32, #tpu.memory_space<vmem>>)
      tpu.yield
    }) : () -> ()
    "tpu.region"() ({
      %run_scoped3A = tpu.sem_alloc : memref<!tpu.dma_semaphore, #tpu.memory_space<semaphore_mem>>
      %dma_start3A_60 = arith.constant 0 : i32
      %dma_start3A_61 = arith.constant 0 : i32
      %dma_start3A_62 = tpu.memref_slice %arg4[%add3A, %dma_start3A_60, %dma_start3A_61] : memref<32x125x80xi32, #tpu.memory_space<hbm>> -> memref<1x125x80xi32, #tpu.memory_space<hbm>>
      %dma_start3A_63 = tpu.memref_squeeze %dma_start3A_62 : memref<1x125x80xi32, #tpu.memory_space<hbm>> -> memref<125x80xi32, #tpu.memory_space<hbm>>
      %dma_start3A_64 = arith.constant 0 : i32
      %dma_start3A_65 = arith.constant 0 : i32
      %dma_start3A_66 = tpu.memref_slice %arg4[%add3A, %dma_start3A_64, %dma_start3A_65] : memref<32x125x80xi32, #tpu.memory_space<hbm>> -> memref<1x125x80xi32, #tpu.memory_space<hbm>>
      %dma_start3A_67 = tpu.memref_squeeze %dma_start3A_66 : memref<1x125x80xi32, #tpu.memory_space<hbm>> -> memref<125x80xi32, #tpu.memory_space<hbm>>
      tpu.enqueue_dma source(%dma_start3A_67 : memref<125x80xi32, #tpu.memory_space<hbm>>) target(%arg7 : memref<125x80xi32, #tpu.memory_space<vmem>>) target_semaphore(%run_scoped3A : memref<!tpu.dma_semaphore, #tpu.memory_space<semaphore_mem>>)
      %dma_wait3A = arith.constant 0 : i32
      %dma_wait3A_68 = arith.constant 0 : i32
      %dma_wait3A_69 = tpu.memref_slice %arg4[%add3A, %dma_wait3A, %dma_wait3A_68] : memref<32x125x80xi32, #tpu.memory_space<hbm>> -> memref<1x125x80xi32, #tpu.memory_space<hbm>>
      %dma_wait3A_70 = tpu.memref_squeeze %dma_wait3A_69 : memref<1x125x80xi32, #tpu.memory_space<hbm>> -> memref<125x80xi32, #tpu.memory_space<hbm>>
      %dma_wait3A_71 = arith.constant 0 : i32
      %dma_wait3A_72 = arith.constant 0 : i32
      %dma_wait3A_73 = tpu.memref_slice %arg4[%add3A, %dma_wait3A_71, %dma_wait3A_72] : memref<32x125x80xi32, #tpu.memory_space<hbm>> -> memref<1x125x80xi32, #tpu.memory_space<hbm>>
      %dma_wait3A_74 = tpu.memref_squeeze %dma_wait3A_73 : memref<1x125x80xi32, #tpu.memory_space<hbm>> -> memref<125x80xi32, #tpu.memory_space<hbm>>
      tpu.wait_dma2 semaphore(%run_scoped3A : memref<!tpu.dma_semaphore, #tpu.memory_space<semaphore_mem>>) src(%dma_wait3A_74 : memref<125x80xi32, #tpu.memory_space<hbm>>) dst(%arg7 : memref<125x80xi32, #tpu.memory_space<vmem>>)
      tpu.yield
    }) : () -> ()
    %scan3A = arith.constant 0 : i32
    %scan3A_1 = arith.constant 0 : i32
    %scan3A_2 = arith.constant 125 : i32
    %scan3A_3 = arith.addi %scan3A_1, %scan3A_2 : i32
    %scan3A_4 = arith.constant 1 : i32
    scf.for %scan3A_60 = %scan3A_1 to %scan3A_3 step %scan3A_4  : i32 {
      %broadcast_in_dim3A = arith.constant 0.000000e+00 : f32
      %broadcast_in_dim3A_61 = vector.broadcast %broadcast_in_dim3A : f32 to vector<16xf32>
      %swap3A = arith.index_cast %scan3A_60 : i32 to index
      %swap3A_62 = arith.constant 0 : index
      %swap3A_63 = tpu.vector_load %arg10[%swap3A, %swap3A_62] {strides = array<i32>} : memref<125x64xf32, #tpu.memory_space<vmem>>, vector<16xf32>,
      tpu.vector_store %arg10[%swap3A, %swap3A_62], %broadcast_in_dim3A_61 {strides = array<i32>} : memref<125x64xf32, #tpu.memory_space<vmem>>, vector<16xf32>,
      %broadcast_in_dim3A_64 = arith.constant 0.000000e+00 : f32
      %broadcast_in_dim3A_65 = vector.broadcast %broadcast_in_dim3A_64 : f32 to vector<16xf32>
      %swap3A_66 = arith.index_cast %scan3A_60 : i32 to index
      %swap3A_67 = arith.constant 16 : index
      %swap3A_68 = tpu.vector_load %arg10[%swap3A_66, %swap3A_67] {strides = array<i32>} : memref<125x64xf32, #tpu.memory_space<vmem>>, vector<16xf32>,
      tpu.vector_store %arg10[%swap3A_66, %swap3A_67], %broadcast_in_dim3A_65 {strides = array<i32>} : memref<125x64xf32, #tpu.memory_space<vmem>>, vector<16xf32>,
      %broadcast_in_dim3A_69 = arith.constant 0.000000e+00 : f32
      %broadcast_in_dim3A_70 = vector.broadcast %broadcast_in_dim3A_69 : f32 to vector<16xf32>
      %swap3A_71 = arith.index_cast %scan3A_60 : i32 to index
      %swap3A_72 = arith.constant 32 : index
      %swap3A_73 = tpu.vector_load %arg10[%swap3A_71, %swap3A_72] {strides = array<i32>} : memref<125x64xf32, #tpu.memory_space<vmem>>, vector<16xf32>,
      tpu.vector_store %arg10[%swap3A_71, %swap3A_72], %broadcast_in_dim3A_70 {strides = array<i32>} : memref<125x64xf32, #tpu.memory_space<vmem>>, vector<16xf32>,
      %broadcast_in_dim3A_74 = arith.constant 0.000000e+00 : f32
      %broadcast_in_dim3A_75 = vector.broadcast %broadcast_in_dim3A_74 : f32 to vector<16xf32>
      %swap3A_76 = arith.index_cast %scan3A_60 : i32 to index
      %swap3A_77 = arith.constant 48 : index
      %swap3A_78 = tpu.vector_load %arg10[%swap3A_76, %swap3A_77] {strides = array<i32>} : memref<125x64xf32, #tpu.memory_space<vmem>>, vector<16xf32>,
      tpu.vector_store %arg10[%swap3A_76, %swap3A_77], %broadcast_in_dim3A_75 {strides = array<i32>} : memref<125x64xf32, #tpu.memory_space<vmem>>, vector<16xf32>,
    }
    %scan3A_5 = arith.constant 125 : i32
    %scan3A_6 = arith.constant 0 : i32
    %scan3A_7 = arith.constant 0 : i32
    %scan3A_8 = arith.constant 5 : i32
    %scan3A_9 = arith.addi %scan3A_7, %scan3A_8 : i32
    %scan3A_10 = arith.constant 1 : i32
    scf.for %scan3A_60 = %scan3A_7 to %scan3A_9 step %scan3A_10  : i32 {
      %mul3A_61 = arith.constant 625 : i32
      %mul3A_62 = arith.muli %arg1, %mul3A_61 : i32
      %mul3A_63 = arith.constant 125 : i32
      %mul3A_64 = arith.muli %scan3A_60, %mul3A_63 : i32
      %add3A_65 = arith.addi %mul3A_62, %mul3A_64 : i32
      "tpu.region"() ({
        %run_scoped3A = tpu.sem_alloc : memref<!tpu.dma_semaphore, #tpu.memory_space<semaphore_mem>>
        %dma_start3A_66 = arith.constant 0 : i32
        %dma_start3A_67 = tpu.memref_slice %arg12[%add3A_65, %dma_start3A_66] : memref<10000x64xf32, #tpu.memory_space<vmem_shared>> -> memref<125x64xf32, #tpu.memory_space<vmem_shared>>
        %dma_start3A_68 = arith.constant 0 : i32
        %dma_start3A_69 = tpu.memref_slice %arg12[%add3A_65, %dma_start3A_68] : memref<10000x64xf32, #tpu.memory_space<vmem_shared>> -> memref<125x64xf32, #tpu.memory_space<vmem_shared>>
        tpu.enqueue_dma source(%arg10 : memref<125x64xf32, #tpu.memory_space<vmem>>) target(%dma_start3A_69 : memref<125x64xf32, #tpu.memory_space<vmem_shared>>) target_semaphore(%run_scoped3A : memref<!tpu.dma_semaphore, #tpu.memory_space<semaphore_mem>>)
        %dma_wait3A = arith.constant 0 : i32
        %dma_wait3A_70 = tpu.memref_slice %arg12[%add3A_65, %dma_wait3A] : memref<10000x64xf32, #tpu.memory_space<vmem_shared>> -> memref<125x64xf32, #tpu.memory_space<vmem_shared>>
        %dma_wait3A_71 = arith.constant 0 : i32
        %dma_wait3A_72 = tpu.memref_slice %arg12[%add3A_65, %dma_wait3A_71] : memref<10000x64xf32, #tpu.memory_space<vmem_shared>> -> memref<125x64xf32, #tpu.memory_space<vmem_shared>>
        tpu.wait_dma2 semaphore(%run_scoped3A : memref<!tpu.dma_semaphore, #tpu.memory_space<semaphore_mem>>) src(%arg10 : memref<125x64xf32, #tpu.memory_space<vmem>>) dst(%dma_wait3A_72 : memref<125x64xf32, #tpu.memory_space<vmem_shared>>)
        tpu.yield
      }) : () -> ()
    }
    %scan3A_11 = arith.constant 5 : i32
    %barrier3A = arith.constant 0 : index
    tpu.barrier barrier_id(%barrier3A)
    %dma_start3A = arith.constant 0 : i32
    %dma_start3A_12 = arith.constant 0 : i32
    %dma_start3A_13 = arith.constant 0 : i32
    %dma_start3A_14 = arith.constant 0 : i32
    %dma_start3A_15 = arith.constant 0 : i32
    %dma_start3A_16 = tpu.memref_slice %arg8[%dma_start3A_12, %dma_start3A_14, %dma_start3A_15] : memref<4x80x64xbf16, #tpu.memory_space<vmem>> -> memref<1x80x64xbf16, #tpu.memory_space<vmem>>
    %dma_start3A_17 = tpu.memref_squeeze %dma_start3A_16 : memref<1x80x64xbf16, #tpu.memory_space<vmem>> -> memref<80x64xbf16, #tpu.memory_space<vmem>>
    %dma_start3A_18 = arith.constant 0 : i32
    %dma_start3A_19 = tpu.memref_slice %arg6[%dma_start3A, %dma_start3A_18] : memref<125x80xi32, #tpu.memory_space<vmem>> -> memref<1x80xi32, #tpu.memory_space<vmem>>
    %dma_start3A_20 = tpu.memref_squeeze %dma_start3A_19 : memref<1x80xi32, #tpu.memory_space<vmem>> -> memref<80xi32, #tpu.memory_space<vmem>>
    %dma_start3A_21 = arith.constant 0 : i32
    %dma_start3A_22 = arith.constant 0 : i32
    %dma_start3A_23 = tpu.memref_slice %arg2[%dma_start3A_21, %dma_start3A_22] : memref<10000x64xbf16, #tpu.memory_space<hbm>> -> memref<10000x64xbf16, #tpu.memory_space<hbm>>
    %dma_start3A_24 = tpu.memref_slice %arg13[%dma_start3A_13] : memref<4x!tpu.dma_semaphore, #tpu.memory_space<semaphore_mem>> -> memref<1x!tpu.dma_semaphore, #tpu.memory_space<semaphore_mem>>
    %dma_start3A_25 = tpu.memref_squeeze %dma_start3A_24 : memref<1x!tpu.dma_semaphore, #tpu.memory_space<semaphore_mem>> -> memref<!tpu.dma_semaphore, #tpu.memory_space<semaphore_mem>>
    tpu.enqueue_indirect_dma source(%dma_start3A_23 : memref<10000x64xbf16, #tpu.memory_space<hbm>>) target(%dma_start3A_17 : memref<80x64xbf16, #tpu.memory_space<vmem>>) offsets(%dma_start3A_20 : memref<80xi32, #tpu.memory_space<vmem>>) semaphore(%dma_start3A_25 : memref<!tpu.dma_semaphore, #tpu.memory_space<semaphore_mem>>)
    %dma_start3A_26 = arith.constant 1 : i32
    %dma_start3A_27 = arith.constant 1 : i32
    %dma_start3A_28 = arith.constant 1 : i32
    %dma_start3A_29 = arith.constant 0 : i32
    %dma_start3A_30 = arith.constant 0 : i32
    %dma_start3A_31 = tpu.memref_slice %arg8[%dma_start3A_27, %dma_start3A_29, %dma_start3A_30] : memref<4x80x64xbf16, #tpu.memory_space<vmem>> -> memref<1x80x64xbf16, #tpu.memory_space<vmem>>
    %dma_start3A_32 = tpu.memref_squeeze %dma_start3A_31 : memref<1x80x64xbf16, #tpu.memory_space<vmem>> -> memref<80x64xbf16, #tpu.memory_space<vmem>>
    %dma_start3A_33 = arith.constant 0 : i32
    %dma_start3A_34 = tpu.memref_slice %arg6[%dma_start3A_26, %dma_start3A_33] : memref<125x80xi32, #tpu.memory_space<vmem>> -> memref<1x80xi32, #tpu.memory_space<vmem>>
    %dma_start3A_35 = tpu.memref_squeeze %dma_start3A_34 : memref<1x80xi32, #tpu.memory_space<vmem>> -> memref<80xi32, #tpu.memory_space<vmem>>
    %dma_start3A_36 = arith.constant 0 : i32
    %dma_start3A_37 = arith.constant 0 : i32
    %dma_start3A_38 = tpu.memref_slice %arg2[%dma_start3A_36, %dma_start3A_37] : memref<10000x64xbf16, #tpu.memory_space<hbm>> -> memref<10000x64xbf16, #tpu.memory_space<hbm>>
    %dma_start3A_39 = tpu.memref_slice %arg13[%dma_start3A_28] : memref<4x!tpu.dma_semaphore, #tpu.memory_space<semaphore_mem>> -> memref<1x!tpu.dma_semaphore, #tpu.memory_space<semaphore_mem>>
    %dma_start3A_40 = tpu.memref_squeeze %dma_start3A_39 : memref<1x!tpu.dma_semaphore, #tpu.memory_space<semaphore_mem>> -> memref<!tpu.dma_semaphore, #tpu.memory_space<semaphore_mem>>
    tpu.enqueue_indirect_dma source(%dma_start3A_38 : memref<10000x64xbf16, #tpu.memory_space<hbm>>) target(%dma_start3A_32 : memref<80x64xbf16, #tpu.memory_space<vmem>>) offsets(%dma_start3A_35 : memref<80xi32, #tpu.memory_space<vmem>>) semaphore(%dma_start3A_40 : memref<!tpu.dma_semaphore, #tpu.memory_space<semaphore_mem>>)
    %scan3A_41 = arith.constant 0 : i32
    %scan3A_42 = arith.constant 0 : i32
    %scan3A_43 = arith.constant 125 : i32
    %scan3A_44 = arith.addi %scan3A_42, %scan3A_43 : i32
    %scan3A_45 = arith.constant 1 : i32
    scf.for %scan3A_60 = %scan3A_42 to %scan3A_44 step %scan3A_45  : i32 {
      %rem3A = arith.constant 4 : i32
      %rem3A_61 = arith.remsi %scan3A_60, %rem3A : i32
      %dma_wait3A = arith.constant 0 : i32
      %dma_wait3A_62 = arith.constant 0 : i32
      %dma_wait3A_63 = tpu.memref_slice %arg8[%rem3A_61, %dma_wait3A, %dma_wait3A_62] : memref<4x80x64xbf16, #tpu.memory_space<vmem>> -> memref<1x80x64xbf16, #tpu.memory_space<vmem>>
      %dma_wait3A_64 = tpu.memref_squeeze %dma_wait3A_63 : memref<1x80x64xbf16, #tpu.memory_space<vmem>> -> memref<80x64xbf16, #tpu.memory_space<vmem>>
      %dma_wait3A_65 = arith.constant 0 : i32
      %dma_wait3A_66 = tpu.memref_slice %arg6[%scan3A_60, %dma_wait3A_65] : memref<125x80xi32, #tpu.memory_space<vmem>> -> memref<1x80xi32, #tpu.memory_space<vmem>>
      %dma_wait3A_67 = tpu.memref_squeeze %dma_wait3A_66 : memref<1x80xi32, #tpu.memory_space<vmem>> -> memref<80xi32, #tpu.memory_space<vmem>>
      %dma_wait3A_68 = arith.constant 0 : i32
      %dma_wait3A_69 = arith.constant 0 : i32
      %dma_wait3A_70 = tpu.memref_slice %arg2[%dma_wait3A_68, %dma_wait3A_69] : memref<10000x64xbf16, #tpu.memory_space<hbm>> -> memref<10000x64xbf16, #tpu.memory_space<hbm>>
      %dma_wait3A_71 = tpu.memref_slice %arg13[%rem3A_61] : memref<4x!tpu.dma_semaphore, #tpu.memory_space<semaphore_mem>> -> memref<1x!tpu.dma_semaphore, #tpu.memory_space<semaphore_mem>>
      %dma_wait3A_72 = tpu.memref_squeeze %dma_wait3A_71 : memref<1x!tpu.dma_semaphore, #tpu.memory_space<semaphore_mem>> -> memref<!tpu.dma_semaphore, #tpu.memory_space<semaphore_mem>>
      tpu.wait_indirect_dma semaphore(%dma_wait3A_72 : memref<!tpu.dma_semaphore, #tpu.memory_space<semaphore_mem>>) src(%dma_wait3A_70 : memref<10000x64xbf16, #tpu.memory_space<hbm>>) dst(%dma_wait3A_64 : memref<80x64xbf16, #tpu.memory_space<vmem>>)
      %parallel_loop3A = arith.constant 0 : i32
      %parallel_loop3A_73 = arith.constant 80 : i32
      %parallel_loop3A_74 = arith.constant 1 : i32
      scf.for %parallel_loop3A_91 = %parallel_loop3A to %parallel_loop3A_73 step %parallel_loop3A_74  : i32 {
        %parallel_loop3A_92 = arith.index_cast %rem3A_61 : i32 to index
        %parallel_loop3A_93 = arith.index_cast %parallel_loop3A_91 : i32 to index
        %parallel_loop3A_94 = arith.constant 0 : index
        %parallel_loop3A_95 = tpu.vector_load %arg8[%parallel_loop3A_92, %parallel_loop3A_93, %parallel_loop3A_94] {strides = array<i32>} : memref<4x80x64xbf16, #tpu.memory_space<vmem>>, vector<32xbf16>,
        %parallel_loop3A_96 = vector.bitcast %parallel_loop3A_95 : vector<32xbf16> to vector<16xi32>
        %parallel_loop3A_97 = arith.constant 16 : i32
        %parallel_loop3A_98 = vector.broadcast %parallel_loop3A_97 : i32 to vector<16xi32>
        %parallel_loop3A_99 = arith.shli %parallel_loop3A_96, %parallel_loop3A_98 : vector<16xi32>
        %parallel_loop3A_100 = vector.bitcast %parallel_loop3A_99 : vector<16xi32> to vector<16xf32>
        %parallel_loop3A_101 = arith.constant -65536 : i32
        %parallel_loop3A_102 = vector.broadcast %parallel_loop3A_101 : i32 to vector<16xi32>
        %parallel_loop3A_103 = arith.andi %parallel_loop3A_96, %parallel_loop3A_102 : vector<16xi32>
        %parallel_loop3A_104 = vector.bitcast %parallel_loop3A_103 : vector<16xi32> to vector<16xf32>
        %parallel_loop3A_105 = arith.index_cast %rem3A_61 : i32 to index
        %parallel_loop3A_106 = arith.index_cast %parallel_loop3A_91 : i32 to index
        %parallel_loop3A_107 = arith.constant 0 : index
        %parallel_loop3A_108 = tpu.vector_load %arg9[%parallel_loop3A_105, %parallel_loop3A_106, %parallel_loop3A_107] {strides = array<i32>} : memref<4x80x64xf32, #tpu.memory_space<vmem>>, vector<16xf32>,
        tpu.vector_store %arg9[%parallel_loop3A_105, %parallel_loop3A_106, %parallel_loop3A_107], %parallel_loop3A_100 {strides = array<i32>} : memref<4x80x64xf32, #tpu.memory_space<vmem>>, vector<16xf32>,
        %parallel_loop3A_109 = arith.index_cast %rem3A_61 : i32 to index
        %parallel_loop3A_110 = arith.index_cast %parallel_loop3A_91 : i32 to index
        %parallel_loop3A_111 = arith.constant 16 : index
        %parallel_loop3A_112 = tpu.vector_load %arg9[%parallel_loop3A_109, %parallel_loop3A_110, %parallel_loop3A_111] {strides = array<i32>} : memref<4x80x64xf32, #tpu.memory_space<vmem>>, vector<16xf32>,
        tpu.vector_store %arg9[%parallel_loop3A_109, %parallel_loop3A_110, %parallel_loop3A_111], %parallel_loop3A_104 {strides = array<i32>} : memref<4x80x64xf32, #tpu.memory_space<vmem>>, vector<16xf32>,
        %parallel_loop3A_113 = arith.index_cast %rem3A_61 : i32 to index
        %parallel_loop3A_114 = arith.index_cast %parallel_loop3A_91 : i32 to index
        %parallel_loop3A_115 = arith.constant 32 : index
        %parallel_loop3A_116 = tpu.vector_load %arg8[%parallel_loop3A_113, %parallel_loop3A_114, %parallel_loop3A_115] {strides = array<i32>} : memref<4x80x64xbf16, #tpu.memory_space<vmem>>, vector<32xbf16>,
        %parallel_loop3A_117 = vector.bitcast %parallel_loop3A_116 : vector<32xbf16> to vector<16xi32>
        %parallel_loop3A_118 = arith.constant 16 : i32
        %parallel_loop3A_119 = vector.broadcast %parallel_loop3A_118 : i32 to vector<16xi32>
        %parallel_loop3A_120 = arith.shli %parallel_loop3A_117, %parallel_loop3A_119 : vector<16xi32>
        %parallel_loop3A_121 = vector.bitcast %parallel_loop3A_120 : vector<16xi32> to vector<16xf32>
        %parallel_loop3A_122 = arith.constant -65536 : i32
        %parallel_loop3A_123 = vector.broadcast %parallel_loop3A_122 : i32 to vector<16xi32>
        %parallel_loop3A_124 = arith.andi %parallel_loop3A_117, %parallel_loop3A_123 : vector<16xi32>
        %parallel_loop3A_125 = vector.bitcast %parallel_loop3A_124 : vector<16xi32> to vector<16xf32>
        %parallel_loop3A_126 = arith.index_cast %rem3A_61 : i32 to index
        %parallel_loop3A_127 = arith.index_cast %parallel_loop3A_91 : i32 to index
        %parallel_loop3A_128 = arith.constant 32 : index
        %parallel_loop3A_129 = tpu.vector_load %arg9[%parallel_loop3A_126, %parallel_loop3A_127, %parallel_loop3A_128] {strides = array<i32>} : memref<4x80x64xf32, #tpu.memory_space<vmem>>, vector<16xf32>,
        tpu.vector_store %arg9[%parallel_loop3A_126, %parallel_loop3A_127, %parallel_loop3A_128], %parallel_loop3A_121 {strides = array<i32>} : memref<4x80x64xf32, #tpu.memory_space<vmem>>, vector<16xf32>,
        %parallel_loop3A_130 = arith.index_cast %rem3A_61 : i32 to index
        %parallel_loop3A_131 = arith.index_cast %parallel_loop3A_91 : i32 to index
        %parallel_loop3A_132 = arith.constant 48 : index
        %parallel_loop3A_133 = tpu.vector_load %arg9[%parallel_loop3A_130, %parallel_loop3A_131, %parallel_loop3A_132] {strides = array<i32>} : memref<4x80x64xf32, #tpu.memory_space<vmem>>, vector<16xf32>,
        tpu.vector_store %arg9[%parallel_loop3A_130, %parallel_loop3A_131, %parallel_loop3A_132], %parallel_loop3A_125 {strides = array<i32>} : memref<4x80x64xf32, #tpu.memory_space<vmem>>, vector<16xf32>,
      } {sc.loop_unroll_factor = 4 : i64, sc.parallel_access}
      %dma_start3A_75 = arith.constant 0 : i32
      %dma_start3A_76 = arith.constant 0 : i32
      %dma_start3A_77 = tpu.memref_slice %arg9[%rem3A_61, %dma_start3A_75, %dma_start3A_76] : memref<4x80x64xf32, #tpu.memory_space<vmem>> -> memref<1x80x64xf32, #tpu.memory_space<vmem>>
      %dma_start3A_78 = tpu.memref_squeeze %dma_start3A_77 : memref<1x80x64xf32, #tpu.memory_space<vmem>> -> memref<80x64xf32, #tpu.memory_space<vmem>>
      %dma_start3A_79 = arith.constant 0 : i32
      %dma_start3A_80 = tpu.memref_slice %arg7[%scan3A_60, %dma_start3A_79] : memref<125x80xi32, #tpu.memory_space<vmem>> -> memref<1x80xi32, #tpu.memory_space<vmem>>
      %dma_start3A_81 = tpu.memref_squeeze %dma_start3A_80 : memref<1x80xi32, #tpu.memory_space<vmem>> -> memref<80xi32, #tpu.memory_space<vmem>>
      %dma_start3A_82 = arith.constant 0 : i32
      %dma_start3A_83 = arith.constant 0 : i32
      %dma_start3A_84 = tpu.memref_slice %arg12[%dma_start3A_82, %dma_start3A_83] : memref<10000x64xf32, #tpu.memory_space<vmem_shared>> -> memref<10000x64xf32, #tpu.memory_space<vmem_shared>>
      %dma_start3A_85 = tpu.memref_slice %arg14[%rem3A_61] : memref<4x!tpu.dma_semaphore, #tpu.memory_space<semaphore_mem>> -> memref<1x!tpu.dma_semaphore, #tpu.memory_space<semaphore_mem>>
      %dma_start3A_86 = tpu.memref_squeeze %dma_start3A_85 : memref<1x!tpu.dma_semaphore, #tpu.memory_space<semaphore_mem>> -> memref<!tpu.dma_semaphore, #tpu.memory_space<semaphore_mem>>
      tpu.enqueue_indirect_dma source(%dma_start3A_78 : memref<80x64xf32, #tpu.memory_space<vmem>>) target(%dma_start3A_84 : memref<10000x64xf32, #tpu.memory_space<vmem_shared>>) offsets(%dma_start3A_81 : memref<80xi32, #tpu.memory_space<vmem>>) semaphore(%dma_start3A_86 : memref<!tpu.dma_semaphore, #tpu.memory_space<semaphore_mem>>) {add = true}
      %add3A_87 = arith.constant 2 : i32
      %add3A_88 = arith.addi %scan3A_60, %add3A_87 : i32
      %lt3A = arith.constant 125 : i32
      %lt3A_89 = arith.cmpi slt, %add3A_88, %lt3A : i32
      %convert_element_type3A = arith.extui %lt3A_89 : i1 to i32
      %cond3A = arith.constant 0 : i32
      %cond3A_90 = arith.cmpi ne, %convert_element_type3A, %cond3A : i32
      scf.if %cond3A_90 {
        %add3A_91 = arith.constant 2 : i32
        %add3A_92 = arith.addi %scan3A_60, %add3A_91 : i32
        %rem3A_93 = arith.constant 4 : i32
        %rem3A_94 = arith.remsi %add3A_92, %rem3A_93 : i32
        %ge3A = arith.constant 2 : i32
        %ge3A_95 = arith.cmpi sge, %scan3A_60, %ge3A : i32
        %convert_element_type3A_96 = arith.extui %ge3A_95 : i1 to i32
        %cond3A_97 = arith.constant 0 : i32
        %cond3A_98 = arith.cmpi ne, %convert_element_type3A_96, %cond3A_97 : i32
        scf.if %cond3A_98 {
          %sub3A = arith.constant 2 : i32
          %sub3A_113 = arith.subi %scan3A_60, %sub3A : i32
          %dma_wait3A_114 = arith.constant 0 : i32
          %dma_wait3A_115 = arith.constant 0 : i32
          %dma_wait3A_116 = tpu.memref_slice %arg9[%rem3A_94, %dma_wait3A_114, %dma_wait3A_115] : memref<4x80x64xf32, #tpu.memory_space<vmem>> -> memref<1x80x64xf32, #tpu.memory_space<vmem>>
          %dma_wait3A_117 = tpu.memref_squeeze %dma_wait3A_116 : memref<1x80x64xf32, #tpu.memory_space<vmem>> -> memref<80x64xf32, #tpu.memory_space<vmem>>
          %dma_wait3A_118 = arith.constant 0 : i32
          %dma_wait3A_119 = tpu.memref_slice %arg7[%sub3A_113, %dma_wait3A_118] : memref<125x80xi32, #tpu.memory_space<vmem>> -> memref<1x80xi32, #tpu.memory_space<vmem>>
          %dma_wait3A_120 = tpu.memref_squeeze %dma_wait3A_119 : memref<1x80xi32, #tpu.memory_space<vmem>> -> memref<80xi32, #tpu.memory_space<vmem>>
          %dma_wait3A_121 = arith.constant 0 : i32
          %dma_wait3A_122 = arith.constant 0 : i32
          %dma_wait3A_123 = tpu.memref_slice %arg12[%dma_wait3A_121, %dma_wait3A_122] : memref<10000x64xf32, #tpu.memory_space<vmem_shared>> -> memref<10000x64xf32, #tpu.memory_space<vmem_shared>>
          %dma_wait3A_124 = tpu.memref_slice %arg14[%rem3A_94] : memref<4x!tpu.dma_semaphore, #tpu.memory_space<semaphore_mem>> -> memref<1x!tpu.dma_semaphore, #tpu.memory_space<semaphore_mem>>
          %dma_wait3A_125 = tpu.memref_squeeze %dma_wait3A_124 : memref<1x!tpu.dma_semaphore, #tpu.memory_space<semaphore_mem>> -> memref<!tpu.dma_semaphore, #tpu.memory_space<semaphore_mem>>
          tpu.wait_indirect_dma semaphore(%dma_wait3A_125 : memref<!tpu.dma_semaphore, #tpu.memory_space<semaphore_mem>>) src(%dma_wait3A_117 : memref<80x64xf32, #tpu.memory_space<vmem>>) dst(%dma_wait3A_123 : memref<10000x64xf32, #tpu.memory_space<vmem_shared>>)
        } else {
        }
        %add3A_99 = arith.constant 2 : i32
        %add3A_100 = arith.addi %scan3A_60, %add3A_99 : i32
        %dma_start3A_101 = arith.constant 0 : i32
        %dma_start3A_102 = arith.constant 0 : i32
        %dma_start3A_103 = tpu.memref_slice %arg8[%rem3A_94, %dma_start3A_101, %dma_start3A_102] : memref<4x80x64xbf16, #tpu.memory_space<vmem>> -> memref<1x80x64xbf16, #tpu.memory_space<vmem>>
        %dma_start3A_104 = tpu.memref_squeeze %dma_start3A_103 : memref<1x80x64xbf16, #tpu.memory_space<vmem>> -> memref<80x64xbf16, #tpu.memory_space<vmem>>
        %dma_start3A_105 = arith.constant 0 : i32
        %dma_start3A_106 = tpu.memref_slice %arg6[%add3A_100, %dma_start3A_105] : memref<125x80xi32, #tpu.memory_space<vmem>> -> memref<1x80xi32, #tpu.memory_space<vmem>>
        %dma_start3A_107 = tpu.memref_squeeze %dma_start3A_106 : memref<1x80xi32, #tpu.memory_space<vmem>> -> memref<80xi32, #tpu.memory_space<vmem>>
        %dma_start3A_108 = arith.constant 0 : i32
        %dma_start3A_109 = arith.constant 0 : i32
        %dma_start3A_110 = tpu.memref_slice %arg2[%dma_start3A_108, %dma_start3A_109] : memref<10000x64xbf16, #tpu.memory_space<hbm>> -> memref<10000x64xbf16, #tpu.memory_space<hbm>>
        %dma_start3A_111 = tpu.memref_slice %arg13[%rem3A_94] : memref<4x!tpu.dma_semaphore, #tpu.memory_space<semaphore_mem>> -> memref<1x!tpu.dma_semaphore, #tpu.memory_space<semaphore_mem>>
        %dma_start3A_112 = tpu.memref_squeeze %dma_start3A_111 : memref<1x!tpu.dma_semaphore, #tpu.memory_space<semaphore_mem>> -> memref<!tpu.dma_semaphore, #tpu.memory_space<semaphore_mem>>
        tpu.enqueue_indirect_dma source(%dma_start3A_110 : memref<10000x64xbf16, #tpu.memory_space<hbm>>) target(%dma_start3A_104 : memref<80x64xbf16, #tpu.memory_space<vmem>>) offsets(%dma_start3A_107 : memref<80xi32, #tpu.memory_space<vmem>>) semaphore(%dma_start3A_112 : memref<!tpu.dma_semaphore, #tpu.memory_space<semaphore_mem>>)
      } else {
      }
    }
    %scan3A_46 = arith.constant 125 : i32
    %scan3A_47 = arith.constant 0 : i32
    %scan3A_48 = arith.constant 0 : i32
    %scan3A_49 = arith.constant 4 : i32
    %scan3A_50 = arith.addi %scan3A_48, %scan3A_49 : i32
    %scan3A_51 = arith.constant 1 : i32
    scf.for %scan3A_60 = %scan3A_48 to %scan3A_50 step %scan3A_51  : i32 {
      %add3A_61 = arith.constant 121 : i32
      %add3A_62 = arith.addi %add3A_61, %scan3A_60 : i32
      %rem3A = arith.constant 4 : i32
      %rem3A_63 = arith.remsi %add3A_62, %rem3A : i32
      %dma_wait3A = arith.constant 0 : i32
      %dma_wait3A_64 = arith.constant 0 : i32
      %dma_wait3A_65 = tpu.memref_slice %arg9[%rem3A_63, %dma_wait3A, %dma_wait3A_64] : memref<4x80x64xf32, #tpu.memory_space<vmem>> -> memref<1x80x64xf32, #tpu.memory_space<vmem>>
      %dma_wait3A_66 = tpu.memref_squeeze %dma_wait3A_65 : memref<1x80x64xf32, #tpu.memory_space<vmem>> -> memref<80x64xf32, #tpu.memory_space<vmem>>
      %dma_wait3A_67 = arith.constant 0 : i32
      %dma_wait3A_68 = tpu.memref_slice %arg7[%add3A_62, %dma_wait3A_67] : memref<125x80xi32, #tpu.memory_space<vmem>> -> memref<1x80xi32, #tpu.memory_space<vmem>>
      %dma_wait3A_69 = tpu.memref_squeeze %dma_wait3A_68 : memref<1x80xi32, #tpu.memory_space<vmem>> -> memref<80xi32, #tpu.memory_space<vmem>>
      %dma_wait3A_70 = arith.constant 0 : i32
      %dma_wait3A_71 = arith.constant 0 : i32
      %dma_wait3A_72 = tpu.memref_slice %arg12[%dma_wait3A_70, %dma_wait3A_71] : memref<10000x64xf32, #tpu.memory_space<vmem_shared>> -> memref<10000x64xf32, #tpu.memory_space<vmem_shared>>
      %dma_wait3A_73 = tpu.memref_slice %arg14[%rem3A_63] : memref<4x!tpu.dma_semaphore, #tpu.memory_space<semaphore_mem>> -> memref<1x!tpu.dma_semaphore, #tpu.memory_space<semaphore_mem>>
      %dma_wait3A_74 = tpu.memref_squeeze %dma_wait3A_73 : memref<1x!tpu.dma_semaphore, #tpu.memory_space<semaphore_mem>> -> memref<!tpu.dma_semaphore, #tpu.memory_space<semaphore_mem>>
      tpu.wait_indirect_dma semaphore(%dma_wait3A_74 : memref<!tpu.dma_semaphore, #tpu.memory_space<semaphore_mem>>) src(%dma_wait3A_66 : memref<80x64xf32, #tpu.memory_space<vmem>>) dst(%dma_wait3A_72 : memref<10000x64xf32, #tpu.memory_space<vmem_shared>>)
    }
    %scan3A_52 = arith.constant 4 : i32
    %barrier3A_53 = arith.constant 0 : index
    tpu.barrier barrier_id(%barrier3A_53)
    %scan3A_54 = arith.constant 0 : i32
    %scan3A_55 = arith.constant 0 : i32
    %scan3A_56 = arith.constant 5 : i32
    %scan3A_57 = arith.addi %scan3A_55, %scan3A_56 : i32
    %scan3A_58 = arith.constant 1 : i32
    scf.for %scan3A_60 = %scan3A_55 to %scan3A_57 step %scan3A_58  : i32 {
      %mul3A_61 = arith.constant 625 : i32
      %mul3A_62 = arith.muli %arg1, %mul3A_61 : i32
      %mul3A_63 = arith.constant 125 : i32
      %mul3A_64 = arith.muli %scan3A_60, %mul3A_63 : i32
      %add3A_65 = arith.addi %mul3A_62, %mul3A_64 : i32
      "tpu.region"() ({
        %run_scoped3A = tpu.sem_alloc : memref<!tpu.dma_semaphore, #tpu.memory_space<semaphore_mem>>
        %dma_start3A_72 = arith.constant 0 : i32
        %dma_start3A_73 = tpu.memref_slice %arg12[%add3A_65, %dma_start3A_72] : memref<10000x64xf32, #tpu.memory_space<vmem_shared>> -> memref<125x64xf32, #tpu.memory_space<vmem_shared>>
        %dma_start3A_74 = arith.constant 0 : i32
        %dma_start3A_75 = tpu.memref_slice %arg12[%add3A_65, %dma_start3A_74] : memref<10000x64xf32, #tpu.memory_space<vmem_shared>> -> memref<125x64xf32, #tpu.memory_space<vmem_shared>>
        tpu.enqueue_dma source(%dma_start3A_75 : memref<125x64xf32, #tpu.memory_space<vmem_shared>>) target(%arg10 : memref<125x64xf32, #tpu.memory_space<vmem>>) target_semaphore(%run_scoped3A : memref<!tpu.dma_semaphore, #tpu.memory_space<semaphore_mem>>)
        %dma_wait3A = arith.constant 0 : i32
        %dma_wait3A_76 = tpu.memref_slice %arg12[%add3A_65, %dma_wait3A] : memref<10000x64xf32, #tpu.memory_space<vmem_shared>> -> memref<125x64xf32, #tpu.memory_space<vmem_shared>>
        %dma_wait3A_77 = arith.constant 0 : i32
        %dma_wait3A_78 = tpu.memref_slice %arg12[%add3A_65, %dma_wait3A_77] : memref<10000x64xf32, #tpu.memory_space<vmem_shared>> -> memref<125x64xf32, #tpu.memory_space<vmem_shared>>
        tpu.wait_dma2 semaphore(%run_scoped3A : memref<!tpu.dma_semaphore, #tpu.memory_space<semaphore_mem>>) src(%dma_wait3A_78 : memref<125x64xf32, #tpu.memory_space<vmem_shared>>) dst(%arg10 : memref<125x64xf32, #tpu.memory_space<vmem>>)
        tpu.yield
      }) : () -> ()
      %scan3A_66 = arith.constant 0 : i32
      %scan3A_67 = arith.constant 0 : i32
      %scan3A_68 = arith.constant 125 : i32
      %scan3A_69 = arith.addi %scan3A_67, %scan3A_68 : i32
      %scan3A_70 = arith.constant 1 : i32
      scf.for %scan3A_72 = %scan3A_67 to %scan3A_69 step %scan3A_70  : i32 {
        %get3A = arith.index_cast %scan3A_72 : i32 to index
        %get3A_73 = arith.constant 0 : index
        %get3A_74 = tpu.vector_load %arg10[%get3A, %get3A_73] {strides = array<i32>} : memref<125x64xf32, #tpu.memory_space<vmem>>, vector<16xf32>,
        %swap3A = arith.index_cast %scan3A_72 : i32 to index
        %swap3A_75 = arith.constant 0 : index
        %swap3A_76 = tpu.vector_load %arg11[%swap3A, %swap3A_75] {strides = array<i32>} : memref<125x128xf32, #tpu.memory_space<vmem>>, vector<16xf32>,
        tpu.vector_store %arg11[%swap3A, %swap3A_75], %get3A_74 {strides = array<i32>} : memref<125x128xf32, #tpu.memory_space<vmem>>, vector<16xf32>,
        %get3A_77 = arith.index_cast %scan3A_72 : i32 to index
        %get3A_78 = arith.constant 16 : index
        %get3A_79 = tpu.vector_load %arg10[%get3A_77, %get3A_78] {strides = array<i32>} : memref<125x64xf32, #tpu.memory_space<vmem>>, vector<16xf32>,
        %swap3A_80 = arith.index_cast %scan3A_72 : i32 to index
        %swap3A_81 = arith.constant 16 : index
        %swap3A_82 = tpu.vector_load %arg11[%swap3A_80, %swap3A_81] {strides = array<i32>} : memref<125x128xf32, #tpu.memory_space<vmem>>, vector<16xf32>,
        tpu.vector_store %arg11[%swap3A_80, %swap3A_81], %get3A_79 {strides = array<i32>} : memref<125x128xf32, #tpu.memory_space<vmem>>, vector<16xf32>,
        %get3A_83 = arith.index_cast %scan3A_72 : i32 to index
        %get3A_84 = arith.constant 32 : index
        %get3A_85 = tpu.vector_load %arg10[%get3A_83, %get3A_84] {strides = array<i32>} : memref<125x64xf32, #tpu.memory_space<vmem>>, vector<16xf32>,
        %swap3A_86 = arith.index_cast %scan3A_72 : i32 to index
        %swap3A_87 = arith.constant 32 : index
        %swap3A_88 = tpu.vector_load %arg11[%swap3A_86, %swap3A_87] {strides = array<i32>} : memref<125x128xf32, #tpu.memory_space<vmem>>, vector<16xf32>,
        tpu.vector_store %arg11[%swap3A_86, %swap3A_87], %get3A_85 {strides = array<i32>} : memref<125x128xf32, #tpu.memory_space<vmem>>, vector<16xf32>,
        %get3A_89 = arith.index_cast %scan3A_72 : i32 to index
        %get3A_90 = arith.constant 48 : index
        %get3A_91 = tpu.vector_load %arg10[%get3A_89, %get3A_90] {strides = array<i32>} : memref<125x64xf32, #tpu.memory_space<vmem>>, vector<16xf32>,
        %swap3A_92 = arith.index_cast %scan3A_72 : i32 to index
        %swap3A_93 = arith.constant 48 : index
        %swap3A_94 = tpu.vector_load %arg11[%swap3A_92, %swap3A_93] {strides = array<i32>} : memref<125x128xf32, #tpu.memory_space<vmem>>, vector<16xf32>,
        tpu.vector_store %arg11[%swap3A_92, %swap3A_93], %get3A_91 {strides = array<i32>} : memref<125x128xf32, #tpu.memory_space<vmem>>, vector<16xf32>,
      }
      %scan3A_71 = arith.constant 125 : i32
      "tpu.region"() ({
        %run_scoped3A = tpu.sem_alloc : memref<!tpu.dma_semaphore, #tpu.memory_space<semaphore_mem>>
        %dma_start3A_72 = arith.constant 0 : i32
        %dma_start3A_73 = tpu.memref_slice %arg5[%arg0, %add3A_65, %dma_start3A_72] : memref<2x10000x128xf32, #tpu.memory_space<hbm>> -> memref<1x125x128xf32, #tpu.memory_space<hbm>>
        %dma_start3A_74 = tpu.memref_squeeze %dma_start3A_73 : memref<1x125x128xf32, #tpu.memory_space<hbm>> -> memref<125x128xf32, #tpu.memory_space<hbm>>
        %dma_start3A_75 = arith.constant 0 : i32
        %dma_start3A_76 = tpu.memref_slice %arg5[%arg0, %add3A_65, %dma_start3A_75] : memref<2x10000x128xf32, #tpu.memory_space<hbm>> -> memref<1x125x128xf32, #tpu.memory_space<hbm>>
        %dma_start3A_77 = tpu.memref_squeeze %dma_start3A_76 : memref<1x125x128xf32, #tpu.memory_space<hbm>> -> memref<125x128xf32, #tpu.memory_space<hbm>>
        tpu.enqueue_dma source(%arg11 : memref<125x128xf32, #tpu.memory_space<vmem>>) target(%dma_start3A_77 : memref<125x128xf32, #tpu.memory_space<hbm>>) target_semaphore(%run_scoped3A : memref<!tpu.dma_semaphore, #tpu.memory_space<semaphore_mem>>)
        %dma_wait3A = arith.constant 0 : i32
        %dma_wait3A_78 = tpu.memref_slice %arg5[%arg0, %add3A_65, %dma_wait3A] : memref<2x10000x128xf32, #tpu.memory_space<hbm>> -> memref<1x125x128xf32, #tpu.memory_space<hbm>>
        %dma_wait3A_79 = tpu.memref_squeeze %dma_wait3A_78 : memref<1x125x128xf32, #tpu.memory_space<hbm>> -> memref<125x128xf32, #tpu.memory_space<hbm>>
        %dma_wait3A_80 = arith.constant 0 : i32
        %dma_wait3A_81 = tpu.memref_slice %arg5[%arg0, %add3A_65, %dma_wait3A_80] : memref<2x10000x128xf32, #tpu.memory_space<hbm>> -> memref<1x125x128xf32, #tpu.memory_space<hbm>>
        %dma_wait3A_82 = tpu.memref_squeeze %dma_wait3A_81 : memref<1x125x128xf32, #tpu.memory_space<hbm>> -> memref<125x128xf32, #tpu.memory_space<hbm>>
        tpu.wait_dma2 semaphore(%run_scoped3A : memref<!tpu.dma_semaphore, #tpu.memory_space<semaphore_mem>>) src(%arg11 : memref<125x128xf32, #tpu.memory_space<vmem>>) dst(%dma_wait3A_82 : memref<125x128xf32, #tpu.memory_space<hbm>>)
        tpu.yield
      }) : () -> ()
    }
    %scan3A_59 = arith.constant 5 : i32
    return
  }
}

#map = affine_map<(d0, d1) -> (0, 0)>
#map1 = affine_map<(d0, d1) -> (0)>
#map2 = affine_map<(d0, d1) -> (0, 0, 0)>
module attributes {stable_mosaic.version = 14 : i64} {
  func.func @_gat_body(%arg0: i32, %arg1: i32, %arg2: memref<10000x64xbf16, #tpu.memory_space<hbm>>, %arg3: memref<10000xf32, #tpu.memory_space<hbm>>, %arg4: memref<10000xf32, #tpu.memory_space<hbm>>, %arg5: memref<16xf32, #tpu.memory_space<hbm>>, %arg6: memref<32x125x80xi32, #tpu.memory_space<hbm>>, %arg7: memref<32x125x80xi32, #tpu.memory_space<hbm>>, %arg8: memref<2x10000x80xf32, #tpu.memory_space<hbm>>, %arg9: memref<125x80xi32, #tpu.memory_space<vmem>>, %arg10: memref<125x80xi32, #tpu.memory_space<vmem>>, %arg11: memref<3x80x64xbf16, #tpu.memory_space<vmem>>, %arg12: memref<3x80x80xf32, #tpu.memory_space<vmem>>, %arg13: memref<80xf32, #tpu.memory_space<vmem>>, %arg14: memref<10000xf32, #tpu.memory_space<vmem>>, %arg15: memref<10000xf32, #tpu.memory_space<vmem>>, %arg16: memref<16xf32, #tpu.memory_space<vmem>>, %arg17: memref<125x80xf32, #tpu.memory_space<vmem>>, %arg18: memref<10000x80xf32, #tpu.memory_space<vmem_shared>>, %arg19: memref<3x!tpu.dma_semaphore, #tpu.memory_space<semaphore_mem>>, %arg20: memref<3x!tpu.dma_semaphore, #tpu.memory_space<semaphore_mem>>) attributes {dimension_semantics = [#tpu.dimension_semantics<core_parallel>, #tpu.dimension_semantics<subcore_parallel>], iteration_bounds = array<i64: 2, 16>, scalar_prefetch = 0 : i64, scratch_operands = 12 : i64, tpu.core_type = #tpu.core_type<sc_vector_subcore>, window_params = [{transform_indices = #map}, {transform_indices = #map1}, {transform_indices = #map1}, {transform_indices = #map1}, {transform_indices = #map2}, {transform_indices = #map2}, {transform_indices = #map2}]} {
    %mul3A = arith.constant 16 : i32
    %mul3A_0 = arith.muli %arg0, %mul3A : i32
    %add3A = arith.addi %mul3A_0, %arg1 : i32
    "tpu.region"() ({
      %run_scoped3A = tpu.sem_alloc : memref<!tpu.dma_semaphore, #tpu.memory_space<semaphore_mem>>
      %dma_start3A_65 = arith.constant 0 : i32
      %dma_start3A_66 = arith.constant 0 : i32
      %dma_start3A_67 = tpu.memref_slice %arg6[%add3A, %dma_start3A_65, %dma_start3A_66] : memref<32x125x80xi32, #tpu.memory_space<hbm>> -> memref<1x125x80xi32, #tpu.memory_space<hbm>>
      %dma_start3A_68 = tpu.memref_squeeze %dma_start3A_67 : memref<1x125x80xi32, #tpu.memory_space<hbm>> -> memref<125x80xi32, #tpu.memory_space<hbm>>
      %dma_start3A_69 = arith.constant 0 : i32
      %dma_start3A_70 = arith.constant 0 : i32
      %dma_start3A_71 = tpu.memref_slice %arg6[%add3A, %dma_start3A_69, %dma_start3A_70] : memref<32x125x80xi32, #tpu.memory_space<hbm>> -> memref<1x125x80xi32, #tpu.memory_space<hbm>>
      %dma_start3A_72 = tpu.memref_squeeze %dma_start3A_71 : memref<1x125x80xi32, #tpu.memory_space<hbm>> -> memref<125x80xi32, #tpu.memory_space<hbm>>
      tpu.enqueue_dma source(%dma_start3A_72 : memref<125x80xi32, #tpu.memory_space<hbm>>) target(%arg9 : memref<125x80xi32, #tpu.memory_space<vmem>>) target_semaphore(%run_scoped3A : memref<!tpu.dma_semaphore, #tpu.memory_space<semaphore_mem>>)
      %dma_wait3A = arith.constant 0 : i32
      %dma_wait3A_73 = arith.constant 0 : i32
      %dma_wait3A_74 = tpu.memref_slice %arg6[%add3A, %dma_wait3A, %dma_wait3A_73] : memref<32x125x80xi32, #tpu.memory_space<hbm>> -> memref<1x125x80xi32, #tpu.memory_space<hbm>>
      %dma_wait3A_75 = tpu.memref_squeeze %dma_wait3A_74 : memref<1x125x80xi32, #tpu.memory_space<hbm>> -> memref<125x80xi32, #tpu.memory_space<hbm>>
      %dma_wait3A_76 = arith.constant 0 : i32
      %dma_wait3A_77 = arith.constant 0 : i32
      %dma_wait3A_78 = tpu.memref_slice %arg6[%add3A, %dma_wait3A_76, %dma_wait3A_77] : memref<32x125x80xi32, #tpu.memory_space<hbm>> -> memref<1x125x80xi32, #tpu.memory_space<hbm>>
      %dma_wait3A_79 = tpu.memref_squeeze %dma_wait3A_78 : memref<1x125x80xi32, #tpu.memory_space<hbm>> -> memref<125x80xi32, #tpu.memory_space<hbm>>
      tpu.wait_dma2 semaphore(%run_scoped3A : memref<!tpu.dma_semaphore, #tpu.memory_space<semaphore_mem>>) src(%dma_wait3A_79 : memref<125x80xi32, #tpu.memory_space<hbm>>) dst(%arg9 : memref<125x80xi32, #tpu.memory_space<vmem>>)
      tpu.yield
    }) : () -> ()
    "tpu.region"() ({
      %run_scoped3A = tpu.sem_alloc : memref<!tpu.dma_semaphore, #tpu.memory_space<semaphore_mem>>
      %dma_start3A_65 = arith.constant 0 : i32
      %dma_start3A_66 = arith.constant 0 : i32
      %dma_start3A_67 = tpu.memref_slice %arg7[%add3A, %dma_start3A_65, %dma_start3A_66] : memref<32x125x80xi32, #tpu.memory_space<hbm>> -> memref<1x125x80xi32, #tpu.memory_space<hbm>>
      %dma_start3A_68 = tpu.memref_squeeze %dma_start3A_67 : memref<1x125x80xi32, #tpu.memory_space<hbm>> -> memref<125x80xi32, #tpu.memory_space<hbm>>
      %dma_start3A_69 = arith.constant 0 : i32
      %dma_start3A_70 = arith.constant 0 : i32
      %dma_start3A_71 = tpu.memref_slice %arg7[%add3A, %dma_start3A_69, %dma_start3A_70] : memref<32x125x80xi32, #tpu.memory_space<hbm>> -> memref<1x125x80xi32, #tpu.memory_space<hbm>>
      %dma_start3A_72 = tpu.memref_squeeze %dma_start3A_71 : memref<1x125x80xi32, #tpu.memory_space<hbm>> -> memref<125x80xi32, #tpu.memory_space<hbm>>
      tpu.enqueue_dma source(%dma_start3A_72 : memref<125x80xi32, #tpu.memory_space<hbm>>) target(%arg10 : memref<125x80xi32, #tpu.memory_space<vmem>>) target_semaphore(%run_scoped3A : memref<!tpu.dma_semaphore, #tpu.memory_space<semaphore_mem>>)
      %dma_wait3A = arith.constant 0 : i32
      %dma_wait3A_73 = arith.constant 0 : i32
      %dma_wait3A_74 = tpu.memref_slice %arg7[%add3A, %dma_wait3A, %dma_wait3A_73] : memref<32x125x80xi32, #tpu.memory_space<hbm>> -> memref<1x125x80xi32, #tpu.memory_space<hbm>>
      %dma_wait3A_75 = tpu.memref_squeeze %dma_wait3A_74 : memref<1x125x80xi32, #tpu.memory_space<hbm>> -> memref<125x80xi32, #tpu.memory_space<hbm>>
      %dma_wait3A_76 = arith.constant 0 : i32
      %dma_wait3A_77 = arith.constant 0 : i32
      %dma_wait3A_78 = tpu.memref_slice %arg7[%add3A, %dma_wait3A_76, %dma_wait3A_77] : memref<32x125x80xi32, #tpu.memory_space<hbm>> -> memref<1x125x80xi32, #tpu.memory_space<hbm>>
      %dma_wait3A_79 = tpu.memref_squeeze %dma_wait3A_78 : memref<1x125x80xi32, #tpu.memory_space<hbm>> -> memref<125x80xi32, #tpu.memory_space<hbm>>
      tpu.wait_dma2 semaphore(%run_scoped3A : memref<!tpu.dma_semaphore, #tpu.memory_space<semaphore_mem>>) src(%dma_wait3A_79 : memref<125x80xi32, #tpu.memory_space<hbm>>) dst(%arg10 : memref<125x80xi32, #tpu.memory_space<vmem>>)
      tpu.yield
    }) : () -> ()
    "tpu.region"() ({
      %run_scoped3A = tpu.sem_alloc : memref<!tpu.dma_semaphore, #tpu.memory_space<semaphore_mem>>
      tpu.enqueue_dma source(%arg3 : memref<10000xf32, #tpu.memory_space<hbm>>) target(%arg14 : memref<10000xf32, #tpu.memory_space<vmem>>) target_semaphore(%run_scoped3A : memref<!tpu.dma_semaphore, #tpu.memory_space<semaphore_mem>>)
      tpu.wait_dma2 semaphore(%run_scoped3A : memref<!tpu.dma_semaphore, #tpu.memory_space<semaphore_mem>>) src(%arg3 : memref<10000xf32, #tpu.memory_space<hbm>>) dst(%arg14 : memref<10000xf32, #tpu.memory_space<vmem>>)
      tpu.yield
    }) : () -> ()
    "tpu.region"() ({
      %run_scoped3A = tpu.sem_alloc : memref<!tpu.dma_semaphore, #tpu.memory_space<semaphore_mem>>
      tpu.enqueue_dma source(%arg4 : memref<10000xf32, #tpu.memory_space<hbm>>) target(%arg15 : memref<10000xf32, #tpu.memory_space<vmem>>) target_semaphore(%run_scoped3A : memref<!tpu.dma_semaphore, #tpu.memory_space<semaphore_mem>>)
      tpu.wait_dma2 semaphore(%run_scoped3A : memref<!tpu.dma_semaphore, #tpu.memory_space<semaphore_mem>>) src(%arg4 : memref<10000xf32, #tpu.memory_space<hbm>>) dst(%arg15 : memref<10000xf32, #tpu.memory_space<vmem>>)
      tpu.yield
    }) : () -> ()
    "tpu.region"() ({
      %run_scoped3A = tpu.sem_alloc : memref<!tpu.dma_semaphore, #tpu.memory_space<semaphore_mem>>
      tpu.enqueue_dma source(%arg5 : memref<16xf32, #tpu.memory_space<hbm>>) target(%arg16 : memref<16xf32, #tpu.memory_space<vmem>>) target_semaphore(%run_scoped3A : memref<!tpu.dma_semaphore, #tpu.memory_space<semaphore_mem>>)
      tpu.wait_dma2 semaphore(%run_scoped3A : memref<!tpu.dma_semaphore, #tpu.memory_space<semaphore_mem>>) src(%arg5 : memref<16xf32, #tpu.memory_space<hbm>>) dst(%arg16 : memref<16xf32, #tpu.memory_space<vmem>>)
      tpu.yield
    }) : () -> ()
    %scan3A = arith.constant 0 : i32
    %scan3A_1 = arith.constant 0 : i32
    %scan3A_2 = arith.constant 125 : i32
    %scan3A_3 = arith.addi %scan3A_1, %scan3A_2 : i32
    %scan3A_4 = arith.constant 1 : i32
    scf.for %scan3A_65 = %scan3A_1 to %scan3A_3 step %scan3A_4  : i32 {
      %broadcast_in_dim3A_66 = arith.constant 0.000000e+00 : f32
      %broadcast_in_dim3A_67 = vector.broadcast %broadcast_in_dim3A_66 : f32 to vector<16xf32>
      %swap3A = arith.index_cast %scan3A_65 : i32 to index
      %swap3A_68 = arith.constant 0 : index
      %swap3A_69 = tpu.vector_load %arg17[%swap3A, %swap3A_68] {strides = array<i32>} : memref<125x80xf32, #tpu.memory_space<vmem>>, vector<16xf32>,
      tpu.vector_store %arg17[%swap3A, %swap3A_68], %broadcast_in_dim3A_67 {strides = array<i32>} : memref<125x80xf32, #tpu.memory_space<vmem>>, vector<16xf32>,
      %broadcast_in_dim3A_70 = arith.constant 0.000000e+00 : f32
      %broadcast_in_dim3A_71 = vector.broadcast %broadcast_in_dim3A_70 : f32 to vector<16xf32>
      %swap3A_72 = arith.index_cast %scan3A_65 : i32 to index
      %swap3A_73 = arith.constant 16 : index
      %swap3A_74 = tpu.vector_load %arg17[%swap3A_72, %swap3A_73] {strides = array<i32>} : memref<125x80xf32, #tpu.memory_space<vmem>>, vector<16xf32>,
      tpu.vector_store %arg17[%swap3A_72, %swap3A_73], %broadcast_in_dim3A_71 {strides = array<i32>} : memref<125x80xf32, #tpu.memory_space<vmem>>, vector<16xf32>,
      %broadcast_in_dim3A_75 = arith.constant 0.000000e+00 : f32
      %broadcast_in_dim3A_76 = vector.broadcast %broadcast_in_dim3A_75 : f32 to vector<16xf32>
      %swap3A_77 = arith.index_cast %scan3A_65 : i32 to index
      %swap3A_78 = arith.constant 32 : index
      %swap3A_79 = tpu.vector_load %arg17[%swap3A_77, %swap3A_78] {strides = array<i32>} : memref<125x80xf32, #tpu.memory_space<vmem>>, vector<16xf32>,
      tpu.vector_store %arg17[%swap3A_77, %swap3A_78], %broadcast_in_dim3A_76 {strides = array<i32>} : memref<125x80xf32, #tpu.memory_space<vmem>>, vector<16xf32>,
      %broadcast_in_dim3A_80 = arith.constant 0.000000e+00 : f32
      %broadcast_in_dim3A_81 = vector.broadcast %broadcast_in_dim3A_80 : f32 to vector<16xf32>
      %swap3A_82 = arith.index_cast %scan3A_65 : i32 to index
      %swap3A_83 = arith.constant 48 : index
      %swap3A_84 = tpu.vector_load %arg17[%swap3A_82, %swap3A_83] {strides = array<i32>} : memref<125x80xf32, #tpu.memory_space<vmem>>, vector<16xf32>,
      tpu.vector_store %arg17[%swap3A_82, %swap3A_83], %broadcast_in_dim3A_81 {strides = array<i32>} : memref<125x80xf32, #tpu.memory_space<vmem>>, vector<16xf32>,
      %broadcast_in_dim3A_85 = arith.constant 0.000000e+00 : f32
      %broadcast_in_dim3A_86 = vector.broadcast %broadcast_in_dim3A_85 : f32 to vector<16xf32>
      %swap3A_87 = arith.index_cast %scan3A_65 : i32 to index
      %swap3A_88 = arith.constant 64 : index
      %swap3A_89 = tpu.vector_load %arg17[%swap3A_87, %swap3A_88] {strides = array<i32>} : memref<125x80xf32, #tpu.memory_space<vmem>>, vector<16xf32>,
      tpu.vector_store %arg17[%swap3A_87, %swap3A_88], %broadcast_in_dim3A_86 {strides = array<i32>} : memref<125x80xf32, #tpu.memory_space<vmem>>, vector<16xf32>,
    }
    %scan3A_5 = arith.constant 125 : i32
    %scan3A_6 = arith.constant 0 : i32
    %scan3A_7 = arith.constant 0 : i32
    %scan3A_8 = arith.constant 5 : i32
    %scan3A_9 = arith.addi %scan3A_7, %scan3A_8 : i32
    %scan3A_10 = arith.constant 1 : i32
    scf.for %scan3A_65 = %scan3A_7 to %scan3A_9 step %scan3A_10  : i32 {
      %mul3A_66 = arith.constant 625 : i32
      %mul3A_67 = arith.muli %arg1, %mul3A_66 : i32
      %mul3A_68 = arith.constant 125 : i32
      %mul3A_69 = arith.muli %scan3A_65, %mul3A_68 : i32
      %add3A_70 = arith.addi %mul3A_67, %mul3A_69 : i32
      "tpu.region"() ({
        %run_scoped3A = tpu.sem_alloc : memref<!tpu.dma_semaphore, #tpu.memory_space<semaphore_mem>>
        %dma_start3A_71 = arith.constant 0 : i32
        %dma_start3A_72 = tpu.memref_slice %arg18[%add3A_70, %dma_start3A_71] : memref<10000x80xf32, #tpu.memory_space<vmem_shared>> -> memref<125x80xf32, #tpu.memory_space<vmem_shared>>
        %dma_start3A_73 = arith.constant 0 : i32
        %dma_start3A_74 = tpu.memref_slice %arg18[%add3A_70, %dma_start3A_73] : memref<10000x80xf32, #tpu.memory_space<vmem_shared>> -> memref<125x80xf32, #tpu.memory_space<vmem_shared>>
        tpu.enqueue_dma source(%arg17 : memref<125x80xf32, #tpu.memory_space<vmem>>) target(%dma_start3A_74 : memref<125x80xf32, #tpu.memory_space<vmem_shared>>) target_semaphore(%run_scoped3A : memref<!tpu.dma_semaphore, #tpu.memory_space<semaphore_mem>>)
        %dma_wait3A = arith.constant 0 : i32
        %dma_wait3A_75 = tpu.memref_slice %arg18[%add3A_70, %dma_wait3A] : memref<10000x80xf32, #tpu.memory_space<vmem_shared>> -> memref<125x80xf32, #tpu.memory_space<vmem_shared>>
        %dma_wait3A_76 = arith.constant 0 : i32
        %dma_wait3A_77 = tpu.memref_slice %arg18[%add3A_70, %dma_wait3A_76] : memref<10000x80xf32, #tpu.memory_space<vmem_shared>> -> memref<125x80xf32, #tpu.memory_space<vmem_shared>>
        tpu.wait_dma2 semaphore(%run_scoped3A : memref<!tpu.dma_semaphore, #tpu.memory_space<semaphore_mem>>) src(%arg17 : memref<125x80xf32, #tpu.memory_space<vmem>>) dst(%dma_wait3A_77 : memref<125x80xf32, #tpu.memory_space<vmem_shared>>)
        tpu.yield
      }) : () -> ()
    }
    %scan3A_11 = arith.constant 5 : i32
    %barrier3A = arith.constant 0 : index
    tpu.barrier barrier_id(%barrier3A)
    %get3A = arith.constant 0 : index
    %get3A_12 = tpu.vector_load %arg16[%get3A] {strides = array<i32>} : memref<16xf32, #tpu.memory_space<vmem>>, vector<16xf32>,
    %iota3A = tpu.iota {dimensions = array<i32: 0>} : vector<16xi32>
    %eq3A = arith.constant 0 : i32
    %eq3A_13 = vector.broadcast %eq3A : i32 to vector<16xi32>
    %eq3A_14 = arith.cmpi eq, %iota3A, %eq3A_13 : vector<16xi32>
    %jit3A = arith.constant 1.000000e+00 : f32
    %jit3A_15 = arith.constant 0.000000e+00 : f32
    %broadcast_in_dim3A = vector.broadcast %jit3A : f32 to vector<16xf32>
    %broadcast_in_dim3A_16 = vector.broadcast %jit3A_15 : f32 to vector<16xf32>
    %select_n3A = arith.select %eq3A_14, %broadcast_in_dim3A, %broadcast_in_dim3A_16 : vector<16xi1>, vector<16xf32>
    %dma_start3A = arith.constant 0 : i32
    %dma_start3A_17 = arith.constant 0 : i32
    %dma_start3A_18 = arith.constant 0 : i32
    %dma_start3A_19 = arith.constant 0 : i32
    %dma_start3A_20 = arith.constant 0 : i32
    %dma_start3A_21 = tpu.memref_slice %arg11[%dma_start3A_17, %dma_start3A_19, %dma_start3A_20] : memref<3x80x64xbf16, #tpu.memory_space<vmem>> -> memref<1x80x64xbf16, #tpu.memory_space<vmem>>
    %dma_start3A_22 = tpu.memref_squeeze %dma_start3A_21 : memref<1x80x64xbf16, #tpu.memory_space<vmem>> -> memref<80x64xbf16, #tpu.memory_space<vmem>>
    %dma_start3A_23 = arith.constant 0 : i32
    %dma_start3A_24 = tpu.memref_slice %arg9[%dma_start3A, %dma_start3A_23] : memref<125x80xi32, #tpu.memory_space<vmem>> -> memref<1x80xi32, #tpu.memory_space<vmem>>
    %dma_start3A_25 = tpu.memref_squeeze %dma_start3A_24 : memref<1x80xi32, #tpu.memory_space<vmem>> -> memref<80xi32, #tpu.memory_space<vmem>>
    %dma_start3A_26 = arith.constant 0 : i32
    %dma_start3A_27 = arith.constant 0 : i32
    %dma_start3A_28 = tpu.memref_slice %arg2[%dma_start3A_26, %dma_start3A_27] : memref<10000x64xbf16, #tpu.memory_space<hbm>> -> memref<10000x64xbf16, #tpu.memory_space<hbm>>
    %dma_start3A_29 = tpu.memref_slice %arg19[%dma_start3A_18] : memref<3x!tpu.dma_semaphore, #tpu.memory_space<semaphore_mem>> -> memref<1x!tpu.dma_semaphore, #tpu.memory_space<semaphore_mem>>
    %dma_start3A_30 = tpu.memref_squeeze %dma_start3A_29 : memref<1x!tpu.dma_semaphore, #tpu.memory_space<semaphore_mem>> -> memref<!tpu.dma_semaphore, #tpu.memory_space<semaphore_mem>>
    tpu.enqueue_indirect_dma source(%dma_start3A_28 : memref<10000x64xbf16, #tpu.memory_space<hbm>>) target(%dma_start3A_22 : memref<80x64xbf16, #tpu.memory_space<vmem>>) offsets(%dma_start3A_25 : memref<80xi32, #tpu.memory_space<vmem>>) semaphore(%dma_start3A_30 : memref<!tpu.dma_semaphore, #tpu.memory_space<semaphore_mem>>)
    %dma_start3A_31 = arith.constant 1 : i32
    %dma_start3A_32 = arith.constant 1 : i32
    %dma_start3A_33 = arith.constant 1 : i32
    %dma_start3A_34 = arith.constant 0 : i32
    %dma_start3A_35 = arith.constant 0 : i32
    %dma_start3A_36 = tpu.memref_slice %arg11[%dma_start3A_32, %dma_start3A_34, %dma_start3A_35] : memref<3x80x64xbf16, #tpu.memory_space<vmem>> -> memref<1x80x64xbf16, #tpu.memory_space<vmem>>
    %dma_start3A_37 = tpu.memref_squeeze %dma_start3A_36 : memref<1x80x64xbf16, #tpu.memory_space<vmem>> -> memref<80x64xbf16, #tpu.memory_space<vmem>>
    %dma_start3A_38 = arith.constant 0 : i32
    %dma_start3A_39 = tpu.memref_slice %arg9[%dma_start3A_31, %dma_start3A_38] : memref<125x80xi32, #tpu.memory_space<vmem>> -> memref<1x80xi32, #tpu.memory_space<vmem>>
    %dma_start3A_40 = tpu.memref_squeeze %dma_start3A_39 : memref<1x80xi32, #tpu.memory_space<vmem>> -> memref<80xi32, #tpu.memory_space<vmem>>
    %dma_start3A_41 = arith.constant 0 : i32
    %dma_start3A_42 = arith.constant 0 : i32
    %dma_start3A_43 = tpu.memref_slice %arg2[%dma_start3A_41, %dma_start3A_42] : memref<10000x64xbf16, #tpu.memory_space<hbm>> -> memref<10000x64xbf16, #tpu.memory_space<hbm>>
    %dma_start3A_44 = tpu.memref_slice %arg19[%dma_start3A_33] : memref<3x!tpu.dma_semaphore, #tpu.memory_space<semaphore_mem>> -> memref<1x!tpu.dma_semaphore, #tpu.memory_space<semaphore_mem>>
    %dma_start3A_45 = tpu.memref_squeeze %dma_start3A_44 : memref<1x!tpu.dma_semaphore, #tpu.memory_space<semaphore_mem>> -> memref<!tpu.dma_semaphore, #tpu.memory_space<semaphore_mem>>
    tpu.enqueue_indirect_dma source(%dma_start3A_43 : memref<10000x64xbf16, #tpu.memory_space<hbm>>) target(%dma_start3A_37 : memref<80x64xbf16, #tpu.memory_space<vmem>>) offsets(%dma_start3A_40 : memref<80xi32, #tpu.memory_space<vmem>>) semaphore(%dma_start3A_45 : memref<!tpu.dma_semaphore, #tpu.memory_space<semaphore_mem>>)
    %scan3A_46 = arith.constant 0 : i32
    %scan3A_47 = arith.constant 0 : i32
    %scan3A_48 = arith.constant 125 : i32
    %scan3A_49 = arith.addi %scan3A_47, %scan3A_48 : i32
    %scan3A_50 = arith.constant 1 : i32
    scf.for %scan3A_65 = %scan3A_47 to %scan3A_49 step %scan3A_50  : i32 {
      %rem3A = arith.constant 3 : i32
      %rem3A_66 = arith.remsi %scan3A_65, %rem3A : i32
      %get3A_67 = arith.index_cast %scan3A_65 : i32 to index
      %get3A_68 = arith.constant 0 : index
      %get3A_69 = tpu.vector_load %arg9[%get3A_67, %get3A_68] {strides = array<i32>} : memref<125x80xi32, #tpu.memory_space<vmem>>, vector<16xi32>,
      %get3A_70 = arith.index_cast %scan3A_65 : i32 to index
      %get3A_71 = arith.constant 0 : index
      %get3A_72 = tpu.vector_load %arg10[%get3A_70, %get3A_71] {strides = array<i32>} : memref<125x80xi32, #tpu.memory_space<vmem>>, vector<16xi32>,
      %gather3A = tpu.vector_load_idx %arg14[%get3A_69] : memref<10000xf32, #tpu.memory_space<vmem>>[vector<16xi32>], vector<16xf32>,
      %gather3A_73 = tpu.vector_load_idx %arg15[%get3A_72] : memref<10000xf32, #tpu.memory_space<vmem>>[vector<16xi32>], vector<16xf32>,
      %add3A_74 = arith.addf %gather3A, %gather3A_73 : vector<16xf32>
      %mul3A_75 = arith.constant 2.000000e-01 : f32
      %mul3A_76 = vector.broadcast %mul3A_75 : f32 to vector<16xf32>
      %mul3A_77 = arith.mulf %mul3A_76, %add3A_74 : vector<16xf32>
      %max3A = arith.maximumf %add3A_74, %mul3A_77 : vector<16xf32>
      %add3A_78 = arith.addf %get3A_12, %gather3A_73 : vector<16xf32>
      %mul3A_79 = arith.constant 2.000000e-01 : f32
      %mul3A_80 = vector.broadcast %mul3A_79 : f32 to vector<16xf32>
      %mul3A_81 = arith.mulf %mul3A_80, %add3A_78 : vector<16xf32>
      %max3A_82 = arith.maximumf %add3A_78, %mul3A_81 : vector<16xf32>
      %sub3A = arith.subf %max3A, %max3A_82 : vector<16xf32>
      %exp3A = math.exp %sub3A : vector<16xf32>
      %swap3A = arith.constant 0 : index
      %swap3A_83 = tpu.vector_load %arg13[%swap3A] {strides = array<i32>} : memref<80xf32, #tpu.memory_space<vmem>>, vector<16xf32>,
      tpu.vector_store %arg13[%swap3A], %exp3A {strides = array<i32>} : memref<80xf32, #tpu.memory_space<vmem>>, vector<16xf32>,
      %get3A_84 = arith.index_cast %scan3A_65 : i32 to index
      %get3A_85 = arith.constant 16 : index
      %get3A_86 = tpu.vector_load %arg9[%get3A_84, %get3A_85] {strides = array<i32>} : memref<125x80xi32, #tpu.memory_space<vmem>>, vector<16xi32>,
      %get3A_87 = arith.index_cast %scan3A_65 : i32 to index
      %get3A_88 = arith.constant 16 : index
      %get3A_89 = tpu.vector_load %arg10[%get3A_87, %get3A_88] {strides = array<i32>} : memref<125x80xi32, #tpu.memory_space<vmem>>, vector<16xi32>,
      %gather3A_90 = tpu.vector_load_idx %arg14[%get3A_86] : memref<10000xf32, #tpu.memory_space<vmem>>[vector<16xi32>], vector<16xf32>,
      %gather3A_91 = tpu.vector_load_idx %arg15[%get3A_89] : memref<10000xf32, #tpu.memory_space<vmem>>[vector<16xi32>], vector<16xf32>,
      %add3A_92 = arith.addf %gather3A_90, %gather3A_91 : vector<16xf32>
      %mul3A_93 = arith.constant 2.000000e-01 : f32
      %mul3A_94 = vector.broadcast %mul3A_93 : f32 to vector<16xf32>
      %mul3A_95 = arith.mulf %mul3A_94, %add3A_92 : vector<16xf32>
      %max3A_96 = arith.maximumf %add3A_92, %mul3A_95 : vector<16xf32>
      %add3A_97 = arith.addf %get3A_12, %gather3A_91 : vector<16xf32>
      %mul3A_98 = arith.constant 2.000000e-01 : f32
      %mul3A_99 = vector.broadcast %mul3A_98 : f32 to vector<16xf32>
      %mul3A_100 = arith.mulf %mul3A_99, %add3A_97 : vector<16xf32>
      %max3A_101 = arith.maximumf %add3A_97, %mul3A_100 : vector<16xf32>
      %sub3A_102 = arith.subf %max3A_96, %max3A_101 : vector<16xf32>
      %exp3A_103 = math.exp %sub3A_102 : vector<16xf32>
      %swap3A_104 = arith.constant 16 : index
      %swap3A_105 = tpu.vector_load %arg13[%swap3A_104] {strides = array<i32>} : memref<80xf32, #tpu.memory_space<vmem>>, vector<16xf32>,
      tpu.vector_store %arg13[%swap3A_104], %exp3A_103 {strides = array<i32>} : memref<80xf32, #tpu.memory_space<vmem>>, vector<16xf32>,
      %get3A_106 = arith.index_cast %scan3A_65 : i32 to index
      %get3A_107 = arith.constant 32 : index
      %get3A_108 = tpu.vector_load %arg9[%get3A_106, %get3A_107] {strides = array<i32>} : memref<125x80xi32, #tpu.memory_space<vmem>>, vector<16xi32>,
      %get3A_109 = arith.index_cast %scan3A_65 : i32 to index
      %get3A_110 = arith.constant 32 : index
      %get3A_111 = tpu.vector_load %arg10[%get3A_109, %get3A_110] {strides = array<i32>} : memref<125x80xi32, #tpu.memory_space<vmem>>, vector<16xi32>,
      %gather3A_112 = tpu.vector_load_idx %arg14[%get3A_108] : memref<10000xf32, #tpu.memory_space<vmem>>[vector<16xi32>], vector<16xf32>,
      %gather3A_113 = tpu.vector_load_idx %arg15[%get3A_111] : memref<10000xf32, #tpu.memory_space<vmem>>[vector<16xi32>], vector<16xf32>,
      %add3A_114 = arith.addf %gather3A_112, %gather3A_113 : vector<16xf32>
      %mul3A_115 = arith.constant 2.000000e-01 : f32
      %mul3A_116 = vector.broadcast %mul3A_115 : f32 to vector<16xf32>
      %mul3A_117 = arith.mulf %mul3A_116, %add3A_114 : vector<16xf32>
      %max3A_118 = arith.maximumf %add3A_114, %mul3A_117 : vector<16xf32>
      %add3A_119 = arith.addf %get3A_12, %gather3A_113 : vector<16xf32>
      %mul3A_120 = arith.constant 2.000000e-01 : f32
      %mul3A_121 = vector.broadcast %mul3A_120 : f32 to vector<16xf32>
      %mul3A_122 = arith.mulf %mul3A_121, %add3A_119 : vector<16xf32>
      %max3A_123 = arith.maximumf %add3A_119, %mul3A_122 : vector<16xf32>
      %sub3A_124 = arith.subf %max3A_118, %max3A_123 : vector<16xf32>
      %exp3A_125 = math.exp %sub3A_124 : vector<16xf32>
      %swap3A_126 = arith.constant 32 : index
      %swap3A_127 = tpu.vector_load %arg13[%swap3A_126] {strides = array<i32>} : memref<80xf32, #tpu.memory_space<vmem>>, vector<16xf32>,
      tpu.vector_store %arg13[%swap3A_126], %exp3A_125 {strides = array<i32>} : memref<80xf32, #tpu.memory_space<vmem>>, vector<16xf32>,
      %get3A_128 = arith.index_cast %scan3A_65 : i32 to index
      %get3A_129 = arith.constant 48 : index
      %get3A_130 = tpu.vector_load %arg9[%get3A_128, %get3A_129] {strides = array<i32>} : memref<125x80xi32, #tpu.memory_space<vmem>>, vector<16xi32>,
      %get3A_131 = arith.index_cast %scan3A_65 : i32 to index
      %get3A_132 = arith.constant 48 : index
      %get3A_133 = tpu.vector_load %arg10[%get3A_131, %get3A_132] {strides = array<i32>} : memref<125x80xi32, #tpu.memory_space<vmem>>, vector<16xi32>,
      %gather3A_134 = tpu.vector_load_idx %arg14[%get3A_130] : memref<10000xf32, #tpu.memory_space<vmem>>[vector<16xi32>], vector<16xf32>,
      %gather3A_135 = tpu.vector_load_idx %arg15[%get3A_133] : memref<10000xf32, #tpu.memory_space<vmem>>[vector<16xi32>], vector<16xf32>,
      %add3A_136 = arith.addf %gather3A_134, %gather3A_135 : vector<16xf32>
      %mul3A_137 = arith.constant 2.000000e-01 : f32
      %mul3A_138 = vector.broadcast %mul3A_137 : f32 to vector<16xf32>
      %mul3A_139 = arith.mulf %mul3A_138, %add3A_136 : vector<16xf32>
      %max3A_140 = arith.maximumf %add3A_136, %mul3A_139 : vector<16xf32>
      %add3A_141 = arith.addf %get3A_12, %gather3A_135 : vector<16xf32>
      %mul3A_142 = arith.constant 2.000000e-01 : f32
      %mul3A_143 = vector.broadcast %mul3A_142 : f32 to vector<16xf32>
      %mul3A_144 = arith.mulf %mul3A_143, %add3A_141 : vector<16xf32>
      %max3A_145 = arith.maximumf %add3A_141, %mul3A_144 : vector<16xf32>
      %sub3A_146 = arith.subf %max3A_140, %max3A_145 : vector<16xf32>
      %exp3A_147 = math.exp %sub3A_146 : vector<16xf32>
      %swap3A_148 = arith.constant 48 : index
      %swap3A_149 = tpu.vector_load %arg13[%swap3A_148] {strides = array<i32>} : memref<80xf32, #tpu.memory_space<vmem>>, vector<16xf32>,
      tpu.vector_store %arg13[%swap3A_148], %exp3A_147 {strides = array<i32>} : memref<80xf32, #tpu.memory_space<vmem>>, vector<16xf32>,
      %get3A_150 = arith.index_cast %scan3A_65 : i32 to index
      %get3A_151 = arith.constant 64 : index
      %get3A_152 = tpu.vector_load %arg9[%get3A_150, %get3A_151] {strides = array<i32>} : memref<125x80xi32, #tpu.memory_space<vmem>>, vector<16xi32>,
      %get3A_153 = arith.index_cast %scan3A_65 : i32 to index
      %get3A_154 = arith.constant 64 : index
      %get3A_155 = tpu.vector_load %arg10[%get3A_153, %get3A_154] {strides = array<i32>} : memref<125x80xi32, #tpu.memory_space<vmem>>, vector<16xi32>,
      %gather3A_156 = tpu.vector_load_idx %arg14[%get3A_152] : memref<10000xf32, #tpu.memory_space<vmem>>[vector<16xi32>], vector<16xf32>,
      %gather3A_157 = tpu.vector_load_idx %arg15[%get3A_155] : memref<10000xf32, #tpu.memory_space<vmem>>[vector<16xi32>], vector<16xf32>,
      %add3A_158 = arith.addf %gather3A_156, %gather3A_157 : vector<16xf32>
      %mul3A_159 = arith.constant 2.000000e-01 : f32
      %mul3A_160 = vector.broadcast %mul3A_159 : f32 to vector<16xf32>
      %mul3A_161 = arith.mulf %mul3A_160, %add3A_158 : vector<16xf32>
      %max3A_162 = arith.maximumf %add3A_158, %mul3A_161 : vector<16xf32>
      %add3A_163 = arith.addf %get3A_12, %gather3A_157 : vector<16xf32>
      %mul3A_164 = arith.constant 2.000000e-01 : f32
      %mul3A_165 = vector.broadcast %mul3A_164 : f32 to vector<16xf32>
      %mul3A_166 = arith.mulf %mul3A_165, %add3A_163 : vector<16xf32>
      %max3A_167 = arith.maximumf %add3A_163, %mul3A_166 : vector<16xf32>
      %sub3A_168 = arith.subf %max3A_162, %max3A_167 : vector<16xf32>
      %exp3A_169 = math.exp %sub3A_168 : vector<16xf32>
      %swap3A_170 = arith.constant 64 : index
      %swap3A_171 = tpu.vector_load %arg13[%swap3A_170] {strides = array<i32>} : memref<80xf32, #tpu.memory_space<vmem>>, vector<16xf32>,
      tpu.vector_store %arg13[%swap3A_170], %exp3A_169 {strides = array<i32>} : memref<80xf32, #tpu.memory_space<vmem>>, vector<16xf32>,
      %dma_wait3A = arith.constant 0 : i32
      %dma_wait3A_172 = arith.constant 0 : i32
      %dma_wait3A_173 = tpu.memref_slice %arg11[%rem3A_66, %dma_wait3A, %dma_wait3A_172] : memref<3x80x64xbf16, #tpu.memory_space<vmem>> -> memref<1x80x64xbf16, #tpu.memory_space<vmem>>
      %dma_wait3A_174 = tpu.memref_squeeze %dma_wait3A_173 : memref<1x80x64xbf16, #tpu.memory_space<vmem>> -> memref<80x64xbf16, #tpu.memory_space<vmem>>
      %dma_wait3A_175 = arith.constant 0 : i32
      %dma_wait3A_176 = tpu.memref_slice %arg9[%scan3A_65, %dma_wait3A_175] : memref<125x80xi32, #tpu.memory_space<vmem>> -> memref<1x80xi32, #tpu.memory_space<vmem>>
      %dma_wait3A_177 = tpu.memref_squeeze %dma_wait3A_176 : memref<1x80xi32, #tpu.memory_space<vmem>> -> memref<80xi32, #tpu.memory_space<vmem>>
      %dma_wait3A_178 = arith.constant 0 : i32
      %dma_wait3A_179 = arith.constant 0 : i32
      %dma_wait3A_180 = tpu.memref_slice %arg2[%dma_wait3A_178, %dma_wait3A_179] : memref<10000x64xbf16, #tpu.memory_space<hbm>> -> memref<10000x64xbf16, #tpu.memory_space<hbm>>
      %dma_wait3A_181 = tpu.memref_slice %arg19[%rem3A_66] : memref<3x!tpu.dma_semaphore, #tpu.memory_space<semaphore_mem>> -> memref<1x!tpu.dma_semaphore, #tpu.memory_space<semaphore_mem>>
      %dma_wait3A_182 = tpu.memref_squeeze %dma_wait3A_181 : memref<1x!tpu.dma_semaphore, #tpu.memory_space<semaphore_mem>> -> memref<!tpu.dma_semaphore, #tpu.memory_space<semaphore_mem>>
      tpu.wait_indirect_dma semaphore(%dma_wait3A_182 : memref<!tpu.dma_semaphore, #tpu.memory_space<semaphore_mem>>) src(%dma_wait3A_180 : memref<10000x64xbf16, #tpu.memory_space<hbm>>) dst(%dma_wait3A_174 : memref<80x64xbf16, #tpu.memory_space<vmem>>)
      %parallel_loop3A = arith.constant 0 : i32
      %parallel_loop3A_183 = arith.constant 80 : i32
      %parallel_loop3A_184 = arith.constant 1 : i32
      scf.for %parallel_loop3A_201 = %parallel_loop3A to %parallel_loop3A_183 step %parallel_loop3A_184  : i32 {
        %parallel_loop3A_202 = vector.broadcast %parallel_loop3A_201 : i32 to vector<16xi32>
        %parallel_loop3A_203 = tpu.vector_load_idx %arg13[%parallel_loop3A_202] : memref<80xf32, #tpu.memory_space<vmem>>[vector<16xi32>], vector<16xf32>,
        %parallel_loop3A_204 = arith.index_cast %rem3A_66 : i32 to index
        %parallel_loop3A_205 = arith.index_cast %parallel_loop3A_201 : i32 to index
        %parallel_loop3A_206 = arith.constant 0 : index
        %parallel_loop3A_207 = tpu.vector_load %arg11[%parallel_loop3A_204, %parallel_loop3A_205, %parallel_loop3A_206] {strides = array<i32>} : memref<3x80x64xbf16, #tpu.memory_space<vmem>>, vector<32xbf16>,
        %parallel_loop3A_208 = vector.bitcast %parallel_loop3A_207 : vector<32xbf16> to vector<16xi32>
        %parallel_loop3A_209 = arith.constant 16 : i32
        %parallel_loop3A_210 = vector.broadcast %parallel_loop3A_209 : i32 to vector<16xi32>
        %parallel_loop3A_211 = arith.shli %parallel_loop3A_208, %parallel_loop3A_210 : vector<16xi32>
        %parallel_loop3A_212 = vector.bitcast %parallel_loop3A_211 : vector<16xi32> to vector<16xf32>
        %parallel_loop3A_213 = arith.constant -65536 : i32
        %parallel_loop3A_214 = vector.broadcast %parallel_loop3A_213 : i32 to vector<16xi32>
        %parallel_loop3A_215 = arith.andi %parallel_loop3A_208, %parallel_loop3A_214 : vector<16xi32>
        %parallel_loop3A_216 = vector.bitcast %parallel_loop3A_215 : vector<16xi32> to vector<16xf32>
        %parallel_loop3A_217 = arith.mulf %parallel_loop3A_212, %parallel_loop3A_203 : vector<16xf32>
        %parallel_loop3A_218 = arith.mulf %parallel_loop3A_216, %parallel_loop3A_203 : vector<16xf32>
        %parallel_loop3A_219 = arith.index_cast %rem3A_66 : i32 to index
        %parallel_loop3A_220 = arith.index_cast %parallel_loop3A_201 : i32 to index
        %parallel_loop3A_221 = arith.constant 0 : index
        %parallel_loop3A_222 = tpu.vector_load %arg12[%parallel_loop3A_219, %parallel_loop3A_220, %parallel_loop3A_221] {strides = array<i32>} : memref<3x80x80xf32, #tpu.memory_space<vmem>>, vector<16xf32>,
        tpu.vector_store %arg12[%parallel_loop3A_219, %parallel_loop3A_220, %parallel_loop3A_221], %parallel_loop3A_217 {strides = array<i32>} : memref<3x80x80xf32, #tpu.memory_space<vmem>>, vector<16xf32>,
        %parallel_loop3A_223 = arith.index_cast %rem3A_66 : i32 to index
        %parallel_loop3A_224 = arith.index_cast %parallel_loop3A_201 : i32 to index
        %parallel_loop3A_225 = arith.constant 16 : index
        %parallel_loop3A_226 = tpu.vector_load %arg12[%parallel_loop3A_223, %parallel_loop3A_224, %parallel_loop3A_225] {strides = array<i32>} : memref<3x80x80xf32, #tpu.memory_space<vmem>>, vector<16xf32>,
        tpu.vector_store %arg12[%parallel_loop3A_223, %parallel_loop3A_224, %parallel_loop3A_225], %parallel_loop3A_218 {strides = array<i32>} : memref<3x80x80xf32, #tpu.memory_space<vmem>>, vector<16xf32>,
        %parallel_loop3A_227 = arith.index_cast %rem3A_66 : i32 to index
        %parallel_loop3A_228 = arith.index_cast %parallel_loop3A_201 : i32 to index
        %parallel_loop3A_229 = arith.constant 32 : index
        %parallel_loop3A_230 = tpu.vector_load %arg11[%parallel_loop3A_227, %parallel_loop3A_228, %parallel_loop3A_229] {strides = array<i32>} : memref<3x80x64xbf16, #tpu.memory_space<vmem>>, vector<32xbf16>,
        %parallel_loop3A_231 = vector.bitcast %parallel_loop3A_230 : vector<32xbf16> to vector<16xi32>
        %parallel_loop3A_232 = arith.constant 16 : i32
        %parallel_loop3A_233 = vector.broadcast %parallel_loop3A_232 : i32 to vector<16xi32>
        %parallel_loop3A_234 = arith.shli %parallel_loop3A_231, %parallel_loop3A_233 : vector<16xi32>
        %parallel_loop3A_235 = vector.bitcast %parallel_loop3A_234 : vector<16xi32> to vector<16xf32>
        %parallel_loop3A_236 = arith.constant -65536 : i32
        %parallel_loop3A_237 = vector.broadcast %parallel_loop3A_236 : i32 to vector<16xi32>
        %parallel_loop3A_238 = arith.andi %parallel_loop3A_231, %parallel_loop3A_237 : vector<16xi32>
        %parallel_loop3A_239 = vector.bitcast %parallel_loop3A_238 : vector<16xi32> to vector<16xf32>
        %parallel_loop3A_240 = arith.mulf %parallel_loop3A_235, %parallel_loop3A_203 : vector<16xf32>
        %parallel_loop3A_241 = arith.mulf %parallel_loop3A_239, %parallel_loop3A_203 : vector<16xf32>
        %parallel_loop3A_242 = arith.index_cast %rem3A_66 : i32 to index
        %parallel_loop3A_243 = arith.index_cast %parallel_loop3A_201 : i32 to index
        %parallel_loop3A_244 = arith.constant 32 : index
        %parallel_loop3A_245 = tpu.vector_load %arg12[%parallel_loop3A_242, %parallel_loop3A_243, %parallel_loop3A_244] {strides = array<i32>} : memref<3x80x80xf32, #tpu.memory_space<vmem>>, vector<16xf32>,
        tpu.vector_store %arg12[%parallel_loop3A_242, %parallel_loop3A_243, %parallel_loop3A_244], %parallel_loop3A_240 {strides = array<i32>} : memref<3x80x80xf32, #tpu.memory_space<vmem>>, vector<16xf32>,
        %parallel_loop3A_246 = arith.index_cast %rem3A_66 : i32 to index
        %parallel_loop3A_247 = arith.index_cast %parallel_loop3A_201 : i32 to index
        %parallel_loop3A_248 = arith.constant 48 : index
        %parallel_loop3A_249 = tpu.vector_load %arg12[%parallel_loop3A_246, %parallel_loop3A_247, %parallel_loop3A_248] {strides = array<i32>} : memref<3x80x80xf32, #tpu.memory_space<vmem>>, vector<16xf32>,
        tpu.vector_store %arg12[%parallel_loop3A_246, %parallel_loop3A_247, %parallel_loop3A_248], %parallel_loop3A_241 {strides = array<i32>} : memref<3x80x80xf32, #tpu.memory_space<vmem>>, vector<16xf32>,
        %parallel_loop3A_250 = arith.mulf %parallel_loop3A_203, %select_n3A : vector<16xf32>
        %parallel_loop3A_251 = arith.index_cast %rem3A_66 : i32 to index
        %parallel_loop3A_252 = arith.index_cast %parallel_loop3A_201 : i32 to index
        %parallel_loop3A_253 = arith.constant 64 : index
        %parallel_loop3A_254 = tpu.vector_load %arg12[%parallel_loop3A_251, %parallel_loop3A_252, %parallel_loop3A_253] {strides = array<i32>} : memref<3x80x80xf32, #tpu.memory_space<vmem>>, vector<16xf32>,
        tpu.vector_store %arg12[%parallel_loop3A_251, %parallel_loop3A_252, %parallel_loop3A_253], %parallel_loop3A_250 {strides = array<i32>} : memref<3x80x80xf32, #tpu.memory_space<vmem>>, vector<16xf32>,
      } {sc.loop_unroll_factor = 4 : i64, sc.parallel_access}
      %dma_start3A_185 = arith.constant 0 : i32
      %dma_start3A_186 = arith.constant 0 : i32
      %dma_start3A_187 = tpu.memref_slice %arg12[%rem3A_66, %dma_start3A_185, %dma_start3A_186] : memref<3x80x80xf32, #tpu.memory_space<vmem>> -> memref<1x80x80xf32, #tpu.memory_space<vmem>>
      %dma_start3A_188 = tpu.memref_squeeze %dma_start3A_187 : memref<1x80x80xf32, #tpu.memory_space<vmem>> -> memref<80x80xf32, #tpu.memory_space<vmem>>
      %dma_start3A_189 = arith.constant 0 : i32
      %dma_start3A_190 = tpu.memref_slice %arg10[%scan3A_65, %dma_start3A_189] : memref<125x80xi32, #tpu.memory_space<vmem>> -> memref<1x80xi32, #tpu.memory_space<vmem>>
      %dma_start3A_191 = tpu.memref_squeeze %dma_start3A_190 : memref<1x80xi32, #tpu.memory_space<vmem>> -> memref<80xi32, #tpu.memory_space<vmem>>
      %dma_start3A_192 = arith.constant 0 : i32
      %dma_start3A_193 = arith.constant 0 : i32
      %dma_start3A_194 = tpu.memref_slice %arg18[%dma_start3A_192, %dma_start3A_193] : memref<10000x80xf32, #tpu.memory_space<vmem_shared>> -> memref<10000x80xf32, #tpu.memory_space<vmem_shared>>
      %dma_start3A_195 = tpu.memref_slice %arg20[%rem3A_66] : memref<3x!tpu.dma_semaphore, #tpu.memory_space<semaphore_mem>> -> memref<1x!tpu.dma_semaphore, #tpu.memory_space<semaphore_mem>>
      %dma_start3A_196 = tpu.memref_squeeze %dma_start3A_195 : memref<1x!tpu.dma_semaphore, #tpu.memory_space<semaphore_mem>> -> memref<!tpu.dma_semaphore, #tpu.memory_space<semaphore_mem>>
      tpu.enqueue_indirect_dma source(%dma_start3A_188 : memref<80x80xf32, #tpu.memory_space<vmem>>) target(%dma_start3A_194 : memref<10000x80xf32, #tpu.memory_space<vmem_shared>>) offsets(%dma_start3A_191 : memref<80xi32, #tpu.memory_space<vmem>>) semaphore(%dma_start3A_196 : memref<!tpu.dma_semaphore, #tpu.memory_space<semaphore_mem>>) {add = true}
      %add3A_197 = arith.constant 2 : i32
      %add3A_198 = arith.addi %scan3A_65, %add3A_197 : i32
      %lt3A = arith.constant 125 : i32
      %lt3A_199 = arith.cmpi slt, %add3A_198, %lt3A : i32
      %convert_element_type3A = arith.extui %lt3A_199 : i1 to i32
      %cond3A = arith.constant 0 : i32
      %cond3A_200 = arith.cmpi ne, %convert_element_type3A, %cond3A : i32
      scf.if %cond3A_200 {
        %add3A_201 = arith.constant 2 : i32
        %add3A_202 = arith.addi %scan3A_65, %add3A_201 : i32
        %rem3A_203 = arith.constant 3 : i32
        %rem3A_204 = arith.remsi %add3A_202, %rem3A_203 : i32
        %ge3A = arith.constant 1 : i32
        %ge3A_205 = arith.cmpi sge, %scan3A_65, %ge3A : i32
        %convert_element_type3A_206 = arith.extui %ge3A_205 : i1 to i32
        %cond3A_207 = arith.constant 0 : i32
        %cond3A_208 = arith.cmpi ne, %convert_element_type3A_206, %cond3A_207 : i32
        scf.if %cond3A_208 {
          %sub3A_223 = arith.constant 1 : i32
          %sub3A_224 = arith.subi %scan3A_65, %sub3A_223 : i32
          %dma_wait3A_225 = arith.constant 0 : i32
          %dma_wait3A_226 = arith.constant 0 : i32
          %dma_wait3A_227 = tpu.memref_slice %arg12[%rem3A_204, %dma_wait3A_225, %dma_wait3A_226] : memref<3x80x80xf32, #tpu.memory_space<vmem>> -> memref<1x80x80xf32, #tpu.memory_space<vmem>>
          %dma_wait3A_228 = tpu.memref_squeeze %dma_wait3A_227 : memref<1x80x80xf32, #tpu.memory_space<vmem>> -> memref<80x80xf32, #tpu.memory_space<vmem>>
          %dma_wait3A_229 = arith.constant 0 : i32
          %dma_wait3A_230 = tpu.memref_slice %arg10[%sub3A_224, %dma_wait3A_229] : memref<125x80xi32, #tpu.memory_space<vmem>> -> memref<1x80xi32, #tpu.memory_space<vmem>>
          %dma_wait3A_231 = tpu.memref_squeeze %dma_wait3A_230 : memref<1x80xi32, #tpu.memory_space<vmem>> -> memref<80xi32, #tpu.memory_space<vmem>>
          %dma_wait3A_232 = arith.constant 0 : i32
          %dma_wait3A_233 = arith.constant 0 : i32
          %dma_wait3A_234 = tpu.memref_slice %arg18[%dma_wait3A_232, %dma_wait3A_233] : memref<10000x80xf32, #tpu.memory_space<vmem_shared>> -> memref<10000x80xf32, #tpu.memory_space<vmem_shared>>
          %dma_wait3A_235 = tpu.memref_slice %arg20[%rem3A_204] : memref<3x!tpu.dma_semaphore, #tpu.memory_space<semaphore_mem>> -> memref<1x!tpu.dma_semaphore, #tpu.memory_space<semaphore_mem>>
          %dma_wait3A_236 = tpu.memref_squeeze %dma_wait3A_235 : memref<1x!tpu.dma_semaphore, #tpu.memory_space<semaphore_mem>> -> memref<!tpu.dma_semaphore, #tpu.memory_space<semaphore_mem>>
          tpu.wait_indirect_dma semaphore(%dma_wait3A_236 : memref<!tpu.dma_semaphore, #tpu.memory_space<semaphore_mem>>) src(%dma_wait3A_228 : memref<80x80xf32, #tpu.memory_space<vmem>>) dst(%dma_wait3A_234 : memref<10000x80xf32, #tpu.memory_space<vmem_shared>>)
        } else {
        }
        %add3A_209 = arith.constant 2 : i32
        %add3A_210 = arith.addi %scan3A_65, %add3A_209 : i32
        %dma_start3A_211 = arith.constant 0 : i32
        %dma_start3A_212 = arith.constant 0 : i32
        %dma_start3A_213 = tpu.memref_slice %arg11[%rem3A_204, %dma_start3A_211, %dma_start3A_212] : memref<3x80x64xbf16, #tpu.memory_space<vmem>> -> memref<1x80x64xbf16, #tpu.memory_space<vmem>>
        %dma_start3A_214 = tpu.memref_squeeze %dma_start3A_213 : memref<1x80x64xbf16, #tpu.memory_space<vmem>> -> memref<80x64xbf16, #tpu.memory_space<vmem>>
        %dma_start3A_215 = arith.constant 0 : i32
        %dma_start3A_216 = tpu.memref_slice %arg9[%add3A_210, %dma_start3A_215] : memref<125x80xi32, #tpu.memory_space<vmem>> -> memref<1x80xi32, #tpu.memory_space<vmem>>
        %dma_start3A_217 = tpu.memref_squeeze %dma_start3A_216 : memref<1x80xi32, #tpu.memory_space<vmem>> -> memref<80xi32, #tpu.memory_space<vmem>>
        %dma_start3A_218 = arith.constant 0 : i32
        %dma_start3A_219 = arith.constant 0 : i32
        %dma_start3A_220 = tpu.memref_slice %arg2[%dma_start3A_218, %dma_start3A_219] : memref<10000x64xbf16, #tpu.memory_space<hbm>> -> memref<10000x64xbf16, #tpu.memory_space<hbm>>
        %dma_start3A_221 = tpu.memref_slice %arg19[%rem3A_204] : memref<3x!tpu.dma_semaphore, #tpu.memory_space<semaphore_mem>> -> memref<1x!tpu.dma_semaphore, #tpu.memory_space<semaphore_mem>>
        %dma_start3A_222 = tpu.memref_squeeze %dma_start3A_221 : memref<1x!tpu.dma_semaphore, #tpu.memory_space<semaphore_mem>> -> memref<!tpu.dma_semaphore, #tpu.memory_space<semaphore_mem>>
        tpu.enqueue_indirect_dma source(%dma_start3A_220 : memref<10000x64xbf16, #tpu.memory_space<hbm>>) target(%dma_start3A_214 : memref<80x64xbf16, #tpu.memory_space<vmem>>) offsets(%dma_start3A_217 : memref<80xi32, #tpu.memory_space<vmem>>) semaphore(%dma_start3A_222 : memref<!tpu.dma_semaphore, #tpu.memory_space<semaphore_mem>>)
      } else {
      }
    }
    %scan3A_51 = arith.constant 125 : i32
    %scan3A_52 = arith.constant 0 : i32
    %scan3A_53 = arith.constant 0 : i32
    %scan3A_54 = arith.constant 3 : i32
    %scan3A_55 = arith.addi %scan3A_53, %scan3A_54 : i32
    %scan3A_56 = arith.constant 1 : i32
    scf.for %scan3A_65 = %scan3A_53 to %scan3A_55 step %scan3A_56  : i32 {
      %add3A_66 = arith.constant 122 : i32
      %add3A_67 = arith.addi %add3A_66, %scan3A_65 : i32
      %rem3A = arith.constant 3 : i32
      %rem3A_68 = arith.remsi %add3A_67, %rem3A : i32
      %dma_wait3A = arith.constant 0 : i32
      %dma_wait3A_69 = arith.constant 0 : i32
      %dma_wait3A_70 = tpu.memref_slice %arg12[%rem3A_68, %dma_wait3A, %dma_wait3A_69] : memref<3x80x80xf32, #tpu.memory_space<vmem>> -> memref<1x80x80xf32, #tpu.memory_space<vmem>>
      %dma_wait3A_71 = tpu.memref_squeeze %dma_wait3A_70 : memref<1x80x80xf32, #tpu.memory_space<vmem>> -> memref<80x80xf32, #tpu.memory_space<vmem>>
      %dma_wait3A_72 = arith.constant 0 : i32
      %dma_wait3A_73 = tpu.memref_slice %arg10[%add3A_67, %dma_wait3A_72] : memref<125x80xi32, #tpu.memory_space<vmem>> -> memref<1x80xi32, #tpu.memory_space<vmem>>
      %dma_wait3A_74 = tpu.memref_squeeze %dma_wait3A_73 : memref<1x80xi32, #tpu.memory_space<vmem>> -> memref<80xi32, #tpu.memory_space<vmem>>
      %dma_wait3A_75 = arith.constant 0 : i32
      %dma_wait3A_76 = arith.constant 0 : i32
      %dma_wait3A_77 = tpu.memref_slice %arg18[%dma_wait3A_75, %dma_wait3A_76] : memref<10000x80xf32, #tpu.memory_space<vmem_shared>> -> memref<10000x80xf32, #tpu.memory_space<vmem_shared>>
      %dma_wait3A_78 = tpu.memref_slice %arg20[%rem3A_68] : memref<3x!tpu.dma_semaphore, #tpu.memory_space<semaphore_mem>> -> memref<1x!tpu.dma_semaphore, #tpu.memory_space<semaphore_mem>>
      %dma_wait3A_79 = tpu.memref_squeeze %dma_wait3A_78 : memref<1x!tpu.dma_semaphore, #tpu.memory_space<semaphore_mem>> -> memref<!tpu.dma_semaphore, #tpu.memory_space<semaphore_mem>>
      tpu.wait_indirect_dma semaphore(%dma_wait3A_79 : memref<!tpu.dma_semaphore, #tpu.memory_space<semaphore_mem>>) src(%dma_wait3A_71 : memref<80x80xf32, #tpu.memory_space<vmem>>) dst(%dma_wait3A_77 : memref<10000x80xf32, #tpu.memory_space<vmem_shared>>)
    }
    %scan3A_57 = arith.constant 3 : i32
    %barrier3A_58 = arith.constant 0 : index
    tpu.barrier barrier_id(%barrier3A_58)
    %scan3A_59 = arith.constant 0 : i32
    %scan3A_60 = arith.constant 0 : i32
    %scan3A_61 = arith.constant 5 : i32
    %scan3A_62 = arith.addi %scan3A_60, %scan3A_61 : i32
    %scan3A_63 = arith.constant 1 : i32
    scf.for %scan3A_65 = %scan3A_60 to %scan3A_62 step %scan3A_63  : i32 {
      %mul3A_66 = arith.constant 625 : i32
      %mul3A_67 = arith.muli %arg1, %mul3A_66 : i32
      %mul3A_68 = arith.constant 125 : i32
      %mul3A_69 = arith.muli %scan3A_65, %mul3A_68 : i32
      %add3A_70 = arith.addi %mul3A_67, %mul3A_69 : i32
      "tpu.region"() ({
        %run_scoped3A = tpu.sem_alloc : memref<!tpu.dma_semaphore, #tpu.memory_space<semaphore_mem>>
        %dma_start3A_71 = arith.constant 0 : i32
        %dma_start3A_72 = tpu.memref_slice %arg18[%add3A_70, %dma_start3A_71] : memref<10000x80xf32, #tpu.memory_space<vmem_shared>> -> memref<125x80xf32, #tpu.memory_space<vmem_shared>>
        %dma_start3A_73 = arith.constant 0 : i32
        %dma_start3A_74 = tpu.memref_slice %arg18[%add3A_70, %dma_start3A_73] : memref<10000x80xf32, #tpu.memory_space<vmem_shared>> -> memref<125x80xf32, #tpu.memory_space<vmem_shared>>
        tpu.enqueue_dma source(%dma_start3A_74 : memref<125x80xf32, #tpu.memory_space<vmem_shared>>) target(%arg17 : memref<125x80xf32, #tpu.memory_space<vmem>>) target_semaphore(%run_scoped3A : memref<!tpu.dma_semaphore, #tpu.memory_space<semaphore_mem>>)
        %dma_wait3A = arith.constant 0 : i32
        %dma_wait3A_75 = tpu.memref_slice %arg18[%add3A_70, %dma_wait3A] : memref<10000x80xf32, #tpu.memory_space<vmem_shared>> -> memref<125x80xf32, #tpu.memory_space<vmem_shared>>
        %dma_wait3A_76 = arith.constant 0 : i32
        %dma_wait3A_77 = tpu.memref_slice %arg18[%add3A_70, %dma_wait3A_76] : memref<10000x80xf32, #tpu.memory_space<vmem_shared>> -> memref<125x80xf32, #tpu.memory_space<vmem_shared>>
        tpu.wait_dma2 semaphore(%run_scoped3A : memref<!tpu.dma_semaphore, #tpu.memory_space<semaphore_mem>>) src(%dma_wait3A_77 : memref<125x80xf32, #tpu.memory_space<vmem_shared>>) dst(%arg17 : memref<125x80xf32, #tpu.memory_space<vmem>>)
        tpu.yield
      }) : () -> ()
      "tpu.region"() ({
        %run_scoped3A = tpu.sem_alloc : memref<!tpu.dma_semaphore, #tpu.memory_space<semaphore_mem>>
        %dma_start3A_71 = arith.constant 0 : i32
        %dma_start3A_72 = tpu.memref_slice %arg8[%arg0, %add3A_70, %dma_start3A_71] : memref<2x10000x80xf32, #tpu.memory_space<hbm>> -> memref<1x125x80xf32, #tpu.memory_space<hbm>>
        %dma_start3A_73 = tpu.memref_squeeze %dma_start3A_72 : memref<1x125x80xf32, #tpu.memory_space<hbm>> -> memref<125x80xf32, #tpu.memory_space<hbm>>
        %dma_start3A_74 = arith.constant 0 : i32
        %dma_start3A_75 = tpu.memref_slice %arg8[%arg0, %add3A_70, %dma_start3A_74] : memref<2x10000x80xf32, #tpu.memory_space<hbm>> -> memref<1x125x80xf32, #tpu.memory_space<hbm>>
        %dma_start3A_76 = tpu.memref_squeeze %dma_start3A_75 : memref<1x125x80xf32, #tpu.memory_space<hbm>> -> memref<125x80xf32, #tpu.memory_space<hbm>>
        tpu.enqueue_dma source(%arg17 : memref<125x80xf32, #tpu.memory_space<vmem>>) target(%dma_start3A_76 : memref<125x80xf32, #tpu.memory_space<hbm>>) target_semaphore(%run_scoped3A : memref<!tpu.dma_semaphore, #tpu.memory_space<semaphore_mem>>)
        %dma_wait3A = arith.constant 0 : i32
        %dma_wait3A_77 = tpu.memref_slice %arg8[%arg0, %add3A_70, %dma_wait3A] : memref<2x10000x80xf32, #tpu.memory_space<hbm>> -> memref<1x125x80xf32, #tpu.memory_space<hbm>>
        %dma_wait3A_78 = tpu.memref_squeeze %dma_wait3A_77 : memref<1x125x80xf32, #tpu.memory_space<hbm>> -> memref<125x80xf32, #tpu.memory_space<hbm>>
        %dma_wait3A_79 = arith.constant 0 : i32
        %dma_wait3A_80 = tpu.memref_slice %arg8[%arg0, %add3A_70, %dma_wait3A_79] : memref<2x10000x80xf32, #tpu.memory_space<hbm>> -> memref<1x125x80xf32, #tpu.memory_space<hbm>>
        %dma_wait3A_81 = tpu.memref_squeeze %dma_wait3A_80 : memref<1x125x80xf32, #tpu.memory_space<hbm>> -> memref<125x80xf32, #tpu.memory_space<hbm>>
        tpu.wait_dma2 semaphore(%run_scoped3A : memref<!tpu.dma_semaphore, #tpu.memory_space<semaphore_mem>>) src(%arg17 : memref<125x80xf32, #tpu.memory_space<vmem>>) dst(%dma_wait3A_81 : memref<125x80xf32, #tpu.memory_space<hbm>>)
        tpu.yield
      }) : () -> ()
    }
    %scan3A_64 = arith.constant 5 : i32
    return
  }
}

module attributes {stable_mosaic.version = 14 : i64} {
  func.func @_tc1a_body(%arg0: i32, %arg1: memref<2000x128xf32, #tpu.memory_space<vmem>>, %arg2: memref<128x64xf32, #tpu.memory_space<vmem>>, %arg3: memref<128x64xf32, #tpu.memory_space<vmem>>, %arg4: memref<2000x64xf32, #tpu.memory_space<vmem>>, %arg5: memref<2000x64xf32, #tpu.memory_space<vmem>>) attributes {dimension_semantics = [#tpu.dimension_semantics<arbitrary>], iteration_bounds = array<i64: 5>, scalar_prefetch = 0 : i64, scratch_operands = 0 : i64, tpu.core_type = #tpu.core_type<tc>, window_params = [{transform_indices = @transform_0, window_bounds = array<i64: 2000, 128>}, {pipeline_mode = #tpu.pipeline_mode<synchronous>, transform_indices = @transform_1, window_bounds = array<i64: 128, 64>}, {pipeline_mode = #tpu.pipeline_mode<synchronous>, transform_indices = @transform_2, window_bounds = array<i64: 128, 64>}, {transform_indices = @transform_3, window_bounds = array<i64: 2000, 64>}, {transform_indices = @transform_4, window_bounds = array<i64: 2000, 64>}]} {
    %get3A = arith.constant 0 : index
    %get3A_0 = arith.constant 0 : index
    %get3A_1 = vector.load %arg1[%get3A, %get3A_0] : memref<2000x128xf32, #tpu.memory_space<vmem>>, vector<2000x128xf32>
    %get3A_2 = arith.constant 0 : index
    %get3A_3 = arith.constant 0 : index
    %get3A_4 = vector.load %arg2[%get3A_2, %get3A_3] : memref<128x64xf32, #tpu.memory_space<vmem>>, vector<128x64xf32>
    %dot_general3A = arith.constant dense<0.000000e+00> : vector<2000x64xf32>
    %dot_general3A_5 = tpu.matmul %get3A_1, %get3A_4, %dot_general3A {dimension_numbers = #tpu.dot_dimension_numbers<[1], [0], [0], [1], [0, 0, 1, 1], [], []>, transpose_lhs_hint = false} : vector<2000x128xf32>, vector<128x64xf32>, vector<2000x64xf32> -> vector<2000x64xf32>
    %swap3A = arith.constant 0 : index
    %swap3A_6 = arith.constant 0 : index
    %swap3A_7 = vector.load %arg4[%swap3A, %swap3A_6] : memref<2000x64xf32, #tpu.memory_space<vmem>>, vector<2000x64xf32>
    tpu.vector_store %arg4[%swap3A, %swap3A_6], %dot_general3A_5 {strides = array<i32>} : memref<2000x64xf32, #tpu.memory_space<vmem>>, vector<2000x64xf32>,
    %get3A_8 = arith.constant 0 : index
    %get3A_9 = arith.constant 0 : index
    %get3A_10 = vector.load %arg3[%get3A_8, %get3A_9] : memref<128x64xf32, #tpu.memory_space<vmem>>, vector<128x64xf32>
    %dot_general3A_11 = arith.constant dense<0.000000e+00> : vector<2000x64xf32>
    %dot_general3A_12 = tpu.matmul %get3A_1, %get3A_10, %dot_general3A_11 {dimension_numbers = #tpu.dot_dimension_numbers<[1], [0], [0], [1], [0, 0, 1, 1], [], []>, transpose_lhs_hint = false} : vector<2000x128xf32>, vector<128x64xf32>, vector<2000x64xf32> -> vector<2000x64xf32>
    %swap3A_13 = arith.constant 0 : index
    %swap3A_14 = arith.constant 0 : index
    %swap3A_15 = vector.load %arg5[%swap3A_13, %swap3A_14] : memref<2000x64xf32, #tpu.memory_space<vmem>>, vector<2000x64xf32>
    tpu.vector_store %arg5[%swap3A_13, %swap3A_14], %dot_general3A_12 {strides = array<i32>} : memref<2000x64xf32, #tpu.memory_space<vmem>>, vector<2000x64xf32>,
    return
  }
  func.func @transform_0(%arg0: i32) -> (i32, i32) {
    %c0_i32 = arith.constant 0 : i32
    %c0_i32_0 = arith.constant 0 : i32
    return %arg0, %c0_i32 : i32, i32
  }
  func.func @transform_1(%arg0: i32) -> (i32, i32) {
    %c0_i32 = arith.constant 0 : i32
    %c0_i32_0 = arith.constant 0 : i32
    %c0_i32_1 = arith.constant 0 : i32
    return %c0_i32, %c0_i32_0 : i32, i32
  }
  func.func @transform_2(%arg0: i32) -> (i32, i32) {
    %c0_i32 = arith.constant 0 : i32
    %c0_i32_0 = arith.constant 0 : i32
    %c0_i32_1 = arith.constant 0 : i32
    return %c0_i32, %c0_i32_0 : i32, i32
  }
  func.func @transform_3(%arg0: i32) -> (i32, i32) {
    %c0_i32 = arith.constant 0 : i32
    %c0_i32_0 = arith.constant 0 : i32
    return %arg0, %c0_i32 : i32, i32
  }
  func.func @transform_4(%arg0: i32) -> (i32, i32) {
    %c0_i32 = arith.constant 0 : i32
    %c0_i32_0 = arith.constant 0 : i32
    return %arg0, %c0_i32 : i32, i32
  }
}

module attributes {stable_mosaic.version = 14 : i64} {
  func.func @_tc1b_body(%arg0: i32, %arg1: memref<2000x64xf32, #tpu.memory_space<vmem>>, %arg2: memref<2000x1xf32, #tpu.memory_space<vmem>>, %arg3: memref<2000x1xf32, #tpu.memory_space<vmem>>, %arg4: memref<2000x64xbf16, #tpu.memory_space<vmem>>, %arg5: memref<2000x1xf32, #tpu.memory_space<vmem>>) attributes {dimension_semantics = [#tpu.dimension_semantics<arbitrary>], iteration_bounds = array<i64: 5>, scalar_prefetch = 0 : i64, scratch_operands = 0 : i64, tpu.core_type = #tpu.core_type<tc>, window_params = [{transform_indices = @transform_0, window_bounds = array<i64: 2000, 64>}, {transform_indices = @transform_1, window_bounds = array<i64: 2000, 1>}, {transform_indices = @transform_2, window_bounds = array<i64: 2000, 1>}, {transform_indices = @transform_3, window_bounds = array<i64: 2000, 64>}, {transform_indices = @transform_4, window_bounds = array<i64: 2000, 1>}]} {
    %get3A = arith.constant 0 : index
    %get3A_0 = arith.constant 0 : index
    %get3A_1 = vector.load %arg2[%get3A, %get3A_0] : memref<2000x1xf32, #tpu.memory_space<vmem>>, vector<2000x1xf32>
    %get3A_2 = arith.constant 0 : index
    %get3A_3 = arith.constant 0 : index
    %get3A_4 = vector.load %arg3[%get3A_2, %get3A_3] : memref<2000x1xf32, #tpu.memory_space<vmem>>, vector<2000x1xf32>
    %add3A = arith.addf %get3A_1, %get3A_4 : vector<2000x1xf32>
    %add3A_5 = arith.constant 1.000000e+00 : f32
    %add3A_6 = vector.broadcast %add3A_5 : f32 to vector<2000x1xf32>
    %add3A_7 = arith.addf %add3A, %add3A_6 : vector<2000x1xf32>
    %rsqrt3A = math.rsqrt %add3A_7 : vector<2000x1xf32>
    %get3A_8 = arith.constant 0 : index
    %get3A_9 = arith.constant 0 : index
    %get3A_10 = vector.load %arg1[%get3A_8, %get3A_9] : memref<2000x64xf32, #tpu.memory_space<vmem>>, vector<2000x64xf32>
    %mul3A = vector.broadcast %rsqrt3A : vector<2000x1xf32> to vector<2000x64xf32>
    %mul3A_11 = arith.mulf %get3A_10, %mul3A : vector<2000x64xf32>
    %convert_element_type3A = arith.truncf %mul3A_11 : vector<2000x64xf32> to vector<2000x64xbf16>
    %swap3A = arith.constant 0 : index
    %swap3A_12 = arith.constant 0 : index
    %swap3A_13 = vector.load %arg4[%swap3A, %swap3A_12] : memref<2000x64xbf16, #tpu.memory_space<vmem>>, vector<2000x64xbf16>
    tpu.vector_store %arg4[%swap3A, %swap3A_12], %convert_element_type3A {strides = array<i32>} : memref<2000x64xbf16, #tpu.memory_space<vmem>>, vector<2000x64xbf16>,
    %swap3A_14 = arith.constant 0 : index
    %swap3A_15 = arith.constant 0 : index
    %swap3A_16 = vector.load %arg5[%swap3A_14, %swap3A_15] : memref<2000x1xf32, #tpu.memory_space<vmem>>, vector<2000x1xf32>
    tpu.vector_store %arg5[%swap3A_14, %swap3A_15], %rsqrt3A {strides = array<i32>} : memref<2000x1xf32, #tpu.memory_space<vmem>>, vector<2000x1xf32>,
    return
  }
  func.func @transform_0(%arg0: i32) -> (i32, i32) {
    %c0_i32 = arith.constant 0 : i32
    %c0_i32_0 = arith.constant 0 : i32
    return %arg0, %c0_i32 : i32, i32
  }
  func.func @transform_1(%arg0: i32) -> (i32, i32) {
    %c0_i32 = arith.constant 0 : i32
    %c0_i32_0 = arith.constant 0 : i32
    return %arg0, %c0_i32 : i32, i32
  }
  func.func @transform_2(%arg0: i32) -> (i32, i32) {
    %c0_i32 = arith.constant 0 : i32
    %c0_i32_0 = arith.constant 0 : i32
    return %arg0, %c0_i32 : i32, i32
  }
  func.func @transform_3(%arg0: i32) -> (i32, i32) {
    %c0_i32 = arith.constant 0 : i32
    %c0_i32_0 = arith.constant 0 : i32
    return %arg0, %c0_i32 : i32, i32
  }
  func.func @transform_4(%arg0: i32) -> (i32, i32) {
    %c0_i32 = arith.constant 0 : i32
    %c0_i32_0 = arith.constant 0 : i32
    return %arg0, %c0_i32 : i32, i32
  }
}

module attributes {stable_mosaic.version = 14 : i64} {
  func.func @_tc2_body(%arg0: i32, %arg1: memref<2x2000x128xf32, #tpu.memory_space<vmem>>, %arg2: memref<2000x64xf32, #tpu.memory_space<vmem>>, %arg3: memref<2000x1xf32, #tpu.memory_space<vmem>>, %arg4: memref<1x64xf32, #tpu.memory_space<vmem>>, %arg5: memref<64x64xf32, #tpu.memory_space<vmem>>, %arg6: memref<64x64xf32, #tpu.memory_space<vmem>>, %arg7: memref<64x1xf32, #tpu.memory_space<vmem>>, %arg8: memref<64x1xf32, #tpu.memory_space<vmem>>, %arg9: memref<2000x64xf32, #tpu.memory_space<vmem>>, %arg10: memref<2000x64xbf16, #tpu.memory_space<vmem>>, %arg11: memref<2000x1xf32, #tpu.memory_space<vmem>>, %arg12: memref<2000x1xf32, #tpu.memory_space<vmem>>, %arg13: memref<1x1xf32, #tpu.memory_space<vmem>>) attributes {dimension_semantics = [#tpu.dimension_semantics<arbitrary>], iteration_bounds = array<i64: 5>, scalar_prefetch = 0 : i64, scratch_operands = 0 : i64, tpu.core_type = #tpu.core_type<tc>, window_params = [{transform_indices = @transform_0, window_bounds = array<i64: 2, 2000, 128>}, {transform_indices = @transform_1, window_bounds = array<i64: 2000, 64>}, {transform_indices = @transform_2, window_bounds = array<i64: 2000, 1>}, {pipeline_mode = #tpu.pipeline_mode<synchronous>, transform_indices = @transform_3, window_bounds = array<i64: 1, 64>}, {pipeline_mode = #tpu.pipeline_mode<synchronous>, transform_indices = @transform_4, window_bounds = array<i64: 64, 64>}, {pipeline_mode = #tpu.pipeline_mode<synchronous>, transform_indices = @transform_5, window_bounds = array<i64: 64, 64>}, {pipeline_mode = #tpu.pipeline_mode<synchronous>, transform_indices = @transform_6, window_bounds = array<i64: 64, 1>}, {pipeline_mode = #tpu.pipeline_mode<synchronous>, transform_indices = @transform_7, window_bounds = array<i64: 64, 1>}, {transform_indices = @transform_8, window_bounds = array<i64: 2000, 64>}, {transform_indices = @transform_9, window_bounds = array<i64: 2000, 64>}, {transform_indices = @transform_10, window_bounds = array<i64: 2000, 1>}, {transform_indices = @transform_11, window_bounds = array<i64: 2000, 1>}, {pipeline_mode = #tpu.pipeline_mode<synchronous>, transform_indices = @transform_12, window_bounds = array<i64: 1, 1>}]} {
    %get3A = arith.constant 0 : index
    %get3A_0 = arith.constant 0 : index
    %get3A_1 = vector.load %arg3[%get3A, %get3A_0] : memref<2000x1xf32, #tpu.memory_space<vmem>>, vector<2000x1xf32>
    %get3A_2 = arith.constant 0 : index
    %get3A_3 = arith.constant 0 : index
    %get3A_4 = arith.constant 0 : index
    %get3A_5 = vector.load %arg1[%get3A_2, %get3A_3, %get3A_4] : memref<2x2000x128xf32, #tpu.memory_space<vmem>>, vector<1x2000x128xf32>
    %get3A_6 = vector.shape_cast %get3A_5 : vector<1x2000x128xf32> to vector<2000x128xf32>
    %slice3A = vector.extract_strided_slice %get3A_6 {offsets = [0, 0], sizes = [2000, 64], strides = [1, 1]} : vector<2000x128xf32> to vector<2000x64xf32>
    %get3A_7 = arith.constant 1 : index
    %get3A_8 = arith.constant 0 : index
    %get3A_9 = arith.constant 0 : index
    %get3A_10 = vector.load %arg1[%get3A_7, %get3A_8, %get3A_9] : memref<2x2000x128xf32, #tpu.memory_space<vmem>>, vector<1x2000x128xf32>
    %get3A_11 = vector.shape_cast %get3A_10 : vector<1x2000x128xf32> to vector<2000x128xf32>
    %slice3A_12 = vector.extract_strided_slice %get3A_11 {offsets = [0, 0], sizes = [2000, 64], strides = [1, 1]} : vector<2000x128xf32> to vector<2000x64xf32>
    %add3A = arith.addf %slice3A, %slice3A_12 : vector<2000x64xf32>
    %get3A_13 = arith.constant 0 : index
    %get3A_14 = arith.constant 0 : index
    %get3A_15 = vector.load %arg2[%get3A_13, %get3A_14] : memref<2000x64xf32, #tpu.memory_space<vmem>>, vector<2000x64xf32>
    %mul3A = vector.broadcast %get3A_1 : vector<2000x1xf32> to vector<2000x64xf32>
    %mul3A_16 = arith.mulf %get3A_15, %mul3A : vector<2000x64xf32>
    %add3A_17 = arith.addf %add3A, %mul3A_16 : vector<2000x64xf32>
    %mul3A_18 = vector.broadcast %get3A_1 : vector<2000x1xf32> to vector<2000x64xf32>
    %mul3A_19 = arith.mulf %mul3A_18, %add3A_17 : vector<2000x64xf32>
    %get3A_20 = arith.constant 0 : index
    %get3A_21 = arith.constant 0 : index
    %get3A_22 = vector.load %arg4[%get3A_20, %get3A_21] : memref<1x64xf32, #tpu.memory_space<vmem>>, vector<1x64xf32>
    %add3A_23 = vector.broadcast %get3A_22 : vector<1x64xf32> to vector<2000x64xf32>
    %add3A_24 = arith.addf %mul3A_19, %add3A_23 : vector<2000x64xf32>
    %max3A = arith.constant 0.000000e+00 : f32
    %max3A_25 = vector.broadcast %max3A : f32 to vector<2000x64xf32>
    %max3A_26 = arith.maximumf %add3A_24, %max3A_25 : vector<2000x64xf32>
    %get3A_27 = arith.constant 0 : index
    %get3A_28 = arith.constant 0 : index
    %get3A_29 = vector.load %arg5[%get3A_27, %get3A_28] : memref<64x64xf32, #tpu.memory_space<vmem>>, vector<64x64xf32>
    %dot_general3A = arith.constant dense<0.000000e+00> : vector<2000x64xf32>
    %dot_general3A_30 = tpu.matmul %max3A_26, %get3A_29, %dot_general3A {dimension_numbers = #tpu.dot_dimension_numbers<[1], [0], [0], [1], [0, 0, 1, 1], [], []>, transpose_lhs_hint = false} : vector<2000x64xf32>, vector<64x64xf32>, vector<2000x64xf32> -> vector<2000x64xf32>
    %swap3A = arith.constant 0 : index
    %swap3A_31 = arith.constant 0 : index
    %swap3A_32 = vector.load %arg9[%swap3A, %swap3A_31] : memref<2000x64xf32, #tpu.memory_space<vmem>>, vector<2000x64xf32>
    tpu.vector_store %arg9[%swap3A, %swap3A_31], %dot_general3A_30 {strides = array<i32>} : memref<2000x64xf32, #tpu.memory_space<vmem>>, vector<2000x64xf32>,
    %get3A_33 = arith.constant 0 : index
    %get3A_34 = arith.constant 0 : index
    %get3A_35 = vector.load %arg6[%get3A_33, %get3A_34] : memref<64x64xf32, #tpu.memory_space<vmem>>, vector<64x64xf32>
    %dot_general3A_36 = arith.constant dense<0.000000e+00> : vector<2000x64xf32>
    %dot_general3A_37 = tpu.matmul %max3A_26, %get3A_35, %dot_general3A_36 {dimension_numbers = #tpu.dot_dimension_numbers<[1], [0], [0], [1], [0, 0, 1, 1], [], []>, transpose_lhs_hint = false} : vector<2000x64xf32>, vector<64x64xf32>, vector<2000x64xf32> -> vector<2000x64xf32>
    %convert_element_type3A = arith.truncf %dot_general3A_37 : vector<2000x64xf32> to vector<2000x64xbf16>
    %swap3A_38 = arith.constant 0 : index
    %swap3A_39 = arith.constant 0 : index
    %swap3A_40 = vector.load %arg10[%swap3A_38, %swap3A_39] : memref<2000x64xbf16, #tpu.memory_space<vmem>>, vector<2000x64xbf16>
    tpu.vector_store %arg10[%swap3A_38, %swap3A_39], %convert_element_type3A {strides = array<i32>} : memref<2000x64xbf16, #tpu.memory_space<vmem>>, vector<2000x64xbf16>,
    %get3A_41 = arith.constant 0 : index
    %get3A_42 = arith.constant 0 : index
    %get3A_43 = vector.load %arg7[%get3A_41, %get3A_42] : memref<64x1xf32, #tpu.memory_space<vmem>>, vector<64x1xf32>
    %dot_general3A_44 = arith.constant dense<0.000000e+00> : vector<2000x1xf32>
    %dot_general3A_45 = tpu.matmul %dot_general3A_30, %get3A_43, %dot_general3A_44 {dimension_numbers = #tpu.dot_dimension_numbers<[1], [0], [0], [1], [0, 0, 1, 1], [], []>, transpose_lhs_hint = false} : vector<2000x64xf32>, vector<64x1xf32>, vector<2000x1xf32> -> vector<2000x1xf32>
    %get3A_46 = arith.constant 0 : index
    %get3A_47 = arith.constant 0 : index
    %get3A_48 = vector.load %arg8[%get3A_46, %get3A_47] : memref<64x1xf32, #tpu.memory_space<vmem>>, vector<64x1xf32>
    %dot_general3A_49 = arith.constant dense<0.000000e+00> : vector<2000x1xf32>
    %dot_general3A_50 = tpu.matmul %dot_general3A_30, %get3A_48, %dot_general3A_49 {dimension_numbers = #tpu.dot_dimension_numbers<[1], [0], [0], [1], [0, 0, 1, 1], [], []>, transpose_lhs_hint = false} : vector<2000x64xf32>, vector<64x1xf32>, vector<2000x1xf32> -> vector<2000x1xf32>
    %swap3A_51 = arith.constant 0 : index
    %swap3A_52 = arith.constant 0 : index
    %swap3A_53 = vector.load %arg11[%swap3A_51, %swap3A_52] : memref<2000x1xf32, #tpu.memory_space<vmem>>, vector<2000x1xf32>
    tpu.vector_store %arg11[%swap3A_51, %swap3A_52], %dot_general3A_45 {strides = array<i32>} : memref<2000x1xf32, #tpu.memory_space<vmem>>, vector<2000x1xf32>,
    %swap3A_54 = arith.constant 0 : index
    %swap3A_55 = arith.constant 0 : index
    %swap3A_56 = vector.load %arg12[%swap3A_54, %swap3A_55] : memref<2000x1xf32, #tpu.memory_space<vmem>>, vector<2000x1xf32>
    tpu.vector_store %arg12[%swap3A_54, %swap3A_55], %dot_general3A_50 {strides = array<i32>} : memref<2000x1xf32, #tpu.memory_space<vmem>>, vector<2000x1xf32>,
    %reduce_max3A = vector.shape_cast %dot_general3A_45 : vector<2000x1xf32> to vector<1x2000x1xf32>
    %reduce_max3A_57 = arith.constant dense<0xFF800000> : vector<1xf32>
    %reduce_max3A_58 = vector.multi_reduction <maximumf>, %reduce_max3A, %reduce_max3A_57 [1, 2] : vector<1x2000x1xf32> to vector<1xf32>
    %reduce_max3A_59 = vector.shape_cast %reduce_max3A_58 : vector<1xf32> to vector<1x1x1xf32>
    %reduce_max3A_60 = vector.extract %reduce_max3A_59[0, 0, 0] : f32 from vector<1x1x1xf32>
    %broadcast_in_dim3A = vector.broadcast %reduce_max3A_60 : f32 to vector<1x1xf32>
    %eq3A = arith.constant 0 : i32
    %eq3A_61 = arith.cmpi eq, %arg0, %eq3A : i32
    %convert_element_type3A_62 = arith.extui %eq3A_61 : i1 to i32
    %cond3A = arith.constant 0 : i32
    %cond3A_63 = arith.cmpi ne, %convert_element_type3A_62, %cond3A : i32
    scf.if %cond3A_63 {
      %swap3A_68 = arith.constant 0 : index
      %swap3A_69 = arith.constant 0 : index
      %swap3A_70 = vector.load %arg13[%swap3A_68, %swap3A_69] : memref<1x1xf32, #tpu.memory_space<vmem>>, vector<1x1xf32>
      tpu.vector_store %arg13[%swap3A_68, %swap3A_69], %broadcast_in_dim3A {strides = array<i32>} : memref<1x1xf32, #tpu.memory_space<vmem>>, vector<1x1xf32>,
    } else {
    }
    %gt3A = arith.constant 0 : i32
    %gt3A_64 = arith.cmpi sgt, %arg0, %gt3A : i32
    %convert_element_type3A_65 = arith.extui %gt3A_64 : i1 to i32
    %cond3A_66 = arith.constant 0 : i32
    %cond3A_67 = arith.cmpi ne, %convert_element_type3A_65, %cond3A_66 : i32
    scf.if %cond3A_67 {
      %get3A_68 = arith.constant 0 : index
      %get3A_69 = arith.constant 0 : index
      %get3A_70 = vector.load %arg13[%get3A_68, %get3A_69] : memref<1x1xf32, #tpu.memory_space<vmem>>, vector<1x1xf32>
      %max3A_71 = arith.maximumf %get3A_70, %broadcast_in_dim3A : vector<1x1xf32>
      %swap3A_72 = arith.constant 0 : index
      %swap3A_73 = arith.constant 0 : index
      %swap3A_74 = vector.load %arg13[%swap3A_72, %swap3A_73] : memref<1x1xf32, #tpu.memory_space<vmem>>, vector<1x1xf32>
      tpu.vector_store %arg13[%swap3A_72, %swap3A_73], %max3A_71 {strides = array<i32>} : memref<1x1xf32, #tpu.memory_space<vmem>>, vector<1x1xf32>,
    } else {
    }
    return
  }
  func.func @transform_0(%arg0: i32) -> (i32, i32, i32) {
    %c0_i32 = arith.constant 0 : i32
    %c0_i32_0 = arith.constant 0 : i32
    %c0_i32_1 = arith.constant 0 : i32
    return %c0_i32, %arg0, %c0_i32_0 : i32, i32, i32
  }
  func.func @transform_1(%arg0: i32) -> (i32, i32) {
    %c0_i32 = arith.constant 0 : i32
    %c0_i32_0 = arith.constant 0 : i32
    return %arg0, %c0_i32 : i32, i32
  }
  func.func @transform_2(%arg0: i32) -> (i32, i32) {
    %c0_i32 = arith.constant 0 : i32
    %c0_i32_0 = arith.constant 0 : i32
    return %arg0, %c0_i32 : i32, i32
  }
  func.func @transform_3(%arg0: i32) -> (i32, i32) {
    %c0_i32 = arith.constant 0 : i32
    %c0_i32_0 = arith.constant 0 : i32
    %c0_i32_1 = arith.constant 0 : i32
    return %c0_i32, %c0_i32_0 : i32, i32
  }
  func.func @transform_4(%arg0: i32) -> (i32, i32) {
    %c0_i32 = arith.constant 0 : i32
    %c0_i32_0 = arith.constant 0 : i32
    %c0_i32_1 = arith.constant 0 : i32
    return %c0_i32, %c0_i32_0 : i32, i32
  }
  func.func @transform_5(%arg0: i32) -> (i32, i32) {
    %c0_i32 = arith.constant 0 : i32
    %c0_i32_0 = arith.constant 0 : i32
    %c0_i32_1 = arith.constant 0 : i32
    return %c0_i32, %c0_i32_0 : i32, i32
  }
  func.func @transform_6(%arg0: i32) -> (i32, i32) {
    %c0_i32 = arith.constant 0 : i32
    %c0_i32_0 = arith.constant 0 : i32
    %c0_i32_1 = arith.constant 0 : i32
    return %c0_i32, %c0_i32_0 : i32, i32
  }
  func.func @transform_7(%arg0: i32) -> (i32, i32) {
    %c0_i32 = arith.constant 0 : i32
    %c0_i32_0 = arith.constant 0 : i32
    %c0_i32_1 = arith.constant 0 : i32
    return %c0_i32, %c0_i32_0 : i32, i32
  }
  func.func @transform_8(%arg0: i32) -> (i32, i32) {
    %c0_i32 = arith.constant 0 : i32
    %c0_i32_0 = arith.constant 0 : i32
    return %arg0, %c0_i32 : i32, i32
  }
  func.func @transform_9(%arg0: i32) -> (i32, i32) {
    %c0_i32 = arith.constant 0 : i32
    %c0_i32_0 = arith.constant 0 : i32
    return %arg0, %c0_i32 : i32, i32
  }
  func.func @transform_10(%arg0: i32) -> (i32, i32) {
    %c0_i32 = arith.constant 0 : i32
    %c0_i32_0 = arith.constant 0 : i32
    return %arg0, %c0_i32 : i32, i32
  }
  func.func @transform_11(%arg0: i32) -> (i32, i32) {
    %c0_i32 = arith.constant 0 : i32
    %c0_i32_0 = arith.constant 0 : i32
    return %arg0, %c0_i32 : i32, i32
  }
  func.func @transform_12(%arg0: i32) -> (i32, i32) {
    %c0_i32 = arith.constant 0 : i32
    %c0_i32_0 = arith.constant 0 : i32
    %c0_i32_1 = arith.constant 0 : i32
    return %c0_i32, %c0_i32_0 : i32, i32
  }
}

module attributes {stable_mosaic.version = 14 : i64} {
  func.func @_tc3_body(%arg0: i32, %arg1: memref<2x2000x80xf32, #tpu.memory_space<vmem>>, %arg2: memref<2000x64xf32, #tpu.memory_space<vmem>>, %arg3: memref<2000x1xf32, #tpu.memory_space<vmem>>, %arg4: memref<2000x1xf32, #tpu.memory_space<vmem>>, %arg5: memref<1x1xf32, #tpu.memory_space<vmem>>, %arg6: memref<2000x1xf32, #tpu.memory_space<vmem>>, %arg7: memref<1x64xf32, #tpu.memory_space<vmem>>, %arg8: memref<64x64xf32, #tpu.memory_space<vmem>>, %arg9: memref<64x64xf32, #tpu.memory_space<vmem>>, %arg10: memref<2000x64xf32, #tpu.memory_space<vmem>>, %arg11: memref<2000x64xbf16, #tpu.memory_space<vmem>>) attributes {dimension_semantics = [#tpu.dimension_semantics<arbitrary>], iteration_bounds = array<i64: 5>, scalar_prefetch = 0 : i64, scratch_operands = 0 : i64, tpu.core_type = #tpu.core_type<tc>, window_params = [{transform_indices = @transform_0, window_bounds = array<i64: 2, 2000, 80>}, {transform_indices = @transform_1, window_bounds = array<i64: 2000, 64>}, {transform_indices = @transform_2, window_bounds = array<i64: 2000, 1>}, {transform_indices = @transform_3, window_bounds = array<i64: 2000, 1>}, {pipeline_mode = #tpu.pipeline_mode<synchronous>, transform_indices = @transform_4, window_bounds = array<i64: 1, 1>}, {transform_indices = @transform_5, window_bounds = array<i64: 2000, 1>}, {pipeline_mode = #tpu.pipeline_mode<synchronous>, transform_indices = @transform_6, window_bounds = array<i64: 1, 64>}, {pipeline_mode = #tpu.pipeline_mode<synchronous>, transform_indices = @transform_7, window_bounds = array<i64: 64, 64>}, {pipeline_mode = #tpu.pipeline_mode<synchronous>, transform_indices = @transform_8, window_bounds = array<i64: 64, 64>}, {transform_indices = @transform_9, window_bounds = array<i64: 2000, 64>}, {transform_indices = @transform_10, window_bounds = array<i64: 2000, 64>}]} {
    %get3A = arith.constant 0 : index
    %get3A_0 = arith.constant 0 : index
    %get3A_1 = vector.load %arg3[%get3A, %get3A_0] : memref<2000x1xf32, #tpu.memory_space<vmem>>, vector<2000x1xf32>
    %get3A_2 = arith.constant 0 : index
    %get3A_3 = arith.constant 0 : index
    %get3A_4 = vector.load %arg4[%get3A_2, %get3A_3] : memref<2000x1xf32, #tpu.memory_space<vmem>>, vector<2000x1xf32>
    %add3A = arith.addf %get3A_1, %get3A_4 : vector<2000x1xf32>
    %mul3A = arith.constant 2.000000e-01 : f32
    %mul3A_5 = vector.broadcast %mul3A : f32 to vector<2000x1xf32>
    %mul3A_6 = arith.mulf %mul3A_5, %add3A : vector<2000x1xf32>
    %max3A = arith.maximumf %add3A, %mul3A_6 : vector<2000x1xf32>
    %get3A_7 = arith.constant 0 : index
    %get3A_8 = arith.constant 0 : index
    %get3A_9 = vector.load %arg5[%get3A_7, %get3A_8] : memref<1x1xf32, #tpu.memory_space<vmem>>, vector<1x1xf32>
    %get3A_10 = vector.extract %get3A_9[0, 0] : f32 from vector<1x1xf32>
    %add3A_11 = vector.broadcast %get3A_10 : f32 to vector<2000x1xf32>
    %add3A_12 = arith.addf %add3A_11, %get3A_4 : vector<2000x1xf32>
    %mul3A_13 = arith.constant 2.000000e-01 : f32
    %mul3A_14 = vector.broadcast %mul3A_13 : f32 to vector<2000x1xf32>
    %mul3A_15 = arith.mulf %mul3A_14, %add3A_12 : vector<2000x1xf32>
    %max3A_16 = arith.maximumf %add3A_12, %mul3A_15 : vector<2000x1xf32>
    %sub3A = arith.subf %max3A, %max3A_16 : vector<2000x1xf32>
    %exp3A = math.exp %sub3A : vector<2000x1xf32>
    %get3A_17 = arith.constant 0 : index
    %get3A_18 = arith.constant 0 : index
    %get3A_19 = arith.constant 0 : index
    %get3A_20 = vector.load %arg1[%get3A_17, %get3A_18, %get3A_19] : memref<2x2000x80xf32, #tpu.memory_space<vmem>>, vector<1x2000x80xf32>
    %get3A_21 = vector.shape_cast %get3A_20 : vector<1x2000x80xf32> to vector<2000x80xf32>
    %get3A_22 = arith.constant 1 : index
    %get3A_23 = arith.constant 0 : index
    %get3A_24 = arith.constant 0 : index
    %get3A_25 = vector.load %arg1[%get3A_22, %get3A_23, %get3A_24] : memref<2x2000x80xf32, #tpu.memory_space<vmem>>, vector<1x2000x80xf32>
    %get3A_26 = vector.shape_cast %get3A_25 : vector<1x2000x80xf32> to vector<2000x80xf32>
    %slice3A = vector.extract_strided_slice %get3A_21 {offsets = [0, 64], sizes = [2000, 1], strides = [1, 1]} : vector<2000x80xf32> to vector<2000x1xf32>
    %slice3A_27 = vector.extract_strided_slice %get3A_26 {offsets = [0, 64], sizes = [2000, 1], strides = [1, 1]} : vector<2000x80xf32> to vector<2000x1xf32>
    %add3A_28 = arith.addf %slice3A, %slice3A_27 : vector<2000x1xf32>
    %add3A_29 = arith.addf %add3A_28, %exp3A : vector<2000x1xf32>
    %add3A_30 = arith.constant 1.000000e-16 : f32
    %add3A_31 = vector.broadcast %add3A_30 : f32 to vector<2000x1xf32>
    %add3A_32 = arith.addf %add3A_29, %add3A_31 : vector<2000x1xf32>
    %slice3A_33 = vector.extract_strided_slice %get3A_21 {offsets = [0, 0], sizes = [2000, 64], strides = [1, 1]} : vector<2000x80xf32> to vector<2000x64xf32>
    %slice3A_34 = vector.extract_strided_slice %get3A_26 {offsets = [0, 0], sizes = [2000, 64], strides = [1, 1]} : vector<2000x80xf32> to vector<2000x64xf32>
    %add3A_35 = arith.addf %slice3A_33, %slice3A_34 : vector<2000x64xf32>
    %get3A_36 = arith.constant 0 : index
    %get3A_37 = arith.constant 0 : index
    %get3A_38 = vector.load %arg2[%get3A_36, %get3A_37] : memref<2000x64xf32, #tpu.memory_space<vmem>>, vector<2000x64xf32>
    %mul3A_39 = vector.broadcast %exp3A : vector<2000x1xf32> to vector<2000x64xf32>
    %mul3A_40 = arith.mulf %mul3A_39, %get3A_38 : vector<2000x64xf32>
    %add3A_41 = arith.addf %add3A_35, %mul3A_40 : vector<2000x64xf32>
    %div3A = vector.broadcast %add3A_32 : vector<2000x1xf32> to vector<2000x64xf32>
    %div3A_42 = arith.divf %add3A_41, %div3A : vector<2000x64xf32>
    %get3A_43 = arith.constant 0 : index
    %get3A_44 = arith.constant 0 : index
    %get3A_45 = vector.load %arg7[%get3A_43, %get3A_44] : memref<1x64xf32, #tpu.memory_space<vmem>>, vector<1x64xf32>
    %add3A_46 = vector.broadcast %get3A_45 : vector<1x64xf32> to vector<2000x64xf32>
    %add3A_47 = arith.addf %div3A_42, %add3A_46 : vector<2000x64xf32>
    %max3A_48 = arith.constant 0.000000e+00 : f32
    %max3A_49 = vector.broadcast %max3A_48 : f32 to vector<2000x64xf32>
    %max3A_50 = arith.maximumf %add3A_47, %max3A_49 : vector<2000x64xf32>
    %get3A_51 = arith.constant 0 : index
    %get3A_52 = arith.constant 0 : index
    %get3A_53 = vector.load %arg6[%get3A_51, %get3A_52] : memref<2000x1xf32, #tpu.memory_space<vmem>>, vector<2000x1xf32>
    %get3A_54 = arith.constant 0 : index
    %get3A_55 = arith.constant 0 : index
    %get3A_56 = vector.load %arg8[%get3A_54, %get3A_55] : memref<64x64xf32, #tpu.memory_space<vmem>>, vector<64x64xf32>
    %dot_general3A = arith.constant dense<0.000000e+00> : vector<2000x64xf32>
    %dot_general3A_57 = tpu.matmul %max3A_50, %get3A_56, %dot_general3A {dimension_numbers = #tpu.dot_dimension_numbers<[1], [0], [0], [1], [0, 0, 1, 1], [], []>, transpose_lhs_hint = false} : vector<2000x64xf32>, vector<64x64xf32>, vector<2000x64xf32> -> vector<2000x64xf32>
    %mul3A_58 = vector.broadcast %get3A_53 : vector<2000x1xf32> to vector<2000x64xf32>
    %mul3A_59 = arith.mulf %dot_general3A_57, %mul3A_58 : vector<2000x64xf32>
    %swap3A = arith.constant 0 : index
    %swap3A_60 = arith.constant 0 : index
    %swap3A_61 = vector.load %arg10[%swap3A, %swap3A_60] : memref<2000x64xf32, #tpu.memory_space<vmem>>, vector<2000x64xf32>
    tpu.vector_store %arg10[%swap3A, %swap3A_60], %mul3A_59 {strides = array<i32>} : memref<2000x64xf32, #tpu.memory_space<vmem>>, vector<2000x64xf32>,
    %get3A_62 = arith.constant 0 : index
    %get3A_63 = arith.constant 0 : index
    %get3A_64 = vector.load %arg9[%get3A_62, %get3A_63] : memref<64x64xf32, #tpu.memory_space<vmem>>, vector<64x64xf32>
    %dot_general3A_65 = arith.constant dense<0.000000e+00> : vector<2000x64xf32>
    %dot_general3A_66 = tpu.matmul %max3A_50, %get3A_64, %dot_general3A_65 {dimension_numbers = #tpu.dot_dimension_numbers<[1], [0], [0], [1], [0, 0, 1, 1], [], []>, transpose_lhs_hint = false} : vector<2000x64xf32>, vector<64x64xf32>, vector<2000x64xf32> -> vector<2000x64xf32>
    %mul3A_67 = vector.broadcast %get3A_53 : vector<2000x1xf32> to vector<2000x64xf32>
    %mul3A_68 = arith.mulf %dot_general3A_66, %mul3A_67 : vector<2000x64xf32>
    %convert_element_type3A = arith.truncf %mul3A_68 : vector<2000x64xf32> to vector<2000x64xbf16>
    %swap3A_69 = arith.constant 0 : index
    %swap3A_70 = arith.constant 0 : index
    %swap3A_71 = vector.load %arg11[%swap3A_69, %swap3A_70] : memref<2000x64xbf16, #tpu.memory_space<vmem>>, vector<2000x64xbf16>
    tpu.vector_store %arg11[%swap3A_69, %swap3A_70], %convert_element_type3A {strides = array<i32>} : memref<2000x64xbf16, #tpu.memory_space<vmem>>, vector<2000x64xbf16>,
    return
  }
  func.func @transform_0(%arg0: i32) -> (i32, i32, i32) {
    %c0_i32 = arith.constant 0 : i32
    %c0_i32_0 = arith.constant 0 : i32
    %c0_i32_1 = arith.constant 0 : i32
    return %c0_i32, %arg0, %c0_i32_0 : i32, i32, i32
  }
  func.func @transform_1(%arg0: i32) -> (i32, i32) {
    %c0_i32 = arith.constant 0 : i32
    %c0_i32_0 = arith.constant 0 : i32
    return %arg0, %c0_i32 : i32, i32
  }
  func.func @transform_2(%arg0: i32) -> (i32, i32) {
    %c0_i32 = arith.constant 0 : i32
    %c0_i32_0 = arith.constant 0 : i32
    return %arg0, %c0_i32 : i32, i32
  }
  func.func @transform_3(%arg0: i32) -> (i32, i32) {
    %c0_i32 = arith.constant 0 : i32
    %c0_i32_0 = arith.constant 0 : i32
    return %arg0, %c0_i32 : i32, i32
  }
  func.func @transform_4(%arg0: i32) -> (i32, i32) {
    %c0_i32 = arith.constant 0 : i32
    %c0_i32_0 = arith.constant 0 : i32
    %c0_i32_1 = arith.constant 0 : i32
    return %c0_i32, %c0_i32_0 : i32, i32
  }
  func.func @transform_5(%arg0: i32) -> (i32, i32) {
    %c0_i32 = arith.constant 0 : i32
    %c0_i32_0 = arith.constant 0 : i32
    return %arg0, %c0_i32 : i32, i32
  }
  func.func @transform_6(%arg0: i32) -> (i32, i32) {
    %c0_i32 = arith.constant 0 : i32
    %c0_i32_0 = arith.constant 0 : i32
    %c0_i32_1 = arith.constant 0 : i32
    return %c0_i32, %c0_i32_0 : i32, i32
  }
  func.func @transform_7(%arg0: i32) -> (i32, i32) {
    %c0_i32 = arith.constant 0 : i32
    %c0_i32_0 = arith.constant 0 : i32
    %c0_i32_1 = arith.constant 0 : i32
    return %c0_i32, %c0_i32_0 : i32, i32
  }
  func.func @transform_8(%arg0: i32) -> (i32, i32) {
    %c0_i32 = arith.constant 0 : i32
    %c0_i32_0 = arith.constant 0 : i32
    %c0_i32_1 = arith.constant 0 : i32
    return %c0_i32, %c0_i32_0 : i32, i32
  }
  func.func @transform_9(%arg0: i32) -> (i32, i32) {
    %c0_i32 = arith.constant 0 : i32
    %c0_i32_0 = arith.constant 0 : i32
    return %arg0, %c0_i32 : i32, i32
  }
  func.func @transform_10(%arg0: i32) -> (i32, i32) {
    %c0_i32 = arith.constant 0 : i32
    %c0_i32_0 = arith.constant 0 : i32
    return %arg0, %c0_i32 : i32, i32
  }
}

module attributes {stable_mosaic.version = 14 : i64} {
  func.func @_tc4_body(%arg0: i32, %arg1: memref<2x2000x128xf32, #tpu.memory_space<vmem>>, %arg2: memref<2000x64xf32, #tpu.memory_space<vmem>>, %arg3: memref<2000x1xf32, #tpu.memory_space<vmem>>, %arg4: memref<1x64xf32, #tpu.memory_space<vmem>>, %arg5: memref<64x10xf32, #tpu.memory_space<vmem>>, %arg6: memref<1x10xf32, #tpu.memory_space<vmem>>, %arg7: memref<64x32xf32, #tpu.memory_space<vmem>>, %arg8: memref<1x32xf32, #tpu.memory_space<vmem>>, %arg9: memref<32x1xf32, #tpu.memory_space<vmem>>, %arg10: memref<1x1xf32, #tpu.memory_space<vmem>>, %arg11: memref<2000x10xf32, #tpu.memory_space<vmem>>, %arg12: memref<2000x1xf32, #tpu.memory_space<vmem>>, %arg13: memref<1x64xf32, #tpu.memory_space<vmem>>) attributes {dimension_semantics = [#tpu.dimension_semantics<arbitrary>], iteration_bounds = array<i64: 5>, scalar_prefetch = 0 : i64, scratch_operands = 0 : i64, tpu.core_type = #tpu.core_type<tc>, window_params = [{transform_indices = @transform_0, window_bounds = array<i64: 2, 2000, 128>}, {transform_indices = @transform_1, window_bounds = array<i64: 2000, 64>}, {transform_indices = @transform_2, window_bounds = array<i64: 2000, 1>}, {pipeline_mode = #tpu.pipeline_mode<synchronous>, transform_indices = @transform_3, window_bounds = array<i64: 1, 64>}, {pipeline_mode = #tpu.pipeline_mode<synchronous>, transform_indices = @transform_4, window_bounds = array<i64: 64, 10>}, {pipeline_mode = #tpu.pipeline_mode<synchronous>, transform_indices = @transform_5, window_bounds = array<i64: 1, 10>}, {pipeline_mode = #tpu.pipeline_mode<synchronous>, transform_indices = @transform_6, window_bounds = array<i64: 64, 32>}, {pipeline_mode = #tpu.pipeline_mode<synchronous>, transform_indices = @transform_7, window_bounds = array<i64: 1, 32>}, {pipeline_mode = #tpu.pipeline_mode<synchronous>, transform_indices = @transform_8, window_bounds = array<i64: 32, 1>}, {pipeline_mode = #tpu.pipeline_mode<synchronous>, transform_indices = @transform_9, window_bounds = array<i64: 1, 1>}, {transform_indices = @transform_10, window_bounds = array<i64: 2000, 10>}, {transform_indices = @transform_11, window_bounds = array<i64: 2000, 1>}, {pipeline_mode = #tpu.pipeline_mode<synchronous>, transform_indices = @transform_12, window_bounds = array<i64: 1, 64>}]} {
    %get3A = arith.constant 0 : index
    %get3A_0 = arith.constant 0 : index
    %get3A_1 = arith.constant 0 : index
    %get3A_2 = vector.load %arg1[%get3A, %get3A_0, %get3A_1] : memref<2x2000x128xf32, #tpu.memory_space<vmem>>, vector<1x2000x128xf32>
    %get3A_3 = vector.shape_cast %get3A_2 : vector<1x2000x128xf32> to vector<2000x128xf32>
    %slice3A = vector.extract_strided_slice %get3A_3 {offsets = [0, 0], sizes = [2000, 64], strides = [1, 1]} : vector<2000x128xf32> to vector<2000x64xf32>
    %get3A_4 = arith.constant 1 : index
    %get3A_5 = arith.constant 0 : index
    %get3A_6 = arith.constant 0 : index
    %get3A_7 = vector.load %arg1[%get3A_4, %get3A_5, %get3A_6] : memref<2x2000x128xf32, #tpu.memory_space<vmem>>, vector<1x2000x128xf32>
    %get3A_8 = vector.shape_cast %get3A_7 : vector<1x2000x128xf32> to vector<2000x128xf32>
    %slice3A_9 = vector.extract_strided_slice %get3A_8 {offsets = [0, 0], sizes = [2000, 64], strides = [1, 1]} : vector<2000x128xf32> to vector<2000x64xf32>
    %add3A = arith.addf %slice3A, %slice3A_9 : vector<2000x64xf32>
    %get3A_10 = arith.constant 0 : index
    %get3A_11 = arith.constant 0 : index
    %get3A_12 = vector.load %arg2[%get3A_10, %get3A_11] : memref<2000x64xf32, #tpu.memory_space<vmem>>, vector<2000x64xf32>
    %add3A_13 = arith.addf %add3A, %get3A_12 : vector<2000x64xf32>
    %get3A_14 = arith.constant 0 : index
    %get3A_15 = arith.constant 0 : index
    %get3A_16 = vector.load %arg3[%get3A_14, %get3A_15] : memref<2000x1xf32, #tpu.memory_space<vmem>>, vector<2000x1xf32>
    %mul3A = vector.broadcast %get3A_16 : vector<2000x1xf32> to vector<2000x64xf32>
    %mul3A_17 = arith.mulf %mul3A, %add3A_13 : vector<2000x64xf32>
    %get3A_18 = arith.constant 0 : index
    %get3A_19 = arith.constant 0 : index
    %get3A_20 = vector.load %arg4[%get3A_18, %get3A_19] : memref<1x64xf32, #tpu.memory_space<vmem>>, vector<1x64xf32>
    %add3A_21 = vector.broadcast %get3A_20 : vector<1x64xf32> to vector<2000x64xf32>
    %add3A_22 = arith.addf %mul3A_17, %add3A_21 : vector<2000x64xf32>
    %max3A = arith.constant 0.000000e+00 : f32
    %max3A_23 = vector.broadcast %max3A : f32 to vector<2000x64xf32>
    %max3A_24 = arith.maximumf %add3A_22, %max3A_23 : vector<2000x64xf32>
    %get3A_25 = arith.constant 0 : index
    %get3A_26 = arith.constant 0 : index
    %get3A_27 = vector.load %arg5[%get3A_25, %get3A_26] : memref<64x10xf32, #tpu.memory_space<vmem>>, vector<64x10xf32>
    %dot_general3A = arith.constant dense<0.000000e+00> : vector<2000x10xf32>
    %dot_general3A_28 = tpu.matmul %max3A_24, %get3A_27, %dot_general3A {dimension_numbers = #tpu.dot_dimension_numbers<[1], [0], [0], [1], [0, 0, 1, 1], [], []>, transpose_lhs_hint = false} : vector<2000x64xf32>, vector<64x10xf32>, vector<2000x10xf32> -> vector<2000x10xf32>
    %get3A_29 = arith.constant 0 : index
    %get3A_30 = arith.constant 0 : index
    %get3A_31 = vector.load %arg6[%get3A_29, %get3A_30] : memref<1x10xf32, #tpu.memory_space<vmem>>, vector<1x10xf32>
    %add3A_32 = vector.broadcast %get3A_31 : vector<1x10xf32> to vector<2000x10xf32>
    %add3A_33 = arith.addf %dot_general3A_28, %add3A_32 : vector<2000x10xf32>
    %swap3A = arith.constant 0 : index
    %swap3A_34 = arith.constant 0 : index
    %swap3A_35 = vector.load %arg11[%swap3A, %swap3A_34] : memref<2000x10xf32, #tpu.memory_space<vmem>>, vector<2000x10xf32>
    tpu.vector_store %arg11[%swap3A, %swap3A_34], %add3A_33 {strides = array<i32>} : memref<2000x10xf32, #tpu.memory_space<vmem>>, vector<2000x10xf32>,
    %get3A_36 = arith.constant 0 : index
    %get3A_37 = arith.constant 0 : index
    %get3A_38 = vector.load %arg7[%get3A_36, %get3A_37] : memref<64x32xf32, #tpu.memory_space<vmem>>, vector<64x32xf32>
    %dot_general3A_39 = arith.constant dense<0.000000e+00> : vector<2000x32xf32>
    %dot_general3A_40 = tpu.matmul %max3A_24, %get3A_38, %dot_general3A_39 {dimension_numbers = #tpu.dot_dimension_numbers<[1], [0], [0], [1], [0, 0, 1, 1], [], []>, transpose_lhs_hint = false} : vector<2000x64xf32>, vector<64x32xf32>, vector<2000x32xf32> -> vector<2000x32xf32>
    %get3A_41 = arith.constant 0 : index
    %get3A_42 = arith.constant 0 : index
    %get3A_43 = vector.load %arg8[%get3A_41, %get3A_42] : memref<1x32xf32, #tpu.memory_space<vmem>>, vector<1x32xf32>
    %add3A_44 = vector.broadcast %get3A_43 : vector<1x32xf32> to vector<2000x32xf32>
    %add3A_45 = arith.addf %dot_general3A_40, %add3A_44 : vector<2000x32xf32>
    %max3A_46 = arith.constant 0.000000e+00 : f32
    %max3A_47 = vector.broadcast %max3A_46 : f32 to vector<2000x32xf32>
    %max3A_48 = arith.maximumf %add3A_45, %max3A_47 : vector<2000x32xf32>
    %get3A_49 = arith.constant 0 : index
    %get3A_50 = arith.constant 0 : index
    %get3A_51 = vector.load %arg9[%get3A_49, %get3A_50] : memref<32x1xf32, #tpu.memory_space<vmem>>, vector<32x1xf32>
    %dot_general3A_52 = arith.constant dense<0.000000e+00> : vector<2000x1xf32>
    %dot_general3A_53 = tpu.matmul %max3A_48, %get3A_51, %dot_general3A_52 {dimension_numbers = #tpu.dot_dimension_numbers<[1], [0], [0], [1], [0, 0, 1, 1], [], []>, transpose_lhs_hint = false} : vector<2000x32xf32>, vector<32x1xf32>, vector<2000x1xf32> -> vector<2000x1xf32>
    %get3A_54 = arith.constant 0 : index
    %get3A_55 = arith.constant 0 : index
    %get3A_56 = vector.load %arg10[%get3A_54, %get3A_55] : memref<1x1xf32, #tpu.memory_space<vmem>>, vector<1x1xf32>
    %add3A_57 = vector.broadcast %get3A_56 : vector<1x1xf32> to vector<2000x1xf32>
    %add3A_58 = arith.addf %dot_general3A_53, %add3A_57 : vector<2000x1xf32>
    %logistic3A = arith.negf %add3A_58 : vector<2000x1xf32>
    %logistic3A_59 = math.exp %logistic3A : vector<2000x1xf32>
    %logistic3A_60 = arith.constant 1.000000e+00 : f32
    %logistic3A_61 = vector.broadcast %logistic3A_60 : f32 to vector<2000x1xf32>
    %logistic3A_62 = arith.addf %logistic3A_61, %logistic3A_59 : vector<2000x1xf32>
    %logistic3A_63 = arith.divf %logistic3A_61, %logistic3A_62 : vector<2000x1xf32>
    %swap3A_64 = arith.constant 0 : index
    %swap3A_65 = arith.constant 0 : index
    %swap3A_66 = vector.load %arg12[%swap3A_64, %swap3A_65] : memref<2000x1xf32, #tpu.memory_space<vmem>>, vector<2000x1xf32>
    tpu.vector_store %arg12[%swap3A_64, %swap3A_65], %logistic3A_63 {strides = array<i32>} : memref<2000x1xf32, #tpu.memory_space<vmem>>, vector<2000x1xf32>,
    %reduce_sum3A = arith.constant dense<0.000000e+00> : vector<64xf32>
    %reduce_sum3A_67 = vector.multi_reduction <add>, %max3A_24, %reduce_sum3A [0] : vector<2000x64xf32> to vector<64xf32>
    %broadcast_in_dim3A = vector.shape_cast %reduce_sum3A_67 : vector<64xf32> to vector<1x64xf32>
    %eq3A = arith.constant 0 : i32
    %eq3A_68 = arith.cmpi eq, %arg0, %eq3A : i32
    %convert_element_type3A = arith.extui %eq3A_68 : i1 to i32
    %cond3A = arith.constant 0 : i32
    %cond3A_69 = arith.cmpi ne, %convert_element_type3A, %cond3A : i32
    scf.if %cond3A_69 {
      %swap3A_79 = arith.constant 0 : index
      %swap3A_80 = arith.constant 0 : index
      %swap3A_81 = vector.load %arg13[%swap3A_79, %swap3A_80] : memref<1x64xf32, #tpu.memory_space<vmem>>, vector<1x64xf32>
      tpu.vector_store %arg13[%swap3A_79, %swap3A_80], %broadcast_in_dim3A {strides = array<i32>} : memref<1x64xf32, #tpu.memory_space<vmem>>, vector<1x64xf32>,
    } else {
    }
    %gt3A = arith.constant 0 : i32
    %gt3A_70 = arith.cmpi sgt, %arg0, %gt3A : i32
    %convert_element_type3A_71 = arith.extui %gt3A_70 : i1 to i32
    %cond3A_72 = arith.constant 0 : i32
    %cond3A_73 = arith.cmpi ne, %convert_element_type3A_71, %cond3A_72 : i32
    scf.if %cond3A_73 {
      %get3A_79 = arith.constant 0 : index
      %get3A_80 = arith.constant 0 : index
      %get3A_81 = vector.load %arg13[%get3A_79, %get3A_80] : memref<1x64xf32, #tpu.memory_space<vmem>>, vector<1x64xf32>
      %add3A_82 = arith.addf %get3A_81, %broadcast_in_dim3A : vector<1x64xf32>
      %swap3A_83 = arith.constant 0 : index
      %swap3A_84 = arith.constant 0 : index
      %swap3A_85 = vector.load %arg13[%swap3A_83, %swap3A_84] : memref<1x64xf32, #tpu.memory_space<vmem>>, vector<1x64xf32>
      tpu.vector_store %arg13[%swap3A_83, %swap3A_84], %add3A_82 {strides = array<i32>} : memref<1x64xf32, #tpu.memory_space<vmem>>, vector<1x64xf32>,
    } else {
    }
    %eq3A_74 = arith.constant 4 : i32
    %eq3A_75 = arith.cmpi eq, %arg0, %eq3A_74 : i32
    %convert_element_type3A_76 = arith.extui %eq3A_75 : i1 to i32
    %cond3A_77 = arith.constant 0 : i32
    %cond3A_78 = arith.cmpi ne, %convert_element_type3A_76, %cond3A_77 : i32
    scf.if %cond3A_78 {
      %get3A_79 = arith.constant 0 : index
      %get3A_80 = arith.constant 0 : index
      %get3A_81 = vector.load %arg13[%get3A_79, %get3A_80] : memref<1x64xf32, #tpu.memory_space<vmem>>, vector<1x64xf32>
      %mul3A_82 = arith.constant 9.99999974E-5 : f32
      %mul3A_83 = vector.broadcast %mul3A_82 : f32 to vector<1x64xf32>
      %mul3A_84 = arith.mulf %get3A_81, %mul3A_83 : vector<1x64xf32>
      %swap3A_85 = arith.constant 0 : index
      %swap3A_86 = arith.constant 0 : index
      %swap3A_87 = vector.load %arg13[%swap3A_85, %swap3A_86] : memref<1x64xf32, #tpu.memory_space<vmem>>, vector<1x64xf32>
      tpu.vector_store %arg13[%swap3A_85, %swap3A_86], %mul3A_84 {strides = array<i32>} : memref<1x64xf32, #tpu.memory_space<vmem>>, vector<1x64xf32>,
    } else {
    }
    return
  }
  func.func @transform_0(%arg0: i32) -> (i32, i32, i32) {
    %c0_i32 = arith.constant 0 : i32
    %c0_i32_0 = arith.constant 0 : i32
    %c0_i32_1 = arith.constant 0 : i32
    return %c0_i32, %arg0, %c0_i32_0 : i32, i32, i32
  }
  func.func @transform_1(%arg0: i32) -> (i32, i32) {
    %c0_i32 = arith.constant 0 : i32
    %c0_i32_0 = arith.constant 0 : i32
    return %arg0, %c0_i32 : i32, i32
  }
  func.func @transform_2(%arg0: i32) -> (i32, i32) {
    %c0_i32 = arith.constant 0 : i32
    %c0_i32_0 = arith.constant 0 : i32
    return %arg0, %c0_i32 : i32, i32
  }
  func.func @transform_3(%arg0: i32) -> (i32, i32) {
    %c0_i32 = arith.constant 0 : i32
    %c0_i32_0 = arith.constant 0 : i32
    %c0_i32_1 = arith.constant 0 : i32
    return %c0_i32, %c0_i32_0 : i32, i32
  }
  func.func @transform_4(%arg0: i32) -> (i32, i32) {
    %c0_i32 = arith.constant 0 : i32
    %c0_i32_0 = arith.constant 0 : i32
    %c0_i32_1 = arith.constant 0 : i32
    return %c0_i32, %c0_i32_0 : i32, i32
  }
  func.func @transform_5(%arg0: i32) -> (i32, i32) {
    %c0_i32 = arith.constant 0 : i32
    %c0_i32_0 = arith.constant 0 : i32
    %c0_i32_1 = arith.constant 0 : i32
    return %c0_i32, %c0_i32_0 : i32, i32
  }
  func.func @transform_6(%arg0: i32) -> (i32, i32) {
    %c0_i32 = arith.constant 0 : i32
    %c0_i32_0 = arith.constant 0 : i32
    %c0_i32_1 = arith.constant 0 : i32
    return %c0_i32, %c0_i32_0 : i32, i32
  }
  func.func @transform_7(%arg0: i32) -> (i32, i32) {
    %c0_i32 = arith.constant 0 : i32
    %c0_i32_0 = arith.constant 0 : i32
    %c0_i32_1 = arith.constant 0 : i32
    return %c0_i32, %c0_i32_0 : i32, i32
  }
  func.func @transform_8(%arg0: i32) -> (i32, i32) {
    %c0_i32 = arith.constant 0 : i32
    %c0_i32_0 = arith.constant 0 : i32
    %c0_i32_1 = arith.constant 0 : i32
    return %c0_i32, %c0_i32_0 : i32, i32
  }
  func.func @transform_9(%arg0: i32) -> (i32, i32) {
    %c0_i32 = arith.constant 0 : i32
    %c0_i32_0 = arith.constant 0 : i32
    %c0_i32_1 = arith.constant 0 : i32
    return %c0_i32, %c0_i32_0 : i32, i32
  }
  func.func @transform_10(%arg0: i32) -> (i32, i32) {
    %c0_i32 = arith.constant 0 : i32
    %c0_i32_0 = arith.constant 0 : i32
    return %arg0, %c0_i32 : i32, i32
  }
  func.func @transform_11(%arg0: i32) -> (i32, i32) {
    %c0_i32 = arith.constant 0 : i32
    %c0_i32_0 = arith.constant 0 : i32
    return %arg0, %c0_i32 : i32, i32
  }
  func.func @transform_12(%arg0: i32) -> (i32, i32) {
    %c0_i32 = arith.constant 0 : i32
    %c0_i32_0 = arith.constant 0 : i32
    %c0_i32_1 = arith.constant 0 : i32
    return %c0_i32, %c0_i32_0 : i32, i32
  }
}

</mosaic_0001>

<sc_bundles>
// kernel: kernel.11.cloned.1.call-start
scs
__scs_entry_jumppad:
0x0: {  	(pc) =	sbr.rel $0x88, $3  }
0x1: {  	(tag) =	ssettag $0x0;
	lr =	simm.s32 $0x1  }
0x2: {  	[smem:$0x3F91] =	sst lr;
	_ =	strace $0xD0000000  }
0x3: {  	_ = 	snop  }
0x4: {  	_ = 	snop  }
0x5: {  	_ = 	snop  }
0x6: {  	_ = 	snop  }
0x7: {  	_ = 	snop  }
__scs_overlays_trampoline_lowered:
0x8: {  	[smem:$0x3FA0] =	sst s0  }
0x9: {  	[smem:$0x3FA1] =	sst s1  }
0xa: {  	[smem:$0x3FA2] =	sst s2  }
0xb: {  	[smem:$0x3FA3] =	sst s3  }
0xc: {  	[smem:$0x3FA4] =	sst s4  }
0xd: {  	[smem:$0x3FA5] =	sst s5  }
0xe: {  	[smem:$0x3FA6] =	sst s6  }
0xf: {  	[smem:$0x3FA7] =	sst s7  }
0x10: {  	[smem:$0x3FA8] =	sst s8  }
0x11: {  	[smem:$0x3FA9] =	sst s9;
	s0 =	simm.s32 @!p0 $0x0  }
0x12: {  	s1 =	sld [smem:$0x3F8F];
	s0 =	simm.s32 @p0 $0x1  }
0x13: {  	[smem:$0x3FAA] =	sst s0;
	s0 =	simm.s32 @!p1 $0x0  }
0x14: {  	s2 =	sld [smem:$0x3F8E];
	s0 =	simm.s32 @p1 $0x1  }
0x15: {  	[smem:$0x3FAB] =	sst s0;
	s0 =	simm.s32 @!p2 $0x0  }
0x16: {  	s3 =	sld [smem:$0x3FDB];
	s0 =	simm.s32 @p2 $0x1  }
0x17: {  	s4 =	simm.s32 $0x1BF5;
	[smem:$0x3FAD] =	sst s0  }
0x18: {  	s0 =	sld [smem:$0x3F90];
	_ =	swait.ge [sflag:s4], $0x0  }
0x19: {  	s7 =	sld [smem:$0x3F91]  }
0x1a: {  	s8 =	sadd.s32 $0xFFFFE003, lr  }
0x1b: {  	s9 =	sadd.s32 $0xFFFFFEF7, lr;
	s5 =	simm.s32 $0xFFFFFFFF;
	p2 =	slt.u32 s8, $0xFFFFF086  }
0x1c: {  	p1 =	slt.u32 s9, $0xF7A;
	s5 =	simm.s32 @!p2 $0x0  }
0x1d: {  	s5 =	simm.s32 @p1 $0x1;
	p0 =	seq.s32 s7, s2  }
0x1e: {  	s7 =	smul.u32 @!p0 $0xF7A, s2;
	p2 =	seq.s32 @!p0 s5, $0x0  }
0x1f: {  	s9 =	smul.u32 $0xF7A, s1;
	s8 =	simm.s32 @!p0 $0x1BF5;
	p2 =	por !p2, p0  }
0x20: {  	[sflag:s8] =	ssyncset.s32 @!p0 $0xFFFFF086;
	s6 =	sadd.s32 @!p0 s3, s7;
	s7 =	simm.s32 @!p0 $0x108  }
0x21: {  	s3 =	sadd.s32 s3, s9;
	s6 =	sadd.s32 @!p0 $0x88, s6;
	s7 =	simm.s32 @p2 $0x1082  }
0x22: {  	[simem:s7], [sflag:s8] =	dma.local @!p0 [hbm:s6], $0xF7A  }
0x23: {  	s9 =	sor.u32 $0xD0000000, s2;
	s6 =	simm.s32 $0x108;
	_ =	swait.ge @!p0 [sflag:s8], $0x0  }
0x24: {  	s3 =	sadd.s32 $0x88, s3;
	s6 =	simm.s32 @!p1 $0x1082;
	[sflag:s4] =	ssyncset.s32 $0xFFFFF086  }
0x25: {  	[simem:s6], [sflag:s4] =	dma.local [hbm:s3], $0xF7A  }
0x26: {  	[smem:$0x3F91] =	sst s1;
	(tag) =	ssettag s2;
	_ =	strace s9  }
0x27: {  	s1 =	sld [smem:$0x3FA1]  }
0x28: {  	s2 =	sld [smem:$0x3FA2]  }
0x29: {  	s4 =	sld [smem:$0x3FA4]  }
0x2a: {  	p0 =	seq.s32 s5, $0x0;
	s5 =	sld [smem:$0x3FA5]  }
0x2b: {  	s6 =	sld [smem:$0x3FA6]  }
0x2c: {  	s7 =	sld [smem:$0x3FA7]  }
0x2d: {  	s3 =	simm.s32 $0x108;
	s8 =	sld [smem:$0x3FA8]  }
0x2e: {  	s3 =	simm.s32 @!p0 $0x1082;
	s9 =	sld [smem:$0x3FA9]  }
0x2f: {  	lr =	sadd.s32 s0, s3;
	s0 =	sld [smem:$0x3FA0]  }
0x30: {  	s3 =	sld [smem:$0x3FA3]  }
0x31: {  	[smem:$0x3FAC] =	sst s10  }
0x32: {  	s10 =	sld [smem:$0x3FAA];
	_ =	sdelay $0x3  }
0x33: {  	p0 =	seq.s32 s10, $0x1;
	s10 =	sld [smem:$0x3FAC];
	_ =	sdelay $0x3  }
0x34: {  	[smem:$0x3FAC] =	sst s10  }
0x35: {  	s10 =	sld [smem:$0x3FAB];
	_ =	sdelay $0x3  }
0x36: {  	p1 =	seq.s32 s10, $0x1;
	s10 =	sld [smem:$0x3FAC];
	_ =	sdelay $0x3  }
0x37: {  	[smem:$0x3FAC] =	sst s10  }
0x38: {  	s10 =	sld [smem:$0x3FAD]  }
0x39: {  	_ = 	snop;
	(pc) =	sbr.ind lr, $3  }
0x3a: {  	_ = 	snop  }
0x3b: {  	_ = 	snop  }
0x3c: {  	p2 =	seq.s32 s10, $0x1;
	s10 =	sld [smem:$0x3FAC]  }
0x3d: {  	_ =	shalt  }
0x3e: {  	_ =	shalt  }
0x3f: {  	_ =	shalt  }
0x40: {  	_ =	shalt  }
0x41: {  	_ =	shalt  }
0x42: {  	_ =	shalt  }
0x43: {  	_ =	shalt  }
0x44: {  	_ =	shalt  }
0x45: {  	_ =	shalt  }
0x46: {  	_ =	shalt  }
0x47: {  	_ =	shalt  }
0x48: {  	_ =	shalt  }
0x49: {  	_ =	shalt  }
0x4a: {  	_ =	shalt  }
0x4b: {  	_ =	shalt  }
0x4c: {  	_ =	shalt  }
0x4d: {  	_ =	shalt  }
0x4e: {  	_ =	shalt  }
0x4f: {  	_ =	shalt  }
0x50: {  	_ =	shalt  }
0x51: {  	_ =	shalt  }
0x52: {  	_ =	shalt  }
0x53: {  	_ =	shalt  }
0x54: {  	_ =	shalt  }
0x55: {  	_ =	shalt  }
0x56: {  	_ =	shalt  }
0x57: {  	_ =	shalt  }
0x58: {  	_ =	shalt  }
0x59: {  	_ =	shalt  }
0x5a: {  	_ =	shalt  }
0x5b: {  	_ =	shalt  }
0x5c: {  	_ =	shalt  }
0x5d: {  	_ =	shalt  }
0x5e: {  	_ =	shalt  }
0x5f: {  	_ =	shalt  }
0x60: {  	_ =	shalt  }
0x61: {  	_ =	shalt  }
0x62: {  	_ =	shalt  }
0x63: {  	_ =	shalt  }
0x64: {  	_ =	shalt  }
0x65: {  	_ =	shalt  }
0x66: {  	_ =	shalt  }
0x67: {  	_ =	shalt  }
0x68: {  	_ =	shalt  }
0x69: {  	_ =	shalt  }
0x6a: {  	_ =	shalt  }
0x6b: {  	_ =	shalt  }
0x6c: {  	_ =	shalt  }
0x6d: {  	_ =	shalt  }
0x6e: {  	_ =	shalt  }
0x6f: {  	_ =	shalt  }
0x70: {  	_ =	shalt  }
0x71: {  	_ =	shalt  }
0x72: {  	_ =	shalt  }
0x73: {  	_ =	shalt  }
0x74: {  	_ =	shalt  }
0x75: {  	_ =	shalt  }
0x76: {  	_ =	shalt  }
0x77: {  	_ =	shalt  }
0x78: {  	_ =	shalt  }
0x79: {  	_ =	shalt  }
0x7a: {  	_ =	shalt  }
0x7b: {  	_ =	shalt  }
0x7c: {  	_ =	shalt  }
0x7d: {  	_ =	shalt  }
0x7e: {  	_ =	shalt  }
0x7f: {  	_ =	shalt  }
0x80: {  	_ =	shalt  }
0x81: {  	_ =	shalt  }
0x82: {  	_ =	shalt  }
0x83: {  	_ =	shalt  }
0x84: {  	_ =	shalt  }
0x85: {  	_ =	shalt  }
0x86: {  	_ =	shalt  }
0x87: {  	_ =	shalt  }
.Lfunc_end0:
.L_simem_size_0:
called_computation_lowered:
.L_overlay_start_0:
0x88: {  	s2 =	sld [smem:$0x3FD9]  }
0x89: {  	s3 =	sld [smem:$0x3FFE];
	_ =	sdelay $0x1  }
0x8a: {  	s1 =	srdreg.scid  }
0x8b: {  	s0 =	sand.u32 $0x1, s1  }
0x8c: {  	s14 =	sshll.u32 s0, $0xA;
	s2 =	sadd.s32 s3, s2  }
0x8d: {  	s2 =	sadd.s32 s2, s14  }
0x8e: {  	[smem:$0x3FB8] =	sst s2  }
0x8f: {  	_ = 	snop  }
0x90: {  	s2 =	sld [smem:$0x3FD0];
	_ =	sdelay $0x2  }
0x91: {  	s15 =	simm.s32 $0xA;
	s4 =	simm.s32 $0x10  }
0x92: {  	[smem:s4], [sflag:s15] =	dma.local [hbm:s2], $0x1  }
0x93: {  	_ =	swait.eq [sflag:s15], $0x1  }
0x94: {  	[sflag:s15] =	ssyncset.done $0x0  }
0x95: {  	[sflag:s15] =	ssyncadd.s32 $0xFFFFFFFF  }
0x96: {  	s16 =	sld [smem:$0x10];
	(tm) =	ssettm $0x1  }
0x97: {  	s17 =	sld [smem:$0x3FFB];
	_ =	sdelay $0x3  }
0x98: {  	_ =	strace s17  }
0x99: {  	s3 =	sld [smem:$0x3FFC];
	_ =	sdelay $0x3  }
0x9a: {  	_ =	strace s3  }
0x9b: {  	s3 =	sld [smem:$0x3FFD];
	_ =	sdelay $0x3  }
0x9c: {  	_ =	strace s3  }
0x9d: {  	_ =	strace $0x8FFFFFFF  }
0x9e: {  	s18 =	sld [smem:$0x3FDB];
	_ =	sdelay $0x1  }
0x9f: {  	s19 =	simm.s32 $_scs_section_size  }
0xa0: {  	s5 =	simm.s32 $_size__tile_overlayer_lowered;
	s6 =	simm.s32 $_tile_overlayer_lowered  }
0xa1: {  	s22 =	simm.s32 $0x1BFF;
	s21 =	sshll.u32 s6, $0x1;
	s3 =	sadd.s32 s19, s18  }
0xa2: {  	s7 =	simm.s32 $0x0;
	s20 =	sshll.u32 s5, $0x1;
	s5 =	sadd.s32 s21, s3  }
0xa3: {  	[timem:s7], [sflag:s22] =	dma.local [hbm:s5], s20  }
0xa4: {  	_ =	swait.ge [sflag:s22], s20  }
0xa5: {  	s4 =	ssub.s32 $0x0, s20;
	[sflag:s22] =	ssyncset.done $0x0  }
0xa6: {  	[sflag:s22] =	ssyncadd.s32 s4;
	_ =	sdelay $0x1  }
0xa7: {  	s23 =	simm.s32 $0x1B8B  }
0xa8: {  	_ =	swait.ge [sflag:s23], $0x1  }
0xa9: {  	[sflag:s23] =	ssyncset.done $0x0  }
0xaa: {  	s25 =	simm.s32 $0x1B8E;
	s24 =	sld [smem:$0x3FFE];
	[sflag:s23] =	ssyncadd.s32 $0xFFFFFFFF  }
0xab: {  	s26 =	simm.s32 $execute0_lowered;
	[smem:$0x3FD2] =	sst s25  }
0xac: {  	s5 =	sshll.u32 s26, $0x1;
	_ =	strace $0x80000046;
	[dreg:$0x1] =	wrdreg $0xFFFFFFFF  }
0xad: {  	s28 =	simm.s32 $_size_execute0_lowered;
	s3 =	sadd.s32 s3, s5;
	[dreg:$0x0] =	wrdreg $0x0  }
0xae: {  	s5 =	sshll.u32 s28, $0x1;
	[dreg:$0x2] =	wrdreg s3  }
0xaf: {  	[dreg:$0x3] =	wrdreg s5  }
0xb0: {  	[dreg:$0x4] =	wrdreg $0xC0  }
0xb1: {  	_ =	task [dreg:s7], $0x5FFFF  }
0xb2: {  	[dreg:$0x1] =	wrdreg $0xFFFFFFFF  }
0xb3: {  	[dreg:$0x0] =	wrdreg $0x60  }
0xb4: {  	[dreg:$0x2] =	wrdreg s24  }
0xb5: {  	[dreg:$0x3] =	wrdreg s16  }
0xb6: {  	[dreg:$0x4] =	wrdreg $0x2B500  }
0xb7: {  	[dreg:$0x5] =	wrdreg $0x9  }
0xb8: {  	_ =	task.clear_ibuf [dreg:s7], $0x6FFFF;
	_ =	strace $0x90000046  }
0xb9: {  	s29 =	simm.s32 $0x9;
	_ =	strace $0x80000048  }
0xba: {  	_ =	swait.ge [sflag:s29], $0x1  }
0xbb: {  	[sflag:s29] =	ssyncadd.s32 $0xFFFFFFFF  }
0xbc: {  	_ =	strace $0x90000048  }
0xbd: {  	_ =	sfence  }
0xbe: {  	s30 =	sld [smem:$0x0];
	_ =	sdelay $0x2  }
0xbf: {  	s31 =	sshll.u32 s1, $0xD;
	s1 =	sshrl.u32 s1, $0x2  }
0xc0: {  	s3 =	sand.u32 $0x4000, s31;
	s1 =	sadd.s32 s1, s30  }
0xc1: {  	s0 =	sor.u32 s3, s0;
	s1 =	sshll.u32 s1, $0x11  }
0xc2: {  	s0 =	sor.u32 s1, s0  }
0xc3: {  	s0 =	sadd.s32 $0x8F2B, s0  }
0xc4: {  	[sflag:s0] =	ssyncadd.remote.s32 $0x1  }
0xc5: {  	_ =	sfence.sel $0xFFFF  }
0xc6: {  	[dreg:$0x0] =	wrdreg $0xFFFFFFFF;
	(pc) =	sbr.abs _section_cstart, $3  }
0xc7: {  	[dreg:$0x1] =	wrdreg $0xFFFFFFFF  }
0xc8: {  	_ =	task.clear_ibuf [dreg:s7], $0x2FFFF;
	_ =	strace $0x9FFFFFFF  }
0xc9: {  	(tm) =	ssettm $0x7FFFFFFF  }
tec
execute0_lowered:
.L_overlay_start_1:
0x0: {  	(tag) =	ssettag $0x1  }
0x1: {  	s5 =	rddreg [dreg:$0x0]  }
0x2: {  	s0 =	srdreg.scid;
	s7 =	rddreg [dreg:$0x1]  }
0x3: {  	s2 =	rddreg [dreg:$0x2];
	s4 =	sand.u32 $0x1, s0;
	s0 =	stileid.u32  }
0x4: {  	s3 =	simm.s32 $0x0;
	s12 =	simm.s32 $0x0;
	s8 =	smul.u32 $0x3E8, s0  }
0x5: {  	s1 =	sshll.u32 s4, $0x4;
	s9 =	ssub.s32 $0x2, s4;
	s4 =	smul.u32 $0x2710, s4  }
0x6: {  	[smem:$0x7FF] =	sst s3;
	s11 =	smul.u32 $0xFA0, s0;
	s1 =	sor.u32 s0, s1  }
0x7: {  	p0 =	sgt.u32 s0, $0x9;
	s10 =	sshrl.u32 s9, $0x1;
	s6 =	smul.u32 $0x4E2, s1  }
0x8: {  	s1 =	rddreg [dreg:$0x3];
	_ =	strace $0x80000047;
	s9 =	ssub.s32 s9, s10  }
0x9: {  	s29 =	sadd.s32 s8, s4;
	s30 =	sshrl.u32 s11, $0x2;
	s10 =	simm.s32 $0x50  }
0xa: {  	s11 =	simm.s32 $0x2710;
	s31 =	sshrl.u32 s29, $0x3;
	s5 =	sadd.s32 s6, s5  }
0xb: {  	s6 =	sadd.s32 s8, s2;
	s7 =	sadd.s32 s7, s31;
	s8 =	smax.u32 s9, $0x1  }
0xc: {  	v0 =	vimm.f32 $1.000000000e+00;
	v1 =	vimm.f32 $0.0e+00;
	s9 =	simm.s32 $0x1;
	s4 =	sadd.s32 $0xD600, s5;
	s5 =	sadd.s32 s30, s2  }
.LBB2_1:
0xd: {  	[tilespmem:s3], [sflag:$0x1] =	stream.linear.gather [hbm4b:s4+s3], $0x2710, $0x38;
	[tilespmem:$0x2DC8] =	vst v63  }
0xe: {  	_ =	swait.ge [sflag:s9], $0x2710  }
0xf: {  	[sflag:s9] =	ssyncset.done $0x0  }
0x10: {  	[sflag:s9] =	ssyncadd.s32 $0xFFFFD8F0  }
0x11: {  	[tilespmem:$0x2710] =	vst v0  }
0x12: {  	[tilespmem:$0x2720] =	vst v0  }
0x13: {  	[tilespmem:$0x2730] =	vst v0  }
0x14: {  	[tilespmem:$0x2740] =	vst v0  }
0x15: {  	s13 =	simm.s32 $0x40;
	s14 =	simm.s32 $0x0;
	[tilespmem:$0x2750] =	vst v0  }
.LBB2_2:
0x16: {  	p1 =	sne.s32 s13, $0xF80;
	[tilespmem:s14+$0x2760] =	vst v1;
	s14 =	smov.u32 s13;
	s13 =	sadd.s32 $0x40, s13  }
.Ltmp0:
0x17: {  	(pc) =	sbr.rel @p1 .LBB2_2-.Ltmp0, $2  }
0x18: {  	_ =	sdelay $0x2  }
0x19: {  	s14 =	sshra.s32 s14, $0x2  }
0x1a: {  	[tilespmem:s14+$0x2760] =	vst v1;
	s13 =	simm.s32 @!p0 $0x2760  }
0x1b: {  	[spmem:s5] =	stream.linear.scatter @!p0 [tilespmem:s13], [sflag:$0x1], $0x3E8, $0x38;
	[tilespmem:$0x2DC8] =	vst v63  }
0x1c: {  	s13 =	simm.s32 @!p0 $0x1  }
0x1d: {  	_ =	swait.ge @!p0 [sflag:s13], $0x3E8  }
0x1e: {  	[sflag:s13] =	ssyncset.done @!p0 $0x0  }
0x1f: {  	[sflag:s13] =	ssyncadd.s32 @!p0 $0xFFFFFC18  }
0x20: {  	s31 =	simm.s32 $0x0;
	[bflag:$0x0] =	sbarrier.arrive $0xFFFF  }
0x21: {  	[spmem:s2] =	stream.indirect.scatter.add.f32 [tilespmem:s11], [sflag:$0x1], $0x1, s31, s10, $0xb8;
	[tilespmem:$0x2DC8] =	vst v63  }
0x22: {  	_ =	swait.ge [sflag:s9], $0x50  }
0x23: {  	s13 =	simm.s32 $0x140;
	[sflag:s9] =	ssyncset.done $0x0  }
.LBB2_4:
0x24: {  	s14 =	sshra.s32 s13, $0x2;
	[sflag:s9] =	ssyncadd.s32 $0xFFFFFFB0;
	p1 =	sne.s32 s13, $0x9B00  }
0x25: {  	[spmem:s2] =	stream.indirect.scatter.add.f32 [tilespmem:s11], [sflag:$0x1], $0x1, s14, s10, $0xb8;
	[tilespmem:$0x2DC8] =	vst v63  }
.Ltmp1:
0x26: {  	_ = 	snop;
	(pc) =	sbr.rel @p1 .LBB2_4-.Ltmp1, $4  }
0x27: {  	_ = 	snop  }
0x28: {  	s13 =	sadd.s32 $0x140, s13  }
0x29: {  	_ =	swait.ge [sflag:s9], $0x50  }
0x2a: {  	[sflag:s9] =	ssyncset.done $0x0  }
0x2b: {  	[sflag:s9] =	ssyncadd.s32 $0xFFFFFFB0  }
0x2c: {  	s13 =	simm.s32 @!p0 $0x2760;
	s14 =	simm.s32 @!p0 $0x1;
	[bflag:$0x0] =	sbarrier.arrive $0xFFFF  }
0x2d: {  	[tilespmem:s13], [sflag:$0x1] =	stream.linear.gather @!p0 [spmem:s6], $0x3E8, $0x38;
	[tilespmem:$0x2DC8] =	vst v63  }
0x2e: {  	s12 =	sadd.s32 $0x1, s12;
	_ =	swait.ge @!p0 [sflag:s14], $0x3E8  }
0x2f: {  	p1 =	sne.s32 s12, s8;
	[sflag:s14] =	ssyncset.done @!p0 $0x0  }
.Ltmp2:
0x30: {  	s15 =	simm.s32 @!p0 $0x0;
	[sflag:s14] =	ssyncadd.s32 @!p0 $0xFFFFFC18;
	(pc) =	sbr.rel @p1 .LBB2_1-.Ltmp2, $4  }
0x31: {  	[hbm4b:s7+s15] =	stream.linear.scatter @!p0 [tilespmem:s13], [sflag:$0x1], $0x3E8, $0x38;
	[tilespmem:$0x2DC8] =	vst v63  }
0x32: {  	_ =	swait.ge @!p0 [sflag:s14], $0x3E8  }
0x33: {  	[sflag:s14] =	ssyncset.done @!p0 $0x0  }
0x34: {  	[sflag:s14] =	ssyncadd.s32 @!p0 $0xFFFFFC18  }
0x35: {  	_ =	sfence.sel $0x180000  }
0x36: {  	[bflag:$0x0] =	sbarrier.arrive $0xFFFF  }
0x37: {  	p0 =	sne.s32 s0, $0x0;
	_ =	strace $0x90000047  }
0x38: {  	s0 =	sadd.s32 @!p0 $0x100000, s1;
	[bflag:$0x2] =	sbarrier.arrive $0xFFFF  }
0x39: {  	[sflag:s0] =	ssyncadd.tile.s32 @!p0 $0x1;
	_ =	shalt  }
.Lfunc_end2:
_tile_overlayer_lowered:
.L_overlay_start_2:
0x3a: {  	(tag) =	ssettag $0x2  }
0x3b: {  	s0 =	rddreg [dreg:$0x0];
	s2 =	stileid.u32  }
0x3c: {  	s1 =	rddreg [dreg:$0x1];
	p0 =	sne.s32 s2, $0x0  }
0x3d: {  	s3 =	rddreg [dreg:$0x2];
	[bflag:$0x3] =	sbarrier.arrive $0xFFFF;
	s2 =	simm.s32 @!p0 $0x1C01  }
0x3e: {  	[timem:s3], [sflag:s2] =	dma.local @!p0 [hbm:s0], s1  }
0x3f: {  	s0 =	simm.s32 @!p0 $0x1  }
0x40: {  	_ =	swait.ge @!p0 [sflag:s0], s1  }
0x41: {  	s1 =	ssub.s32 @!p0 $0x0, s1;
	[sflag:s0] =	ssyncset.done @!p0 $0x0  }
0x42: {  	[sflag:s0] =	ssyncadd.s32 @!p0 s1  }
0x43: {  	[bflag:$0x3] =	sbarrier.arrive $0xFFFF  }
0x44: {  	_ =	shalt  }

// kernel: kernel.14.cloned.1.call-start
scs
__scs_entry_jumppad:
0x0: {  	(pc) =	sbr.rel $0x88, $3  }
0x1: {  	(tag) =	ssettag $0x0;
	lr =	simm.s32 $0x1  }
0x2: {  	[smem:$0x3F91] =	sst lr;
	_ =	strace $0xD0000000  }
0x3: {  	_ = 	snop  }
0x4: {  	_ = 	snop  }
0x5: {  	_ = 	snop  }
0x6: {  	_ = 	snop  }
0x7: {  	_ = 	snop  }
__scs_overlays_trampoline_lowered:
0x8: {  	[smem:$0x3FA0] =	sst s0  }
0x9: {  	[smem:$0x3FA1] =	sst s1  }
0xa: {  	[smem:$0x3FA2] =	sst s2  }
0xb: {  	[smem:$0x3FA3] =	sst s3  }
0xc: {  	[smem:$0x3FA4] =	sst s4  }
0xd: {  	[smem:$0x3FA5] =	sst s5  }
0xe: {  	[smem:$0x3FA6] =	sst s6  }
0xf: {  	[smem:$0x3FA7] =	sst s7  }
0x10: {  	[smem:$0x3FA8] =	sst s8  }
0x11: {  	[smem:$0x3FA9] =	sst s9;
	s0 =	simm.s32 @!p0 $0x0  }
0x12: {  	s1 =	sld [smem:$0x3F8F];
	s0 =	simm.s32 @p0 $0x1  }
0x13: {  	[smem:$0x3FAA] =	sst s0;
	s0 =	simm.s32 @!p1 $0x0  }
0x14: {  	s2 =	sld [smem:$0x3F8E];
	s0 =	simm.s32 @p1 $0x1  }
0x15: {  	[smem:$0x3FAB] =	sst s0;
	s0 =	simm.s32 @!p2 $0x0  }
0x16: {  	s3 =	sld [smem:$0x3FDB];
	s0 =	simm.s32 @p2 $0x1  }
0x17: {  	s4 =	simm.s32 $0x1BF5;
	[smem:$0x3FAD] =	sst s0  }
0x18: {  	s0 =	sld [smem:$0x3F90];
	_ =	swait.ge [sflag:s4], $0x0  }
0x19: {  	s7 =	sld [smem:$0x3F91]  }
0x1a: {  	s8 =	sadd.s32 $0xFFFFE003, lr  }
0x1b: {  	s9 =	sadd.s32 $0xFFFFFEF7, lr;
	s5 =	simm.s32 $0xFFFFFFFF;
	p2 =	slt.u32 s8, $0xFFFFF086  }
0x1c: {  	p1 =	slt.u32 s9, $0xF7A;
	s5 =	simm.s32 @!p2 $0x0  }
0x1d: {  	s5 =	simm.s32 @p1 $0x1;
	p0 =	seq.s32 s7, s2  }
0x1e: {  	s7 =	smul.u32 @!p0 $0xF7A, s2;
	p2 =	seq.s32 @!p0 s5, $0x0  }
0x1f: {  	s9 =	smul.u32 $0xF7A, s1;
	s8 =	simm.s32 @!p0 $0x1BF5;
	p2 =	por !p2, p0  }
0x20: {  	[sflag:s8] =	ssyncset.s32 @!p0 $0xFFFFF086;
	s6 =	sadd.s32 @!p0 s3, s7;
	s7 =	simm.s32 @!p0 $0x108  }
0x21: {  	s3 =	sadd.s32 s3, s9;
	s6 =	sadd.s32 @!p0 $0x88, s6;
	s7 =	simm.s32 @p2 $0x1082  }
0x22: {  	[simem:s7], [sflag:s8] =	dma.local @!p0 [hbm:s6], $0xF7A  }
0x23: {  	s9 =	sor.u32 $0xD0000000, s2;
	s6 =	simm.s32 $0x108;
	_ =	swait.ge @!p0 [sflag:s8], $0x0  }
0x24: {  	s3 =	sadd.s32 $0x88, s3;
	s6 =	simm.s32 @!p1 $0x1082;
	[sflag:s4] =	ssyncset.s32 $0xFFFFF086  }
0x25: {  	[simem:s6], [sflag:s4] =	dma.local [hbm:s3], $0xF7A  }
0x26: {  	[smem:$0x3F91] =	sst s1;
	(tag) =	ssettag s2;
	_ =	strace s9  }
0x27: {  	s1 =	sld [smem:$0x3FA1]  }
0x28: {  	s2 =	sld [smem:$0x3FA2]  }
0x29: {  	s4 =	sld [smem:$0x3FA4]  }
0x2a: {  	p0 =	seq.s32 s5, $0x0;
	s5 =	sld [smem:$0x3FA5]  }
0x2b: {  	s6 =	sld [smem:$0x3FA6]  }
0x2c: {  	s7 =	sld [smem:$0x3FA7]  }
0x2d: {  	s3 =	simm.s32 $0x108;
	s8 =	sld [smem:$0x3FA8]  }
0x2e: {  	s3 =	simm.s32 @!p0 $0x1082;
	s9 =	sld [smem:$0x3FA9]  }
0x2f: {  	lr =	sadd.s32 s0, s3;
	s0 =	sld [smem:$0x3FA0]  }
0x30: {  	s3 =	sld [smem:$0x3FA3]  }
0x31: {  	[smem:$0x3FAC] =	sst s10  }
0x32: {  	s10 =	sld [smem:$0x3FAA];
	_ =	sdelay $0x3  }
0x33: {  	p0 =	seq.s32 s10, $0x1;
	s10 =	sld [smem:$0x3FAC];
	_ =	sdelay $0x3  }
0x34: {  	[smem:$0x3FAC] =	sst s10  }
0x35: {  	s10 =	sld [smem:$0x3FAB];
	_ =	sdelay $0x3  }
0x36: {  	p1 =	seq.s32 s10, $0x1;
	s10 =	sld [smem:$0x3FAC];
	_ =	sdelay $0x3  }
0x37: {  	[smem:$0x3FAC] =	sst s10  }
0x38: {  	s10 =	sld [smem:$0x3FAD]  }
0x39: {  	_ = 	snop;
	(pc) =	sbr.ind lr, $3  }
0x3a: {  	_ = 	snop  }
0x3b: {  	_ = 	snop  }
0x3c: {  	p2 =	seq.s32 s10, $0x1;
	s10 =	sld [smem:$0x3FAC]  }
0x3d: {  	_ =	shalt  }
0x3e: {  	_ =	shalt  }
0x3f: {  	_ =	shalt  }
0x40: {  	_ =	shalt  }
0x41: {  	_ =	shalt  }
0x42: {  	_ =	shalt  }
0x43: {  	_ =	shalt  }
0x44: {  	_ =	shalt  }
0x45: {  	_ =	shalt  }
0x46: {  	_ =	shalt  }
0x47: {  	_ =	shalt  }
0x48: {  	_ =	shalt  }
0x49: {  	_ =	shalt  }
0x4a: {  	_ =	shalt  }
0x4b: {  	_ =	shalt  }
0x4c: {  	_ =	shalt  }
0x4d: {  	_ =	shalt  }
0x4e: {  	_ =	shalt  }
0x4f: {  	_ =	shalt  }
0x50: {  	_ =	shalt  }
0x51: {  	_ =	shalt  }
0x52: {  	_ =	shalt  }
0x53: {  	_ =	shalt  }
0x54: {  	_ =	shalt  }
0x55: {  	_ =	shalt  }
0x56: {  	_ =	shalt  }
0x57: {  	_ =	shalt  }
0x58: {  	_ =	shalt  }
0x59: {  	_ =	shalt  }
0x5a: {  	_ =	shalt  }
0x5b: {  	_ =	shalt  }
0x5c: {  	_ =	shalt  }
0x5d: {  	_ =	shalt  }
0x5e: {  	_ =	shalt  }
0x5f: {  	_ =	shalt  }
0x60: {  	_ =	shalt  }
0x61: {  	_ =	shalt  }
0x62: {  	_ =	shalt  }
0x63: {  	_ =	shalt  }
0x64: {  	_ =	shalt  }
0x65: {  	_ =	shalt  }
0x66: {  	_ =	shalt  }
0x67: {  	_ =	shalt  }
0x68: {  	_ =	shalt  }
0x69: {  	_ =	shalt  }
0x6a: {  	_ =	shalt  }
0x6b: {  	_ =	shalt  }
0x6c: {  	_ =	shalt  }
0x6d: {  	_ =	shalt  }
0x6e: {  	_ =	shalt  }
0x6f: {  	_ =	shalt  }
0x70: {  	_ =	shalt  }
0x71: {  	_ =	shalt  }
0x72: {  	_ =	shalt  }
0x73: {  	_ =	shalt  }
0x74: {  	_ =	shalt  }
0x75: {  	_ =	shalt  }
0x76: {  	_ =	shalt  }
0x77: {  	_ =	shalt  }
0x78: {  	_ =	shalt  }
0x79: {  	_ =	shalt  }
0x7a: {  	_ =	shalt  }
0x7b: {  	_ =	shalt  }
0x7c: {  	_ =	shalt  }
0x7d: {  	_ =	shalt  }
0x7e: {  	_ =	shalt  }
0x7f: {  	_ =	shalt  }
0x80: {  	_ =	shalt  }
0x81: {  	_ =	shalt  }
0x82: {  	_ =	shalt  }
0x83: {  	_ =	shalt  }
0x84: {  	_ =	shalt  }
0x85: {  	_ =	shalt  }
0x86: {  	_ =	shalt  }
0x87: {  	_ =	shalt  }
.Lfunc_end0:
.L_simem_size_0:
called_computation.1_lowered:
.L_overlay_start_0:
0x88: {  	s2 =	sld [smem:$0x3FD9]  }
0x89: {  	s3 =	sld [smem:$0x3FFE];
	_ =	sdelay $0x1  }
0x8a: {  	s1 =	srdreg.scid  }
0x8b: {  	s0 =	sand.u32 $0x1, s1  }
0x8c: {  	s16 =	sshll.u32 s0, $0xA;
	s2 =	sadd.s32 s3, s2  }
0x8d: {  	s2 =	sadd.s32 s2, s16  }
0x8e: {  	[smem:$0x3FB8] =	sst s2  }
0x8f: {  	_ = 	snop  }
0x90: {  	(tm) =	ssettm $0x1  }
0x91: {  	s17 =	sld [smem:$0x3FFB];
	_ =	sdelay $0x3  }
0x92: {  	_ =	strace s17  }
0x93: {  	s2 =	sld [smem:$0x3FFC];
	_ =	sdelay $0x3  }
0x94: {  	_ =	strace s2  }
0x95: {  	s2 =	sld [smem:$0x3FFD];
	_ =	sdelay $0x3  }
0x96: {  	_ =	strace s2  }
0x97: {  	_ =	strace $0x8FFFFFFF  }
0x98: {  	s18 =	sld [smem:$0x3FDB];
	_ =	sdelay $0x1  }
0x99: {  	s19 =	simm.s32 $_scs_section_size  }
0x9a: {  	s4 =	simm.s32 $_size__tile_overlayer_lowered;
	s5 =	simm.s32 $_tile_overlayer_lowered  }
0x9b: {  	s22 =	simm.s32 $0x1BFF;
	s21 =	sshll.u32 s5, $0x1;
	s2 =	sadd.s32 s19, s18  }
0x9c: {  	s6 =	simm.s32 $0x0;
	s20 =	sshll.u32 s4, $0x1;
	s4 =	sadd.s32 s21, s2  }
0x9d: {  	[timem:s6], [sflag:s22] =	dma.local [hbm:s4], s20  }
0x9e: {  	_ =	swait.ge [sflag:s22], s20  }
0x9f: {  	s3 =	ssub.s32 $0x0, s20;
	[sflag:s22] =	ssyncset.done $0x0  }
0xa0: {  	[sflag:s22] =	ssyncadd.s32 s3;
	_ =	sdelay $0x1  }
0xa1: {  	s23 =	simm.s32 $0x1B8B  }
0xa2: {  	_ =	swait.ge [sflag:s23], $0x1  }
0xa3: {  	[sflag:s23] =	ssyncset.done $0x0  }
0xa4: {  	s25 =	simm.s32 $0x1B8E;
	s24 =	sld [smem:$0x3FFE];
	[sflag:s23] =	ssyncadd.s32 $0xFFFFFFFF  }
0xa5: {  	s26 =	simm.s32 $execute0_lowered;
	[smem:$0x3FD2] =	sst s25  }
0xa6: {  	s4 =	sshll.u32 s26, $0x1;
	_ =	strace $0x80000049;
	[dreg:$0x1] =	wrdreg $0xFFFFFFFF  }
0xa7: {  	s28 =	simm.s32 $_size_execute0_lowered;
	s2 =	sadd.s32 s2, s4;
	[dreg:$0x0] =	wrdreg $0x0  }
0xa8: {  	s4 =	sshll.u32 s28, $0x1;
	[dreg:$0x2] =	wrdreg s2  }
0xa9: {  	[dreg:$0x3] =	wrdreg s4  }
0xaa: {  	[dreg:$0x4] =	wrdreg $0xC0  }
0xab: {  	_ =	task [dreg:s6], $0x5FFFF  }
0xac: {  	[dreg:$0x1] =	wrdreg $0xFFFFFFFF  }
0xad: {  	[dreg:$0x0] =	wrdreg $0x60  }
0xae: {  	[dreg:$0x2] =	wrdreg s24  }
0xaf: {  	[dreg:$0x3] =	wrdreg $0x123E00  }
0xb0: {  	[dreg:$0x4] =	wrdreg $0x9  }
0xb1: {  	_ =	task.clear_ibuf [dreg:s6], $0x5FFFF;
	_ =	strace $0x90000049  }
0xb2: {  	s29 =	simm.s32 $0x9;
	_ =	strace $0x8000004B  }
0xb3: {  	_ =	swait.ge [sflag:s29], $0x1  }
0xb4: {  	[sflag:s29] =	ssyncadd.s32 $0xFFFFFFFF  }
0xb5: {  	_ =	strace $0x9000004B  }
0xb6: {  	_ =	sfence  }
0xb7: {  	s30 =	sld [smem:$0x0];
	_ =	sdelay $0x2  }
0xb8: {  	s31 =	sshll.u32 s1, $0xD;
	s1 =	sshrl.u32 s1, $0x2  }
0xb9: {  	s3 =	sand.u32 $0x4000, s31;
	s1 =	sadd.s32 s1, s30  }
0xba: {  	s0 =	sor.u32 s3, s0;
	s1 =	sshll.u32 s1, $0x11  }
0xbb: {  	s0 =	sor.u32 s1, s0  }
0xbc: {  	s0 =	sadd.s32 $0x8F2B, s0  }
0xbd: {  	[sflag:s0] =	ssyncadd.remote.s32 $0x1  }
0xbe: {  	_ =	sfence.sel $0xFFFF  }
0xbf: {  	[dreg:$0x0] =	wrdreg $0xFFFFFFFF;
	(pc) =	sbr.abs _section_cstart, $3  }
0xc0: {  	[dreg:$0x1] =	wrdreg $0xFFFFFFFF  }
0xc1: {  	_ =	task.clear_ibuf [dreg:s6], $0x2FFFF;
	_ =	strace $0x9FFFFFFF  }
0xc2: {  	(tm) =	ssettm $0x7FFFFFFF  }
0xc3: {  	_ =	shalt  }
tec
execute0_lowered:
.L_overlay_start_1:
0x0: {  	(tag) =	ssettag $0x1  }
0x1: {  	s0 =	rddreg [dreg:$0x0]  }
0x2: {  	s1 =	rddreg [dreg:$0x1];
	s2 =	srdreg.scid  }
0x3: {  	s3 =	simm.s32 $0x0;
	s10 =	stileid.u32;
	s16 =	simm.s32 $0x9  }
0x4: {  	s18 =	simm.s32 $0xC620;
	s19 =	simm.s32 $0x50;
	s21 =	simm.s32 $0x5820  }
0x5: {  	s22 =	simm.s32 $0x6;
	s23 =	simm.s32 $0x7;
	s24 =	simm.s32 $0x8  }
0x6: {  	s25 =	simm.s32 $0x5;
	s26 =	simm.s32 $0xE560;
	s28 =	simm.s32 $0x0  }
0x7: {  	s2 =	sand.u32 $0x1, s2;
	[smem:$0x7FF] =	sst s3;
	s7 =	smul.u32 $0x27100, s10  }
0x8: {  	s4 =	sshll.u32 s2, $0x4;
	_ =	strace $0x8000004A;
	s6 =	ssub.s32 $0x2, s2  }
0x9: {  	s4 =	sor.u32 s10, s4;
	s31 =	sshrl.u32 s6, $0x1;
	s9 =	sshrl.u32 s7, $0x2  }
0xa: {  	s5 =	smul.u32 $0x4E2, s4;
	s4 =	sadd.s32 $0x65800, s0;
	s9 =	sadd.s32 s9, s1  }
0xb: {  	s12 =	sadd.s32 $0x1F40, s9;
	s13 =	sadd.s32 $0x3E80, s9;
	s14 =	sadd.s32 $0x5DC0, s9  }
0xc: {  	s8 =	sadd.s32 s5, s0;
	s5 =	sadd.s32 $0x6F600, s0;
	s0 =	ssub.s32 s6, s31  }
0xd: {  	s6 =	sadd.s32 $0x3800, s8;
	s7 =	sadd.s32 $0xD600, s8;
	s8 =	smul.u32 $0x271, s10  }
0xe: {  	v0 =	vimm.f32 $0.0e+00;
	s15 =	sadd.s32 $0x7D00, s9;
	s10 =	smul.u32 $0x138800, s2;
	s11 =	smax.u32 s0, $0x1  }
.LBB2_1:
0xf: {  	[tilespmem:s3], [sflag:$0x9] =	stream.linear.gather [hbm4b:s6+s3], $0x2710, $0x38;
	[tilespmem:$0x1C020] =	vst v63  }
0x10: {  	_ =	swait.ge [sflag:s16], $0x2710  }
0x11: {  	[sflag:s16] =	ssyncset.done $0x0  }
0x12: {  	s0 =	simm.s32 $0x2710;
	[sflag:s16] =	ssyncadd.s32 $0xFFFFD8F0  }
0x13: {  	[tilespmem:s0], [sflag:$0x9] =	stream.linear.gather [hbm4b:s7+s3], $0x2710, $0x38;
	[tilespmem:$0x1C020] =	vst v63  }
0x14: {  	_ =	swait.ge [sflag:s16], $0x2710  }
0x15: {  	[sflag:s16] =	ssyncset.done $0x0  }
0x16: {  	s2 =	simm.s32 $0x100;
	s0 =	simm.s32 $0x0;
	[sflag:s16] =	ssyncadd.s32 $0xFFFFD8F0  }
.LBB2_2:
0x17: {  	p0 =	sne.s32 s2, $0x7C00;
	[tilespmem:s0+$0xC650] =	vst v0;
	s17 =	smov.u32 s2;
	s2 =	sadd.s32 $0x100, s2  }
.Ltmp0:
0x18: {  	[tilespmem:s0+$0xC640] =	vst v0;
	(pc) =	sbr.rel @p0 .LBB2_2-.Ltmp0, $3  }
0x19: {  	[tilespmem:s0+$0xC620] =	vst v0  }
0x1a: {  	[tilespmem:s0+$0xC630] =	vst v0;
	_ =	sdelay $0x1  }
0x1b: {  	s0 =	sshra.s32 s17, $0x2  }
0x1c: {  	[tilespmem:s0+$0xC650] =	vst v0  }
0x1d: {  	[tilespmem:s0+$0xC640] =	vst v0  }
0x1e: {  	[tilespmem:s0+$0xC620] =	vst v0  }
0x1f: {  	[tilespmem:s0+$0xC630] =	vst v0  }
0x20: {  	[spmem:s9] =	stream.linear.scatter [tilespmem:s18], [sflag:$0x9], $0x1F40, $0x38;
	[tilespmem:$0x1C020] =	vst v63  }
0x21: {  	_ =	swait.ge [sflag:s16], $0x1F40  }
0x22: {  	[sflag:s16] =	ssyncset.done $0x0  }
0x23: {  	[sflag:s16] =	ssyncadd.s32 $0xFFFFE0C0  }
0x24: {  	[spmem:s12] =	stream.linear.scatter [tilespmem:s18], [sflag:$0x9], $0x1F40, $0x38;
	[tilespmem:$0x1C020] =	vst v63  }
0x25: {  	_ =	swait.ge [sflag:s16], $0x1F40  }
0x26: {  	[sflag:s16] =	ssyncset.done $0x0  }
0x27: {  	[sflag:s16] =	ssyncadd.s32 $0xFFFFE0C0  }
0x28: {  	[spmem:s13] =	stream.linear.scatter [tilespmem:s18], [sflag:$0x9], $0x1F40, $0x38;
	[tilespmem:$0x1C020] =	vst v63  }
0x29: {  	_ =	swait.ge [sflag:s16], $0x1F40  }
0x2a: {  	[sflag:s16] =	ssyncset.done $0x0  }
0x2b: {  	[sflag:s16] =	ssyncadd.s32 $0xFFFFE0C0  }
0x2c: {  	[spmem:s14] =	stream.linear.scatter [tilespmem:s18], [sflag:$0x9], $0x1F40, $0x38;
	[tilespmem:$0x1C020] =	vst v63  }
0x2d: {  	_ =	swait.ge [sflag:s16], $0x1F40  }
0x2e: {  	[sflag:s16] =	ssyncset.done $0x0  }
0x2f: {  	[sflag:s16] =	ssyncadd.s32 $0xFFFFE0C0  }
0x30: {  	[spmem:s15] =	stream.linear.scatter [tilespmem:s18], [sflag:$0x9], $0x1F40, $0x38;
	[tilespmem:$0x1C020] =	vst v63  }
0x31: {  	_ =	swait.ge [sflag:s16], $0x1F40  }
0x32: {  	[sflag:s16] =	ssyncset.done $0x0  }
0x33: {  	[sflag:s16] =	ssyncadd.s32 $0xFFFFE0C0  }
0x34: {  	s29 =	simm.s32 $0x0;
	s31 =	simm.s32 $0x4E20;
	[bflag:$0x0] =	sbarrier.arrive $0xFFFF  }
0x35: {  	[tilespmem:s31], [sflag:$0x1] =	stream.indirect.gather [hbm4b:s4+s19], $0x20, s29, s19, $0xb8;
	[tilespmem:$0x1C020] =	vst v63  }
0x36: {  	s30 =	simm.s32 $0x0  }
0x37: {  	[tilespmem:s21], [sflag:$0x2] =	stream.indirect.gather [hbm4b:s4+s19], $0x20, s19, s19, $0xb8;
	[tilespmem:$0x1C020] =	vst v63  }
.LBB2_4:
0x38: {  	s0 =	sand.u32 $0x3, s29;
	s31 =	sand.u32 $0x3, s30  }
0x39: {  	s2 =	smul.u32 $0x2800, s0;
	s17 =	sadd.s32 $0x1, s31  }
0x3a: {  	_ =	swait.ge [sflag:s17], $0xA00  }
0x3b: {  	s2 =	sshrl.u32 s2, $0x2;
	[sflag:s17] =	ssyncset.done $0x0  }
0x3c: {  	s2 =	sadd.s32 $0x4E60, s2;
	[sflag:s17] =	ssyncadd.s32 $0xFFFFF600  }
0x3d: {  	v1 =	vld [tilespmem:s2+$0x20];
	_ =	sdelay $0x1  }
0x3e: {  	s0 =	smul.u32 $0x5000, s0;
	v2 =	vld [tilespmem:s2+$0xFFFFFFE0]  }
0x3f: {  	v3 =	vld [tilespmem:s2+$0xFFFFFFC0]  }
0x40: {  	s0 =	sshrl.u32 s0, $0x2  }
0x41: {  	s0 =	sadd.s32 $0x76A0, s0;
	v4 =	vshll.u32 v1, $0x10  }
0x42: {  	v5 =	vld [tilespmem:s2+$0x0];
	v1 =	vand.u32 $0xFFFF0000, v1;
	[tilespmem:s0+$0x40] =	vst v4  }
0x43: {  	v4 =	vshll.u32 v2, $0x10;
	[tilespmem:s0+$0x50] =	vst v1  }
0x44: {  	v1 =	vshll.u32 v3, $0x10;
	[tilespmem:s0+$0xFFFFFFC0] =	vst v4  }
0x45: {  	v3 =	vand.u32 $0xFFFF0000, v3;
	v4 =	vld [tilespmem:s2+$0x30];
	[tilespmem:s0+$0xFFFFFF80] =	vst v1  }
0x46: {  	v1 =	vand.u32 $0xFFFF0000, v2;
	[tilespmem:s0+$0xFFFFFF90] =	vst v3  }
0x47: {  	v2 =	vshll.u32 v5, $0x10;
	[tilespmem:s0+$0xFFFFFFD0] =	vst v1;
	v3 =	vld [tilespmem:s2+$0xFFFFFFD0]  }
0x48: {  	v1 =	vand.u32 $0xFFFF0000, v5;
	[tilespmem:s0+$0x0] =	vst v2;
	v2 =	vld [tilespmem:s2+$0xFFFFFFF0]  }
0x49: {  	[tilespmem:s0+$0x10] =	vst v1  }
0x4a: {  	v1 =	vld [tilespmem:s2+$0x10];
	v5 =	vand.u32 $0xFFFF0000, v4  }
0x4b: {  	s17 =	simm.s32 $0x0;
	s20 =	sadd.s32 $0x80, s2;
	s2 =	smov.u32 s0;
	v4 =	vshll.u32 v4, $0x10;
	[tilespmem:s0+$0x70] =	vst v5  }
.LBB2_5:
0x4c: {  	v5 =	vld [tilespmem:s20+$0x20];
	v6 =	vshll.u32 v3, $0x10;
	v3 =	vand.u32 $0xFFFF0000, v3;
	[tilespmem:s0+$0x60] =	vst v4  }
0x4d: {  	s17 =	sadd.s32 $0x4, s17;
	v4 =	vld [tilespmem:s20+$0xFFFFFFE0];
	[tilespmem:s0+$0xFFFFFFA0] =	vst v6;
	v6 =	vshll.u32 v2, $0x10;
	v2 =	vand.u32 $0xFFFF0000, v2  }
0x4e: {  	p0 =	slt.u32 s17, $0x4C;
	v7 =	vld [tilespmem:s20+$0x0];
	[tilespmem:s0+$0xFFFFFFB0] =	vst v3  }
0x4f: {  	v3 =	vld [tilespmem:s20+$0xFFFFFFC0];
	[tilespmem:s0+$0xFFFFFFE0] =	vst v6;
	v6 =	vshll.u32 v1, $0x10;
	v8 =	vand.u32 $0xFFFF0000, v1  }
0x50: {  	[tilespmem:s0+$0xFFFFFFF0] =	vst v2  }
0x51: {  	s0 =	sadd.s32 $0x100, s0;
	v1 =	vshll.u32 v5, $0x10;
	[tilespmem:s2+$0x20] =	vst v6  }
0x52: {  	v5 =	vand.u32 $0xFFFF0000, v5;
	v2 =	vshll.u32 v4, $0x10;
	v4 =	vand.u32 $0xFFFF0000, v4;
	[tilespmem:s0+$0x40] =	vst v1  }
0x53: {  	v1 =	vshll.u32 v7, $0x10;
	v6 =	vand.u32 $0xFFFF0000, v7;
	[tilespmem:s0+$0x50] =	vst v5  }
0x54: {  	v5 =	vshll.u32 v3, $0x10;
	v3 =	vand.u32 $0xFFFF0000, v3;
	[tilespmem:s0+$0xFFFFFFC0] =	vst v2;
	v7 =	vld [tilespmem:s20+$0x30]  }
0x55: {  	[tilespmem:s0+$0xFFFFFF80] =	vst v5  }
0x56: {  	[tilespmem:s0+$0xFFFFFF90] =	vst v3  }
.Ltmp1:
0x57: {  	v3 =	vld [tilespmem:s20+$0xFFFFFFD0];
	[tilespmem:s0+$0xFFFFFFD0] =	vst v4;
	(pc) =	sbr.rel @p0 .LBB2_5-.Ltmp1, $4  }
0x58: {  	v2 =	vld [tilespmem:s20+$0xFFFFFFF0];
	[tilespmem:s0+$0x0] =	vst v1  }
0x59: {  	[tilespmem:s0+$0x10] =	vst v6;
	v4 =	vshll.u32 v7, $0x10;
	v5 =	vand.u32 $0xFFFF0000, v7  }
0x5a: {  	v1 =	vld [tilespmem:s20+$0x10];
	[tilespmem:s0+$0x70] =	vst v5  }
0x5b: {  	s20 =	sadd.s32 $0x80, s20;
	[tilespmem:s2+$0x30] =	vst v8;
	s2 =	smov.u32 s0  }
0x5c: {  	v5 =	vshll.u32 v3, $0x10;
	[tilespmem:s0+$0x60] =	vst v4  }
0x5d: {  	v3 =	vand.u32 $0xFFFF0000, v3;
	[tilespmem:s0+$0xFFFFFFA0] =	vst v5  }
0x5e: {  	s17 =	smul.u32 $0x5000, s31;
	v63 =	vshll.u32 v2, $0x10;
	[tilespmem:s0+$0xFFFFFFB0] =	vst v3  }
0x5f: {  	s20 =	smul.u32 $0x140, s30;
	v2 =	vand.u32 $0xFFFF0000, v2;
	[tilespmem:s0+$0xFFFFFFE0] =	vst v63  }
0x60: {  	[tilespmem:s0+$0xFFFFFFF0] =	vst v2;
	v2 =	vshll.u32 v1, $0x10  }
0x61: {  	s31 =	sadd.s32 $0x5, s31;
	s17 =	sshrl.u32 s17, $0x2;
	s20 =	sshra.s32 s20, $0x2;
	v1 =	vand.u32 $0xFFFF0000, v1;
	[tilespmem:s2+$0x20] =	vst v2  }
0x62: {  	p0 =	sgt.u32 s30, $0x7A;
	s0 =	sadd.s32 $0x7620, s17;
	s20 =	sadd.s32 $0x2710, s20;
	[tilespmem:s2+$0x30] =	vst v1  }
0x63: {  	[spmem:s1] =	stream.indirect.scatter.add.f32 [tilespmem:s0], [sflag:s31], $0x40, s20, s19, $0xb8;
	[tilespmem:$0x1C020] =	vst v63  }
0x64: {  	p1 =	slt.u32 @!p0 s30, $0x2;
	s0 =	sadd.s32 $0x2, s30  }
0x65: {  	p1 =	por p1, p0;
	s2 =	sand.u32 @!p0 $0x3, s0;
	s0 =	smul.u32 @!p0 $0x140, s0  }
0x66: {  	s17 =	sadd.s32 @!p1 $0x5, s2;
	s20 =	smul.u32 @!p0 $0x2800, s2  }
0x67: {  	s30 =	sadd.s32 $0x1, s30;
	s2 =	sadd.s32 @!p0 $0x1, s2;
	_ =	swait.ge @!p1 [sflag:s17], $0x1400  }
0x68: {  	s0 =	sshra.s32 @!p0 s0, $0x2;
	[sflag:s17] =	ssyncset.done @!p1 $0x0;
	s20 =	sshrl.u32 @!p0 s20, $0x2  }
0x69: {  	[sflag:s17] =	ssyncadd.s32 @!p1 $0xFFFFEC00;
	s17 =	sadd.s32 @!p0 $0x4E20, s20;
	s20 =	simm.s32 @!p0 $0x50  }
0x6a: {  	[tilespmem:s17], [sflag:s2] =	stream.indirect.gather @!p0 [hbm4b:s4+s20], $0x20, s0, s20, $0xb8;
	[tilespmem:$0x1C020] =	vst v63  }
0x6b: {  	p0 =	sne.s32 s30, $0x7D  }
.Ltmp2:
0x6c: {  	_ = 	snop;
	(pc) =	sbr.rel @p0 .LBB2_4-.Ltmp2, $2  }
0x6d: {  	_ =	sdelay $0x2  }
0x6e: {  	s29 =	sadd.s32 $0x1, s29  }
0x6f: {  	_ =	swait.ge [sflag:s22], $0x1400  }
0x70: {  	[sflag:s22] =	ssyncset.done $0x0  }
0x71: {  	[sflag:s22] =	ssyncadd.s32 $0xFFFFEC00  }
0x72: {  	_ =	swait.ge [sflag:s23], $0x1400  }
0x73: {  	[sflag:s23] =	ssyncset.done $0x0  }
0x74: {  	[sflag:s23] =	ssyncadd.s32 $0xFFFFEC00  }
0x75: {  	_ =	swait.ge [sflag:s24], $0x1400  }
0x76: {  	[sflag:s24] =	ssyncset.done $0x0  }
0x77: {  	[sflag:s24] =	ssyncadd.s32 $0xFFFFEC00  }
0x78: {  	_ =	swait.ge [sflag:s25], $0x1400  }
0x79: {  	[sflag:s25] =	ssyncset.done $0x0  }
0x7a: {  	[sflag:s25] =	ssyncadd.s32 $0xFFFFEC00  }
0x7b: {  	s0 =	simm.s32 $0x0;
	[bflag:$0x0] =	sbarrier.arrive $0xFFFF  }
.LBB2_8:
0x7c: {  	s2 =	smul.u32 $0x7D, s0;
	_ =	sdelay $0x1  }
0x7d: {  	s2 =	sadd.s32 s8, s2  }
0x7e: {  	s17 =	sshll.u32 s2, $0x6  }
0x7f: {  	s17 =	sand.u32 $0x3FFFFFC0, s17  }
0x80: {  	s17 =	sadd.s32 s17, s1  }
0x81: {  	[tilespmem:s18], [sflag:$0x9] =	stream.linear.gather [spmem:s17], $0x1F40, $0x38;
	[tilespmem:$0x1C020] =	vst v63  }
0x82: {  	_ =	swait.ge [sflag:s16], $0x1F40  }
0x83: {  	[sflag:s16] =	ssyncset.done $0x0  }
0x84: {  	s20 =	simm.s32 $0x0;
	[sflag:s16] =	ssyncadd.s32 $0xFFFFE0C0  }
0x85: {  	v1 =	vld [tilespmem:s20+$0xC620];
	_ =	sdelay $0x3  }
0x86: {  	s17 =	simm.s32 $0xE580  }
0x87: {  	[tilespmem:s17+$0xFFFFFFE0] =	vst v1  }
0x88: {  	v1 =	vld [tilespmem:s20+$0xC630];
	_ =	sdelay $0x4  }
0x89: {  	[tilespmem:s17+$0xFFFFFFF0] =	vst v1  }
0x8a: {  	v1 =	vld [tilespmem:s20+$0xC640];
	_ =	sdelay $0x4  }
0x8b: {  	[tilespmem:s17+$0x0] =	vst v1  }
0x8c: {  	v1 =	vld [tilespmem:s20+$0xC650];
	_ =	sdelay $0x4  }
0x8d: {  	s29 =	simm.s32 $0x200;
	s20 =	simm.s32 $0x40;
	[tilespmem:s17+$0x10] =	vst v1  }
.LBB2_9:
0x8e: {  	p0 =	sne.s32 s29, $0x7C00;
	v1 =	vld [tilespmem:s20+$0xC620];
	_ =	sdelay $0x3  }
0x8f: {  	s17 =	sadd.s32 $0x80, s17  }
0x90: {  	[tilespmem:s17+$0xFFFFFFE0] =	vst v1  }
0x91: {  	v1 =	vld [tilespmem:s20+$0xC630];
	_ =	sdelay $0x4  }
0x92: {  	[tilespmem:s17+$0xFFFFFFF0] =	vst v1  }
0x93: {  	v1 =	vld [tilespmem:s20+$0xC640];
	_ =	sdelay $0x4  }
0x94: {  	[tilespmem:s17+$0x0] =	vst v1  }
0x95: {  	v1 =	vld [tilespmem:s20+$0xC650]  }
.Ltmp3:
0x96: {  	(pc) =	sbr.rel @p0 .LBB2_9-.Ltmp3, $2  }
0x97: {  	_ =	sdelay $0x2  }
0x98: {  	s20 =	sshra.s32 s29, $0x2;
	s29 =	sadd.s32 $0x100, s29;
	[tilespmem:s17+$0x10] =	vst v1  }
0x99: {  	v1 =	vld [tilespmem:s20+$0xC620];
	_ =	sdelay $0x3  }
0x9a: {  	s17 =	sadd.s32 $0x80, s17  }
0x9b: {  	[tilespmem:s17+$0xFFFFFFE0] =	vst v1  }
0x9c: {  	v1 =	vld [tilespmem:s20+$0xC630];
	_ =	sdelay $0x4  }
0x9d: {  	[tilespmem:s17+$0xFFFFFFF0] =	vst v1  }
0x9e: {  	v1 =	vld [tilespmem:s20+$0xC640];
	_ =	sdelay $0x4  }
0x9f: {  	[tilespmem:s17+$0x0] =	vst v1  }
0xa0: {  	v1 =	vld [tilespmem:s20+$0xC650];
	_ =	sdelay $0x1  }
0xa1: {  	s2 =	sshll.u32 s2, $0x7  }
0xa2: {  	s0 =	sadd.s32 $0x1, s0;
	s2 =	sadd.s32 s10, s2  }
0xa3: {  	p0 =	sne.s32 s0, $0x5;
	s2 =	sshrl.u32 s2, $0x3  }
.Ltmp4:
0xa4: {  	s2 =	sadd.s32 s5, s2;
	[tilespmem:s17+$0x10] =	vst v1;
	(pc) =	sbr.rel @p0 .LBB2_8-.Ltmp4, $4  }
0xa5: {  	[hbm4b:s2+s3] =	stream.linear.scatter [tilespmem:s26], [sflag:$0x9], $0x3E80, $0x38;
	[tilespmem:$0x1C020] =	vst v63  }
0xa6: {  	_ =	swait.ge [sflag:s16], $0x3E80  }
0xa7: {  	[sflag:s16] =	ssyncset.done $0x0  }
0xa8: {  	[sflag:s16] =	ssyncadd.s32 $0xFFFFC180  }
0xa9: {  	s28 =	sadd.s32 $0x1, s28  }
0xaa: {  	p0 =	sne.s32 s28, s11  }
.Ltmp5:
0xab: {  	_ = 	snop;
	(pc) =	sbr.rel @p0 .LBB2_1-.Ltmp5, $1  }
0xac: {  	_ =	sdelay $0x3  }
0xad: {  	_ =	sfence.sel $0x180000  }
0xae: {  	[bflag:$0x0] =	sbarrier.arrive $0xFFFF  }
0xaf: {  	_ =	strace $0x9000004A  }
0xb0: {  	s0 =	stileid.u32;
	[bflag:$0x2] =	sbarrier.arrive $0xFFFF  }
0xb1: {  	p0 =	sne.s32 s0, $0x0;
	s0 =	rddreg [dreg:$0x2]  }
0xb2: {  	s0 =	sadd.s32 @!p0 $0x100000, s0  }
0xb3: {  	[sflag:s0] =	ssyncadd.tile.s32 @!p0 $0x1;
	_ =	shalt  }
.Lfunc_end2:
_tile_overlayer_lowered:
.L_overlay_start_2:
0xb4: {  	(tag) =	ssettag $0x2  }
0xb5: {  	s0 =	rddreg [dreg:$0x0];
	s2 =	stileid.u32  }
0xb6: {  	s1 =	rddreg [dreg:$0x1];
	p0 =	sne.s32 s2, $0x0  }
0xb7: {  	s3 =	rddreg [dreg:$0x2];
	[bflag:$0x3] =	sbarrier.arrive $0xFFFF;
	s2 =	simm.s32 @!p0 $0x1C09  }
0xb8: {  	[timem:s3], [sflag:s2] =	dma.local @!p0 [hbm:s0], s1  }
0xb9: {  	s0 =	simm.s32 @!p0 $0x9  }
0xba: {  	_ =	swait.ge @!p0 [sflag:s0], s1  }
0xbb: {  	s1 =	ssub.s32 @!p0 $0x0, s1;
	[sflag:s0] =	ssyncset.done @!p0 $0x0  }
0xbc: {  	[sflag:s0] =	ssyncadd.s32 @!p0 s1  }
0xbd: {  	[bflag:$0x3] =	sbarrier.arrive $0xFFFF  }
0xbe: {  	_ =	shalt  }

// kernel: kernel.17.cloned.1.call-start
scs
__scs_entry_jumppad:
0x0: {  	(pc) =	sbr.rel $0x88, $3  }
0x1: {  	(tag) =	ssettag $0x0;
	lr =	simm.s32 $0x1  }
0x2: {  	[smem:$0x3F91] =	sst lr;
	_ =	strace $0xD0000000  }
0x3: {  	_ = 	snop  }
0x4: {  	_ = 	snop  }
0x5: {  	_ = 	snop  }
0x6: {  	_ = 	snop  }
0x7: {  	_ = 	snop  }
__scs_overlays_trampoline_lowered:
0x8: {  	[smem:$0x3FA0] =	sst s0  }
0x9: {  	[smem:$0x3FA1] =	sst s1  }
0xa: {  	[smem:$0x3FA2] =	sst s2  }
0xb: {  	[smem:$0x3FA3] =	sst s3  }
0xc: {  	[smem:$0x3FA4] =	sst s4  }
0xd: {  	[smem:$0x3FA5] =	sst s5  }
0xe: {  	[smem:$0x3FA6] =	sst s6  }
0xf: {  	[smem:$0x3FA7] =	sst s7  }
0x10: {  	[smem:$0x3FA8] =	sst s8  }
0x11: {  	[smem:$0x3FA9] =	sst s9;
	s0 =	simm.s32 @!p0 $0x0  }
0x12: {  	s1 =	sld [smem:$0x3F8F];
	s0 =	simm.s32 @p0 $0x1  }
0x13: {  	[smem:$0x3FAA] =	sst s0;
	s0 =	simm.s32 @!p1 $0x0  }
0x14: {  	s2 =	sld [smem:$0x3F8E];
	s0 =	simm.s32 @p1 $0x1  }
0x15: {  	[smem:$0x3FAB] =	sst s0;
	s0 =	simm.s32 @!p2 $0x0  }
0x16: {  	s3 =	sld [smem:$0x3FDB];
	s0 =	simm.s32 @p2 $0x1  }
0x17: {  	s4 =	simm.s32 $0x1BF5;
	[smem:$0x3FAD] =	sst s0  }
0x18: {  	s0 =	sld [smem:$0x3F90];
	_ =	swait.ge [sflag:s4], $0x0  }
0x19: {  	s7 =	sld [smem:$0x3F91]  }
0x1a: {  	s8 =	sadd.s32 $0xFFFFE003, lr  }
0x1b: {  	s9 =	sadd.s32 $0xFFFFFEF7, lr;
	s5 =	simm.s32 $0xFFFFFFFF;
	p2 =	slt.u32 s8, $0xFFFFF086  }
0x1c: {  	p1 =	slt.u32 s9, $0xF7A;
	s5 =	simm.s32 @!p2 $0x0  }
0x1d: {  	s5 =	simm.s32 @p1 $0x1;
	p0 =	seq.s32 s7, s2  }
0x1e: {  	s7 =	smul.u32 @!p0 $0xF7A, s2;
	p2 =	seq.s32 @!p0 s5, $0x0  }
0x1f: {  	s9 =	smul.u32 $0xF7A, s1;
	s8 =	simm.s32 @!p0 $0x1BF5;
	p2 =	por !p2, p0  }
0x20: {  	[sflag:s8] =	ssyncset.s32 @!p0 $0xFFFFF086;
	s6 =	sadd.s32 @!p0 s3, s7;
	s7 =	simm.s32 @!p0 $0x108  }
0x21: {  	s3 =	sadd.s32 s3, s9;
	s6 =	sadd.s32 @!p0 $0x88, s6;
	s7 =	simm.s32 @p2 $0x1082  }
0x22: {  	[simem:s7], [sflag:s8] =	dma.local @!p0 [hbm:s6], $0xF7A  }
0x23: {  	s9 =	sor.u32 $0xD0000000, s2;
	s6 =	simm.s32 $0x108;
	_ =	swait.ge @!p0 [sflag:s8], $0x0  }
0x24: {  	s3 =	sadd.s32 $0x88, s3;
	s6 =	simm.s32 @!p1 $0x1082;
	[sflag:s4] =	ssyncset.s32 $0xFFFFF086  }
0x25: {  	[simem:s6], [sflag:s4] =	dma.local [hbm:s3], $0xF7A  }
0x26: {  	[smem:$0x3F91] =	sst s1;
	(tag) =	ssettag s2;
	_ =	strace s9  }
0x27: {  	s1 =	sld [smem:$0x3FA1]  }
0x28: {  	s2 =	sld [smem:$0x3FA2]  }
0x29: {  	s4 =	sld [smem:$0x3FA4]  }
0x2a: {  	p0 =	seq.s32 s5, $0x0;
	s5 =	sld [smem:$0x3FA5]  }
0x2b: {  	s6 =	sld [smem:$0x3FA6]  }
0x2c: {  	s7 =	sld [smem:$0x3FA7]  }
0x2d: {  	s3 =	simm.s32 $0x108;
	s8 =	sld [smem:$0x3FA8]  }
0x2e: {  	s3 =	simm.s32 @!p0 $0x1082;
	s9 =	sld [smem:$0x3FA9]  }
0x2f: {  	lr =	sadd.s32 s0, s3;
	s0 =	sld [smem:$0x3FA0]  }
0x30: {  	s3 =	sld [smem:$0x3FA3]  }
0x31: {  	[smem:$0x3FAC] =	sst s10  }
0x32: {  	s10 =	sld [smem:$0x3FAA];
	_ =	sdelay $0x3  }
0x33: {  	p0 =	seq.s32 s10, $0x1;
	s10 =	sld [smem:$0x3FAC];
	_ =	sdelay $0x3  }
0x34: {  	[smem:$0x3FAC] =	sst s10  }
0x35: {  	s10 =	sld [smem:$0x3FAB];
	_ =	sdelay $0x3  }
0x36: {  	p1 =	seq.s32 s10, $0x1;
	s10 =	sld [smem:$0x3FAC];
	_ =	sdelay $0x3  }
0x37: {  	[smem:$0x3FAC] =	sst s10  }
0x38: {  	s10 =	sld [smem:$0x3FAD]  }
0x39: {  	_ = 	snop;
	(pc) =	sbr.ind lr, $3  }
0x3a: {  	_ = 	snop  }
0x3b: {  	_ = 	snop  }
0x3c: {  	p2 =	seq.s32 s10, $0x1;
	s10 =	sld [smem:$0x3FAC]  }
0x3d: {  	_ =	shalt  }
0x3e: {  	_ =	shalt  }
0x3f: {  	_ =	shalt  }
0x40: {  	_ =	shalt  }
0x41: {  	_ =	shalt  }
0x42: {  	_ =	shalt  }
0x43: {  	_ =	shalt  }
0x44: {  	_ =	shalt  }
0x45: {  	_ =	shalt  }
0x46: {  	_ =	shalt  }
0x47: {  	_ =	shalt  }
0x48: {  	_ =	shalt  }
0x49: {  	_ =	shalt  }
0x4a: {  	_ =	shalt  }
0x4b: {  	_ =	shalt  }
0x4c: {  	_ =	shalt  }
0x4d: {  	_ =	shalt  }
0x4e: {  	_ =	shalt  }
0x4f: {  	_ =	shalt  }
0x50: {  	_ =	shalt  }
0x51: {  	_ =	shalt  }
0x52: {  	_ =	shalt  }
0x53: {  	_ =	shalt  }
0x54: {  	_ =	shalt  }
0x55: {  	_ =	shalt  }
0x56: {  	_ =	shalt  }
0x57: {  	_ =	shalt  }
0x58: {  	_ =	shalt  }
0x59: {  	_ =	shalt  }
0x5a: {  	_ =	shalt  }
0x5b: {  	_ =	shalt  }
0x5c: {  	_ =	shalt  }
0x5d: {  	_ =	shalt  }
0x5e: {  	_ =	shalt  }
0x5f: {  	_ =	shalt  }
0x60: {  	_ =	shalt  }
0x61: {  	_ =	shalt  }
0x62: {  	_ =	shalt  }
0x63: {  	_ =	shalt  }
0x64: {  	_ =	shalt  }
0x65: {  	_ =	shalt  }
0x66: {  	_ =	shalt  }
0x67: {  	_ =	shalt  }
0x68: {  	_ =	shalt  }
0x69: {  	_ =	shalt  }
0x6a: {  	_ =	shalt  }
0x6b: {  	_ =	shalt  }
0x6c: {  	_ =	shalt  }
0x6d: {  	_ =	shalt  }
0x6e: {  	_ =	shalt  }
0x6f: {  	_ =	shalt  }
0x70: {  	_ =	shalt  }
0x71: {  	_ =	shalt  }
0x72: {  	_ =	shalt  }
0x73: {  	_ =	shalt  }
0x74: {  	_ =	shalt  }
0x75: {  	_ =	shalt  }
0x76: {  	_ =	shalt  }
0x77: {  	_ =	shalt  }
0x78: {  	_ =	shalt  }
0x79: {  	_ =	shalt  }
0x7a: {  	_ =	shalt  }
0x7b: {  	_ =	shalt  }
0x7c: {  	_ =	shalt  }
0x7d: {  	_ =	shalt  }
0x7e: {  	_ =	shalt  }
0x7f: {  	_ =	shalt  }
0x80: {  	_ =	shalt  }
0x81: {  	_ =	shalt  }
0x82: {  	_ =	shalt  }
0x83: {  	_ =	shalt  }
0x84: {  	_ =	shalt  }
0x85: {  	_ =	shalt  }
0x86: {  	_ =	shalt  }
0x87: {  	_ =	shalt  }
.Lfunc_end0:
.L_simem_size_0:
called_computation.2_lowered:
.L_overlay_start_0:
0x88: {  	s2 =	sld [smem:$0x3FD9]  }
0x89: {  	s3 =	sld [smem:$0x3FFE];
	_ =	sdelay $0x1  }
0x8a: {  	s1 =	srdreg.scid  }
0x8b: {  	s0 =	sand.u32 $0x1, s1  }
0x8c: {  	s14 =	sshll.u32 s0, $0xA;
	s2 =	sadd.s32 s3, s2  }
0x8d: {  	s2 =	sadd.s32 s2, s14  }
0x8e: {  	[smem:$0x3FB8] =	sst s2  }
0x8f: {  	_ = 	snop  }
0x90: {  	s2 =	sld [smem:$0x3FD0];
	_ =	sdelay $0x2  }
0x91: {  	s15 =	simm.s32 $0xA;
	s4 =	simm.s32 $0x10  }
0x92: {  	[smem:s4], [sflag:s15] =	dma.local [hbm:s2], $0x1  }
0x93: {  	_ =	swait.eq [sflag:s15], $0x1  }
0x94: {  	[sflag:s15] =	ssyncset.done $0x0  }
0x95: {  	s16 =	sld [smem:$0x10];
	[sflag:s15] =	ssyncadd.s32 $0xFFFFFFFF  }
0x96: {  	s17 =	sld [smem:$0x11];
	(tm) =	ssettm $0x1  }
0x97: {  	s18 =	sld [smem:$0x3FFB];
	_ =	sdelay $0x3  }
0x98: {  	_ =	strace s18  }
0x99: {  	s4 =	sld [smem:$0x3FFC];
	_ =	sdelay $0x3  }
0x9a: {  	_ =	strace s4  }
0x9b: {  	s4 =	sld [smem:$0x3FFD];
	_ =	sdelay $0x3  }
0x9c: {  	_ =	strace s4  }
0x9d: {  	_ =	strace $0x8FFFFFFF  }
0x9e: {  	s19 =	sld [smem:$0x3FDB];
	_ =	sdelay $0x1  }
0x9f: {  	s5 =	simm.s32 $_scs_section_size  }
0xa0: {  	s6 =	simm.s32 $_size__tile_overlayer_lowered;
	s7 =	simm.s32 $_tile_overlayer_lowered  }
0xa1: {  	s22 =	simm.s32 $0x1BFF;
	s21 =	sshll.u32 s7, $0x1;
	s4 =	sadd.s32 s5, s19  }
0xa2: {  	s8 =	simm.s32 $0x0;
	s20 =	sshll.u32 s6, $0x1;
	s6 =	sadd.s32 s21, s4  }
0xa3: {  	[timem:s8], [sflag:s22] =	dma.local [hbm:s6], s20  }
0xa4: {  	_ =	swait.ge [sflag:s22], s20  }
0xa5: {  	s5 =	ssub.s32 $0x0, s20;
	[sflag:s22] =	ssyncset.done $0x0  }
0xa6: {  	[sflag:s22] =	ssyncadd.s32 s5;
	_ =	sdelay $0x1  }
0xa7: {  	s23 =	simm.s32 $0x1B8B  }
0xa8: {  	_ =	swait.ge [sflag:s23], $0x1  }
0xa9: {  	[sflag:s23] =	ssyncset.done $0x0  }
0xaa: {  	s25 =	simm.s32 $0x1B8E;
	s24 =	sld [smem:$0x3FFE];
	[sflag:s23] =	ssyncadd.s32 $0xFFFFFFFF  }
0xab: {  	s26 =	simm.s32 $execute0_lowered;
	[smem:$0x3FD2] =	sst s25  }
0xac: {  	s6 =	sshll.u32 s26, $0x1;
	_ =	strace $0x8000004C;
	[dreg:$0x1] =	wrdreg $0xFFFFFFFF  }
0xad: {  	s28 =	simm.s32 $_size_execute0_lowered;
	s4 =	sadd.s32 s4, s6;
	[dreg:$0x0] =	wrdreg $0x0  }
0xae: {  	s6 =	sshll.u32 s28, $0x1;
	[dreg:$0x2] =	wrdreg s4  }
0xaf: {  	[dreg:$0x3] =	wrdreg s6  }
0xb0: {  	[dreg:$0x4] =	wrdreg $0xC0  }
0xb1: {  	_ =	task [dreg:s8], $0x5FFFF  }
0xb2: {  	[dreg:$0x1] =	wrdreg $0xFFFFFFFF  }
0xb3: {  	[dreg:$0x0] =	wrdreg $0x60  }
0xb4: {  	[dreg:$0x2] =	wrdreg s24  }
0xb5: {  	[dreg:$0x3] =	wrdreg s16  }
0xb6: {  	[dreg:$0x4] =	wrdreg s17  }
0xb7: {  	[dreg:$0x5] =	wrdreg $0x12CB00  }
0xb8: {  	[dreg:$0x6] =	wrdreg $0x9  }
0xb9: {  	_ =	task.clear_ibuf [dreg:s8], $0x7FFFF;
	_ =	strace $0x9000004C  }
0xba: {  	s29 =	simm.s32 $0x9;
	_ =	strace $0x8000004E  }
0xbb: {  	_ =	swait.ge [sflag:s29], $0x1  }
0xbc: {  	[sflag:s29] =	ssyncadd.s32 $0xFFFFFFFF  }
0xbd: {  	_ =	strace $0x9000004E  }
0xbe: {  	_ =	sfence  }
0xbf: {  	s30 =	sld [smem:$0x0];
	_ =	sdelay $0x2  }
0xc0: {  	s31 =	sshll.u32 s1, $0xD;
	s1 =	sshrl.u32 s1, $0x2  }
0xc1: {  	s3 =	sand.u32 $0x4000, s31;
	s1 =	sadd.s32 s1, s30  }
0xc2: {  	s0 =	sor.u32 s3, s0;
	s1 =	sshll.u32 s1, $0x11  }
0xc3: {  	s0 =	sor.u32 s1, s0  }
0xc4: {  	s0 =	sadd.s32 $0x8F2B, s0  }
0xc5: {  	[sflag:s0] =	ssyncadd.remote.s32 $0x1  }
0xc6: {  	_ =	sfence.sel $0xFFFF  }
0xc7: {  	[dreg:$0x0] =	wrdreg $0xFFFFFFFF;
	(pc) =	sbr.abs _section_cstart, $3  }
0xc8: {  	[dreg:$0x1] =	wrdreg $0xFFFFFFFF  }
0xc9: {  	_ =	task.clear_ibuf [dreg:s8], $0x2FFFF;
	_ =	strace $0x9FFFFFFF  }
0xca: {  	(tm) =	ssettm $0x7FFFFFFF  }
0xcb: {  	_ =	shalt  }
tec
execute0_lowered:
.L_overlay_start_1:
0x0: {  	(tag) =	ssettag $0x1  }
0x1: {  	s0 =	rddreg [dreg:$0x0]  }
0x2: {  	s3 =	rddreg [dreg:$0x3];
	s1 =	srdreg.scid;
	s5 =	simm.s32 $0x0  }
0x3: {  	s10 =	stileid.u32;
	s29 =	simm.s32 $0xB770;
	s30 =	simm.s32 $0xDE80  }
0x4: {  	s28 =	simm.s32 $0x6;
	s31 =	simm.s32 $0x4;
	s25 =	smul.u32 $0x271, s10  }
0x5: {  	s1 =	sand.u32 $0x1, s1;
	[smem:$0x7FF] =	sst s5;
	s9 =	smul.u32 $0xC350, s10  }
0x6: {  	s6 =	sadd.s32 $0x65E00, s0;
	s4 =	sadd.s32 $0x65800, s0;
	s26 =	smul.u32 $0x30D40, s10  }
0x7: {  	s2 =	sshll.u32 s1, $0x4;
	_ =	strace $0x8000004D;
	[dreg:$0x5] =	wrdreg s4  }
0x8: {  	s7 =	ssub.s32 $0x2, s1;
	s1 =	smul.u32 $0xC3500, s1;
	s2 =	sor.u32 s10, s2  }
0x9: {  	s8 =	sshrl.u32 s7, $0x1;
	s4 =	sadd.s32 $0x7D, s25;
	s13 =	sadd.s32 s9, s3  }
0xa: {  	s14 =	sshrl.u32 s26, $0x2;
	s18 =	sadd.s32 $0x13880, s26;
	s20 =	sadd.s32 $0x4E20, s9  }
0xb: {  	s23 =	sadd.s32 $0x1D4C0, s26;
	s25 =	sadd.s32 $0x27100, s26;
	s2 =	smul.u32 $0x4E2, s2  }
0xc: {  	s7 =	ssub.s32 s7, s8;
	s12 =	smul.u32 $0x140, s4;
	[dreg:$0x8] =	wrdreg s13  }
0xd: {  	s4 =	smul.u32 $0x50, s4;
	s15 =	sadd.s32 s14, s3;
	s16 =	sadd.s32 s1, s9  }
0xe: {  	s21 =	sadd.s32 s1, s20;
	s24 =	sshrl.u32 s18, $0x2;
	s26 =	sshrl.u32 s25, $0x2  }
0xf: {  	s7 =	smax.u32 s7, $0x1;
	[dreg:$0xa] =	wrdreg s15;
	s2 =	sadd.s32 s2, s0  }
0x10: {  	s0 =	sadd.s32 $0x6FC00, s0;
	[dreg:$0x9] =	wrdreg s7;
	s11 =	sadd.s32 $0x3800, s2  }
0x11: {  	s17 =	sadd.s32 s1, s4;
	s2 =	sadd.s32 $0xD600, s2;
	[dreg:$0x6] =	wrdreg s11  }
0x12: {  	s7 =	sshrl.u32 s17, $0x3;
	[dreg:$0x7] =	wrdreg s2;
	s2 =	sshrl.u32 s12, $0x2  }
0x13: {  	s19 =	sadd.s32 s0, s7;
	s11 =	sadd.s32 $0x7530, s9;
	s9 =	sadd.s32 $0x9C40, s9  }
0x14: {  	s7 =	sshrl.u32 s21, $0x3;
	s21 =	sadd.s32 s26, s3;
	s26 =	simm.s32 $0x7  }
0x15: {  	s2 =	sadd.s32 s2, s3;
	[dreg:$0xd] =	wrdreg s19;
	s12 =	sadd.s32 s1, s11  }
0x16: {  	s1 =	sadd.s32 s1, s9;
	s7 =	sadd.s32 s0, s7;
	[dreg:$0xb] =	wrdreg s2  }
0x17: {  	s25 =	sadd.s32 s9, s3;
	s2 =	sshrl.u32 s16, $0x3;
	[dreg:$0xe] =	wrdreg s7  }
0x18: {  	s22 =	sshrl.u32 s12, $0x3;
	s1 =	sshrl.u32 s1, $0x3;
	s2 =	sadd.s32 s0, s2  }
0x19: {  	s7 =	sadd.s32 s0, s22;
	s0 =	sadd.s32 s0, s1;
	[dreg:$0xc] =	wrdreg s2  }
0x1a: {  	s1 =	sadd.s32 s24, s3;
	s22 =	sadd.s32 s4, s3;
	[dreg:$0xf] =	wrdreg s7  }
0x1b: {  	s24 =	sadd.s32 s11, s3;
	s4 =	simm.s32 $0x50;
	[dreg:$0x10] =	wrdreg s0  }
0x1c: {  	s0 =	sshrl.u32 s23, $0x2;
	[dreg:$0x11] =	wrdreg s1;
	s23 =	sadd.s32 s20, s3  }
0x1d: {  	v0 =	vimm.f32 $0.0e+00;
	vm0 =	vcmask $0x300;
	s2 =	simm.s32 $0xB720;
	s1 =	simm.s32 $0x5;
	s0 =	sadd.s32 s0, s3  }
0x1e: {  	v1 =	vsel vm0, $0x3F800000, v0;
	s7 =	simm.s32 $0x0;
	[dreg:$0x12] =	wrdreg s0;
	s0 =	simm.s32 $0x105A0  }
.LBB2_1:
0x1f: {  	s8 =	rddreg [dreg:$0x6]  }
0x20: {  	[tilespmem:s5], [sflag:$0x7] =	stream.linear.gather [hbm4b:s8+s5], $0x2710, $0x38;
	[tilespmem:$0x1F000] =	vst v63  }
0x21: {  	_ =	swait.ge [sflag:s26], $0x2710  }
0x22: {  	[sflag:s26] =	ssyncset.done $0x0  }
0x23: {  	s9 =	simm.s32 $0x2710;
	s16 =	rddreg [dreg:$0x7];
	[sflag:s26] =	ssyncadd.s32 $0xFFFFD8F0  }
0x24: {  	[tilespmem:s9], [sflag:$0x7] =	stream.linear.gather [hbm4b:s16+s5], $0x2710, $0x38;
	[tilespmem:$0x1F000] =	vst v63  }
0x25: {  	_ =	swait.ge [sflag:s26], $0x2710  }
0x26: {  	[sflag:s26] =	ssyncset.done $0x0  }
0x27: {  	[sflag:s26] =	ssyncadd.s32 $0xFFFFD8F0  }
0x28: {  	s17 =	rddreg [dreg:$0x1]  }
0x29: {  	[tilespmem:s29], [sflag:$0x7] =	stream.linear.gather [hbm4b:s17+s5], $0x2710, $0x38;
	[tilespmem:$0x1F000] =	vst v63  }
0x2a: {  	_ =	swait.ge [sflag:s26], $0x2710  }
0x2b: {  	[sflag:s26] =	ssyncset.done $0x0  }
0x2c: {  	s18 =	rddreg [dreg:$0x5];
	[sflag:s26] =	ssyncadd.s32 $0xFFFFD8F0  }
0x2d: {  	[tilespmem:s30], [sflag:$0x7] =	stream.linear.gather [hbm4b:s18+s5], $0x2710, $0x38;
	[tilespmem:$0x1F000] =	vst v63  }
0x2e: {  	_ =	swait.ge [sflag:s26], $0x2710  }
0x2f: {  	[sflag:s26] =	ssyncset.done $0x0  }
0x30: {  	[sflag:s26] =	ssyncadd.s32 $0xFFFFD8F0  }
0x31: {  	s20 =	simm.s32 $0x10590;
	s19 =	rddreg [dreg:$0x2]  }
0x32: {  	[tilespmem:s20], [sflag:$0x7] =	stream.linear.gather [hbm4b:s19+s5], $0x10, $0x38;
	[tilespmem:$0x1F000] =	vst v63  }
0x33: {  	_ =	swait.ge [sflag:s26], $0x10  }
0x34: {  	[sflag:s26] =	ssyncset.done $0x0  }
0x35: {  	s8 =	simm.s32 $0x0;
	s9 =	simm.s32 $0x140;
	[sflag:s26] =	ssyncadd.s32 $0xFFFFFFF0  }
.LBB2_2:
0x36: {  	p0 =	sne.s32 s9, $0x9B00;
	[tilespmem:s8+$0x105E0] =	vst v0;
	s10 =	smov.u32 s9;
	s9 =	sadd.s32 $0x140, s9  }
.Ltmp0:
0x37: {  	[tilespmem:s8+$0x105D0] =	vst v0;
	(pc) =	sbr.rel @p0 .LBB2_2-.Ltmp0, $4  }
0x38: {  	[tilespmem:s8+$0x105C0] =	vst v0  }
0x39: {  	[tilespmem:s8+$0x105A0] =	vst v0  }
0x3a: {  	[tilespmem:s8+$0x105B0] =	vst v0  }
0x3b: {  	s8 =	sshra.s32 s10, $0x2  }
0x3c: {  	[tilespmem:s8+$0x105E0] =	vst v0  }
0x3d: {  	[tilespmem:s8+$0x105D0] =	vst v0  }
0x3e: {  	[tilespmem:s8+$0x105C0] =	vst v0  }
0x3f: {  	[tilespmem:s8+$0x105A0] =	vst v0  }
0x40: {  	[tilespmem:s8+$0x105B0] =	vst v0;
	s17 =	rddreg [dreg:$0xa]  }
0x41: {  	[spmem:s17] =	stream.linear.scatter [tilespmem:s0], [sflag:$0x7], $0x2710, $0x38;
	[tilespmem:$0x1F000] =	vst v63  }
0x42: {  	_ =	swait.ge [sflag:s26], $0x2710  }
0x43: {  	[sflag:s26] =	ssyncset.done $0x0  }
0x44: {  	s18 =	rddreg [dreg:$0xb];
	[sflag:s26] =	ssyncadd.s32 $0xFFFFD8F0  }
0x45: {  	[spmem:s18] =	stream.linear.scatter [tilespmem:s0], [sflag:$0x7], $0x2710, $0x38;
	[tilespmem:$0x1F000] =	vst v63  }
0x46: {  	_ =	swait.ge [sflag:s26], $0x2710  }
0x47: {  	[sflag:s26] =	ssyncset.done $0x0  }
0x48: {  	s19 =	rddreg [dreg:$0x11];
	[sflag:s26] =	ssyncadd.s32 $0xFFFFD8F0  }
0x49: {  	[spmem:s19] =	stream.linear.scatter [tilespmem:s0], [sflag:$0x7], $0x2710, $0x38;
	[tilespmem:$0x1F000] =	vst v63  }
0x4a: {  	_ =	swait.ge [sflag:s26], $0x2710  }
0x4b: {  	[sflag:s26] =	ssyncset.done $0x0  }
0x4c: {  	s20 =	rddreg [dreg:$0x12];
	[sflag:s26] =	ssyncadd.s32 $0xFFFFD8F0  }
0x4d: {  	[spmem:s20] =	stream.linear.scatter [tilespmem:s0], [sflag:$0x7], $0x2710, $0x38;
	[tilespmem:$0x1F000] =	vst v63  }
0x4e: {  	_ =	swait.ge [sflag:s26], $0x2710  }
0x4f: {  	[sflag:s26] =	ssyncset.done $0x0  }
0x50: {  	[sflag:s26] =	ssyncadd.s32 $0xFFFFD8F0  }
0x51: {  	[spmem:s21] =	stream.linear.scatter [tilespmem:s0], [sflag:$0x7], $0x2710, $0x38;
	[tilespmem:$0x1F000] =	vst v63  }
0x52: {  	_ =	swait.ge [sflag:s26], $0x2710  }
0x53: {  	[sflag:s26] =	ssyncset.done $0x0  }
0x54: {  	[sflag:s26] =	ssyncadd.s32 $0xFFFFD8F0  }
0x55: {  	s8 =	simm.s32 $0x0;
	s9 =	simm.s32 $0x4E20;
	[bflag:$0x0] =	sbarrier.arrive $0xFFFF  }
0x56: {  	v2 =	vld [tilespmem:$0x10590];
	[tilespmem:s9], [sflag:$0x1] =	stream.indirect.gather [hbm4b:s6+s4], $0x20, s8, s4, $0xb8  }
0x57: {  	s10 =	simm.s32 $0x5820;
	s11 =	simm.s32 $0x0;
	s18 =	simm.s32 $0x6D50  }
0x58: {  	[tilespmem:s10], [sflag:$0x2] =	stream.indirect.gather [hbm4b:s6+s4], $0x20, s4, s4, $0xb8;
	[tilespmem:$0x1F000] =	vst v63  }
.LBB2_4:
0x59: {  	s13 =	smul.u32 $0x50, s11;
	_ =	sdelay $0x1  }
0x5a: {  	v3 =	vld [tilespmem:s13+$0x0]  }
0x5b: {  	v4 =	vld [tilespmem:s13+$0x2710];
	_ =	sdelay $0x6  }
0x5c: {  	v3 =	vld.idx.msk [tilespmem:v3+s29+$0x0], $0xffff  }
0x5d: {  	v4 =	vld.idx.msk [tilespmem:v4+s30+$0x0], $0xffff;
	_ =	sdelay $0x4  }
0x5e: {  	v3 =	vadd.f32 v4, v3;
	v4 =	vadd.f32 v4, v2;
	_ =	sdelay $0x1  }
0x5f: {  	v5 =	vmul.f32 $2.000000030e-01, v3;
	v6 =	vmul.f32 $2.000000030e-01, v4;
	_ =	sdelay $0x1  }
0x60: {  	v3 =	vmax.f32 v3, v5;
	v4 =	vmax.f32 v4, v6  }
0x61: {  	v3 =	vsub.f32 v3, v4;
	_ =	sdelay $0x1  }
0x62: {  	v3 =	vmul.f32 $1.442695020e+00, v3;
	_ =	sdelay $0x1  }
0x63: {  	(erf) = vpow2.f32 v3;
	_ =	sdelay $0x8  }
0x64: {  	v3 =	vpop (erf)  }
0x65: {  	[tilespmem:$0xB720] =	vst v3  }
0x66: {  	v3 =	vld [tilespmem:s13+$0x10]  }
0x67: {  	v4 =	vld [tilespmem:s13+$0x2720];
	_ =	sdelay $0x6  }
0x68: {  	v3 =	vld.idx.msk [tilespmem:v3+s29+$0x0], $0xffff  }
0x69: {  	v4 =	vld.idx.msk [tilespmem:v4+s30+$0x0], $0xffff;
	_ =	sdelay $0x4  }
0x6a: {  	v3 =	vadd.f32 v4, v3;
	v4 =	vadd.f32 v4, v2;
	_ =	sdelay $0x1  }
0x6b: {  	v5 =	vmul.f32 $2.000000030e-01, v3;
	v6 =	vmul.f32 $2.000000030e-01, v4;
	_ =	sdelay $0x1  }
0x6c: {  	v3 =	vmax.f32 v3, v5;
	v4 =	vmax.f32 v4, v6  }
0x6d: {  	v3 =	vsub.f32 v3, v4;
	_ =	sdelay $0x1  }
0x6e: {  	v3 =	vmul.f32 $1.442695020e+00, v3;
	_ =	sdelay $0x1  }
0x6f: {  	(erf) = vpow2.f32 v3;
	_ =	sdelay $0x8  }
0x70: {  	v3 =	vpop (erf)  }
0x71: {  	[tilespmem:$0xB730] =	vst v3  }
0x72: {  	v3 =	vld [tilespmem:s13+$0x20]  }
0x73: {  	v4 =	vld [tilespmem:s13+$0x2730];
	_ =	sdelay $0x6  }
0x74: {  	v3 =	vld.idx.msk [tilespmem:v3+s29+$0x0], $0xffff  }
0x75: {  	v4 =	vld.idx.msk [tilespmem:v4+s30+$0x0], $0xffff;
	_ =	sdelay $0x4  }
0x76: {  	v3 =	vadd.f32 v4, v3;
	v4 =	vadd.f32 v4, v2;
	_ =	sdelay $0x1  }
0x77: {  	v5 =	vmul.f32 $2.000000030e-01, v3;
	v6 =	vmul.f32 $2.000000030e-01, v4;
	_ =	sdelay $0x1  }
0x78: {  	v3 =	vmax.f32 v3, v5;
	v4 =	vmax.f32 v4, v6  }
0x79: {  	v3 =	vsub.f32 v3, v4;
	_ =	sdelay $0x1  }
0x7a: {  	v3 =	vmul.f32 $1.442695020e+00, v3;
	_ =	sdelay $0x1  }
0x7b: {  	(erf) = vpow2.f32 v3;
	_ =	sdelay $0x8  }
0x7c: {  	v3 =	vpop (erf)  }
0x7d: {  	[tilespmem:$0xB740] =	vst v3  }
0x7e: {  	v3 =	vld [tilespmem:s13+$0x30]  }
0x7f: {  	v4 =	vld [tilespmem:s13+$0x2740];
	_ =	sdelay $0x6  }
0x80: {  	v3 =	vld.idx.msk [tilespmem:v3+s29+$0x0], $0xffff  }
0x81: {  	v4 =	vld.idx.msk [tilespmem:v4+s30+$0x0], $0xffff;
	_ =	sdelay $0x4  }
0x82: {  	v3 =	vadd.f32 v4, v3;
	v4 =	vadd.f32 v4, v2;
	_ =	sdelay $0x1  }
0x83: {  	v5 =	vmul.f32 $2.000000030e-01, v3;
	v6 =	vmul.f32 $2.000000030e-01, v4;
	_ =	sdelay $0x1  }
0x84: {  	v3 =	vmax.f32 v3, v5;
	v4 =	vmax.f32 v4, v6  }
0x85: {  	v3 =	vsub.f32 v3, v4;
	_ =	sdelay $0x1  }
0x86: {  	v3 =	vmul.f32 $1.442695020e+00, v3;
	_ =	sdelay $0x1  }
0x87: {  	(erf) = vpow2.f32 v3;
	_ =	sdelay $0x8  }
0x88: {  	v3 =	vpop (erf)  }
0x89: {  	[tilespmem:$0xB750] =	vst v3  }
0x8a: {  	v3 =	vld [tilespmem:s13+$0x40]  }
0x8b: {  	v4 =	vld [tilespmem:s13+$0x2750];
	_ =	sdelay $0x6  }
0x8c: {  	v3 =	vld.idx.msk [tilespmem:v3+s29+$0x0], $0xffff  }
0x8d: {  	v4 =	vld.idx.msk [tilespmem:v4+s30+$0x0], $0xffff;
	_ =	sdelay $0x4  }
0x8e: {  	v3 =	vadd.f32 v4, v3;
	v4 =	vadd.f32 v4, v2;
	_ =	sdelay $0x1  }
0x8f: {  	v5 =	vmul.f32 $2.000000030e-01, v3;
	v6 =	vmul.f32 $2.000000030e-01, v4;
	_ =	sdelay $0x1  }
0x90: {  	v3 =	vmax.f32 v3, v5;
	v4 =	vmax.f32 v4, v6  }
0x91: {  	v3 =	vsub.f32 v3, v4;
	_ =	sdelay $0x1  }
0x92: {  	v3 =	vmul.f32 $1.442695020e+00, v3;
	_ =	sdelay $0x1  }
0x93: {  	(erf) = vpow2.f32 v3;
	_ =	sdelay $0x1  }
0x94: {  	s10 =	smul.u32 $0xAB, s11;
	_ =	sdelay $0x1  }
0x95: {  	s10 =	sshrl.u32 s10, $0x9  }
0x96: {  	s10 =	sand.u32 $0x7F, s10  }
0x97: {  	s12 =	simm.s32 $0x2;
	s10 =	smul.u32 $0x3, s10  }
0x98: {  	s14 =	smulhi.u32 $0xAAAAAAAB, s11;
	v3 =	vmov s12  }
0x99: {  	s10 =	ssub.s32 s11, s10;
	v3 =	vand.u32 $0xFFFFFFFE, v3  }
0x9a: {  	s19 =	simm.s32 $0x1;
	s14 =	sshrl.u32 s14, $0x1;
	s12 =	sand.u32 $0xFF, s10;
	v3 =	vbroadcast v3, $0x0;
	v4 =	vpop (erf)  }
0x9b: {  	s15 =	smul.u32 $0xFFFF8800, s14;
	s16 =	sadd.s32 $0x1, s12;
	[tilespmem:$0xB760] =	vst v4;
	v4 =	vmov s19  }
0x9c: {  	_ =	swait.ge [sflag:s16], $0xA00;
	v4 =	vand.u32 $0xFFFFFFFD, v4  }
0x9d: {  	s20 =	sshra.s32 s15, $0x2;
	v5 =	vmov s8;
	[sflag:s16] =	ssyncset.done $0x0;
	v4 =	vbroadcast v4, $0x0  }
0x9e: {  	v5 =	vand.u32 $0xFFFFFFFC, v5;
	s10 =	sadd.s32 s20, s9;
	[sflag:s16] =	ssyncadd.s32 $0xFFFFF600  }
0x9f: {  	s14 =	smul.u32 $0xFFFED400, s14;
	v5 =	vbroadcast v5, $0x0;
	v6 =	vld [tilespmem:s10+$0x40]  }
0xa0: {  	v7 =	vld.idx.msk [tilespmem:v3+s2+$0x0], $0xffff  }
0xa1: {  	s14 =	sshra.s32 s14, $0x2  }
0xa2: {  	s15 =	simm.s32 $0x3;
	v3 =	vmov s14;
	v8 =	vld [tilespmem:s10+$0x20]  }
0xa3: {  	v9 =	vld.idx.msk [tilespmem:v4+s2+$0x0], $0xffff;
	v4 =	vmov s15  }
0xa4: {  	v10 =	vld [tilespmem:s10+$0x0];
	v11 =	vshll.u32 v6, $0x10  }
0xa5: {  	v5 =	vld.idx.msk [tilespmem:v5+s2+$0x0], $0xffff;
	v6 =	vand.u32 $0xFFFF0000, v6;
	v11 =	vmul.f32 v11, v7  }
0xa6: {  	v6 =	vmul.f32 v6, v7  }
0xa7: {  	v12 =	vld [tilespmem:s10+$0x60];
	v13 =	vshll.u32 v8, $0x10;
	[tilespmem:v3+s18+$0xFFFFFF70 ss:$0x1] =	vst.idx.msk $0xffff, v11  }
0xa8: {  	v8 =	vand.u32 $0xFFFF0000, v8;
	v4 =	vld.idx.msk [tilespmem:v4+s2+$0x0], $0xffff;
	v11 =	vmul.f32 v13, v9;
	[tilespmem:v3+s18+$0xFFFFFF80 ss:$0x1] =	vst.idx.msk $0xffff, v6  }
0xa9: {  	v6 =	vmul.f32 v8, v9;
	v13 =	vshll.u32 v10, $0x10;
	v8 =	vld [tilespmem:s10+$0x50]  }
0xaa: {  	s17 =	simm.s32 $0x6;
	v10 =	vand.u32 $0xFFFF0000, v10;
	v13 =	vmul.f32 v13, v5;
	[tilespmem:v3+s18+$0xFFFFFF20 ss:$0x1] =	vst.idx.msk $0xffff, v11  }
0xab: {  	v14 =	vmov s17;
	v10 =	vmul.f32 v10, v5;
	[tilespmem:v3+s18+$0xFFFFFF30 ss:$0x1] =	vst.idx.msk $0xffff, v6  }
0xac: {  	v14 =	vand.u32 $0xFFFFFFFE, v14;
	s16 =	simm.s32 $0x5;
	v11 =	vshll.u32 v12, $0x10;
	v12 =	vand.u32 $0xFFFF0000, v12;
	[tilespmem:v3+s18+$0xFFFFFED0 ss:$0x1] =	vst.idx.msk $0xffff, v13;
	v15 =	vld [tilespmem:s10+$0x30]  }
0xad: {  	v6 =	vmov s16;
	v13 =	vbroadcast v14, $0x0;
	[tilespmem:v3+s18+$0xFFFFFEE0 ss:$0x1] =	vst.idx.msk $0xffff, v10;
	v11 =	vmul.f32 v11, v4  }
0xae: {  	v6 =	vand.u32 $0xFFFFFFFD, v6;
	v12 =	vmul.f32 v12, v4;
	v16 =	vld [tilespmem:s10+$0x10];
	v10 =	vshll.u32 v8, $0x10  }
0xaf: {  	s19 =	simm.s32 $0x4;
	v14 =	vbroadcast v6, $0x0;
	v6 =	vand.u32 $0xFFFF0000, v8;
	[tilespmem:v3+s18+$0xFFFFFFC0 ss:$0x1] =	vst.idx.msk $0xffff, v11;
	v8 =	vmul.f32 v10, v7  }
0xb0: {  	v6 =	vmul.f32 v6, v7;
	v10 =	vmov s19;
	[tilespmem:v3+s18+$0xFFFFFFD0 ss:$0x1] =	vst.idx.msk $0xffff, v12  }
0xb1: {  	s16 =	sadd.s32 $0x80, s10;
	v7 =	vmul.f32 v1, v7;
	v11 =	vshll.u32 v15, $0x10;
	[tilespmem:v3+s18+$0xFFFFFF90 ss:$0x1] =	vst.idx.msk $0xffff, v8;
	v8 =	vand.u32 $0xFFFFFFFC, v10;
	v10 =	vld [tilespmem:s10+$0x70]  }
0xb2: {  	v12 =	vand.u32 $0xFFFF0000, v15;
	v15 =	vld [tilespmem:s16+$0x40];
	v11 =	vmul.f32 v11, v9;
	[tilespmem:v3+s18+$0xFFFFFFA0 ss:$0x1] =	vst.idx.msk $0xffff, v6  }
0xb3: {  	v12 =	vmul.f32 v12, v9;
	v6 =	vld.idx.msk [tilespmem:v13+s2+$0x0], $0xffff;
	v13 =	vshll.u32 v16, $0x10;
	[tilespmem:v3+s18+$0xFFFFFFB0 ss:$0x1] =	vst.idx.msk $0xffff, v7  }
0xb4: {  	v8 =	vbroadcast v8, $0x0;
	v13 =	vmul.f32 v13, v5;
	[tilespmem:v3+s18+$0xFFFFFF40 ss:$0x1] =	vst.idx.msk $0xffff, v11  }
0xb5: {  	s20 =	simm.s32 $0x7;
	v9 =	vmul.f32 v1, v9;
	v7 =	vld.idx.msk [tilespmem:v14+s2+$0x0], $0xffff;
	v11 =	vand.u32 $0xFFFF0000, v16;
	[tilespmem:v3+s18+$0xFFFFFF50 ss:$0x1] =	vst.idx.msk $0xffff, v12  }
0xb6: {  	v14 =	vld [tilespmem:s16+$0x20];
	v12 =	vmov s20;
	v11 =	vmul.f32 v11, v5;
	[tilespmem:v3+s18+$0xFFFFFEF0 ss:$0x1] =	vst.idx.msk $0xffff, v13  }
0xb7: {  	v13 =	vmul.f32 v1, v5;
	[tilespmem:v3+s18+$0xFFFFFF60 ss:$0x1] =	vst.idx.msk $0xffff, v9;
	v62 =	vshll.u32 v10, $0x10  }
0xb8: {  	v17 =	vld [tilespmem:s16+$0x60];
	v18 =	vshll.u32 v15, $0x10;
	v16 =	vmul.f32 v62, v4;
	[tilespmem:v3+s18+$0xFFFFFF00 ss:$0x1] =	vst.idx.msk $0xffff, v11  }
0xb9: {  	v9 =	vld [tilespmem:s16+$0x0];
	v10 =	vand.u32 $0xFFFF0000, v10;
	v11 =	vmul.f32 v18, v6;
	[tilespmem:v3+s18+$0xFFFFFF10 ss:$0x1] =	vst.idx.msk $0xffff, v13  }
0xba: {  	s15 =	sadd.s32 $0x140, s18;
	v10 =	vmul.f32 v10, v4;
	v5 =	vld.idx.msk [tilespmem:v8+s2+$0x0], $0xffff;
	v8 =	vand.u32 $0xFFFF0000, v15;
	[tilespmem:v3+s18+$0xFFFFFFE0 ss:$0x1] =	vst.idx.msk $0xffff, v16  }
0xbb: {  	v13 =	vmul.f32 v8, v6;
	[tilespmem:v3+s15+$0xFFFFFF70 ss:$0x1] =	vst.idx.msk $0xffff, v11;
	v8 =	vld.idx.msk [tilespmem:v12+s2+$0x0], $0xffff;
	v12 =	vshll.u32 v14, $0x10  }
0xbc: {  	s14 =	simm.s32 $0x9;
	[tilespmem:v3+s18+$0xFFFFFFF0 ss:$0x1] =	vst.idx.msk $0xffff, v10;
	v12 =	vmul.f32 v12, v7  }
0xbd: {  	v15 =	vmov s14;
	v14 =	vand.u32 $0xFFFF0000, v14;
	v10 =	vand.u32 $0xFFFF0000, v17;
	[tilespmem:v3+s15+$0xFFFFFF80 ss:$0x1] =	vst.idx.msk $0xffff, v13  }
0xbe: {  	v11 =	vshll.u32 v9, $0x10;
	v9 =	vand.u32 $0xFFFF0000, v9;
	v14 =	vmul.f32 v14, v7;
	[tilespmem:v3+s15+$0xFFFFFF20 ss:$0x1] =	vst.idx.msk $0xffff, v12;
	v12 =	vld [tilespmem:s16+$0x50]  }
0xbf: {  	s17 =	smul.u32 $0x6400, s12;
	s19 =	simm.s32 $0xA;
	v11 =	vmul.f32 v11, v5;
	v63 =	vmul.f32 v9, v5;
	v9 =	vand.u32 $0xFFFFFFFD, v15  }
0xc0: {  	v13 =	vshll.u32 v17, $0x10;
	v15 =	vmov s19;
	[tilespmem:v3+s15+$0xFFFFFF30 ss:$0x1] =	vst.idx.msk $0xffff, v14;
	v9 =	vbroadcast v9, $0x0  }
0xc1: {  	s13 =	sadd.s32 $0x2710, s13;
	s10 =	smov.u32 s18;
	s20 =	sshrl.u32 s17, $0x2;
	v14 =	vmul.f32 v13, v8;
	v13 =	vmul.f32 v10, v8;
	v10 =	vand.u32 $0xFFFFFFFE, v15;
	[tilespmem:v3+s15+$0xFFFFFED0 ss:$0x1] =	vst.idx.msk $0xffff, v11;
	v11 =	vld [tilespmem:s16+$0x30]  }
0xc2: {  	s17 =	simm.s32 $0x8;
	s14 =	sadd.s32 $0x6C20, s20;
	s19 =	simm.s32 $0xC;
	v10 =	vbroadcast v10, $0x0;
	[tilespmem:v3+s15+$0xFFFFFEE0 ss:$0x1] =	vst.idx.msk $0xffff, v63  }
.LBB2_5:
0xc3: {  	p0 =	slt.u32 s19, $0x4C;
	v15 =	vmov s17;
	v16 =	vld [tilespmem:s16+$0x10];
	v17 =	vshll.u32 v12, $0x10;
	[tilespmem:v3+s15+$0xFFFFFFC0 ss:$0x1] =	vst.idx.msk $0xffff, v14;
	v14 =	vmul.f32 v1, v4;
	v4 =	vmovc v8  }
0xc4: {  	v12 =	vand.u32 $0xFFFF0000, v12;
	v8 =	vand.u32 $0xFFFFFFFC, v15;
	v15 =	vmul.f32 v17, v6;
	[tilespmem:v3+s15+$0xFFFFFFD0 ss:$0x1] =	vst.idx.msk $0xffff, v13  }
0xc5: {  	v12 =	vmul.f32 v12, v6;
	v8 =	vbroadcast v8, $0x0;
	v13 =	vld [tilespmem:s16+$0x70];
	[tilespmem:v3+s10+$0x0 ss:$0x1] =	vst.idx.msk $0xffff, v14;
	s10 =	smov.u32 s15  }
0xc6: {  	s20 =	sadd.s32 $0x3, s17;
	s17 =	smov.u32 s19;
	s16 =	sadd.s32 $0x80, s16;
	v9 =	vld.idx.msk [tilespmem:v9+s2+$0x0], $0xffff;
	v14 =	vshll.u32 v11, $0x10;
	v11 =	vand.u32 $0xFFFF0000, v11;
	[tilespmem:v3+s15+$0xFFFFFF90 ss:$0x1] =	vst.idx.msk $0xffff, v15;
	v15 =	vmul.f32 v1, v6  }
0xc7: {  	v18 =	vmov s20;
	v17 =	vld [tilespmem:s16+$0x40];
	v14 =	vmul.f32 v14, v7;
	v11 =	vmul.f32 v11, v7;
	[tilespmem:v3+s15+$0xFFFFFFA0 ss:$0x1] =	vst.idx.msk $0xffff, v12  }
0xc8: {  	v7 =	vmul.f32 v1, v7;
	v6 =	vld.idx.msk [tilespmem:v10+s2+$0x0], $0xffff;
	v10 =	vshll.u32 v16, $0x10;
	v12 =	vand.u32 $0xFFFF0000, v16;
	[tilespmem:v3+s15+$0xFFFFFFB0 ss:$0x1] =	vst.idx.msk $0xffff, v15  }
0xc9: {  	v15 =	vld [tilespmem:s16+$0x0];
	v10 =	vmul.f32 v10, v5;
	v12 =	vmul.f32 v12, v5;
	[tilespmem:v3+s15+$0xFFFFFF40 ss:$0x1] =	vst.idx.msk $0xffff, v14  }
0xca: {  	v14 =	vld [tilespmem:s16+$0x20];
	[tilespmem:v3+s15+$0xFFFFFF50 ss:$0x1] =	vst.idx.msk $0xffff, v11;
	v11 =	vshll.u32 v13, $0x10;
	v13 =	vand.u32 $0xFFFF0000, v13  }
0xcb: {  	v16 =	vld [tilespmem:s16+$0x60];
	[tilespmem:v3+s15+$0xFFFFFF60 ss:$0x1] =	vst.idx.msk $0xffff, v7;
	v11 =	vmul.f32 v11, v4;
	v13 =	vmul.f32 v13, v4  }
0xcc: {  	v7 =	vmov v9;
	[tilespmem:v3+s15+$0xFFFFFEF0 ss:$0x1] =	vst.idx.msk $0xffff, v10;
	v10 =	vmul.f32 v1, v5;
	v5 =	vld.idx.msk [tilespmem:v8+s2+$0x0], $0xffff  }
0xcd: {  	v9 =	vshll.u32 v17, $0x10;
	v8 =	vld.idx.msk [tilespmem:v18+s2+$0x0], $0xffff;
	[tilespmem:v3+s15+$0xFFFFFF00 ss:$0x1] =	vst.idx.msk $0xffff, v12  }
0xce: {  	v17 =	vand.u32 $0xFFFF0000, v17;
	v9 =	vmul.f32 v9, v6;
	v12 =	vshll.u32 v15, $0x10;
	[tilespmem:v3+s15+$0xFFFFFF10 ss:$0x1] =	vst.idx.msk $0xffff, v10  }
0xcf: {  	v17 =	vmul.f32 v17, v6;
	v10 =	vand.u32 $0xFFFF0000, v15;
	s15 =	sadd.s32 $0x140, s15;
	v15 =	vshll.u32 v14, $0x10;
	[tilespmem:v3+s10+$0xFFFFFFE0 ss:$0x1] =	vst.idx.msk $0xffff, v11  }
0xd0: {  	v11 =	vand.u32 $0xFFFF0000, v14;
	[tilespmem:v3+s15+$0xFFFFFF70 ss:$0x1] =	vst.idx.msk $0xffff, v9;
	v9 =	vshll.u32 v16, $0x10;
	v16 =	vand.u32 $0xFFFF0000, v16  }
0xd1: {  	s20 =	sadd.s32 $0x1, s19;
	v14 =	vmul.f32 v15, v7;
	v11 =	vmul.f32 v11, v7;
	[tilespmem:v3+s15+$0xFFFFFF80 ss:$0x1] =	vst.idx.msk $0xffff, v17  }
.Ltmp1:
0xd2: {  	v15 =	vmov s20;
	v17 =	vmul.f32 v12, v5;
	v18 =	vmul.f32 v10, v5;
	v12 =	vld [tilespmem:s16+$0x50];
	[tilespmem:v3+s10+$0xFFFFFFF0 ss:$0x1] =	vst.idx.msk $0xffff, v13;
	(pc) =	sbr.rel @p0 .LBB2_5-.Ltmp1, $4  }
0xd3: {  	s20 =	sadd.s32 $0x2, s19;
	v10 =	vand.u32 $0xFFFFFFFD, v15;
	v13 =	vmul.f32 v16, v8;
	[tilespmem:v3+s15+$0xFFFFFF20 ss:$0x1] =	vst.idx.msk $0xffff, v14;
	v14 =	vmul.f32 v9, v8  }
0xd4: {  	v9 =	vbroadcast v10, $0x0;
	v10 =	vmov s20;
	[tilespmem:v3+s15+$0xFFFFFF30 ss:$0x1] =	vst.idx.msk $0xffff, v11  }
0xd5: {  	v10 =	vand.u32 $0xFFFFFFFE, v10;
	[tilespmem:v3+s15+$0xFFFFFED0 ss:$0x1] =	vst.idx.msk $0xffff, v17;
	v11 =	vld [tilespmem:s16+$0x30]  }
0xd6: {  	s19 =	sadd.s32 $0x4, s19;
	v10 =	vbroadcast v10, $0x0;
	[tilespmem:v3+s15+$0xFFFFFEE0 ss:$0x1] =	vst.idx.msk $0xffff, v18  }
0xd7: {  	_ =	sdelay $0x3  }
0xd8: {  	v15 =	vshll.u32 v12, $0x10;
	[tilespmem:v3+s15+$0xFFFFFFC0 ss:$0x1] =	vst.idx.msk $0xffff, v14;
	v4 =	vmul.f32 v1, v4  }
0xd9: {  	v19 =	vld [tilespmem:s16+$0x10];
	v20 =	vand.u32 $0xFFFF0000, v12;
	v15 =	vmul.f32 v15, v6;
	[tilespmem:v3+s15+$0xFFFFFFD0 ss:$0x1] =	vst.idx.msk $0xffff, v13  }
0xda: {  	v12 =	vmul.f32 v20, v6;
	[tilespmem:v3+s10+$0x0 ss:$0x1] =	vst.idx.msk $0xffff, v4  }
0xdb: {  	v23 =	vmul.f32 v1, v6;
	v27 =	vld.idx.msk [tilespmem:v10+s2+$0x0], $0xffff;
	s10 =	sadd.s32 $0x80, s16;
	v22 =	vshll.u32 v11, $0x10;
	[tilespmem:v3+s15+$0xFFFFFF90 ss:$0x1] =	vst.idx.msk $0xffff, v15  }
0xdc: {  	v25 =	vand.u32 $0xFFFF0000, v11;
	v26 =	vld [tilespmem:s10+$0x40];
	v13 =	vmul.f32 v22, v7;
	[tilespmem:v3+s15+$0xFFFFFFA0 ss:$0x1] =	vst.idx.msk $0xffff, v12  }
0xdd: {  	v21 =	vmov s17;
	v29 =	vmul.f32 v1, v7;
	s19 =	sadd.s32 $0x3, s17;
	v32 =	vld [tilespmem:s10+$0x20];
	v11 =	vmul.f32 v25, v7;
	[tilespmem:v3+s15+$0xFFFFFFB0 ss:$0x1] =	vst.idx.msk $0xffff, v23  }
0xde: {  	v33 =	vld.idx.msk [tilespmem:v9+s2+$0x0], $0xffff;
	v31 =	vmov s19;
	v4 =	vand.u32 $0xFFFFFFFC, v21;
	v28 =	vshll.u32 v19, $0x10;
	[tilespmem:v3+s15+$0xFFFFFF40 ss:$0x1] =	vst.idx.msk $0xffff, v13  }
0xdf: {  	v4 =	vbroadcast v4, $0x0;
	v30 =	vand.u32 $0xFFFF0000, v19;
	v10 =	vmul.f32 v28, v5;
	[tilespmem:v3+s15+$0xFFFFFF50 ss:$0x1] =	vst.idx.msk $0xffff, v11  }
0xe0: {  	v24 =	vld [tilespmem:s16+$0x70];
	v13 =	vmul.f32 v30, v5;
	[tilespmem:v3+s15+$0xFFFFFF60 ss:$0x1] =	vst.idx.msk $0xffff, v29  }
0xe1: {  	v35 =	vmul.f32 v1, v5;
	[tilespmem:v3+s15+$0xFFFFFEF0 ss:$0x1] =	vst.idx.msk $0xffff, v10;
	v16 =	vshll.u32 v26, $0x10  }
0xe2: {  	v39 =	vld [tilespmem:s10+$0x60];
	v41 =	vshll.u32 v32, $0x10;
	[tilespmem:v3+s15+$0xFFFFFF00 ss:$0x1] =	vst.idx.msk $0xffff, v13;
	v37 =	vmul.f32 v16, v27  }
0xe3: {  	s20 =	sadd.s32 $0x140, s15;
	v40 =	vld.idx.msk [tilespmem:v31+s2+$0x0], $0xffff;
	v12 =	vand.u32 $0xFFFF0000, v26;
	v11 =	vmul.f32 v41, v33;
	[tilespmem:v3+s15+$0xFFFFFF10 ss:$0x1] =	vst.idx.msk $0xffff, v35  }
0xe4: {  	v36 =	vld [tilespmem:s10+$0x0];
	v42 =	vand.u32 $0xFFFF0000, v32;
	v12 =	vmul.f32 v12, v27;
	[tilespmem:v3+s20+$0xFFFFFF70 ss:$0x1] =	vst.idx.msk $0xffff, v37  }
0xe5: {  	v34 =	vshll.u32 v24, $0x10;
	v4 =	vld.idx.msk [tilespmem:v4+s2+$0x0], $0xffff;
	v13 =	vmul.f32 v42, v33;
	[tilespmem:v3+s20+$0xFFFFFF20 ss:$0x1] =	vst.idx.msk $0xffff, v11  }
0xe6: {  	v38 =	vand.u32 $0xFFFF0000, v24;
	v9 =	vmul.f32 v34, v8;
	[tilespmem:v3+s20+$0xFFFFFF80 ss:$0x1] =	vst.idx.msk $0xffff, v12  }
0xe7: {  	v5 =	vmul.f32 v38, v8;
	v47 =	vshll.u32 v39, $0x10;
	[tilespmem:v3+s20+$0xFFFFFF30 ss:$0x1] =	vst.idx.msk $0xffff, v13;
	v44 =	vld [tilespmem:s10+$0x50]  }
0xe8: {  	v48 =	vand.u32 $0xFFFF0000, v39;
	[tilespmem:v3+s15+$0xFFFFFFE0 ss:$0x1] =	vst.idx.msk $0xffff, v9;
	v11 =	vmul.f32 v47, v40;
	v49 =	vld [tilespmem:s10+$0x30]  }
0xe9: {  	v43 =	vshll.u32 v36, $0x10;
	[tilespmem:v3+s15+$0xFFFFFFF0 ss:$0x1] =	vst.idx.msk $0xffff, v5;
	v12 =	vmul.f32 v48, v40  }
0xea: {  	v45 =	vand.u32 $0xFFFF0000, v36;
	[tilespmem:v3+s20+$0xFFFFFFC0 ss:$0x1] =	vst.idx.msk $0xffff, v11;
	v46 =	vmul.f32 v43, v4  }
0xeb: {  	v5 =	vmul.f32 v45, v4;
	[tilespmem:v3+s20+$0xFFFFFFD0 ss:$0x1] =	vst.idx.msk $0xffff, v12  }
0xec: {  	v51 =	vmul.f32 v1, v8;
	[tilespmem:v3+s20+$0xFFFFFED0 ss:$0x1] =	vst.idx.msk $0xffff, v46;
	v50 =	vshll.u32 v44, $0x10  }
0xed: {  	v57 =	vld [tilespmem:s10+$0x70];
	[tilespmem:v3+s20+$0xFFFFFEE0 ss:$0x1] =	vst.idx.msk $0xffff, v5;
	v55 =	vshll.u32 v49, $0x10;
	v5 =	vmul.f32 v50, v27  }
0xee: {  	[tilespmem:v3+s15+$0x0 ss:$0x1] =	vst.idx.msk $0xffff, v51;
	v52 =	vld [tilespmem:s10+$0x10];
	v53 =	vand.u32 $0xFFFF0000, v44;
	v8 =	vmul.f32 v55, v33  }
0xef: {  	v10 =	vand.u32 $0xFFFF0000, v49;
	v54 =	vmul.f32 v53, v27;
	[tilespmem:v3+s20+$0xFFFFFF90 ss:$0x1] =	vst.idx.msk $0xffff, v5  }
0xf0: {  	v10 =	vmul.f32 v10, v33;
	[tilespmem:v3+s20+$0xFFFFFF40 ss:$0x1] =	vst.idx.msk $0xffff, v8  }
0xf1: {  	v56 =	vmul.f32 v1, v27;
	[tilespmem:v3+s20+$0xFFFFFFA0 ss:$0x1] =	vst.idx.msk $0xffff, v54  }
0xf2: {  	v7 =	vmul.f32 v1, v33;
	v60 =	vshll.u32 v57, $0x10;
	[tilespmem:v3+s20+$0xFFFFFF50 ss:$0x1] =	vst.idx.msk $0xffff, v10  }
0xf3: {  	v62 =	vmul.f32 v60, v40;
	[tilespmem:v3+s20+$0xFFFFFFB0 ss:$0x1] =	vst.idx.msk $0xffff, v56;
	v58 =	vshll.u32 v52, $0x10  }
0xf4: {  	v59 =	vand.u32 $0xFFFF0000, v52;
	[tilespmem:v3+s20+$0xFFFFFF60 ss:$0x1] =	vst.idx.msk $0xffff, v7;
	v5 =	vmul.f32 v58, v4  }
0xf5: {  	p0 =	sgt.u32 s11, $0x7A;
	s10 =	sadd.s32 $0x2, s11;
	[tilespmem:v3+s20+$0xFFFFFFE0 ss:$0x1] =	vst.idx.msk $0xffff, v62;
	v8 =	vmul.f32 v59, v4  }
0xf6: {  	s15 =	smul.u32 @!p0 $0xAB, s10;
	v61 =	vand.u32 $0xFFFF0000, v57;
	v4 =	vmul.f32 v1, v4;
	[tilespmem:v3+s20+$0xFFFFFEF0 ss:$0x1] =	vst.idx.msk $0xffff, v5  }
0xf7: {  	v5 =	vmul.f32 v61, v40;
	[tilespmem:v3+s20+$0xFFFFFF00 ss:$0x1] =	vst.idx.msk $0xffff, v8  }
0xf8: {  	v63 =	vmul.f32 v1, v40;
	s15 =	sshrl.u32 @!p0 s15, $0x9;
	[tilespmem:v3+s20+$0xFFFFFF10 ss:$0x1] =	vst.idx.msk $0xffff, v4  }
0xf9: {  	s15 =	sand.u32 @!p0 $0x7F, s15;
	[tilespmem:v3+s20+$0xFFFFFFF0 ss:$0x1] =	vst.idx.msk $0xffff, v5  }
0xfa: {  	s12 =	sadd.s32 $0x4, s12;
	s15 =	smul.u32 @!p0 $0x3, s15;
	[tilespmem:v3+s20+$0x0 ss:$0x1] =	vst.idx.msk $0xffff, v63  }
0xfb: {  	[spmem:s3] =	stream.indirect.scatter.add.f32 [tilespmem:s14], [sflag:s12], $0x50, s13, s4, $0xb8;
	[tilespmem:$0x1F000] =	vst v63  }
0xfc: {  	p1 =	seq.s32 @!p0 s11, $0x0;
	s12 =	ssub.s32 @!p0 s10, s15  }
0xfd: {  	p1 =	por p1, p0;
	s10 =	smul.u32 @!p0 $0x140, s10;
	s12 =	sand.u32 @!p0 $0xFF, s12  }
0xfe: {  	s13 =	sadd.s32 @!p1 $0x4, s12;
	s14 =	smul.u32 @!p0 $0x2800, s12  }
0xff: {  	s11 =	sadd.s32 $0x1, s11;
	s10 =	sshra.s32 @!p0 s10, $0x2;
	_ =	swait.ge @!p1 [sflag:s13], $0x1900  }
0x100: {  	s12 =	sadd.s32 @!p0 $0x1, s12;
	[sflag:s13] =	ssyncset.done @!p1 $0x0;
	s14 =	sshrl.u32 @!p0 s14, $0x2  }
0x101: {  	[sflag:s13] =	ssyncadd.s32 @!p1 $0xFFFFE700;
	s13 =	sadd.s32 @!p0 $0x4E20, s14;
	s14 =	simm.s32 @!p0 $0x50  }
0x102: {  	[tilespmem:s13], [sflag:s12] =	stream.indirect.gather @!p0 [hbm4b:s6+s14], $0x20, s10, s14, $0xb8;
	[tilespmem:$0x1F000] =	vst v63  }
0x103: {  	p0 =	sne.s32 s11, $0x7D  }
.Ltmp2:
0x104: {  	_ = 	snop;
	(pc) =	sbr.rel @p0 .LBB2_4-.Ltmp2, $2  }
0x105: {  	_ =	sdelay $0x2  }
0x106: {  	s18 =	sadd.s32 $0x1900, s18;
	s9 =	sadd.s32 $0xA00, s9  }
0x107: {  	_ =	swait.ge [sflag:s28], $0x1900  }
0x108: {  	[sflag:s28] =	ssyncset.done $0x0  }
0x109: {  	[sflag:s28] =	ssyncadd.s32 $0xFFFFE700  }
0x10a: {  	_ =	swait.ge [sflag:s31], $0x1900  }
0x10b: {  	[sflag:s31] =	ssyncset.done $0x0  }
0x10c: {  	[sflag:s31] =	ssyncadd.s32 $0xFFFFE700  }
0x10d: {  	_ =	swait.ge [sflag:s1], $0x1900  }
0x10e: {  	[sflag:s1] =	ssyncset.done $0x0  }
0x10f: {  	[sflag:s1] =	ssyncadd.s32 $0xFFFFE700  }
0x110: {  	[bflag:$0x0] =	sbarrier.arrive $0xFFFF  }
0x111: {  	s8 =	rddreg [dreg:$0x8]  }
0x112: {  	[tilespmem:s0], [sflag:$0x7] =	stream.linear.gather [spmem:s8], $0x2710, $0x38;
	[tilespmem:$0x1F000] =	vst v63  }
0x113: {  	_ =	swait.ge [sflag:s26], $0x2710  }
0x114: {  	[sflag:s26] =	ssyncset.done $0x0  }
0x115: {  	s15 =	rddreg [dreg:$0xc];
	[sflag:s26] =	ssyncadd.s32 $0xFFFFD8F0  }
0x116: {  	[hbm4b:s15+s5] =	stream.linear.scatter [tilespmem:s0], [sflag:$0x7], $0x2710, $0x38;
	[tilespmem:$0x1F000] =	vst v63  }
0x117: {  	_ =	swait.ge [sflag:s26], $0x2710  }
0x118: {  	[sflag:s26] =	ssyncset.done $0x0  }
0x119: {  	[sflag:s26] =	ssyncadd.s32 $0xFFFFD8F0  }
0x11a: {  	[tilespmem:s0], [sflag:$0x7] =	stream.linear.gather [spmem:s22], $0x2710, $0x38;
	[tilespmem:$0x1F000] =	vst v63  }
0x11b: {  	_ =	swait.ge [sflag:s26], $0x2710  }
0x11c: {  	[sflag:s26] =	ssyncset.done $0x0  }
0x11d: {  	s16 =	rddreg [dreg:$0xd];
	[sflag:s26] =	ssyncadd.s32 $0xFFFFD8F0  }
0x11e: {  	[hbm4b:s16+s5] =	stream.linear.scatter [tilespmem:s0], [sflag:$0x7], $0x2710, $0x38;
	[tilespmem:$0x1F000] =	vst v63  }
0x11f: {  	_ =	swait.ge [sflag:s26], $0x2710  }
0x120: {  	[sflag:s26] =	ssyncset.done $0x0  }
0x121: {  	[sflag:s26] =	ssyncadd.s32 $0xFFFFD8F0  }
0x122: {  	[tilespmem:s0], [sflag:$0x7] =	stream.linear.gather [spmem:s23], $0x2710, $0x38;
	[tilespmem:$0x1F000] =	vst v63  }
0x123: {  	_ =	swait.ge [sflag:s26], $0x2710  }
0x124: {  	[sflag:s26] =	ssyncset.done $0x0  }
0x125: {  	s17 =	rddreg [dreg:$0xe];
	[sflag:s26] =	ssyncadd.s32 $0xFFFFD8F0  }
0x126: {  	[hbm4b:s17+s5] =	stream.linear.scatter [tilespmem:s0], [sflag:$0x7], $0x2710, $0x38;
	[tilespmem:$0x1F000] =	vst v63  }
0x127: {  	_ =	swait.ge [sflag:s26], $0x2710  }
0x128: {  	[sflag:s26] =	ssyncset.done $0x0  }
0x129: {  	[sflag:s26] =	ssyncadd.s32 $0xFFFFD8F0  }
0x12a: {  	[tilespmem:s0], [sflag:$0x7] =	stream.linear.gather [spmem:s24], $0x2710, $0x38;
	[tilespmem:$0x1F000] =	vst v63  }
0x12b: {  	_ =	swait.ge [sflag:s26], $0x2710  }
0x12c: {  	[sflag:s26] =	ssyncset.done $0x0  }
0x12d: {  	s18 =	rddreg [dreg:$0xf];
	[sflag:s26] =	ssyncadd.s32 $0xFFFFD8F0  }
0x12e: {  	[hbm4b:s18+s5] =	stream.linear.scatter [tilespmem:s0], [sflag:$0x7], $0x2710, $0x38;
	[tilespmem:$0x1F000] =	vst v63  }
0x12f: {  	_ =	swait.ge [sflag:s26], $0x2710  }
0x130: {  	[sflag:s26] =	ssyncset.done $0x0  }
0x131: {  	[sflag:s26] =	ssyncadd.s32 $0xFFFFD8F0  }
0x132: {  	[tilespmem:s0], [sflag:$0x7] =	stream.linear.gather [spmem:s25], $0x2710, $0x38;
	[tilespmem:$0x1F000] =	vst v63  }
0x133: {  	_ =	swait.ge [sflag:s26], $0x2710  }
0x134: {  	[sflag:s26] =	ssyncset.done $0x0  }
0x135: {  	s19 =	rddreg [dreg:$0x10];
	[sflag:s26] =	ssyncadd.s32 $0xFFFFD8F0  }
0x136: {  	[hbm4b:s19+s5] =	stream.linear.scatter [tilespmem:s0], [sflag:$0x7], $0x2710, $0x38;
	[tilespmem:$0x1F000] =	vst v63  }
0x137: {  	_ =	swait.ge [sflag:s26], $0x2710  }
0x138: {  	s7 =	sadd.s32 $0x1, s7;
	s20 =	rddreg [dreg:$0x9]  }
0x139: {  	p0 =	sne.s32 s7, s20  }
.Ltmp3:
0x13a: {  	_ = 	snop;
	(pc) =	sbr.rel @p0 .LBB2_1-.Ltmp3, $3  }
0x13b: {  	_ =	sdelay $0x1  }
0x13c: {  	[sflag:s26] =	ssyncset.done $0x0  }
0x13d: {  	[sflag:s26] =	ssyncadd.s32 $0xFFFFD8F0  }
0x13e: {  	_ =	sfence.sel $0x180000  }
0x13f: {  	[bflag:$0x0] =	sbarrier.arrive $0xFFFF  }
0x140: {  	_ =	strace $0x9000004D  }
0x141: {  	s0 =	stileid.u32;
	[bflag:$0x2] =	sbarrier.arrive $0xFFFF  }
0x142: {  	p0 =	sne.s32 s0, $0x0;
	s0 =	rddreg [dreg:$0x4]  }
0x143: {  	s0 =	sadd.s32 @!p0 $0x100000, s0  }
0x144: {  	[sflag:s0] =	ssyncadd.tile.s32 @!p0 $0x1;
	_ =	shalt  }
.Lfunc_end2:
_tile_overlayer_lowered:
.L_overlay_start_2:
0x145: {  	(tag) =	ssettag $0x2  }
0x146: {  	s0 =	rddreg [dreg:$0x0];
	s2 =	stileid.u32  }
0x147: {  	s1 =	rddreg [dreg:$0x1];
	p0 =	sne.s32 s2, $0x0  }
0x148: {  	s3 =	rddreg [dreg:$0x2];
	[bflag:$0x3] =	sbarrier.arrive $0xFFFF;
	s2 =	simm.s32 @!p0 $0x1C07  }
0x149: {  	[timem:s3], [sflag:s2] =	dma.local @!p0 [hbm:s0], s1  }
0x14a: {  	s0 =	simm.s32 @!p0 $0x7  }
0x14b: {  	_ =	swait.ge @!p0 [sflag:s0], s1  }
0x14c: {  	s1 =	ssub.s32 @!p0 $0x0, s1;
	[sflag:s0] =	ssyncset.done @!p0 $0x0  }
0x14d: {  	[sflag:s0] =	ssyncadd.s32 @!p0 s1  }
0x14e: {  	[bflag:$0x3] =	sbarrier.arrive $0xFFFF  }
0x14f: {  	_ =	shalt  }

// kernel: kernel.20.cloned.1.call-start
scs
__scs_entry_jumppad:
0x0: {  	(pc) =	sbr.rel $0x88, $3  }
0x1: {  	(tag) =	ssettag $0x0;
	lr =	simm.s32 $0x1  }
0x2: {  	[smem:$0x3F91] =	sst lr;
	_ =	strace $0xD0000000  }
0x3: {  	_ = 	snop  }
0x4: {  	_ = 	snop  }
0x5: {  	_ = 	snop  }
0x6: {  	_ = 	snop  }
0x7: {  	_ = 	snop  }
__scs_overlays_trampoline_lowered:
0x8: {  	[smem:$0x3FA0] =	sst s0  }
0x9: {  	[smem:$0x3FA1] =	sst s1  }
0xa: {  	[smem:$0x3FA2] =	sst s2  }
0xb: {  	[smem:$0x3FA3] =	sst s3  }
0xc: {  	[smem:$0x3FA4] =	sst s4  }
0xd: {  	[smem:$0x3FA5] =	sst s5  }
0xe: {  	[smem:$0x3FA6] =	sst s6  }
0xf: {  	[smem:$0x3FA7] =	sst s7  }
0x10: {  	[smem:$0x3FA8] =	sst s8  }
0x11: {  	[smem:$0x3FA9] =	sst s9;
	s0 =	simm.s32 @!p0 $0x0  }
0x12: {  	s1 =	sld [smem:$0x3F8F];
	s0 =	simm.s32 @p0 $0x1  }
0x13: {  	[smem:$0x3FAA] =	sst s0;
	s0 =	simm.s32 @!p1 $0x0  }
0x14: {  	s2 =	sld [smem:$0x3F8E];
	s0 =	simm.s32 @p1 $0x1  }
0x15: {  	[smem:$0x3FAB] =	sst s0;
	s0 =	simm.s32 @!p2 $0x0  }
0x16: {  	s3 =	sld [smem:$0x3FDB];
	s0 =	simm.s32 @p2 $0x1  }
0x17: {  	s4 =	simm.s32 $0x1BF5;
	[smem:$0x3FAD] =	sst s0  }
0x18: {  	s0 =	sld [smem:$0x3F90];
	_ =	swait.ge [sflag:s4], $0x0  }
0x19: {  	s7 =	sld [smem:$0x3F91]  }
0x1a: {  	s8 =	sadd.s32 $0xFFFFE003, lr  }
0x1b: {  	s9 =	sadd.s32 $0xFFFFFEF7, lr;
	s5 =	simm.s32 $0xFFFFFFFF;
	p2 =	slt.u32 s8, $0xFFFFF086  }
0x1c: {  	p1 =	slt.u32 s9, $0xF7A;
	s5 =	simm.s32 @!p2 $0x0  }
0x1d: {  	s5 =	simm.s32 @p1 $0x1;
	p0 =	seq.s32 s7, s2  }
0x1e: {  	s7 =	smul.u32 @!p0 $0xF7A, s2;
	p2 =	seq.s32 @!p0 s5, $0x0  }
0x1f: {  	s9 =	smul.u32 $0xF7A, s1;
	s8 =	simm.s32 @!p0 $0x1BF5;
	p2 =	por !p2, p0  }
0x20: {  	[sflag:s8] =	ssyncset.s32 @!p0 $0xFFFFF086;
	s6 =	sadd.s32 @!p0 s3, s7;
	s7 =	simm.s32 @!p0 $0x108  }
0x21: {  	s3 =	sadd.s32 s3, s9;
	s6 =	sadd.s32 @!p0 $0x88, s6;
	s7 =	simm.s32 @p2 $0x1082  }
0x22: {  	[simem:s7], [sflag:s8] =	dma.local @!p0 [hbm:s6], $0xF7A  }
0x23: {  	s9 =	sor.u32 $0xD0000000, s2;
	s6 =	simm.s32 $0x108;
	_ =	swait.ge @!p0 [sflag:s8], $0x0  }
0x24: {  	s3 =	sadd.s32 $0x88, s3;
	s6 =	simm.s32 @!p1 $0x1082;
	[sflag:s4] =	ssyncset.s32 $0xFFFFF086  }
0x25: {  	[simem:s6], [sflag:s4] =	dma.local [hbm:s3], $0xF7A  }
0x26: {  	[smem:$0x3F91] =	sst s1;
	(tag) =	ssettag s2;
	_ =	strace s9  }
0x27: {  	s1 =	sld [smem:$0x3FA1]  }
0x28: {  	s2 =	sld [smem:$0x3FA2]  }
0x29: {  	s4 =	sld [smem:$0x3FA4]  }
0x2a: {  	p0 =	seq.s32 s5, $0x0;
	s5 =	sld [smem:$0x3FA5]  }
0x2b: {  	s6 =	sld [smem:$0x3FA6]  }
0x2c: {  	s7 =	sld [smem:$0x3FA7]  }
0x2d: {  	s3 =	simm.s32 $0x108;
	s8 =	sld [smem:$0x3FA8]  }
0x2e: {  	s3 =	simm.s32 @!p0 $0x1082;
	s9 =	sld [smem:$0x3FA9]  }
0x2f: {  	lr =	sadd.s32 s0, s3;
	s0 =	sld [smem:$0x3FA0]  }
0x30: {  	s3 =	sld [smem:$0x3FA3]  }
0x31: {  	[smem:$0x3FAC] =	sst s10  }
0x32: {  	s10 =	sld [smem:$0x3FAA];
	_ =	sdelay $0x3  }
0x33: {  	p0 =	seq.s32 s10, $0x1;
	s10 =	sld [smem:$0x3FAC];
	_ =	sdelay $0x3  }
0x34: {  	[smem:$0x3FAC] =	sst s10  }
0x35: {  	s10 =	sld [smem:$0x3FAB];
	_ =	sdelay $0x3  }
0x36: {  	p1 =	seq.s32 s10, $0x1;
	s10 =	sld [smem:$0x3FAC];
	_ =	sdelay $0x3  }
0x37: {  	[smem:$0x3FAC] =	sst s10  }
0x38: {  	s10 =	sld [smem:$0x3FAD]  }
0x39: {  	_ = 	snop;
	(pc) =	sbr.ind lr, $3  }
0x3a: {  	_ = 	snop  }
0x3b: {  	_ = 	snop  }
0x3c: {  	p2 =	seq.s32 s10, $0x1;
	s10 =	sld [smem:$0x3FAC]  }
0x3d: {  	_ =	shalt  }
0x3e: {  	_ =	shalt  }
0x3f: {  	_ =	shalt  }
0x40: {  	_ =	shalt  }
0x41: {  	_ =	shalt  }
0x42: {  	_ =	shalt  }
0x43: {  	_ =	shalt  }
0x44: {  	_ =	shalt  }
0x45: {  	_ =	shalt  }
0x46: {  	_ =	shalt  }
0x47: {  	_ =	shalt  }
0x48: {  	_ =	shalt  }
0x49: {  	_ =	shalt  }
0x4a: {  	_ =	shalt  }
0x4b: {  	_ =	shalt  }
0x4c: {  	_ =	shalt  }
0x4d: {  	_ =	shalt  }
0x4e: {  	_ =	shalt  }
0x4f: {  	_ =	shalt  }
0x50: {  	_ =	shalt  }
0x51: {  	_ =	shalt  }
0x52: {  	_ =	shalt  }
0x53: {  	_ =	shalt  }
0x54: {  	_ =	shalt  }
0x55: {  	_ =	shalt  }
0x56: {  	_ =	shalt  }
0x57: {  	_ =	shalt  }
0x58: {  	_ =	shalt  }
0x59: {  	_ =	shalt  }
0x5a: {  	_ =	shalt  }
0x5b: {  	_ =	shalt  }
0x5c: {  	_ =	shalt  }
0x5d: {  	_ =	shalt  }
0x5e: {  	_ =	shalt  }
0x5f: {  	_ =	shalt  }
0x60: {  	_ =	shalt  }
0x61: {  	_ =	shalt  }
0x62: {  	_ =	shalt  }
0x63: {  	_ =	shalt  }
0x64: {  	_ =	shalt  }
0x65: {  	_ =	shalt  }
0x66: {  	_ =	shalt  }
0x67: {  	_ =	shalt  }
0x68: {  	_ =	shalt  }
0x69: {  	_ =	shalt  }
0x6a: {  	_ =	shalt  }
0x6b: {  	_ =	shalt  }
0x6c: {  	_ =	shalt  }
0x6d: {  	_ =	shalt  }
0x6e: {  	_ =	shalt  }
0x6f: {  	_ =	shalt  }
0x70: {  	_ =	shalt  }
0x71: {  	_ =	shalt  }
0x72: {  	_ =	shalt  }
0x73: {  	_ =	shalt  }
0x74: {  	_ =	shalt  }
0x75: {  	_ =	shalt  }
0x76: {  	_ =	shalt  }
0x77: {  	_ =	shalt  }
0x78: {  	_ =	shalt  }
0x79: {  	_ =	shalt  }
0x7a: {  	_ =	shalt  }
0x7b: {  	_ =	shalt  }
0x7c: {  	_ =	shalt  }
0x7d: {  	_ =	shalt  }
0x7e: {  	_ =	shalt  }
0x7f: {  	_ =	shalt  }
0x80: {  	_ =	shalt  }
0x81: {  	_ =	shalt  }
0x82: {  	_ =	shalt  }
0x83: {  	_ =	shalt  }
0x84: {  	_ =	shalt  }
0x85: {  	_ =	shalt  }
0x86: {  	_ =	shalt  }
0x87: {  	_ =	shalt  }
.Lfunc_end0:
.L_simem_size_0:
called_computation.3_lowered:
.L_overlay_start_0:
0x88: {  	s2 =	sld [smem:$0x3FD9]  }
0x89: {  	s3 =	sld [smem:$0x3FFE];
	_ =	sdelay $0x1  }
0x8a: {  	s1 =	srdreg.scid  }
0x8b: {  	s0 =	sand.u32 $0x1, s1  }
0x8c: {  	s16 =	sshll.u32 s0, $0xA;
	s2 =	sadd.s32 s3, s2  }
0x8d: {  	s2 =	sadd.s32 s2, s16  }
0x8e: {  	[smem:$0x3FB8] =	sst s2  }
0x8f: {  	_ = 	snop  }
0x90: {  	(tm) =	ssettm $0x1  }
0x91: {  	s17 =	sld [smem:$0x3FFB];
	_ =	sdelay $0x3  }
0x92: {  	_ =	strace s17  }
0x93: {  	s2 =	sld [smem:$0x3FFC];
	_ =	sdelay $0x3  }
0x94: {  	_ =	strace s2  }
0x95: {  	s2 =	sld [smem:$0x3FFD];
	_ =	sdelay $0x3  }
0x96: {  	_ =	strace s2  }
0x97: {  	_ =	strace $0x8FFFFFFF  }
0x98: {  	s18 =	sld [smem:$0x3FDB];
	_ =	sdelay $0x1  }
0x99: {  	s19 =	simm.s32 $_scs_section_size  }
0x9a: {  	s4 =	simm.s32 $_size__tile_overlayer_lowered;
	s5 =	simm.s32 $_tile_overlayer_lowered  }
0x9b: {  	s22 =	simm.s32 $0x1BFF;
	s21 =	sshll.u32 s5, $0x1;
	s2 =	sadd.s32 s19, s18  }
0x9c: {  	s6 =	simm.s32 $0x0;
	s20 =	sshll.u32 s4, $0x1;
	s4 =	sadd.s32 s21, s2  }
0x9d: {  	[timem:s6], [sflag:s22] =	dma.local [hbm:s4], s20  }
0x9e: {  	_ =	swait.ge [sflag:s22], s20  }
0x9f: {  	s3 =	ssub.s32 $0x0, s20;
	[sflag:s22] =	ssyncset.done $0x0  }
0xa0: {  	[sflag:s22] =	ssyncadd.s32 s3;
	_ =	sdelay $0x1  }
0xa1: {  	s23 =	simm.s32 $0x1B8B  }
0xa2: {  	_ =	swait.ge [sflag:s23], $0x1  }
0xa3: {  	[sflag:s23] =	ssyncset.done $0x0  }
0xa4: {  	s25 =	simm.s32 $0x1B8E;
	s24 =	sld [smem:$0x3FFE];
	[sflag:s23] =	ssyncadd.s32 $0xFFFFFFFF  }
0xa5: {  	s26 =	simm.s32 $execute0_lowered;
	[smem:$0x3FD2] =	sst s25  }
0xa6: {  	s4 =	sshll.u32 s26, $0x1;
	_ =	strace $0x8000004F;
	[dreg:$0x1] =	wrdreg $0xFFFFFFFF  }
0xa7: {  	s28 =	simm.s32 $_size_execute0_lowered;
	s2 =	sadd.s32 s2, s4;
	[dreg:$0x0] =	wrdreg $0x0  }
0xa8: {  	s4 =	sshll.u32 s28, $0x1;
	[dreg:$0x2] =	wrdreg s2  }
0xa9: {  	[dreg:$0x3] =	wrdreg s4  }
0xaa: {  	[dreg:$0x4] =	wrdreg $0xC0  }
0xab: {  	_ =	task [dreg:s6], $0x5FFFF  }
0xac: {  	[dreg:$0x1] =	wrdreg $0xFFFFFFFF  }
0xad: {  	[dreg:$0x0] =	wrdreg $0x60  }
0xae: {  	[dreg:$0x2] =	wrdreg s24  }
0xaf: {  	[dreg:$0x3] =	wrdreg $0x123E00  }
0xb0: {  	[dreg:$0x4] =	wrdreg $0x9  }
0xb1: {  	_ =	task.clear_ibuf [dreg:s6], $0x5FFFF;
	_ =	strace $0x9000004F  }
0xb2: {  	s29 =	simm.s32 $0x9;
	_ =	strace $0x80000051  }
0xb3: {  	_ =	swait.ge [sflag:s29], $0x1  }
0xb4: {  	[sflag:s29] =	ssyncadd.s32 $0xFFFFFFFF  }
0xb5: {  	_ =	strace $0x90000051  }
0xb6: {  	_ =	sfence  }
0xb7: {  	s30 =	sld [smem:$0x0];
	_ =	sdelay $0x2  }
0xb8: {  	s31 =	sshll.u32 s1, $0xD;
	s1 =	sshrl.u32 s1, $0x2  }
0xb9: {  	s3 =	sand.u32 $0x4000, s31;
	s1 =	sadd.s32 s1, s30  }
0xba: {  	s0 =	sor.u32 s3, s0;
	s1 =	sshll.u32 s1, $0x11  }
0xbb: {  	s0 =	sor.u32 s1, s0  }
0xbc: {  	s0 =	sadd.s32 $0x8F2B, s0  }
0xbd: {  	[sflag:s0] =	ssyncadd.remote.s32 $0x1  }
0xbe: {  	_ =	sfence.sel $0xFFFF  }
0xbf: {  	[dreg:$0x0] =	wrdreg $0xFFFFFFFF;
	(pc) =	sbr.abs _section_cstart, $3  }
0xc0: {  	[dreg:$0x1] =	wrdreg $0xFFFFFFFF  }
0xc1: {  	_ =	task.clear_ibuf [dreg:s6], $0x2FFFF;
	_ =	strace $0x9FFFFFFF  }
0xc2: {  	(tm) =	ssettm $0x7FFFFFFF  }
0xc3: {  	_ =	shalt  }
tec
execute0_lowered:
.L_overlay_start_1:
0x0: {  	(tag) =	ssettag $0x1  }
0x1: {  	s0 =	rddreg [dreg:$0x0]  }
0x2: {  	s1 =	rddreg [dreg:$0x1];
	s2 =	srdreg.scid  }
0x3: {  	s3 =	simm.s32 $0x0;
	s10 =	stileid.u32;
	s16 =	simm.s32 $0x9  }
0x4: {  	s18 =	simm.s32 $0xC620;
	s19 =	simm.s32 $0x50;
	s21 =	simm.s32 $0x5820  }
0x5: {  	s22 =	simm.s32 $0x6;
	s23 =	simm.s32 $0x7;
	s24 =	simm.s32 $0x8  }
0x6: {  	s25 =	simm.s32 $0x5;
	s26 =	simm.s32 $0xE560;
	s28 =	simm.s32 $0x0  }
0x7: {  	s2 =	sand.u32 $0x1, s2;
	[smem:$0x7FF] =	sst s3;
	s7 =	smul.u32 $0x27100, s10  }
0x8: {  	s4 =	sshll.u32 s2, $0x4;
	_ =	strace $0x80000050;
	s6 =	ssub.s32 $0x2, s2  }
0x9: {  	s4 =	sor.u32 s10, s4;
	s31 =	sshrl.u32 s6, $0x1;
	s9 =	sshrl.u32 s7, $0x2  }
0xa: {  	s5 =	smul.u32 $0x4E2, s4;
	s4 =	sadd.s32 $0x17400, s0;
	s9 =	sadd.s32 s9, s1  }
0xb: {  	s12 =	sadd.s32 $0x1F40, s9;
	s13 =	sadd.s32 $0x3E80, s9;
	s14 =	sadd.s32 $0x5DC0, s9  }
0xc: {  	s8 =	sadd.s32 s5, s0;
	s5 =	sadd.s32 $0x65800, s0;
	s0 =	ssub.s32 s6, s31  }
0xd: {  	s6 =	sadd.s32 $0x3800, s8;
	s7 =	sadd.s32 $0xD600, s8;
	s8 =	smul.u32 $0x271, s10  }
0xe: {  	v0 =	vimm.f32 $0.0e+00;
	s15 =	sadd.s32 $0x7D00, s9;
	s10 =	smul.u32 $0x138800, s2;
	s11 =	smax.u32 s0, $0x1  }
.LBB2_1:
0xf: {  	[tilespmem:s3], [sflag:$0x9] =	stream.linear.gather [hbm4b:s6+s3], $0x2710, $0x38;
	[tilespmem:$0x1C020] =	vst v63  }
0x10: {  	_ =	swait.ge [sflag:s16], $0x2710  }
0x11: {  	[sflag:s16] =	ssyncset.done $0x0  }
0x12: {  	s0 =	simm.s32 $0x2710;
	[sflag:s16] =	ssyncadd.s32 $0xFFFFD8F0  }
0x13: {  	[tilespmem:s0], [sflag:$0x9] =	stream.linear.gather [hbm4b:s7+s3], $0x2710, $0x38;
	[tilespmem:$0x1C020] =	vst v63  }
0x14: {  	_ =	swait.ge [sflag:s16], $0x2710  }
0x15: {  	[sflag:s16] =	ssyncset.done $0x0  }
0x16: {  	s2 =	simm.s32 $0x100;
	s0 =	simm.s32 $0x0;
	[sflag:s16] =	ssyncadd.s32 $0xFFFFD8F0  }
.LBB2_2:
0x17: {  	p0 =	sne.s32 s2, $0x7C00;
	[tilespmem:s0+$0xC650] =	vst v0;
	s17 =	smov.u32 s2;
	s2 =	sadd.s32 $0x100, s2  }
.Ltmp0:
0x18: {  	[tilespmem:s0+$0xC640] =	vst v0;
	(pc) =	sbr.rel @p0 .LBB2_2-.Ltmp0, $3  }
0x19: {  	[tilespmem:s0+$0xC620] =	vst v0  }
0x1a: {  	[tilespmem:s0+$0xC630] =	vst v0;
	_ =	sdelay $0x1  }
0x1b: {  	s0 =	sshra.s32 s17, $0x2  }
0x1c: {  	[tilespmem:s0+$0xC650] =	vst v0  }
0x1d: {  	[tilespmem:s0+$0xC640] =	vst v0  }
0x1e: {  	[tilespmem:s0+$0xC620] =	vst v0  }
0x1f: {  	[tilespmem:s0+$0xC630] =	vst v0  }
0x20: {  	[spmem:s9] =	stream.linear.scatter [tilespmem:s18], [sflag:$0x9], $0x1F40, $0x38;
	[tilespmem:$0x1C020] =	vst v63  }
0x21: {  	_ =	swait.ge [sflag:s16], $0x1F40  }
0x22: {  	[sflag:s16] =	ssyncset.done $0x0  }
0x23: {  	[sflag:s16] =	ssyncadd.s32 $0xFFFFE0C0  }
0x24: {  	[spmem:s12] =	stream.linear.scatter [tilespmem:s18], [sflag:$0x9], $0x1F40, $0x38;
	[tilespmem:$0x1C020] =	vst v63  }
0x25: {  	_ =	swait.ge [sflag:s16], $0x1F40  }
0x26: {  	[sflag:s16] =	ssyncset.done $0x0  }
0x27: {  	[sflag:s16] =	ssyncadd.s32 $0xFFFFE0C0  }
0x28: {  	[spmem:s13] =	stream.linear.scatter [tilespmem:s18], [sflag:$0x9], $0x1F40, $0x38;
	[tilespmem:$0x1C020] =	vst v63  }
0x29: {  	_ =	swait.ge [sflag:s16], $0x1F40  }
0x2a: {  	[sflag:s16] =	ssyncset.done $0x0  }
0x2b: {  	[sflag:s16] =	ssyncadd.s32 $0xFFFFE0C0  }
0x2c: {  	[spmem:s14] =	stream.linear.scatter [tilespmem:s18], [sflag:$0x9], $0x1F40, $0x38;
	[tilespmem:$0x1C020] =	vst v63  }
0x2d: {  	_ =	swait.ge [sflag:s16], $0x1F40  }
0x2e: {  	[sflag:s16] =	ssyncset.done $0x0  }
0x2f: {  	[sflag:s16] =	ssyncadd.s32 $0xFFFFE0C0  }
0x30: {  	[spmem:s15] =	stream.linear.scatter [tilespmem:s18], [sflag:$0x9], $0x1F40, $0x38;
	[tilespmem:$0x1C020] =	vst v63  }
0x31: {  	_ =	swait.ge [sflag:s16], $0x1F40  }
0x32: {  	[sflag:s16] =	ssyncset.done $0x0  }
0x33: {  	[sflag:s16] =	ssyncadd.s32 $0xFFFFE0C0  }
0x34: {  	s29 =	simm.s32 $0x0;
	s31 =	simm.s32 $0x4E20;
	[bflag:$0x0] =	sbarrier.arrive $0xFFFF  }
0x35: {  	[tilespmem:s31], [sflag:$0x1] =	stream.indirect.gather [hbm4b:s4+s19], $0x20, s29, s19, $0xb8;
	[tilespmem:$0x1C020] =	vst v63  }
0x36: {  	s30 =	simm.s32 $0x0  }
0x37: {  	[tilespmem:s21], [sflag:$0x2] =	stream.indirect.gather [hbm4b:s4+s19], $0x20, s19, s19, $0xb8;
	[tilespmem:$0x1C020] =	vst v63  }
.LBB2_4:
0x38: {  	s0 =	sand.u32 $0x3, s29;
	s31 =	sand.u32 $0x3, s30  }
0x39: {  	s2 =	smul.u32 $0x2800, s0;
	s17 =	sadd.s32 $0x1, s31  }
0x3a: {  	_ =	swait.ge [sflag:s17], $0xA00  }
0x3b: {  	s2 =	sshrl.u32 s2, $0x2;
	[sflag:s17] =	ssyncset.done $0x0  }
0x3c: {  	s2 =	sadd.s32 $0x4E60, s2;
	[sflag:s17] =	ssyncadd.s32 $0xFFFFF600  }
0x3d: {  	v1 =	vld [tilespmem:s2+$0x20];
	_ =	sdelay $0x1  }
0x3e: {  	s0 =	smul.u32 $0x5000, s0;
	v2 =	vld [tilespmem:s2+$0xFFFFFFE0]  }
0x3f: {  	v3 =	vld [tilespmem:s2+$0xFFFFFFC0]  }
0x40: {  	s0 =	sshrl.u32 s0, $0x2  }
0x41: {  	s0 =	sadd.s32 $0x76A0, s0;
	v4 =	vshll.u32 v1, $0x10  }
0x42: {  	v5 =	vld [tilespmem:s2+$0x0];
	v1 =	vand.u32 $0xFFFF0000, v1;
	[tilespmem:s0+$0x40] =	vst v4  }
0x43: {  	v4 =	vshll.u32 v2, $0x10;
	[tilespmem:s0+$0x50] =	vst v1  }
0x44: {  	v1 =	vshll.u32 v3, $0x10;
	[tilespmem:s0+$0xFFFFFFC0] =	vst v4  }
0x45: {  	v3 =	vand.u32 $0xFFFF0000, v3;
	v4 =	vld [tilespmem:s2+$0x30];
	[tilespmem:s0+$0xFFFFFF80] =	vst v1  }
0x46: {  	v1 =	vand.u32 $0xFFFF0000, v2;
	[tilespmem:s0+$0xFFFFFF90] =	vst v3  }
0x47: {  	v2 =	vshll.u32 v5, $0x10;
	[tilespmem:s0+$0xFFFFFFD0] =	vst v1;
	v3 =	vld [tilespmem:s2+$0xFFFFFFD0]  }
0x48: {  	v1 =	vand.u32 $0xFFFF0000, v5;
	[tilespmem:s0+$0x0] =	vst v2;
	v2 =	vld [tilespmem:s2+$0xFFFFFFF0]  }
0x49: {  	[tilespmem:s0+$0x10] =	vst v1  }
0x4a: {  	v1 =	vld [tilespmem:s2+$0x10];
	v5 =	vand.u32 $0xFFFF0000, v4  }
0x4b: {  	s17 =	simm.s32 $0x0;
	s20 =	sadd.s32 $0x80, s2;
	s2 =	smov.u32 s0;
	v4 =	vshll.u32 v4, $0x10;
	[tilespmem:s0+$0x70] =	vst v5  }
.LBB2_5:
0x4c: {  	v5 =	vld [tilespmem:s20+$0x20];
	v6 =	vshll.u32 v3, $0x10;
	v3 =	vand.u32 $0xFFFF0000, v3;
	[tilespmem:s0+$0x60] =	vst v4  }
0x4d: {  	s17 =	sadd.s32 $0x4, s17;
	v4 =	vld [tilespmem:s20+$0xFFFFFFE0];
	[tilespmem:s0+$0xFFFFFFA0] =	vst v6;
	v6 =	vshll.u32 v2, $0x10;
	v2 =	vand.u32 $0xFFFF0000, v2  }
0x4e: {  	p0 =	slt.u32 s17, $0x4C;
	v7 =	vld [tilespmem:s20+$0x0];
	[tilespmem:s0+$0xFFFFFFB0] =	vst v3  }
0x4f: {  	v3 =	vld [tilespmem:s20+$0xFFFFFFC0];
	[tilespmem:s0+$0xFFFFFFE0] =	vst v6;
	v6 =	vshll.u32 v1, $0x10;
	v8 =	vand.u32 $0xFFFF0000, v1  }
0x50: {  	[tilespmem:s0+$0xFFFFFFF0] =	vst v2  }
0x51: {  	s0 =	sadd.s32 $0x100, s0;
	v1 =	vshll.u32 v5, $0x10;
	[tilespmem:s2+$0x20] =	vst v6  }
0x52: {  	v5 =	vand.u32 $0xFFFF0000, v5;
	v2 =	vshll.u32 v4, $0x10;
	v4 =	vand.u32 $0xFFFF0000, v4;
	[tilespmem:s0+$0x40] =	vst v1  }
0x53: {  	v1 =	vshll.u32 v7, $0x10;
	v6 =	vand.u32 $0xFFFF0000, v7;
	[tilespmem:s0+$0x50] =	vst v5  }
0x54: {  	v5 =	vshll.u32 v3, $0x10;
	v3 =	vand.u32 $0xFFFF0000, v3;
	[tilespmem:s0+$0xFFFFFFC0] =	vst v2;
	v7 =	vld [tilespmem:s20+$0x30]  }
0x55: {  	[tilespmem:s0+$0xFFFFFF80] =	vst v5  }
0x56: {  	[tilespmem:s0+$0xFFFFFF90] =	vst v3  }
.Ltmp1:
0x57: {  	v3 =	vld [tilespmem:s20+$0xFFFFFFD0];
	[tilespmem:s0+$0xFFFFFFD0] =	vst v4;
	(pc) =	sbr.rel @p0 .LBB2_5-.Ltmp1, $4  }
0x58: {  	v2 =	vld [tilespmem:s20+$0xFFFFFFF0];
	[tilespmem:s0+$0x0] =	vst v1  }
0x59: {  	[tilespmem:s0+$0x10] =	vst v6;
	v4 =	vshll.u32 v7, $0x10;
	v5 =	vand.u32 $0xFFFF0000, v7  }
0x5a: {  	v1 =	vld [tilespmem:s20+$0x10];
	[tilespmem:s0+$0x70] =	vst v5  }
0x5b: {  	s20 =	sadd.s32 $0x80, s20;
	[tilespmem:s2+$0x30] =	vst v8;
	s2 =	smov.u32 s0  }
0x5c: {  	v5 =	vshll.u32 v3, $0x10;
	[tilespmem:s0+$0x60] =	vst v4  }
0x5d: {  	v3 =	vand.u32 $0xFFFF0000, v3;
	[tilespmem:s0+$0xFFFFFFA0] =	vst v5  }
0x5e: {  	s17 =	smul.u32 $0x5000, s31;
	v63 =	vshll.u32 v2, $0x10;
	[tilespmem:s0+$0xFFFFFFB0] =	vst v3  }
0x5f: {  	s20 =	smul.u32 $0x140, s30;
	v2 =	vand.u32 $0xFFFF0000, v2;
	[tilespmem:s0+$0xFFFFFFE0] =	vst v63  }
0x60: {  	[tilespmem:s0+$0xFFFFFFF0] =	vst v2;
	v2 =	vshll.u32 v1, $0x10  }
0x61: {  	s31 =	sadd.s32 $0x5, s31;
	s17 =	sshrl.u32 s17, $0x2;
	s20 =	sshra.s32 s20, $0x2;
	v1 =	vand.u32 $0xFFFF0000, v1;
	[tilespmem:s2+$0x20] =	vst v2  }
0x62: {  	p0 =	sgt.u32 s30, $0x7A;
	s0 =	sadd.s32 $0x7620, s17;
	s20 =	sadd.s32 $0x2710, s20;
	[tilespmem:s2+$0x30] =	vst v1  }
0x63: {  	[spmem:s1] =	stream.indirect.scatter.add.f32 [tilespmem:s0], [sflag:s31], $0x40, s20, s19, $0xb8;
	[tilespmem:$0x1C020] =	vst v63  }
0x64: {  	p1 =	slt.u32 @!p0 s30, $0x2;
	s0 =	sadd.s32 $0x2, s30  }
0x65: {  	p1 =	por p1, p0;
	s2 =	sand.u32 @!p0 $0x3, s0;
	s0 =	smul.u32 @!p0 $0x140, s0  }
0x66: {  	s17 =	sadd.s32 @!p1 $0x5, s2;
	s20 =	smul.u32 @!p0 $0x2800, s2  }
0x67: {  	s30 =	sadd.s32 $0x1, s30;
	s2 =	sadd.s32 @!p0 $0x1, s2;
	_ =	swait.ge @!p1 [sflag:s17], $0x1400  }
0x68: {  	s0 =	sshra.s32 @!p0 s0, $0x2;
	[sflag:s17] =	ssyncset.done @!p1 $0x0;
	s20 =	sshrl.u32 @!p0 s20, $0x2  }
0x69: {  	[sflag:s17] =	ssyncadd.s32 @!p1 $0xFFFFEC00;
	s17 =	sadd.s32 @!p0 $0x4E20, s20;
	s20 =	simm.s32 @!p0 $0x50  }
0x6a: {  	[tilespmem:s17], [sflag:s2] =	stream.indirect.gather @!p0 [hbm4b:s4+s20], $0x20, s0, s20, $0xb8;
	[tilespmem:$0x1C020] =	vst v63  }
0x6b: {  	p0 =	sne.s32 s30, $0x7D  }
.Ltmp2:
0x6c: {  	_ = 	snop;
	(pc) =	sbr.rel @p0 .LBB2_4-.Ltmp2, $2  }
0x6d: {  	_ =	sdelay $0x2  }
0x6e: {  	s29 =	sadd.s32 $0x1, s29  }
0x6f: {  	_ =	swait.ge [sflag:s22], $0x1400  }
0x70: {  	[sflag:s22] =	ssyncset.done $0x0  }
0x71: {  	[sflag:s22] =	ssyncadd.s32 $0xFFFFEC00  }
0x72: {  	_ =	swait.ge [sflag:s23], $0x1400  }
0x73: {  	[sflag:s23] =	ssyncset.done $0x0  }
0x74: {  	[sflag:s23] =	ssyncadd.s32 $0xFFFFEC00  }
0x75: {  	_ =	swait.ge [sflag:s24], $0x1400  }
0x76: {  	[sflag:s24] =	ssyncset.done $0x0  }
0x77: {  	[sflag:s24] =	ssyncadd.s32 $0xFFFFEC00  }
0x78: {  	_ =	swait.ge [sflag:s25], $0x1400  }
0x79: {  	[sflag:s25] =	ssyncset.done $0x0  }
0x7a: {  	[sflag:s25] =	ssyncadd.s32 $0xFFFFEC00  }
0x7b: {  	s0 =	simm.s32 $0x0;
	[bflag:$0x0] =	sbarrier.arrive $0xFFFF  }
.LBB2_8:
0x7c: {  	s2 =	smul.u32 $0x7D, s0;
	_ =	sdelay $0x1  }
0x7d: {  	s2 =	sadd.s32 s8, s2  }
0x7e: {  	s17 =	sshll.u32 s2, $0x6  }
0x7f: {  	s17 =	sand.u32 $0x3FFFFFC0, s17  }
0x80: {  	s17 =	sadd.s32 s17, s1  }
0x81: {  	[tilespmem:s18], [sflag:$0x9] =	stream.linear.gather [spmem:s17], $0x1F40, $0x38;
	[tilespmem:$0x1C020] =	vst v63  }
0x82: {  	_ =	swait.ge [sflag:s16], $0x1F40  }
0x83: {  	[sflag:s16] =	ssyncset.done $0x0  }
0x84: {  	s20 =	simm.s32 $0x0;
	[sflag:s16] =	ssyncadd.s32 $0xFFFFE0C0  }
0x85: {  	v1 =	vld [tilespmem:s20+$0xC620];
	_ =	sdelay $0x3  }
0x86: {  	s17 =	simm.s32 $0xE580  }
0x87: {  	[tilespmem:s17+$0xFFFFFFE0] =	vst v1  }
0x88: {  	v1 =	vld [tilespmem:s20+$0xC630];
	_ =	sdelay $0x4  }
0x89: {  	[tilespmem:s17+$0xFFFFFFF0] =	vst v1  }
0x8a: {  	v1 =	vld [tilespmem:s20+$0xC640];
	_ =	sdelay $0x4  }
0x8b: {  	[tilespmem:s17+$0x0] =	vst v1  }
0x8c: {  	v1 =	vld [tilespmem:s20+$0xC650];
	_ =	sdelay $0x4  }
0x8d: {  	s29 =	simm.s32 $0x200;
	s20 =	simm.s32 $0x40;
	[tilespmem:s17+$0x10] =	vst v1  }
.LBB2_9:
0x8e: {  	p0 =	sne.s32 s29, $0x7C00;
	v1 =	vld [tilespmem:s20+$0xC620];
	_ =	sdelay $0x3  }
0x8f: {  	s17 =	sadd.s32 $0x80, s17  }
0x90: {  	[tilespmem:s17+$0xFFFFFFE0] =	vst v1  }
0x91: {  	v1 =	vld [tilespmem:s20+$0xC630];
	_ =	sdelay $0x4  }
0x92: {  	[tilespmem:s17+$0xFFFFFFF0] =	vst v1  }
0x93: {  	v1 =	vld [tilespmem:s20+$0xC640];
	_ =	sdelay $0x4  }
0x94: {  	[tilespmem:s17+$0x0] =	vst v1  }
0x95: {  	v1 =	vld [tilespmem:s20+$0xC650]  }
.Ltmp3:
0x96: {  	(pc) =	sbr.rel @p0 .LBB2_9-.Ltmp3, $2  }
0x97: {  	_ =	sdelay $0x2  }
0x98: {  	s20 =	sshra.s32 s29, $0x2;
	s29 =	sadd.s32 $0x100, s29;
	[tilespmem:s17+$0x10] =	vst v1  }
0x99: {  	v1 =	vld [tilespmem:s20+$0xC620];
	_ =	sdelay $0x3  }
0x9a: {  	s17 =	sadd.s32 $0x80, s17  }
0x9b: {  	[tilespmem:s17+$0xFFFFFFE0] =	vst v1  }
0x9c: {  	v1 =	vld [tilespmem:s20+$0xC630];
	_ =	sdelay $0x4  }
0x9d: {  	[tilespmem:s17+$0xFFFFFFF0] =	vst v1  }
0x9e: {  	v1 =	vld [tilespmem:s20+$0xC640];
	_ =	sdelay $0x4  }
0x9f: {  	[tilespmem:s17+$0x0] =	vst v1  }
0xa0: {  	v1 =	vld [tilespmem:s20+$0xC650];
	_ =	sdelay $0x1  }
0xa1: {  	s2 =	sshll.u32 s2, $0x7  }
0xa2: {  	s0 =	sadd.s32 $0x1, s0;
	s2 =	sadd.s32 s10, s2  }
0xa3: {  	p0 =	sne.s32 s0, $0x5;
	s2 =	sshrl.u32 s2, $0x3  }
.Ltmp4:
0xa4: {  	s2 =	sadd.s32 s5, s2;
	[tilespmem:s17+$0x10] =	vst v1;
	(pc) =	sbr.rel @p0 .LBB2_8-.Ltmp4, $4  }
0xa5: {  	[hbm4b:s2+s3] =	stream.linear.scatter [tilespmem:s26], [sflag:$0x9], $0x3E80, $0x38;
	[tilespmem:$0x1C020] =	vst v63  }
0xa6: {  	_ =	swait.ge [sflag:s16], $0x3E80  }
0xa7: {  	[sflag:s16] =	ssyncset.done $0x0  }
0xa8: {  	[sflag:s16] =	ssyncadd.s32 $0xFFFFC180  }
0xa9: {  	s28 =	sadd.s32 $0x1, s28  }
0xaa: {  	p0 =	sne.s32 s28, s11  }
.Ltmp5:
0xab: {  	_ = 	snop;
	(pc) =	sbr.rel @p0 .LBB2_1-.Ltmp5, $1  }
0xac: {  	_ =	sdelay $0x3  }
0xad: {  	_ =	sfence.sel $0x180000  }
0xae: {  	[bflag:$0x0] =	sbarrier.arrive $0xFFFF  }
0xaf: {  	_ =	strace $0x90000050  }
0xb0: {  	s0 =	stileid.u32;
	[bflag:$0x2] =	sbarrier.arrive $0xFFFF  }
0xb1: {  	p0 =	sne.s32 s0, $0x0;
	s0 =	rddreg [dreg:$0x2]  }
0xb2: {  	s0 =	sadd.s32 @!p0 $0x100000, s0  }
0xb3: {  	[sflag:s0] =	ssyncadd.tile.s32 @!p0 $0x1;
	_ =	shalt  }
.Lfunc_end2:
_tile_overlayer_lowered:
.L_overlay_start_2:
0xb4: {  	(tag) =	ssettag $0x2  }
0xb5: {  	s0 =	rddreg [dreg:$0x0];
	s2 =	stileid.u32  }
0xb6: {  	s1 =	rddreg [dreg:$0x1];
	p0 =	sne.s32 s2, $0x0  }
0xb7: {  	s3 =	rddreg [dreg:$0x2];
	[bflag:$0x3] =	sbarrier.arrive $0xFFFF;
	s2 =	simm.s32 @!p0 $0x1C09  }
0xb8: {  	[timem:s3], [sflag:s2] =	dma.local @!p0 [hbm:s0], s1  }
0xb9: {  	s0 =	simm.s32 @!p0 $0x9  }
0xba: {  	_ =	swait.ge @!p0 [sflag:s0], s1  }
0xbb: {  	s1 =	ssub.s32 @!p0 $0x0, s1;
	[sflag:s0] =	ssyncset.done @!p0 $0x0  }
0xbc: {  	[sflag:s0] =	ssyncadd.s32 @!p0 s1  }
0xbd: {  	[bflag:$0x3] =	sbarrier.arrive $0xFFFF  }
0xbe: {  	_ =	shalt  }

</sc_bundles>
